<compile_context>
chip_gen: v7x
topology: tpu7x:2x2x1
jax: 0.10.2.dev20260603
libtpu: 0.0.44.dev20260713+nightly
codegen_flags: <defaults>
</compile_context>

<pallas_src>
import functools

import jax
import jax.numpy as jnp
from jax import lax
from jax.experimental import pallas as pl
from jax.experimental.pallas import tpu as pltpu
from jax.experimental.pallas import tpu_sc as plsc

_NC = 2
_NS = 16
_NW = _NC * _NS
_C = 100
_ZB = 128
_NPAD = 10240




@functools.lru_cache(maxsize=None)
def _make_segsum(per_w):
    rpt = _NPAD // _NS
    nz = rpt // _ZB

    scratch = [
        pltpu.VMEM_SHARED((_NPAD, 128), jnp.float32),
        pltpu.VMEM((per_w, _C), jnp.int32),
        pltpu.VMEM((per_w, _C), jnp.int32),
        pltpu.VMEM((_C, 128), jnp.float32),
        pltpu.VMEM((_C, 128), jnp.float32),
        pltpu.SemaphoreType.DMA,
        pltpu.SemaphoreType.DMA,
    ]

    mesh = plsc.VectorSubcoreMesh(core_axis_name="c", subcore_axis_name="s")

    half = per_w // 2
    assert per_w % 2 == 0

    def body(h_hbm, src_hbm, dst_hbm, acc_out,
             acc_sh, sidx, didx, buf_a, buf_b, sem_a, sem_b):
        cid = lax.axis_index("c")
        sid = lax.axis_index("s")
        wid = cid * _NS + sid

        idx_a = pltpu.async_copy(src_hbm.at[wid], sidx, sem_a)
        idx_b = pltpu.async_copy(dst_hbm.at[wid], didx, sem_b)

        def _zb(i, carry):
            buf_a[i // 8, pl.ds((i % 8) * 16, 16)] = jnp.zeros((16,), jnp.float32)
            return carry
        lax.fori_loop(0, _C * 8, _zb, 0)
        for k in range(rpt // 80):
            r0 = sid * rpt + k * 80
            pltpu.sync_copy(buf_a.at[pl.ds(0, 80)], acc_sh.at[pl.ds(r0, 80)])
        idx_a.wait()
        idx_b.wait()
        plsc.subcore_barrier()

        pltpu.async_copy(h_hbm.at[sidx.at[0]], buf_a, sem_a)

        def _step2(jj, carry):
            j0 = jj * 2
            j1 = j0 + 1
            pltpu.async_copy(h_hbm.at[sidx.at[j1]], buf_b, sem_b)
            pltpu.make_async_copy(h_hbm.at[sidx.at[j0]], buf_a, sem_a).wait()
            pltpu.sync_copy(buf_a, acc_sh.at[didx.at[j0]], add=True)

            @pl.when(jj < half - 1)
            def _():
                pltpu.async_copy(h_hbm.at[sidx.at[j0 + 2]], buf_a, sem_a)

            pltpu.make_async_copy(h_hbm.at[sidx.at[j1]], buf_b, sem_b).wait()
            pltpu.sync_copy(buf_b, acc_sh.at[didx.at[j1]], add=True)
            return carry
        lax.fori_loop(0, half, _step2, 0)
        plsc.subcore_barrier()

        outs = []
        for k in range(nz):
            r0 = sid * rpt + k * _ZB
            outs.append(pltpu.async_copy(acc_sh.at[pl.ds(r0, _ZB)],
                                         acc_out.at[cid, pl.ds(r0, _ZB)],
                                         sem_a))
        for c in outs:
            c.wait()

    return pl.kernel(
        body,
        out_type=jax.ShapeDtypeStruct((_NC, _NPAD, 128), jnp.float32),
        mesh=mesh, scratch_types=scratch,
        compiler_params=pltpu.CompilerParams(use_tc_tiling_on_sc=False))


@functools.lru_cache(maxsize=None)
def _make_deg(per_w):
    rpt = _NPAD // _NS
    nz = rpt // _ZB

    scratch = [
        pltpu.VMEM_SHARED((_NPAD, 128), jnp.float32),
        pltpu.VMEM((per_w, _C), jnp.int32),
        pltpu.VMEM((_C, 128), jnp.float32),
    ]

    mesh = plsc.VectorSubcoreMesh(core_axis_name="c", subcore_axis_name="s")

    def body(dst_hbm, deg_out, deg_sh, didx, ones):
        cid = lax.axis_index("c")
        sid = lax.axis_index("s")
        wid = cid * _NS + sid

        def _fill(val):
            def _f(i, carry):
                ones[i // 8, pl.ds((i % 8) * 16, 16)] = jnp.full(
                    (16,), val, jnp.float32)
                return carry
            lax.fori_loop(0, _C * 8, _f, 0)

        _fill(0.0)
        for k in range(rpt // 40):
            r0 = sid * rpt + k * 40
            pltpu.sync_copy(ones.at[pl.ds(0, 40)], deg_sh.at[pl.ds(r0, 40)])
        _fill(1.0)
        plsc.subcore_barrier()

        pltpu.sync_copy(dst_hbm.at[wid], didx)

        def _step(j, carry):
            pltpu.sync_copy(ones, deg_sh.at[didx.at[j]], add=True)
            return carry
        lax.fori_loop(0, per_w, _step, 0)
        plsc.subcore_barrier()

        for k in range(nz):
            r0 = sid * rpt + k * _ZB
            pltpu.sync_copy(deg_sh.at[pl.ds(r0, _ZB)],
                            deg_out.at[cid, pl.ds(r0, _ZB)])

    return pl.kernel(
        body,
        out_type=jax.ShapeDtypeStruct((_NC, _NPAD, 128), jnp.float32),
        mesh=mesh, scratch_types=scratch)



_BLK = 1000


def _enc_call(x, w0, b0, w1, b1):
    n = x.shape[0]
    g = n // _BLK

    def body(x_ref, w0_ref, b0_ref, w1_ref, b1_ref, o_ref):
        h = jnp.maximum(
            jnp.dot(x_ref[...], w0_ref[...], preferred_element_type=jnp.float32)
            + b0_ref[...], 0.0)
        o_ref[...] = jnp.maximum(
            jnp.dot(h, w1_ref[...], preferred_element_type=jnp.float32)
            + b1_ref[...], 0.0)

    return pl.pallas_call(
        body,
        grid=(g,),
        in_specs=[
            pl.BlockSpec((_BLK, 128), lambda i: (i, 0)),
            pl.BlockSpec((128, 128), lambda i: (0, 0)),
            pl.BlockSpec((1, 128), lambda i: (0, 0)),
            pl.BlockSpec((128, 128), lambda i: (0, 0)),
            pl.BlockSpec((1, 128), lambda i: (0, 0)),
        ],
        out_specs=pl.BlockSpec((_BLK, 128), lambda i: (i, 0)),
        out_shape=jax.ShapeDtypeStruct((n, 128), jnp.float32),
    )(x, w0, b0, w1, b1)


def _conv1_call(acc3, deg3, h, w, b):
    n = h.shape[0]
    g = n // _BLK

    def body(m1, m2, d1, d2, h_ref, w_ref, b_ref, o_ref, inv_ref):
        inv = 1.0 / jnp.maximum(d1[0][:, :1] + d2[0][:, :1], 1.0)
        inv_ref[...] = jnp.broadcast_to(inv, (inv.shape[0], 8))
        m = (m1[0] + m2[0]) * inv
        o_ref[...] = jnp.maximum(
            jnp.dot(m, w_ref[...], preferred_element_type=jnp.float32)
            + b_ref[...] + h_ref[...], 0.0)

    return pl.pallas_call(
        body,
        grid=(g,),
        in_specs=[
            pl.BlockSpec((1, _BLK, 128), lambda i: (0, i, 0)),
            pl.BlockSpec((1, _BLK, 128), lambda i: (1, i, 0)),
            pl.BlockSpec((1, _BLK, 128), lambda i: (0, i, 0)),
            pl.BlockSpec((1, _BLK, 128), lambda i: (1, i, 0)),
            pl.BlockSpec((_BLK, 128), lambda i: (i, 0)),
            pl.BlockSpec((128, 128), lambda i: (0, 0)),
            pl.BlockSpec((1, 128), lambda i: (0, 0)),
        ],
        out_specs=[
            pl.BlockSpec((_BLK, 128), lambda i: (i, 0)),
            pl.BlockSpec((_BLK, 8), lambda i: (i, 0)),
        ],
        out_shape=[
            jax.ShapeDtypeStruct((n, 128), jnp.float32),
            jax.ShapeDtypeStruct((n, 8), jnp.float32),
        ],
    )(acc3, acc3, deg3, deg3, h, w, b)


def _conv_specs():
    return [
        pl.BlockSpec((1, _BLK, 128), lambda i: (0, i, 0)),
        pl.BlockSpec((1, _BLK, 128), lambda i: (1, i, 0)),
        pl.BlockSpec((_BLK, 8), lambda i: (i, 0)),
        pl.BlockSpec((_BLK, 128), lambda i: (i, 0)),
        pl.BlockSpec((128, 128), lambda i: (0, 0)),
        pl.BlockSpec((1, 128), lambda i: (0, 0)),
    ]


def _conv_call(acc3, invdeg, h, w, b):
    n = h.shape[0]
    g = n // _BLK

    def body(m1, m2, inv_ref, h_ref, w_ref, b_ref, o_ref):
        m = (m1[0] + m2[0]) * inv_ref[...][:, :1]
        o_ref[...] = jnp.maximum(
            jnp.dot(m, w_ref[...], preferred_element_type=jnp.float32)
            + b_ref[...] + h_ref[...], 0.0)

    return pl.pallas_call(
        body,
        grid=(g,),
        in_specs=_conv_specs(),
        out_specs=pl.BlockSpec((_BLK, 128), lambda i: (i, 0)),
        out_shape=jax.ShapeDtypeStruct((n, 128), jnp.float32),
    )(acc3, acc3, invdeg, h, w, b)


def _conv_pred_call(acc3, invdeg, h, w, b, pw0, pb0, pw1, pb1):
    n = h.shape[0]
    g = n // _BLK

    def body(m1, m2, inv_ref, h_ref, w_ref, b_ref,
             pw0_ref, pb0_ref, pw1_ref, pb1_ref, o_ref, acc_ref):
        i = pl.program_id(0)
        m = (m1[0] + m2[0]) * inv_ref[...][:, :1]
        h3 = jnp.maximum(
            jnp.dot(m, w_ref[...], preferred_element_type=jnp.float32)
            + b_ref[...] + h_ref[...], 0.0)

        @pl.when(i == 0)
        def _():
            acc_ref[...] = jnp.zeros_like(acc_ref)

        acc_ref[...] += jnp.sum(h3, axis=0, keepdims=True)

        @pl.when(i == g - 1)
        def _():
            obj = acc_ref[...] * (1.0 / n)
            z = jnp.maximum(
                jnp.dot(obj, pw0_ref[...], preferred_element_type=jnp.float32)
                + pb0_ref[...], 0.0)
            o_ref[...] = (jnp.dot(z, pw1_ref[...],
                                  preferred_element_type=jnp.float32)
                          + pb1_ref[...])

    specs = _conv_specs() + [
        pl.BlockSpec((128, 128), lambda i: (0, 0)),
        pl.BlockSpec((1, 128), lambda i: (0, 0)),
        pl.BlockSpec((128, 1), lambda i: (0, 0)),
        pl.BlockSpec((1, 1), lambda i: (0, 0)),
    ]
    return pl.pallas_call(
        body,
        grid=(g,),
        in_specs=specs,
        out_specs=pl.BlockSpec((1, 1), lambda i: (0, 0)),
        out_shape=jax.ShapeDtypeStruct((1, 1), jnp.float32),
        scratch_shapes=[pltpu.VMEM((1, 128), jnp.float32)],
    )(acc3, acc3, invdeg, h, w, b, pw0, pb0, pw1, pb1)




@jax.jit
def kernel(x, edge_index, enc_W0, enc_b0, enc_W1, enc_b1,
           conv_W0, conv_b0, conv_W1, conv_b1, conv_W2, conv_b2,
           pred_W0, pred_b0, pred_W1, pred_b1):
    e = edge_index.shape[1]
    per_w = e // (_C * _NW)
    src3 = edge_index[0].reshape(_NW, per_w, _C)
    dst3 = edge_index[1].reshape(_NW, per_w, _C)

    row = lambda v: v.reshape(1, -1)

    deg3 = _make_deg(per_w)(dst3)
    h = _enc_call(x, enc_W0, row(enc_b0), enc_W1, row(enc_b1))

    segsum = _make_segsum(per_w)

    acc3 = segsum(h, src3, dst3)
    h, invdeg = _conv1_call(acc3, deg3, h, conv_W0, row(conv_b0))
    acc3 = segsum(h, src3, dst3)
    h = _conv_call(acc3, invdeg, h, conv_W1, row(conv_b1))
    acc3 = segsum(h, src3, dst3)
    out = _conv_pred_call(acc3, invdeg, h, conv_W2, row(conv_b2),
                          pred_W0, row(pred_b0), pred_W1, row(pred_b1))
    return jnp.squeeze(out)

# --- scband reference (transcript-rebuilt; emitter-appended) ---
"""Pipeline reference for scband-gnn-6932077216369 (READ-ONLY COPY).

The authoritative reference and input builder live on the scoring server;
editing this copy changes nothing except your own understanding.
"""

import jax, jax.numpy as jnp
import numpy as np

N = 10000
E = 320000
D = 128
H = 128

def setup_inputs(seed: int = 0):
    key = jax.random.key(seed)
    ks = jax.random.split(key, 20)
    inp = {}
    inp['x'] = jax.random.normal(ks[0], (N, D), dtype=jnp.float32)
    inp['edge_index'] = jax.random.randint(ks[1], (2, E), 0, N, dtype=jnp.int32)
    def w(k, shape):
        return jax.random.normal(k, shape, dtype=jnp.float32) / np.sqrt(shape[0])
    inp['enc_W0'] = w(ks[2], (D, H)); inp['enc_b0'] = jnp.zeros((H,), jnp.float32)
    inp['enc_W1'] = w(ks[3], (H, H)); inp['enc_b1'] = jnp.zeros((H,), jnp.float32)
    inp['conv_W0'] = w(ks[4], (H, H)); inp['conv_b0'] = jnp.zeros((H,), jnp.float32)
    inp['conv_W1'] = w(ks[5], (H, H)); inp['conv_b1'] = jnp.zeros((H,), jnp.float32)
    inp['conv_W2'] = w(ks[6], (H, H)); inp['conv_b2'] = jnp.zeros((H,), jnp.float32)
    inp['pred_W0'] = w(ks[7], (H, H)); inp['pred_b0'] = jnp.zeros((H,), jnp.float32)
    inp['pred_W1'] = w(ks[8], (H, 1)); inp['pred_b1'] = jnp.zeros((1,), jnp.float32)
    return inp

def _gnn(x, edge_index, enc, convs, pred):
    src = edge_index[0]
    dst = edge_index[1]
    h = x
    # node encoder MLP (num_encode_layers=2)
    for W, b in enc:
        h = jax.nn.relu(h @ W + b)
    # mean-aggregation message passing convs (num_conv_layers=3) with residual
    deg = jax.ops.segment_sum(jnp.ones((E,), jnp.float32), dst, num_segments=N)
    deg = jnp.clip(deg, 1.0, None)[:, None]
    for W, b in convs:
        m = jax.ops.segment_sum(h[src], dst, num_segments=N)
        h = jax.nn.relu((m / deg) @ W + b + h)
    # global mean pool -> graph-level obj_pred
    obj = jnp.mean(h, axis=0)
    # predictor MLP: [hid_dim]*num_pred_layers + [1]
    W0, b0 = pred[0]
    W1, b1 = pred[1]
    z = jax.nn.relu(obj @ W0 + b0)
    out = z @ W1 + b1
    return jnp.squeeze(out)

def reference(x, edge_index, enc_W0, enc_b0, enc_W1, enc_b1, conv_W0, conv_b0, conv_W1, conv_b1, conv_W2, conv_b2, pred_W0, pred_b0, pred_W1, pred_b1):
    return _gnn(x, edge_index,
                [(enc_W0, enc_b0), (enc_W1, enc_b1)],
                [(conv_W0, conv_b0), (conv_W1, conv_b1), (conv_W2, conv_b2)],
                [(pred_W0, pred_b0), (pred_W1, pred_b1)])

if __name__ == "__main__":
    import jax
    _d = setup_inputs()
    print(jax.jit(kernel)(*tuple(_d.values())))

</pallas_src>

<mosaic_0001>
#map = affine_map<(d0, d1) -> (0, 0, 0)>
module attributes {stable_mosaic.version = 14 : i64} {
  func.func @body(%arg0: i32, %arg1: i32, %arg2: memref<32x100x100xi32, #tpu.memory_space<hbm>>, %arg3: memref<2x10240x128xf32, #tpu.memory_space<hbm>>, %arg4: memref<10240x128xf32, #tpu.memory_space<vmem_shared>>, %arg5: memref<100x100xi32, #tpu.memory_space<vmem>>, %arg6: memref<100x128xf32, #tpu.memory_space<vmem>>) attributes {dimension_semantics = [#tpu.dimension_semantics<core_parallel>, #tpu.dimension_semantics<subcore_parallel>], iteration_bounds = array<i64: 2, 16>, scalar_prefetch = 0 : i64, scratch_operands = 3 : i64, tpu.core_type = #tpu.core_type<sc_vector_subcore>, window_params = [{transform_indices = #map}, {transform_indices = #map}]} {
    %mul3A = arith.constant 16 : i32
    %mul3A_0 = arith.muli %arg0, %mul3A : i32
    %add3A = arith.addi %mul3A_0, %arg1 : i32
    %scan3A = arith.constant 0 : i32
    %scan3A_1 = arith.constant 0 : i32
    %scan3A_2 = arith.constant 800 : i32
    %scan3A_3 = arith.addi %scan3A_1, %scan3A_2 : i32
    %scan3A_4 = arith.constant 1 : i32
    scf.for %scan3A_103 = %scan3A_1 to %scan3A_3 step %scan3A_4  : i32 {
      %broadcast_in_dim3A = arith.constant 0.000000e+00 : f32
      %broadcast_in_dim3A_104 = vector.broadcast %broadcast_in_dim3A : f32 to vector<16xf32>
      %jit3A = arith.constant 8 : i32
      %div3A = arith.divsi %scan3A_103, %jit3A : i32
      %sign3A = arith.constant 0 : i32
      %sign3A_105 = arith.cmpi sgt, %scan3A_103, %sign3A : i32
      %sign3A_106 = arith.extui %sign3A_105 : i1 to i32
      %sign3A_107 = arith.constant 0 : i32
      %sign3A_108 = arith.cmpi slt, %scan3A_103, %sign3A_107 : i32
      %sign3A_109 = arith.extui %sign3A_108 : i1 to i32
      %sign3A_110 = arith.subi %sign3A_106, %sign3A_109 : i32
      %sign3A_111 = arith.constant 0 : i32
      %sign3A_112 = arith.cmpi sgt, %jit3A, %sign3A_111 : i32
      %sign3A_113 = arith.extui %sign3A_112 : i1 to i32
      %sign3A_114 = arith.constant 0 : i32
      %sign3A_115 = arith.cmpi slt, %jit3A, %sign3A_114 : i32
      %sign3A_116 = arith.extui %sign3A_115 : i1 to i32
      %sign3A_117 = arith.subi %sign3A_113, %sign3A_116 : i32
      %ne3A = arith.cmpi ne, %sign3A_110, %sign3A_117 : i32
      %rem3A = arith.remsi %scan3A_103, %jit3A : i32
      %ne3A_118 = arith.constant 0 : i32
      %ne3A_119 = arith.cmpi ne, %rem3A, %ne3A_118 : i32
      %and3A = arith.andi %ne3A, %ne3A_119 : i1
      %sub3A = arith.constant 1 : i32
      %sub3A_120 = arith.subi %div3A, %sub3A : i32
      %select_n3A = arith.select %and3A, %sub3A_120, %div3A : i32
      %jit3A_121 = arith.constant 8 : i32
      %eq3A = arith.constant 0 : i32
      %eq3A_122 = arith.cmpi eq, %jit3A_121, %eq3A : i32
      %jit3A_123 = arith.constant 1 : i32
      %select_n3A_124 = arith.select %eq3A_122, %jit3A_123, %jit3A_121 : i32
      %rem3A_125 = arith.remsi %scan3A_103, %select_n3A_124 : i32
      %ne3A_126 = arith.constant 0 : i32
      %ne3A_127 = arith.cmpi ne, %rem3A_125, %ne3A_126 : i32
      %lt3A = arith.constant 0 : i32
      %lt3A_128 = arith.cmpi slt, %rem3A_125, %lt3A : i32
      %lt3A_129 = arith.constant 0 : i32
      %lt3A_130 = arith.cmpi slt, %select_n3A_124, %lt3A_129 : i32
      %ne3A_131 = arith.xori %lt3A_128, %lt3A_130 : i1
      %and3A_132 = arith.andi %ne3A_131, %ne3A_127 : i1
      %add3A_133 = arith.addi %rem3A_125, %select_n3A_124 : i32
      %select_n3A_134 = arith.select %and3A_132, %add3A_133, %rem3A_125 : i32
      %mul3A_135 = arith.constant 16 : i32
      %mul3A_136 = arith.muli %select_n3A_134, %mul3A_135 : i32
      %swap3A = arith.index_cast %select_n3A : i32 to index
      %swap3A_137 = arith.index_cast %mul3A_136 : i32 to index
      %swap3A_138 = tpu.vector_load %arg6[%swap3A, %swap3A_137] {strides = array<i32>} : memref<100x128xf32, #tpu.memory_space<vmem>>, vector<1x16xf32>,
      %swap3A_139 = vector.shape_cast %swap3A_138 : vector<1x16xf32> to vector<16xf32>
      %swap3A_140 = vector.shape_cast %broadcast_in_dim3A_104 : vector<16xf32> to vector<1x16xf32>
      tpu.vector_store %arg6[%swap3A, %swap3A_137], %swap3A_140 {strides = array<i32>} : memref<100x128xf32, #tpu.memory_space<vmem>>, vector<1x16xf32>,
    }
    %scan3A_5 = arith.constant 800 : i32
    %mul3A_6 = arith.constant 640 : i32
    %mul3A_7 = arith.muli %arg1, %mul3A_6 : i32
    %add3A_8 = arith.constant 0 : i32
    %add3A_9 = arith.addi %mul3A_7, %add3A_8 : i32
    "tpu.region"() ({
      %run_scoped3A = tpu.sem_alloc : memref<!tpu.dma_semaphore, #tpu.memory_space<semaphore_mem>>
      %dma_start3A = arith.constant 0 : i32
      %dma_start3A_103 = arith.constant 0 : i32
      %dma_start3A_104 = tpu.memref_slice %arg6[%dma_start3A, %dma_start3A_103] : memref<100x128xf32, #tpu.memory_space<vmem>> -> memref<40x128xf32, #tpu.memory_space<vmem>>
      %dma_start3A_105 = arith.constant 0 : i32
      %dma_start3A_106 = tpu.memref_slice %arg4[%add3A_9, %dma_start3A_105] : memref<10240x128xf32, #tpu.memory_space<vmem_shared>> -> memref<40x128xf32, #tpu.memory_space<vmem_shared>>
      %dma_start3A_107 = arith.constant 0 : i32
      %dma_start3A_108 = tpu.memref_slice %arg4[%add3A_9, %dma_start3A_107] : memref<10240x128xf32, #tpu.memory_space<vmem_shared>> -> memref<40x128xf32, #tpu.memory_space<vmem_shared>>
      %dma_start3A_109 = arith.constant 0 : i32
      %dma_start3A_110 = arith.constant 0 : i32
      %dma_start3A_111 = tpu.memref_slice %arg6[%dma_start3A_109, %dma_start3A_110] : memref<100x128xf32, #tpu.memory_space<vmem>> -> memref<40x128xf32, #tpu.memory_space<vmem>>
      tpu.enqueue_dma source(%dma_start3A_111 : memref<40x128xf32, #tpu.memory_space<vmem>>) target(%dma_start3A_108 : memref<40x128xf32, #tpu.memory_space<vmem_shared>>) target_semaphore(%run_scoped3A : memref<!tpu.dma_semaphore, #tpu.memory_space<semaphore_mem>>)
      %dma_wait3A = arith.constant 0 : i32
      %dma_wait3A_112 = arith.constant 0 : i32
      %dma_wait3A_113 = tpu.memref_slice %arg6[%dma_wait3A, %dma_wait3A_112] : memref<100x128xf32, #tpu.memory_space<vmem>> -> memref<40x128xf32, #tpu.memory_space<vmem>>
      %dma_wait3A_114 = arith.constant 0 : i32
      %dma_wait3A_115 = tpu.memref_slice %arg4[%add3A_9, %dma_wait3A_114] : memref<10240x128xf32, #tpu.memory_space<vmem_shared>> -> memref<40x128xf32, #tpu.memory_space<vmem_shared>>
      %dma_wait3A_116 = arith.constant 0 : i32
      %dma_wait3A_117 = tpu.memref_slice %arg4[%add3A_9, %dma_wait3A_116] : memref<10240x128xf32, #tpu.memory_space<vmem_shared>> -> memref<40x128xf32, #tpu.memory_space<vmem_shared>>
      %dma_wait3A_118 = arith.constant 0 : i32
      %dma_wait3A_119 = arith.constant 0 : i32
      %dma_wait3A_120 = tpu.memref_slice %arg6[%dma_wait3A_118, %dma_wait3A_119] : memref<100x128xf32, #tpu.memory_space<vmem>> -> memref<40x128xf32, #tpu.memory_space<vmem>>
      tpu.wait_dma2 semaphore(%run_scoped3A : memref<!tpu.dma_semaphore, #tpu.memory_space<semaphore_mem>>) src(%dma_wait3A_120 : memref<40x128xf32, #tpu.memory_space<vmem>>) dst(%dma_wait3A_117 : memref<40x128xf32, #tpu.memory_space<vmem_shared>>)
      tpu.yield
    }) : () -> ()
    %mul3A_10 = arith.constant 640 : i32
    %mul3A_11 = arith.muli %arg1, %mul3A_10 : i32
    %add3A_12 = arith.constant 40 : i32
    %add3A_13 = arith.addi %mul3A_11, %add3A_12 : i32
    "tpu.region"() ({
      %run_scoped3A = tpu.sem_alloc : memref<!tpu.dma_semaphore, #tpu.memory_space<semaphore_mem>>
      %dma_start3A = arith.constant 0 : i32
      %dma_start3A_103 = arith.constant 0 : i32
      %dma_start3A_104 = tpu.memref_slice %arg6[%dma_start3A, %dma_start3A_103] : memref<100x128xf32, #tpu.memory_space<vmem>> -> memref<40x128xf32, #tpu.memory_space<vmem>>
      %dma_start3A_105 = arith.constant 0 : i32
      %dma_start3A_106 = tpu.memref_slice %arg4[%add3A_13, %dma_start3A_105] : memref<10240x128xf32, #tpu.memory_space<vmem_shared>> -> memref<40x128xf32, #tpu.memory_space<vmem_shared>>
      %dma_start3A_107 = arith.constant 0 : i32
      %dma_start3A_108 = tpu.memref_slice %arg4[%add3A_13, %dma_start3A_107] : memref<10240x128xf32, #tpu.memory_space<vmem_shared>> -> memref<40x128xf32, #tpu.memory_space<vmem_shared>>
      %dma_start3A_109 = arith.constant 0 : i32
      %dma_start3A_110 = arith.constant 0 : i32
      %dma_start3A_111 = tpu.memref_slice %arg6[%dma_start3A_109, %dma_start3A_110] : memref<100x128xf32, #tpu.memory_space<vmem>> -> memref<40x128xf32, #tpu.memory_space<vmem>>
      tpu.enqueue_dma source(%dma_start3A_111 : memref<40x128xf32, #tpu.memory_space<vmem>>) target(%dma_start3A_108 : memref<40x128xf32, #tpu.memory_space<vmem_shared>>) target_semaphore(%run_scoped3A : memref<!tpu.dma_semaphore, #tpu.memory_space<semaphore_mem>>)
      %dma_wait3A = arith.constant 0 : i32
      %dma_wait3A_112 = arith.constant 0 : i32
      %dma_wait3A_113 = tpu.memref_slice %arg6[%dma_wait3A, %dma_wait3A_112] : memref<100x128xf32, #tpu.memory_space<vmem>> -> memref<40x128xf32, #tpu.memory_space<vmem>>
      %dma_wait3A_114 = arith.constant 0 : i32
      %dma_wait3A_115 = tpu.memref_slice %arg4[%add3A_13, %dma_wait3A_114] : memref<10240x128xf32, #tpu.memory_space<vmem_shared>> -> memref<40x128xf32, #tpu.memory_space<vmem_shared>>
      %dma_wait3A_116 = arith.constant 0 : i32
      %dma_wait3A_117 = tpu.memref_slice %arg4[%add3A_13, %dma_wait3A_116] : memref<10240x128xf32, #tpu.memory_space<vmem_shared>> -> memref<40x128xf32, #tpu.memory_space<vmem_shared>>
      %dma_wait3A_118 = arith.constant 0 : i32
      %dma_wait3A_119 = arith.constant 0 : i32
      %dma_wait3A_120 = tpu.memref_slice %arg6[%dma_wait3A_118, %dma_wait3A_119] : memref<100x128xf32, #tpu.memory_space<vmem>> -> memref<40x128xf32, #tpu.memory_space<vmem>>
      tpu.wait_dma2 semaphore(%run_scoped3A : memref<!tpu.dma_semaphore, #tpu.memory_space<semaphore_mem>>) src(%dma_wait3A_120 : memref<40x128xf32, #tpu.memory_space<vmem>>) dst(%dma_wait3A_117 : memref<40x128xf32, #tpu.memory_space<vmem_shared>>)
      tpu.yield
    }) : () -> ()
    %mul3A_14 = arith.constant 640 : i32
    %mul3A_15 = arith.muli %arg1, %mul3A_14 : i32
    %add3A_16 = arith.constant 80 : i32
    %add3A_17 = arith.addi %mul3A_15, %add3A_16 : i32
    "tpu.region"() ({
      %run_scoped3A = tpu.sem_alloc : memref<!tpu.dma_semaphore, #tpu.memory_space<semaphore_mem>>
      %dma_start3A = arith.constant 0 : i32
      %dma_start3A_103 = arith.constant 0 : i32
      %dma_start3A_104 = tpu.memref_slice %arg6[%dma_start3A, %dma_start3A_103] : memref<100x128xf32, #tpu.memory_space<vmem>> -> memref<40x128xf32, #tpu.memory_space<vmem>>
      %dma_start3A_105 = arith.constant 0 : i32
      %dma_start3A_106 = tpu.memref_slice %arg4[%add3A_17, %dma_start3A_105] : memref<10240x128xf32, #tpu.memory_space<vmem_shared>> -> memref<40x128xf32, #tpu.memory_space<vmem_shared>>
      %dma_start3A_107 = arith.constant 0 : i32
      %dma_start3A_108 = tpu.memref_slice %arg4[%add3A_17, %dma_start3A_107] : memref<10240x128xf32, #tpu.memory_space<vmem_shared>> -> memref<40x128xf32, #tpu.memory_space<vmem_shared>>
      %dma_start3A_109 = arith.constant 0 : i32
      %dma_start3A_110 = arith.constant 0 : i32
      %dma_start3A_111 = tpu.memref_slice %arg6[%dma_start3A_109, %dma_start3A_110] : memref<100x128xf32, #tpu.memory_space<vmem>> -> memref<40x128xf32, #tpu.memory_space<vmem>>
      tpu.enqueue_dma source(%dma_start3A_111 : memref<40x128xf32, #tpu.memory_space<vmem>>) target(%dma_start3A_108 : memref<40x128xf32, #tpu.memory_space<vmem_shared>>) target_semaphore(%run_scoped3A : memref<!tpu.dma_semaphore, #tpu.memory_space<semaphore_mem>>)
      %dma_wait3A = arith.constant 0 : i32
      %dma_wait3A_112 = arith.constant 0 : i32
      %dma_wait3A_113 = tpu.memref_slice %arg6[%dma_wait3A, %dma_wait3A_112] : memref<100x128xf32, #tpu.memory_space<vmem>> -> memref<40x128xf32, #tpu.memory_space<vmem>>
      %dma_wait3A_114 = arith.constant 0 : i32
      %dma_wait3A_115 = tpu.memref_slice %arg4[%add3A_17, %dma_wait3A_114] : memref<10240x128xf32, #tpu.memory_space<vmem_shared>> -> memref<40x128xf32, #tpu.memory_space<vmem_shared>>
      %dma_wait3A_116 = arith.constant 0 : i32
      %dma_wait3A_117 = tpu.memref_slice %arg4[%add3A_17, %dma_wait3A_116] : memref<10240x128xf32, #tpu.memory_space<vmem_shared>> -> memref<40x128xf32, #tpu.memory_space<vmem_shared>>
      %dma_wait3A_118 = arith.constant 0 : i32
      %dma_wait3A_119 = arith.constant 0 : i32
      %dma_wait3A_120 = tpu.memref_slice %arg6[%dma_wait3A_118, %dma_wait3A_119] : memref<100x128xf32, #tpu.memory_space<vmem>> -> memref<40x128xf32, #tpu.memory_space<vmem>>
      tpu.wait_dma2 semaphore(%run_scoped3A : memref<!tpu.dma_semaphore, #tpu.memory_space<semaphore_mem>>) src(%dma_wait3A_120 : memref<40x128xf32, #tpu.memory_space<vmem>>) dst(%dma_wait3A_117 : memref<40x128xf32, #tpu.memory_space<vmem_shared>>)
      tpu.yield
    }) : () -> ()
    %mul3A_18 = arith.constant 640 : i32
    %mul3A_19 = arith.muli %arg1, %mul3A_18 : i32
    %add3A_20 = arith.constant 120 : i32
    %add3A_21 = arith.addi %mul3A_19, %add3A_20 : i32
    "tpu.region"() ({
      %run_scoped3A = tpu.sem_alloc : memref<!tpu.dma_semaphore, #tpu.memory_space<semaphore_mem>>
      %dma_start3A = arith.constant 0 : i32
      %dma_start3A_103 = arith.constant 0 : i32
      %dma_start3A_104 = tpu.memref_slice %arg6[%dma_start3A, %dma_start3A_103] : memref<100x128xf32, #tpu.memory_space<vmem>> -> memref<40x128xf32, #tpu.memory_space<vmem>>
      %dma_start3A_105 = arith.constant 0 : i32
      %dma_start3A_106 = tpu.memref_slice %arg4[%add3A_21, %dma_start3A_105] : memref<10240x128xf32, #tpu.memory_space<vmem_shared>> -> memref<40x128xf32, #tpu.memory_space<vmem_shared>>
      %dma_start3A_107 = arith.constant 0 : i32
      %dma_start3A_108 = tpu.memref_slice %arg4[%add3A_21, %dma_start3A_107] : memref<10240x128xf32, #tpu.memory_space<vmem_shared>> -> memref<40x128xf32, #tpu.memory_space<vmem_shared>>
      %dma_start3A_109 = arith.constant 0 : i32
      %dma_start3A_110 = arith.constant 0 : i32
      %dma_start3A_111 = tpu.memref_slice %arg6[%dma_start3A_109, %dma_start3A_110] : memref<100x128xf32, #tpu.memory_space<vmem>> -> memref<40x128xf32, #tpu.memory_space<vmem>>
      tpu.enqueue_dma source(%dma_start3A_111 : memref<40x128xf32, #tpu.memory_space<vmem>>) target(%dma_start3A_108 : memref<40x128xf32, #tpu.memory_space<vmem_shared>>) target_semaphore(%run_scoped3A : memref<!tpu.dma_semaphore, #tpu.memory_space<semaphore_mem>>)
      %dma_wait3A = arith.constant 0 : i32
      %dma_wait3A_112 = arith.constant 0 : i32
      %dma_wait3A_113 = tpu.memref_slice %arg6[%dma_wait3A, %dma_wait3A_112] : memref<100x128xf32, #tpu.memory_space<vmem>> -> memref<40x128xf32, #tpu.memory_space<vmem>>
      %dma_wait3A_114 = arith.constant 0 : i32
      %dma_wait3A_115 = tpu.memref_slice %arg4[%add3A_21, %dma_wait3A_114] : memref<10240x128xf32, #tpu.memory_space<vmem_shared>> -> memref<40x128xf32, #tpu.memory_space<vmem_shared>>
      %dma_wait3A_116 = arith.constant 0 : i32
      %dma_wait3A_117 = tpu.memref_slice %arg4[%add3A_21, %dma_wait3A_116] : memref<10240x128xf32, #tpu.memory_space<vmem_shared>> -> memref<40x128xf32, #tpu.memory_space<vmem_shared>>
      %dma_wait3A_118 = arith.constant 0 : i32
      %dma_wait3A_119 = arith.constant 0 : i32
      %dma_wait3A_120 = tpu.memref_slice %arg6[%dma_wait3A_118, %dma_wait3A_119] : memref<100x128xf32, #tpu.memory_space<vmem>> -> memref<40x128xf32, #tpu.memory_space<vmem>>
      tpu.wait_dma2 semaphore(%run_scoped3A : memref<!tpu.dma_semaphore, #tpu.memory_space<semaphore_mem>>) src(%dma_wait3A_120 : memref<40x128xf32, #tpu.memory_space<vmem>>) dst(%dma_wait3A_117 : memref<40x128xf32, #tpu.memory_space<vmem_shared>>)
      tpu.yield
    }) : () -> ()
    %mul3A_22 = arith.constant 640 : i32
    %mul3A_23 = arith.muli %arg1, %mul3A_22 : i32
    %add3A_24 = arith.constant 160 : i32
    %add3A_25 = arith.addi %mul3A_23, %add3A_24 : i32
    "tpu.region"() ({
      %run_scoped3A = tpu.sem_alloc : memref<!tpu.dma_semaphore, #tpu.memory_space<semaphore_mem>>
      %dma_start3A = arith.constant 0 : i32
      %dma_start3A_103 = arith.constant 0 : i32
      %dma_start3A_104 = tpu.memref_slice %arg6[%dma_start3A, %dma_start3A_103] : memref<100x128xf32, #tpu.memory_space<vmem>> -> memref<40x128xf32, #tpu.memory_space<vmem>>
      %dma_start3A_105 = arith.constant 0 : i32
      %dma_start3A_106 = tpu.memref_slice %arg4[%add3A_25, %dma_start3A_105] : memref<10240x128xf32, #tpu.memory_space<vmem_shared>> -> memref<40x128xf32, #tpu.memory_space<vmem_shared>>
      %dma_start3A_107 = arith.constant 0 : i32
      %dma_start3A_108 = tpu.memref_slice %arg4[%add3A_25, %dma_start3A_107] : memref<10240x128xf32, #tpu.memory_space<vmem_shared>> -> memref<40x128xf32, #tpu.memory_space<vmem_shared>>
      %dma_start3A_109 = arith.constant 0 : i32
      %dma_start3A_110 = arith.constant 0 : i32
      %dma_start3A_111 = tpu.memref_slice %arg6[%dma_start3A_109, %dma_start3A_110] : memref<100x128xf32, #tpu.memory_space<vmem>> -> memref<40x128xf32, #tpu.memory_space<vmem>>
      tpu.enqueue_dma source(%dma_start3A_111 : memref<40x128xf32, #tpu.memory_space<vmem>>) target(%dma_start3A_108 : memref<40x128xf32, #tpu.memory_space<vmem_shared>>) target_semaphore(%run_scoped3A : memref<!tpu.dma_semaphore, #tpu.memory_space<semaphore_mem>>)
      %dma_wait3A = arith.constant 0 : i32
      %dma_wait3A_112 = arith.constant 0 : i32
      %dma_wait3A_113 = tpu.memref_slice %arg6[%dma_wait3A, %dma_wait3A_112] : memref<100x128xf32, #tpu.memory_space<vmem>> -> memref<40x128xf32, #tpu.memory_space<vmem>>
      %dma_wait3A_114 = arith.constant 0 : i32
      %dma_wait3A_115 = tpu.memref_slice %arg4[%add3A_25, %dma_wait3A_114] : memref<10240x128xf32, #tpu.memory_space<vmem_shared>> -> memref<40x128xf32, #tpu.memory_space<vmem_shared>>
      %dma_wait3A_116 = arith.constant 0 : i32
      %dma_wait3A_117 = tpu.memref_slice %arg4[%add3A_25, %dma_wait3A_116] : memref<10240x128xf32, #tpu.memory_space<vmem_shared>> -> memref<40x128xf32, #tpu.memory_space<vmem_shared>>
      %dma_wait3A_118 = arith.constant 0 : i32
      %dma_wait3A_119 = arith.constant 0 : i32
      %dma_wait3A_120 = tpu.memref_slice %arg6[%dma_wait3A_118, %dma_wait3A_119] : memref<100x128xf32, #tpu.memory_space<vmem>> -> memref<40x128xf32, #tpu.memory_space<vmem>>
      tpu.wait_dma2 semaphore(%run_scoped3A : memref<!tpu.dma_semaphore, #tpu.memory_space<semaphore_mem>>) src(%dma_wait3A_120 : memref<40x128xf32, #tpu.memory_space<vmem>>) dst(%dma_wait3A_117 : memref<40x128xf32, #tpu.memory_space<vmem_shared>>)
      tpu.yield
    }) : () -> ()
    %mul3A_26 = arith.constant 640 : i32
    %mul3A_27 = arith.muli %arg1, %mul3A_26 : i32
    %add3A_28 = arith.constant 200 : i32
    %add3A_29 = arith.addi %mul3A_27, %add3A_28 : i32
    "tpu.region"() ({
      %run_scoped3A = tpu.sem_alloc : memref<!tpu.dma_semaphore, #tpu.memory_space<semaphore_mem>>
      %dma_start3A = arith.constant 0 : i32
      %dma_start3A_103 = arith.constant 0 : i32
      %dma_start3A_104 = tpu.memref_slice %arg6[%dma_start3A, %dma_start3A_103] : memref<100x128xf32, #tpu.memory_space<vmem>> -> memref<40x128xf32, #tpu.memory_space<vmem>>
      %dma_start3A_105 = arith.constant 0 : i32
      %dma_start3A_106 = tpu.memref_slice %arg4[%add3A_29, %dma_start3A_105] : memref<10240x128xf32, #tpu.memory_space<vmem_shared>> -> memref<40x128xf32, #tpu.memory_space<vmem_shared>>
      %dma_start3A_107 = arith.constant 0 : i32
      %dma_start3A_108 = tpu.memref_slice %arg4[%add3A_29, %dma_start3A_107] : memref<10240x128xf32, #tpu.memory_space<vmem_shared>> -> memref<40x128xf32, #tpu.memory_space<vmem_shared>>
      %dma_start3A_109 = arith.constant 0 : i32
      %dma_start3A_110 = arith.constant 0 : i32
      %dma_start3A_111 = tpu.memref_slice %arg6[%dma_start3A_109, %dma_start3A_110] : memref<100x128xf32, #tpu.memory_space<vmem>> -> memref<40x128xf32, #tpu.memory_space<vmem>>
      tpu.enqueue_dma source(%dma_start3A_111 : memref<40x128xf32, #tpu.memory_space<vmem>>) target(%dma_start3A_108 : memref<40x128xf32, #tpu.memory_space<vmem_shared>>) target_semaphore(%run_scoped3A : memref<!tpu.dma_semaphore, #tpu.memory_space<semaphore_mem>>)
      %dma_wait3A = arith.constant 0 : i32
      %dma_wait3A_112 = arith.constant 0 : i32
      %dma_wait3A_113 = tpu.memref_slice %arg6[%dma_wait3A, %dma_wait3A_112] : memref<100x128xf32, #tpu.memory_space<vmem>> -> memref<40x128xf32, #tpu.memory_space<vmem>>
      %dma_wait3A_114 = arith.constant 0 : i32
      %dma_wait3A_115 = tpu.memref_slice %arg4[%add3A_29, %dma_wait3A_114] : memref<10240x128xf32, #tpu.memory_space<vmem_shared>> -> memref<40x128xf32, #tpu.memory_space<vmem_shared>>
      %dma_wait3A_116 = arith.constant 0 : i32
      %dma_wait3A_117 = tpu.memref_slice %arg4[%add3A_29, %dma_wait3A_116] : memref<10240x128xf32, #tpu.memory_space<vmem_shared>> -> memref<40x128xf32, #tpu.memory_space<vmem_shared>>
      %dma_wait3A_118 = arith.constant 0 : i32
      %dma_wait3A_119 = arith.constant 0 : i32
      %dma_wait3A_120 = tpu.memref_slice %arg6[%dma_wait3A_118, %dma_wait3A_119] : memref<100x128xf32, #tpu.memory_space<vmem>> -> memref<40x128xf32, #tpu.memory_space<vmem>>
      tpu.wait_dma2 semaphore(%run_scoped3A : memref<!tpu.dma_semaphore, #tpu.memory_space<semaphore_mem>>) src(%dma_wait3A_120 : memref<40x128xf32, #tpu.memory_space<vmem>>) dst(%dma_wait3A_117 : memref<40x128xf32, #tpu.memory_space<vmem_shared>>)
      tpu.yield
    }) : () -> ()
    %mul3A_30 = arith.constant 640 : i32
    %mul3A_31 = arith.muli %arg1, %mul3A_30 : i32
    %add3A_32 = arith.constant 240 : i32
    %add3A_33 = arith.addi %mul3A_31, %add3A_32 : i32
    "tpu.region"() ({
      %run_scoped3A = tpu.sem_alloc : memref<!tpu.dma_semaphore, #tpu.memory_space<semaphore_mem>>
      %dma_start3A = arith.constant 0 : i32
      %dma_start3A_103 = arith.constant 0 : i32
      %dma_start3A_104 = tpu.memref_slice %arg6[%dma_start3A, %dma_start3A_103] : memref<100x128xf32, #tpu.memory_space<vmem>> -> memref<40x128xf32, #tpu.memory_space<vmem>>
      %dma_start3A_105 = arith.constant 0 : i32
      %dma_start3A_106 = tpu.memref_slice %arg4[%add3A_33, %dma_start3A_105] : memref<10240x128xf32, #tpu.memory_space<vmem_shared>> -> memref<40x128xf32, #tpu.memory_space<vmem_shared>>
      %dma_start3A_107 = arith.constant 0 : i32
      %dma_start3A_108 = tpu.memref_slice %arg4[%add3A_33, %dma_start3A_107] : memref<10240x128xf32, #tpu.memory_space<vmem_shared>> -> memref<40x128xf32, #tpu.memory_space<vmem_shared>>
      %dma_start3A_109 = arith.constant 0 : i32
      %dma_start3A_110 = arith.constant 0 : i32
      %dma_start3A_111 = tpu.memref_slice %arg6[%dma_start3A_109, %dma_start3A_110] : memref<100x128xf32, #tpu.memory_space<vmem>> -> memref<40x128xf32, #tpu.memory_space<vmem>>
      tpu.enqueue_dma source(%dma_start3A_111 : memref<40x128xf32, #tpu.memory_space<vmem>>) target(%dma_start3A_108 : memref<40x128xf32, #tpu.memory_space<vmem_shared>>) target_semaphore(%run_scoped3A : memref<!tpu.dma_semaphore, #tpu.memory_space<semaphore_mem>>)
      %dma_wait3A = arith.constant 0 : i32
      %dma_wait3A_112 = arith.constant 0 : i32
      %dma_wait3A_113 = tpu.memref_slice %arg6[%dma_wait3A, %dma_wait3A_112] : memref<100x128xf32, #tpu.memory_space<vmem>> -> memref<40x128xf32, #tpu.memory_space<vmem>>
      %dma_wait3A_114 = arith.constant 0 : i32
      %dma_wait3A_115 = tpu.memref_slice %arg4[%add3A_33, %dma_wait3A_114] : memref<10240x128xf32, #tpu.memory_space<vmem_shared>> -> memref<40x128xf32, #tpu.memory_space<vmem_shared>>
      %dma_wait3A_116 = arith.constant 0 : i32
      %dma_wait3A_117 = tpu.memref_slice %arg4[%add3A_33, %dma_wait3A_116] : memref<10240x128xf32, #tpu.memory_space<vmem_shared>> -> memref<40x128xf32, #tpu.memory_space<vmem_shared>>
      %dma_wait3A_118 = arith.constant 0 : i32
      %dma_wait3A_119 = arith.constant 0 : i32
      %dma_wait3A_120 = tpu.memref_slice %arg6[%dma_wait3A_118, %dma_wait3A_119] : memref<100x128xf32, #tpu.memory_space<vmem>> -> memref<40x128xf32, #tpu.memory_space<vmem>>
      tpu.wait_dma2 semaphore(%run_scoped3A : memref<!tpu.dma_semaphore, #tpu.memory_space<semaphore_mem>>) src(%dma_wait3A_120 : memref<40x128xf32, #tpu.memory_space<vmem>>) dst(%dma_wait3A_117 : memref<40x128xf32, #tpu.memory_space<vmem_shared>>)
      tpu.yield
    }) : () -> ()
    %mul3A_34 = arith.constant 640 : i32
    %mul3A_35 = arith.muli %arg1, %mul3A_34 : i32
    %add3A_36 = arith.constant 280 : i32
    %add3A_37 = arith.addi %mul3A_35, %add3A_36 : i32
    "tpu.region"() ({
      %run_scoped3A = tpu.sem_alloc : memref<!tpu.dma_semaphore, #tpu.memory_space<semaphore_mem>>
      %dma_start3A = arith.constant 0 : i32
      %dma_start3A_103 = arith.constant 0 : i32
      %dma_start3A_104 = tpu.memref_slice %arg6[%dma_start3A, %dma_start3A_103] : memref<100x128xf32, #tpu.memory_space<vmem>> -> memref<40x128xf32, #tpu.memory_space<vmem>>
      %dma_start3A_105 = arith.constant 0 : i32
      %dma_start3A_106 = tpu.memref_slice %arg4[%add3A_37, %dma_start3A_105] : memref<10240x128xf32, #tpu.memory_space<vmem_shared>> -> memref<40x128xf32, #tpu.memory_space<vmem_shared>>
      %dma_start3A_107 = arith.constant 0 : i32
      %dma_start3A_108 = tpu.memref_slice %arg4[%add3A_37, %dma_start3A_107] : memref<10240x128xf32, #tpu.memory_space<vmem_shared>> -> memref<40x128xf32, #tpu.memory_space<vmem_shared>>
      %dma_start3A_109 = arith.constant 0 : i32
      %dma_start3A_110 = arith.constant 0 : i32
      %dma_start3A_111 = tpu.memref_slice %arg6[%dma_start3A_109, %dma_start3A_110] : memref<100x128xf32, #tpu.memory_space<vmem>> -> memref<40x128xf32, #tpu.memory_space<vmem>>
      tpu.enqueue_dma source(%dma_start3A_111 : memref<40x128xf32, #tpu.memory_space<vmem>>) target(%dma_start3A_108 : memref<40x128xf32, #tpu.memory_space<vmem_shared>>) target_semaphore(%run_scoped3A : memref<!tpu.dma_semaphore, #tpu.memory_space<semaphore_mem>>)
      %dma_wait3A = arith.constant 0 : i32
      %dma_wait3A_112 = arith.constant 0 : i32
      %dma_wait3A_113 = tpu.memref_slice %arg6[%dma_wait3A, %dma_wait3A_112] : memref<100x128xf32, #tpu.memory_space<vmem>> -> memref<40x128xf32, #tpu.memory_space<vmem>>
      %dma_wait3A_114 = arith.constant 0 : i32
      %dma_wait3A_115 = tpu.memref_slice %arg4[%add3A_37, %dma_wait3A_114] : memref<10240x128xf32, #tpu.memory_space<vmem_shared>> -> memref<40x128xf32, #tpu.memory_space<vmem_shared>>
      %dma_wait3A_116 = arith.constant 0 : i32
      %dma_wait3A_117 = tpu.memref_slice %arg4[%add3A_37, %dma_wait3A_116] : memref<10240x128xf32, #tpu.memory_space<vmem_shared>> -> memref<40x128xf32, #tpu.memory_space<vmem_shared>>
      %dma_wait3A_118 = arith.constant 0 : i32
      %dma_wait3A_119 = arith.constant 0 : i32
      %dma_wait3A_120 = tpu.memref_slice %arg6[%dma_wait3A_118, %dma_wait3A_119] : memref<100x128xf32, #tpu.memory_space<vmem>> -> memref<40x128xf32, #tpu.memory_space<vmem>>
      tpu.wait_dma2 semaphore(%run_scoped3A : memref<!tpu.dma_semaphore, #tpu.memory_space<semaphore_mem>>) src(%dma_wait3A_120 : memref<40x128xf32, #tpu.memory_space<vmem>>) dst(%dma_wait3A_117 : memref<40x128xf32, #tpu.memory_space<vmem_shared>>)
      tpu.yield
    }) : () -> ()
    %mul3A_38 = arith.constant 640 : i32
    %mul3A_39 = arith.muli %arg1, %mul3A_38 : i32
    %add3A_40 = arith.constant 320 : i32
    %add3A_41 = arith.addi %mul3A_39, %add3A_40 : i32
    "tpu.region"() ({
      %run_scoped3A = tpu.sem_alloc : memref<!tpu.dma_semaphore, #tpu.memory_space<semaphore_mem>>
      %dma_start3A = arith.constant 0 : i32
      %dma_start3A_103 = arith.constant 0 : i32
      %dma_start3A_104 = tpu.memref_slice %arg6[%dma_start3A, %dma_start3A_103] : memref<100x128xf32, #tpu.memory_space<vmem>> -> memref<40x128xf32, #tpu.memory_space<vmem>>
      %dma_start3A_105 = arith.constant 0 : i32
      %dma_start3A_106 = tpu.memref_slice %arg4[%add3A_41, %dma_start3A_105] : memref<10240x128xf32, #tpu.memory_space<vmem_shared>> -> memref<40x128xf32, #tpu.memory_space<vmem_shared>>
      %dma_start3A_107 = arith.constant 0 : i32
      %dma_start3A_108 = tpu.memref_slice %arg4[%add3A_41, %dma_start3A_107] : memref<10240x128xf32, #tpu.memory_space<vmem_shared>> -> memref<40x128xf32, #tpu.memory_space<vmem_shared>>
      %dma_start3A_109 = arith.constant 0 : i32
      %dma_start3A_110 = arith.constant 0 : i32
      %dma_start3A_111 = tpu.memref_slice %arg6[%dma_start3A_109, %dma_start3A_110] : memref<100x128xf32, #tpu.memory_space<vmem>> -> memref<40x128xf32, #tpu.memory_space<vmem>>
      tpu.enqueue_dma source(%dma_start3A_111 : memref<40x128xf32, #tpu.memory_space<vmem>>) target(%dma_start3A_108 : memref<40x128xf32, #tpu.memory_space<vmem_shared>>) target_semaphore(%run_scoped3A : memref<!tpu.dma_semaphore, #tpu.memory_space<semaphore_mem>>)
      %dma_wait3A = arith.constant 0 : i32
      %dma_wait3A_112 = arith.constant 0 : i32
      %dma_wait3A_113 = tpu.memref_slice %arg6[%dma_wait3A, %dma_wait3A_112] : memref<100x128xf32, #tpu.memory_space<vmem>> -> memref<40x128xf32, #tpu.memory_space<vmem>>
      %dma_wait3A_114 = arith.constant 0 : i32
      %dma_wait3A_115 = tpu.memref_slice %arg4[%add3A_41, %dma_wait3A_114] : memref<10240x128xf32, #tpu.memory_space<vmem_shared>> -> memref<40x128xf32, #tpu.memory_space<vmem_shared>>
      %dma_wait3A_116 = arith.constant 0 : i32
      %dma_wait3A_117 = tpu.memref_slice %arg4[%add3A_41, %dma_wait3A_116] : memref<10240x128xf32, #tpu.memory_space<vmem_shared>> -> memref<40x128xf32, #tpu.memory_space<vmem_shared>>
      %dma_wait3A_118 = arith.constant 0 : i32
      %dma_wait3A_119 = arith.constant 0 : i32
      %dma_wait3A_120 = tpu.memref_slice %arg6[%dma_wait3A_118, %dma_wait3A_119] : memref<100x128xf32, #tpu.memory_space<vmem>> -> memref<40x128xf32, #tpu.memory_space<vmem>>
      tpu.wait_dma2 semaphore(%run_scoped3A : memref<!tpu.dma_semaphore, #tpu.memory_space<semaphore_mem>>) src(%dma_wait3A_120 : memref<40x128xf32, #tpu.memory_space<vmem>>) dst(%dma_wait3A_117 : memref<40x128xf32, #tpu.memory_space<vmem_shared>>)
      tpu.yield
    }) : () -> ()
    %mul3A_42 = arith.constant 640 : i32
    %mul3A_43 = arith.muli %arg1, %mul3A_42 : i32
    %add3A_44 = arith.constant 360 : i32
    %add3A_45 = arith.addi %mul3A_43, %add3A_44 : i32
    "tpu.region"() ({
      %run_scoped3A = tpu.sem_alloc : memref<!tpu.dma_semaphore, #tpu.memory_space<semaphore_mem>>
      %dma_start3A = arith.constant 0 : i32
      %dma_start3A_103 = arith.constant 0 : i32
      %dma_start3A_104 = tpu.memref_slice %arg6[%dma_start3A, %dma_start3A_103] : memref<100x128xf32, #tpu.memory_space<vmem>> -> memref<40x128xf32, #tpu.memory_space<vmem>>
      %dma_start3A_105 = arith.constant 0 : i32
      %dma_start3A_106 = tpu.memref_slice %arg4[%add3A_45, %dma_start3A_105] : memref<10240x128xf32, #tpu.memory_space<vmem_shared>> -> memref<40x128xf32, #tpu.memory_space<vmem_shared>>
      %dma_start3A_107 = arith.constant 0 : i32
      %dma_start3A_108 = tpu.memref_slice %arg4[%add3A_45, %dma_start3A_107] : memref<10240x128xf32, #tpu.memory_space<vmem_shared>> -> memref<40x128xf32, #tpu.memory_space<vmem_shared>>
      %dma_start3A_109 = arith.constant 0 : i32
      %dma_start3A_110 = arith.constant 0 : i32
      %dma_start3A_111 = tpu.memref_slice %arg6[%dma_start3A_109, %dma_start3A_110] : memref<100x128xf32, #tpu.memory_space<vmem>> -> memref<40x128xf32, #tpu.memory_space<vmem>>
      tpu.enqueue_dma source(%dma_start3A_111 : memref<40x128xf32, #tpu.memory_space<vmem>>) target(%dma_start3A_108 : memref<40x128xf32, #tpu.memory_space<vmem_shared>>) target_semaphore(%run_scoped3A : memref<!tpu.dma_semaphore, #tpu.memory_space<semaphore_mem>>)
      %dma_wait3A = arith.constant 0 : i32
      %dma_wait3A_112 = arith.constant 0 : i32
      %dma_wait3A_113 = tpu.memref_slice %arg6[%dma_wait3A, %dma_wait3A_112] : memref<100x128xf32, #tpu.memory_space<vmem>> -> memref<40x128xf32, #tpu.memory_space<vmem>>
      %dma_wait3A_114 = arith.constant 0 : i32
      %dma_wait3A_115 = tpu.memref_slice %arg4[%add3A_45, %dma_wait3A_114] : memref<10240x128xf32, #tpu.memory_space<vmem_shared>> -> memref<40x128xf32, #tpu.memory_space<vmem_shared>>
      %dma_wait3A_116 = arith.constant 0 : i32
      %dma_wait3A_117 = tpu.memref_slice %arg4[%add3A_45, %dma_wait3A_116] : memref<10240x128xf32, #tpu.memory_space<vmem_shared>> -> memref<40x128xf32, #tpu.memory_space<vmem_shared>>
      %dma_wait3A_118 = arith.constant 0 : i32
      %dma_wait3A_119 = arith.constant 0 : i32
      %dma_wait3A_120 = tpu.memref_slice %arg6[%dma_wait3A_118, %dma_wait3A_119] : memref<100x128xf32, #tpu.memory_space<vmem>> -> memref<40x128xf32, #tpu.memory_space<vmem>>
      tpu.wait_dma2 semaphore(%run_scoped3A : memref<!tpu.dma_semaphore, #tpu.memory_space<semaphore_mem>>) src(%dma_wait3A_120 : memref<40x128xf32, #tpu.memory_space<vmem>>) dst(%dma_wait3A_117 : memref<40x128xf32, #tpu.memory_space<vmem_shared>>)
      tpu.yield
    }) : () -> ()
    %mul3A_46 = arith.constant 640 : i32
    %mul3A_47 = arith.muli %arg1, %mul3A_46 : i32
    %add3A_48 = arith.constant 400 : i32
    %add3A_49 = arith.addi %mul3A_47, %add3A_48 : i32
    "tpu.region"() ({
      %run_scoped3A = tpu.sem_alloc : memref<!tpu.dma_semaphore, #tpu.memory_space<semaphore_mem>>
      %dma_start3A = arith.constant 0 : i32
      %dma_start3A_103 = arith.constant 0 : i32
      %dma_start3A_104 = tpu.memref_slice %arg6[%dma_start3A, %dma_start3A_103] : memref<100x128xf32, #tpu.memory_space<vmem>> -> memref<40x128xf32, #tpu.memory_space<vmem>>
      %dma_start3A_105 = arith.constant 0 : i32
      %dma_start3A_106 = tpu.memref_slice %arg4[%add3A_49, %dma_start3A_105] : memref<10240x128xf32, #tpu.memory_space<vmem_shared>> -> memref<40x128xf32, #tpu.memory_space<vmem_shared>>
      %dma_start3A_107 = arith.constant 0 : i32
      %dma_start3A_108 = tpu.memref_slice %arg4[%add3A_49, %dma_start3A_107] : memref<10240x128xf32, #tpu.memory_space<vmem_shared>> -> memref<40x128xf32, #tpu.memory_space<vmem_shared>>
      %dma_start3A_109 = arith.constant 0 : i32
      %dma_start3A_110 = arith.constant 0 : i32
      %dma_start3A_111 = tpu.memref_slice %arg6[%dma_start3A_109, %dma_start3A_110] : memref<100x128xf32, #tpu.memory_space<vmem>> -> memref<40x128xf32, #tpu.memory_space<vmem>>
      tpu.enqueue_dma source(%dma_start3A_111 : memref<40x128xf32, #tpu.memory_space<vmem>>) target(%dma_start3A_108 : memref<40x128xf32, #tpu.memory_space<vmem_shared>>) target_semaphore(%run_scoped3A : memref<!tpu.dma_semaphore, #tpu.memory_space<semaphore_mem>>)
      %dma_wait3A = arith.constant 0 : i32
      %dma_wait3A_112 = arith.constant 0 : i32
      %dma_wait3A_113 = tpu.memref_slice %arg6[%dma_wait3A, %dma_wait3A_112] : memref<100x128xf32, #tpu.memory_space<vmem>> -> memref<40x128xf32, #tpu.memory_space<vmem>>
      %dma_wait3A_114 = arith.constant 0 : i32
      %dma_wait3A_115 = tpu.memref_slice %arg4[%add3A_49, %dma_wait3A_114] : memref<10240x128xf32, #tpu.memory_space<vmem_shared>> -> memref<40x128xf32, #tpu.memory_space<vmem_shared>>
      %dma_wait3A_116 = arith.constant 0 : i32
      %dma_wait3A_117 = tpu.memref_slice %arg4[%add3A_49, %dma_wait3A_116] : memref<10240x128xf32, #tpu.memory_space<vmem_shared>> -> memref<40x128xf32, #tpu.memory_space<vmem_shared>>
      %dma_wait3A_118 = arith.constant 0 : i32
      %dma_wait3A_119 = arith.constant 0 : i32
      %dma_wait3A_120 = tpu.memref_slice %arg6[%dma_wait3A_118, %dma_wait3A_119] : memref<100x128xf32, #tpu.memory_space<vmem>> -> memref<40x128xf32, #tpu.memory_space<vmem>>
      tpu.wait_dma2 semaphore(%run_scoped3A : memref<!tpu.dma_semaphore, #tpu.memory_space<semaphore_mem>>) src(%dma_wait3A_120 : memref<40x128xf32, #tpu.memory_space<vmem>>) dst(%dma_wait3A_117 : memref<40x128xf32, #tpu.memory_space<vmem_shared>>)
      tpu.yield
    }) : () -> ()
    %mul3A_50 = arith.constant 640 : i32
    %mul3A_51 = arith.muli %arg1, %mul3A_50 : i32
    %add3A_52 = arith.constant 440 : i32
    %add3A_53 = arith.addi %mul3A_51, %add3A_52 : i32
    "tpu.region"() ({
      %run_scoped3A = tpu.sem_alloc : memref<!tpu.dma_semaphore, #tpu.memory_space<semaphore_mem>>
      %dma_start3A = arith.constant 0 : i32
      %dma_start3A_103 = arith.constant 0 : i32
      %dma_start3A_104 = tpu.memref_slice %arg6[%dma_start3A, %dma_start3A_103] : memref<100x128xf32, #tpu.memory_space<vmem>> -> memref<40x128xf32, #tpu.memory_space<vmem>>
      %dma_start3A_105 = arith.constant 0 : i32
      %dma_start3A_106 = tpu.memref_slice %arg4[%add3A_53, %dma_start3A_105] : memref<10240x128xf32, #tpu.memory_space<vmem_shared>> -> memref<40x128xf32, #tpu.memory_space<vmem_shared>>
      %dma_start3A_107 = arith.constant 0 : i32
      %dma_start3A_108 = tpu.memref_slice %arg4[%add3A_53, %dma_start3A_107] : memref<10240x128xf32, #tpu.memory_space<vmem_shared>> -> memref<40x128xf32, #tpu.memory_space<vmem_shared>>
      %dma_start3A_109 = arith.constant 0 : i32
      %dma_start3A_110 = arith.constant 0 : i32
      %dma_start3A_111 = tpu.memref_slice %arg6[%dma_start3A_109, %dma_start3A_110] : memref<100x128xf32, #tpu.memory_space<vmem>> -> memref<40x128xf32, #tpu.memory_space<vmem>>
      tpu.enqueue_dma source(%dma_start3A_111 : memref<40x128xf32, #tpu.memory_space<vmem>>) target(%dma_start3A_108 : memref<40x128xf32, #tpu.memory_space<vmem_shared>>) target_semaphore(%run_scoped3A : memref<!tpu.dma_semaphore, #tpu.memory_space<semaphore_mem>>)
      %dma_wait3A = arith.constant 0 : i32
      %dma_wait3A_112 = arith.constant 0 : i32
      %dma_wait3A_113 = tpu.memref_slice %arg6[%dma_wait3A, %dma_wait3A_112] : memref<100x128xf32, #tpu.memory_space<vmem>> -> memref<40x128xf32, #tpu.memory_space<vmem>>
      %dma_wait3A_114 = arith.constant 0 : i32
      %dma_wait3A_115 = tpu.memref_slice %arg4[%add3A_53, %dma_wait3A_114] : memref<10240x128xf32, #tpu.memory_space<vmem_shared>> -> memref<40x128xf32, #tpu.memory_space<vmem_shared>>
      %dma_wait3A_116 = arith.constant 0 : i32
      %dma_wait3A_117 = tpu.memref_slice %arg4[%add3A_53, %dma_wait3A_116] : memref<10240x128xf32, #tpu.memory_space<vmem_shared>> -> memref<40x128xf32, #tpu.memory_space<vmem_shared>>
      %dma_wait3A_118 = arith.constant 0 : i32
      %dma_wait3A_119 = arith.constant 0 : i32
      %dma_wait3A_120 = tpu.memref_slice %arg6[%dma_wait3A_118, %dma_wait3A_119] : memref<100x128xf32, #tpu.memory_space<vmem>> -> memref<40x128xf32, #tpu.memory_space<vmem>>
      tpu.wait_dma2 semaphore(%run_scoped3A : memref<!tpu.dma_semaphore, #tpu.memory_space<semaphore_mem>>) src(%dma_wait3A_120 : memref<40x128xf32, #tpu.memory_space<vmem>>) dst(%dma_wait3A_117 : memref<40x128xf32, #tpu.memory_space<vmem_shared>>)
      tpu.yield
    }) : () -> ()
    %mul3A_54 = arith.constant 640 : i32
    %mul3A_55 = arith.muli %arg1, %mul3A_54 : i32
    %add3A_56 = arith.constant 480 : i32
    %add3A_57 = arith.addi %mul3A_55, %add3A_56 : i32
    "tpu.region"() ({
      %run_scoped3A = tpu.sem_alloc : memref<!tpu.dma_semaphore, #tpu.memory_space<semaphore_mem>>
      %dma_start3A = arith.constant 0 : i32
      %dma_start3A_103 = arith.constant 0 : i32
      %dma_start3A_104 = tpu.memref_slice %arg6[%dma_start3A, %dma_start3A_103] : memref<100x128xf32, #tpu.memory_space<vmem>> -> memref<40x128xf32, #tpu.memory_space<vmem>>
      %dma_start3A_105 = arith.constant 0 : i32
      %dma_start3A_106 = tpu.memref_slice %arg4[%add3A_57, %dma_start3A_105] : memref<10240x128xf32, #tpu.memory_space<vmem_shared>> -> memref<40x128xf32, #tpu.memory_space<vmem_shared>>
      %dma_start3A_107 = arith.constant 0 : i32
      %dma_start3A_108 = tpu.memref_slice %arg4[%add3A_57, %dma_start3A_107] : memref<10240x128xf32, #tpu.memory_space<vmem_shared>> -> memref<40x128xf32, #tpu.memory_space<vmem_shared>>
      %dma_start3A_109 = arith.constant 0 : i32
      %dma_start3A_110 = arith.constant 0 : i32
      %dma_start3A_111 = tpu.memref_slice %arg6[%dma_start3A_109, %dma_start3A_110] : memref<100x128xf32, #tpu.memory_space<vmem>> -> memref<40x128xf32, #tpu.memory_space<vmem>>
      tpu.enqueue_dma source(%dma_start3A_111 : memref<40x128xf32, #tpu.memory_space<vmem>>) target(%dma_start3A_108 : memref<40x128xf32, #tpu.memory_space<vmem_shared>>) target_semaphore(%run_scoped3A : memref<!tpu.dma_semaphore, #tpu.memory_space<semaphore_mem>>)
      %dma_wait3A = arith.constant 0 : i32
      %dma_wait3A_112 = arith.constant 0 : i32
      %dma_wait3A_113 = tpu.memref_slice %arg6[%dma_wait3A, %dma_wait3A_112] : memref<100x128xf32, #tpu.memory_space<vmem>> -> memref<40x128xf32, #tpu.memory_space<vmem>>
      %dma_wait3A_114 = arith.constant 0 : i32
      %dma_wait3A_115 = tpu.memref_slice %arg4[%add3A_57, %dma_wait3A_114] : memref<10240x128xf32, #tpu.memory_space<vmem_shared>> -> memref<40x128xf32, #tpu.memory_space<vmem_shared>>
      %dma_wait3A_116 = arith.constant 0 : i32
      %dma_wait3A_117 = tpu.memref_slice %arg4[%add3A_57, %dma_wait3A_116] : memref<10240x128xf32, #tpu.memory_space<vmem_shared>> -> memref<40x128xf32, #tpu.memory_space<vmem_shared>>
      %dma_wait3A_118 = arith.constant 0 : i32
      %dma_wait3A_119 = arith.constant 0 : i32
      %dma_wait3A_120 = tpu.memref_slice %arg6[%dma_wait3A_118, %dma_wait3A_119] : memref<100x128xf32, #tpu.memory_space<vmem>> -> memref<40x128xf32, #tpu.memory_space<vmem>>
      tpu.wait_dma2 semaphore(%run_scoped3A : memref<!tpu.dma_semaphore, #tpu.memory_space<semaphore_mem>>) src(%dma_wait3A_120 : memref<40x128xf32, #tpu.memory_space<vmem>>) dst(%dma_wait3A_117 : memref<40x128xf32, #tpu.memory_space<vmem_shared>>)
      tpu.yield
    }) : () -> ()
    %mul3A_58 = arith.constant 640 : i32
    %mul3A_59 = arith.muli %arg1, %mul3A_58 : i32
    %add3A_60 = arith.constant 520 : i32
    %add3A_61 = arith.addi %mul3A_59, %add3A_60 : i32
    "tpu.region"() ({
      %run_scoped3A = tpu.sem_alloc : memref<!tpu.dma_semaphore, #tpu.memory_space<semaphore_mem>>
      %dma_start3A = arith.constant 0 : i32
      %dma_start3A_103 = arith.constant 0 : i32
      %dma_start3A_104 = tpu.memref_slice %arg6[%dma_start3A, %dma_start3A_103] : memref<100x128xf32, #tpu.memory_space<vmem>> -> memref<40x128xf32, #tpu.memory_space<vmem>>
      %dma_start3A_105 = arith.constant 0 : i32
      %dma_start3A_106 = tpu.memref_slice %arg4[%add3A_61, %dma_start3A_105] : memref<10240x128xf32, #tpu.memory_space<vmem_shared>> -> memref<40x128xf32, #tpu.memory_space<vmem_shared>>
      %dma_start3A_107 = arith.constant 0 : i32
      %dma_start3A_108 = tpu.memref_slice %arg4[%add3A_61, %dma_start3A_107] : memref<10240x128xf32, #tpu.memory_space<vmem_shared>> -> memref<40x128xf32, #tpu.memory_space<vmem_shared>>
      %dma_start3A_109 = arith.constant 0 : i32
      %dma_start3A_110 = arith.constant 0 : i32
      %dma_start3A_111 = tpu.memref_slice %arg6[%dma_start3A_109, %dma_start3A_110] : memref<100x128xf32, #tpu.memory_space<vmem>> -> memref<40x128xf32, #tpu.memory_space<vmem>>
      tpu.enqueue_dma source(%dma_start3A_111 : memref<40x128xf32, #tpu.memory_space<vmem>>) target(%dma_start3A_108 : memref<40x128xf32, #tpu.memory_space<vmem_shared>>) target_semaphore(%run_scoped3A : memref<!tpu.dma_semaphore, #tpu.memory_space<semaphore_mem>>)
      %dma_wait3A = arith.constant 0 : i32
      %dma_wait3A_112 = arith.constant 0 : i32
      %dma_wait3A_113 = tpu.memref_slice %arg6[%dma_wait3A, %dma_wait3A_112] : memref<100x128xf32, #tpu.memory_space<vmem>> -> memref<40x128xf32, #tpu.memory_space<vmem>>
      %dma_wait3A_114 = arith.constant 0 : i32
      %dma_wait3A_115 = tpu.memref_slice %arg4[%add3A_61, %dma_wait3A_114] : memref<10240x128xf32, #tpu.memory_space<vmem_shared>> -> memref<40x128xf32, #tpu.memory_space<vmem_shared>>
      %dma_wait3A_116 = arith.constant 0 : i32
      %dma_wait3A_117 = tpu.memref_slice %arg4[%add3A_61, %dma_wait3A_116] : memref<10240x128xf32, #tpu.memory_space<vmem_shared>> -> memref<40x128xf32, #tpu.memory_space<vmem_shared>>
      %dma_wait3A_118 = arith.constant 0 : i32
      %dma_wait3A_119 = arith.constant 0 : i32
      %dma_wait3A_120 = tpu.memref_slice %arg6[%dma_wait3A_118, %dma_wait3A_119] : memref<100x128xf32, #tpu.memory_space<vmem>> -> memref<40x128xf32, #tpu.memory_space<vmem>>
      tpu.wait_dma2 semaphore(%run_scoped3A : memref<!tpu.dma_semaphore, #tpu.memory_space<semaphore_mem>>) src(%dma_wait3A_120 : memref<40x128xf32, #tpu.memory_space<vmem>>) dst(%dma_wait3A_117 : memref<40x128xf32, #tpu.memory_space<vmem_shared>>)
      tpu.yield
    }) : () -> ()
    %mul3A_62 = arith.constant 640 : i32
    %mul3A_63 = arith.muli %arg1, %mul3A_62 : i32
    %add3A_64 = arith.constant 560 : i32
    %add3A_65 = arith.addi %mul3A_63, %add3A_64 : i32
    "tpu.region"() ({
      %run_scoped3A = tpu.sem_alloc : memref<!tpu.dma_semaphore, #tpu.memory_space<semaphore_mem>>
      %dma_start3A = arith.constant 0 : i32
      %dma_start3A_103 = arith.constant 0 : i32
      %dma_start3A_104 = tpu.memref_slice %arg6[%dma_start3A, %dma_start3A_103] : memref<100x128xf32, #tpu.memory_space<vmem>> -> memref<40x128xf32, #tpu.memory_space<vmem>>
      %dma_start3A_105 = arith.constant 0 : i32
      %dma_start3A_106 = tpu.memref_slice %arg4[%add3A_65, %dma_start3A_105] : memref<10240x128xf32, #tpu.memory_space<vmem_shared>> -> memref<40x128xf32, #tpu.memory_space<vmem_shared>>
      %dma_start3A_107 = arith.constant 0 : i32
      %dma_start3A_108 = tpu.memref_slice %arg4[%add3A_65, %dma_start3A_107] : memref<10240x128xf32, #tpu.memory_space<vmem_shared>> -> memref<40x128xf32, #tpu.memory_space<vmem_shared>>
      %dma_start3A_109 = arith.constant 0 : i32
      %dma_start3A_110 = arith.constant 0 : i32
      %dma_start3A_111 = tpu.memref_slice %arg6[%dma_start3A_109, %dma_start3A_110] : memref<100x128xf32, #tpu.memory_space<vmem>> -> memref<40x128xf32, #tpu.memory_space<vmem>>
      tpu.enqueue_dma source(%dma_start3A_111 : memref<40x128xf32, #tpu.memory_space<vmem>>) target(%dma_start3A_108 : memref<40x128xf32, #tpu.memory_space<vmem_shared>>) target_semaphore(%run_scoped3A : memref<!tpu.dma_semaphore, #tpu.memory_space<semaphore_mem>>)
      %dma_wait3A = arith.constant 0 : i32
      %dma_wait3A_112 = arith.constant 0 : i32
      %dma_wait3A_113 = tpu.memref_slice %arg6[%dma_wait3A, %dma_wait3A_112] : memref<100x128xf32, #tpu.memory_space<vmem>> -> memref<40x128xf32, #tpu.memory_space<vmem>>
      %dma_wait3A_114 = arith.constant 0 : i32
      %dma_wait3A_115 = tpu.memref_slice %arg4[%add3A_65, %dma_wait3A_114] : memref<10240x128xf32, #tpu.memory_space<vmem_shared>> -> memref<40x128xf32, #tpu.memory_space<vmem_shared>>
      %dma_wait3A_116 = arith.constant 0 : i32
      %dma_wait3A_117 = tpu.memref_slice %arg4[%add3A_65, %dma_wait3A_116] : memref<10240x128xf32, #tpu.memory_space<vmem_shared>> -> memref<40x128xf32, #tpu.memory_space<vmem_shared>>
      %dma_wait3A_118 = arith.constant 0 : i32
      %dma_wait3A_119 = arith.constant 0 : i32
      %dma_wait3A_120 = tpu.memref_slice %arg6[%dma_wait3A_118, %dma_wait3A_119] : memref<100x128xf32, #tpu.memory_space<vmem>> -> memref<40x128xf32, #tpu.memory_space<vmem>>
      tpu.wait_dma2 semaphore(%run_scoped3A : memref<!tpu.dma_semaphore, #tpu.memory_space<semaphore_mem>>) src(%dma_wait3A_120 : memref<40x128xf32, #tpu.memory_space<vmem>>) dst(%dma_wait3A_117 : memref<40x128xf32, #tpu.memory_space<vmem_shared>>)
      tpu.yield
    }) : () -> ()
    %mul3A_66 = arith.constant 640 : i32
    %mul3A_67 = arith.muli %arg1, %mul3A_66 : i32
    %add3A_68 = arith.constant 600 : i32
    %add3A_69 = arith.addi %mul3A_67, %add3A_68 : i32
    "tpu.region"() ({
      %run_scoped3A = tpu.sem_alloc : memref<!tpu.dma_semaphore, #tpu.memory_space<semaphore_mem>>
      %dma_start3A = arith.constant 0 : i32
      %dma_start3A_103 = arith.constant 0 : i32
      %dma_start3A_104 = tpu.memref_slice %arg6[%dma_start3A, %dma_start3A_103] : memref<100x128xf32, #tpu.memory_space<vmem>> -> memref<40x128xf32, #tpu.memory_space<vmem>>
      %dma_start3A_105 = arith.constant 0 : i32
      %dma_start3A_106 = tpu.memref_slice %arg4[%add3A_69, %dma_start3A_105] : memref<10240x128xf32, #tpu.memory_space<vmem_shared>> -> memref<40x128xf32, #tpu.memory_space<vmem_shared>>
      %dma_start3A_107 = arith.constant 0 : i32
      %dma_start3A_108 = tpu.memref_slice %arg4[%add3A_69, %dma_start3A_107] : memref<10240x128xf32, #tpu.memory_space<vmem_shared>> -> memref<40x128xf32, #tpu.memory_space<vmem_shared>>
      %dma_start3A_109 = arith.constant 0 : i32
      %dma_start3A_110 = arith.constant 0 : i32
      %dma_start3A_111 = tpu.memref_slice %arg6[%dma_start3A_109, %dma_start3A_110] : memref<100x128xf32, #tpu.memory_space<vmem>> -> memref<40x128xf32, #tpu.memory_space<vmem>>
      tpu.enqueue_dma source(%dma_start3A_111 : memref<40x128xf32, #tpu.memory_space<vmem>>) target(%dma_start3A_108 : memref<40x128xf32, #tpu.memory_space<vmem_shared>>) target_semaphore(%run_scoped3A : memref<!tpu.dma_semaphore, #tpu.memory_space<semaphore_mem>>)
      %dma_wait3A = arith.constant 0 : i32
      %dma_wait3A_112 = arith.constant 0 : i32
      %dma_wait3A_113 = tpu.memref_slice %arg6[%dma_wait3A, %dma_wait3A_112] : memref<100x128xf32, #tpu.memory_space<vmem>> -> memref<40x128xf32, #tpu.memory_space<vmem>>
      %dma_wait3A_114 = arith.constant 0 : i32
      %dma_wait3A_115 = tpu.memref_slice %arg4[%add3A_69, %dma_wait3A_114] : memref<10240x128xf32, #tpu.memory_space<vmem_shared>> -> memref<40x128xf32, #tpu.memory_space<vmem_shared>>
      %dma_wait3A_116 = arith.constant 0 : i32
      %dma_wait3A_117 = tpu.memref_slice %arg4[%add3A_69, %dma_wait3A_116] : memref<10240x128xf32, #tpu.memory_space<vmem_shared>> -> memref<40x128xf32, #tpu.memory_space<vmem_shared>>
      %dma_wait3A_118 = arith.constant 0 : i32
      %dma_wait3A_119 = arith.constant 0 : i32
      %dma_wait3A_120 = tpu.memref_slice %arg6[%dma_wait3A_118, %dma_wait3A_119] : memref<100x128xf32, #tpu.memory_space<vmem>> -> memref<40x128xf32, #tpu.memory_space<vmem>>
      tpu.wait_dma2 semaphore(%run_scoped3A : memref<!tpu.dma_semaphore, #tpu.memory_space<semaphore_mem>>) src(%dma_wait3A_120 : memref<40x128xf32, #tpu.memory_space<vmem>>) dst(%dma_wait3A_117 : memref<40x128xf32, #tpu.memory_space<vmem_shared>>)
      tpu.yield
    }) : () -> ()
    %scan3A_70 = arith.constant 0 : i32
    %scan3A_71 = arith.constant 0 : i32
    %scan3A_72 = arith.constant 800 : i32
    %scan3A_73 = arith.addi %scan3A_71, %scan3A_72 : i32
    %scan3A_74 = arith.constant 1 : i32
    scf.for %scan3A_103 = %scan3A_71 to %scan3A_73 step %scan3A_74  : i32 {
      %broadcast_in_dim3A = arith.constant 1.000000e+00 : f32
      %broadcast_in_dim3A_104 = vector.broadcast %broadcast_in_dim3A : f32 to vector<16xf32>
      %jit3A = arith.constant 8 : i32
      %div3A = arith.divsi %scan3A_103, %jit3A : i32
      %sign3A = arith.constant 0 : i32
      %sign3A_105 = arith.cmpi sgt, %scan3A_103, %sign3A : i32
      %sign3A_106 = arith.extui %sign3A_105 : i1 to i32
      %sign3A_107 = arith.constant 0 : i32
      %sign3A_108 = arith.cmpi slt, %scan3A_103, %sign3A_107 : i32
      %sign3A_109 = arith.extui %sign3A_108 : i1 to i32
      %sign3A_110 = arith.subi %sign3A_106, %sign3A_109 : i32
      %sign3A_111 = arith.constant 0 : i32
      %sign3A_112 = arith.cmpi sgt, %jit3A, %sign3A_111 : i32
      %sign3A_113 = arith.extui %sign3A_112 : i1 to i32
      %sign3A_114 = arith.constant 0 : i32
      %sign3A_115 = arith.cmpi slt, %jit3A, %sign3A_114 : i32
      %sign3A_116 = arith.extui %sign3A_115 : i1 to i32
      %sign3A_117 = arith.subi %sign3A_113, %sign3A_116 : i32
      %ne3A = arith.cmpi ne, %sign3A_110, %sign3A_117 : i32
      %rem3A = arith.remsi %scan3A_103, %jit3A : i32
      %ne3A_118 = arith.constant 0 : i32
      %ne3A_119 = arith.cmpi ne, %rem3A, %ne3A_118 : i32
      %and3A = arith.andi %ne3A, %ne3A_119 : i1
      %sub3A = arith.constant 1 : i32
      %sub3A_120 = arith.subi %div3A, %sub3A : i32
      %select_n3A = arith.select %and3A, %sub3A_120, %div3A : i32
      %jit3A_121 = arith.constant 8 : i32
      %eq3A = arith.constant 0 : i32
      %eq3A_122 = arith.cmpi eq, %jit3A_121, %eq3A : i32
      %jit3A_123 = arith.constant 1 : i32
      %select_n3A_124 = arith.select %eq3A_122, %jit3A_123, %jit3A_121 : i32
      %rem3A_125 = arith.remsi %scan3A_103, %select_n3A_124 : i32
      %ne3A_126 = arith.constant 0 : i32
      %ne3A_127 = arith.cmpi ne, %rem3A_125, %ne3A_126 : i32
      %lt3A = arith.constant 0 : i32
      %lt3A_128 = arith.cmpi slt, %rem3A_125, %lt3A : i32
      %lt3A_129 = arith.constant 0 : i32
      %lt3A_130 = arith.cmpi slt, %select_n3A_124, %lt3A_129 : i32
      %ne3A_131 = arith.xori %lt3A_128, %lt3A_130 : i1
      %and3A_132 = arith.andi %ne3A_131, %ne3A_127 : i1
      %add3A_133 = arith.addi %rem3A_125, %select_n3A_124 : i32
      %select_n3A_134 = arith.select %and3A_132, %add3A_133, %rem3A_125 : i32
      %mul3A_135 = arith.constant 16 : i32
      %mul3A_136 = arith.muli %select_n3A_134, %mul3A_135 : i32
      %swap3A = arith.index_cast %select_n3A : i32 to index
      %swap3A_137 = arith.index_cast %mul3A_136 : i32 to index
      %swap3A_138 = tpu.vector_load %arg6[%swap3A, %swap3A_137] {strides = array<i32>} : memref<100x128xf32, #tpu.memory_space<vmem>>, vector<1x16xf32>,
      %swap3A_139 = vector.shape_cast %swap3A_138 : vector<1x16xf32> to vector<16xf32>
      %swap3A_140 = vector.shape_cast %broadcast_in_dim3A_104 : vector<16xf32> to vector<1x16xf32>
      tpu.vector_store %arg6[%swap3A, %swap3A_137], %swap3A_140 {strides = array<i32>} : memref<100x128xf32, #tpu.memory_space<vmem>>, vector<1x16xf32>,
    }
    %scan3A_75 = arith.constant 800 : i32
    %barrier3A = arith.constant 0 : index
    tpu.barrier barrier_id(%barrier3A)
    "tpu.region"() ({
      %run_scoped3A = tpu.sem_alloc : memref<!tpu.dma_semaphore, #tpu.memory_space<semaphore_mem>>
      %dma_start3A = arith.constant 0 : i32
      %dma_start3A_103 = arith.constant 0 : i32
      %dma_start3A_104 = tpu.memref_slice %arg2[%add3A, %dma_start3A, %dma_start3A_103] : memref<32x100x100xi32, #tpu.memory_space<hbm>> -> memref<1x100x100xi32, #tpu.memory_space<hbm>>
      %dma_start3A_105 = tpu.memref_squeeze %dma_start3A_104 : memref<1x100x100xi32, #tpu.memory_space<hbm>> -> memref<100x100xi32, #tpu.memory_space<hbm>>
      %dma_start3A_106 = arith.constant 0 : i32
      %dma_start3A_107 = arith.constant 0 : i32
      %dma_start3A_108 = tpu.memref_slice %arg2[%add3A, %dma_start3A_106, %dma_start3A_107] : memref<32x100x100xi32, #tpu.memory_space<hbm>> -> memref<1x100x100xi32, #tpu.memory_space<hbm>>
      %dma_start3A_109 = tpu.memref_squeeze %dma_start3A_108 : memref<1x100x100xi32, #tpu.memory_space<hbm>> -> memref<100x100xi32, #tpu.memory_space<hbm>>
      tpu.enqueue_dma source(%dma_start3A_109 : memref<100x100xi32, #tpu.memory_space<hbm>>) target(%arg5 : memref<100x100xi32, #tpu.memory_space<vmem>>) target_semaphore(%run_scoped3A : memref<!tpu.dma_semaphore, #tpu.memory_space<semaphore_mem>>)
      %dma_wait3A = arith.constant 0 : i32
      %dma_wait3A_110 = arith.constant 0 : i32
      %dma_wait3A_111 = tpu.memref_slice %arg2[%add3A, %dma_wait3A, %dma_wait3A_110] : memref<32x100x100xi32, #tpu.memory_space<hbm>> -> memref<1x100x100xi32, #tpu.memory_space<hbm>>
      %dma_wait3A_112 = tpu.memref_squeeze %dma_wait3A_111 : memref<1x100x100xi32, #tpu.memory_space<hbm>> -> memref<100x100xi32, #tpu.memory_space<hbm>>
      %dma_wait3A_113 = arith.constant 0 : i32
      %dma_wait3A_114 = arith.constant 0 : i32
      %dma_wait3A_115 = tpu.memref_slice %arg2[%add3A, %dma_wait3A_113, %dma_wait3A_114] : memref<32x100x100xi32, #tpu.memory_space<hbm>> -> memref<1x100x100xi32, #tpu.memory_space<hbm>>
      %dma_wait3A_116 = tpu.memref_squeeze %dma_wait3A_115 : memref<1x100x100xi32, #tpu.memory_space<hbm>> -> memref<100x100xi32, #tpu.memory_space<hbm>>
      tpu.wait_dma2 semaphore(%run_scoped3A : memref<!tpu.dma_semaphore, #tpu.memory_space<semaphore_mem>>) src(%dma_wait3A_116 : memref<100x100xi32, #tpu.memory_space<hbm>>) dst(%arg5 : memref<100x100xi32, #tpu.memory_space<vmem>>)
      tpu.yield
    }) : () -> ()
    %scan3A_76 = arith.constant 0 : i32
    %scan3A_77 = arith.constant 0 : i32
    %scan3A_78 = arith.constant 100 : i32
    %scan3A_79 = arith.addi %scan3A_77, %scan3A_78 : i32
    %scan3A_80 = arith.constant 1 : i32
    scf.for %scan3A_103 = %scan3A_77 to %scan3A_79 step %scan3A_80  : i32 {
      "tpu.region"() ({
        %run_scoped3A = tpu.sem_alloc : memref<!tpu.dma_semaphore, #tpu.memory_space<semaphore_mem>>
        %dma_start3A = arith.constant 0 : i32
        %dma_start3A_104 = tpu.memref_slice %arg5[%scan3A_103, %dma_start3A] : memref<100x100xi32, #tpu.memory_space<vmem>> -> memref<1x100xi32, #tpu.memory_space<vmem>>
        %dma_start3A_105 = tpu.memref_squeeze %dma_start3A_104 : memref<1x100xi32, #tpu.memory_space<vmem>> -> memref<100xi32, #tpu.memory_space<vmem>>
        %dma_start3A_106 = arith.constant 0 : i32
        %dma_start3A_107 = arith.constant 0 : i32
        %dma_start3A_108 = tpu.memref_slice %arg4[%dma_start3A_106, %dma_start3A_107] : memref<10240x128xf32, #tpu.memory_space<vmem_shared>> -> memref<10240x128xf32, #tpu.memory_space<vmem_shared>>
        tpu.enqueue_indirect_dma source(%arg6 : memref<100x128xf32, #tpu.memory_space<vmem>>) target(%dma_start3A_108 : memref<10240x128xf32, #tpu.memory_space<vmem_shared>>) offsets(%dma_start3A_105 : memref<100xi32, #tpu.memory_space<vmem>>) semaphore(%run_scoped3A : memref<!tpu.dma_semaphore, #tpu.memory_space<semaphore_mem>>) {add = true}
        %dma_wait3A = arith.constant 0 : i32
        %dma_wait3A_109 = tpu.memref_slice %arg5[%scan3A_103, %dma_wait3A] : memref<100x100xi32, #tpu.memory_space<vmem>> -> memref<1x100xi32, #tpu.memory_space<vmem>>
        %dma_wait3A_110 = tpu.memref_squeeze %dma_wait3A_109 : memref<1x100xi32, #tpu.memory_space<vmem>> -> memref<100xi32, #tpu.memory_space<vmem>>
        %dma_wait3A_111 = arith.constant 0 : i32
        %dma_wait3A_112 = arith.constant 0 : i32
        %dma_wait3A_113 = tpu.memref_slice %arg4[%dma_wait3A_111, %dma_wait3A_112] : memref<10240x128xf32, #tpu.memory_space<vmem_shared>> -> memref<10240x128xf32, #tpu.memory_space<vmem_shared>>
        tpu.wait_indirect_dma semaphore(%run_scoped3A : memref<!tpu.dma_semaphore, #tpu.memory_space<semaphore_mem>>) src(%arg6 : memref<100x128xf32, #tpu.memory_space<vmem>>) dst(%dma_wait3A_113 : memref<10240x128xf32, #tpu.memory_space<vmem_shared>>)
        tpu.yield
      }) : () -> ()
    }
    %scan3A_81 = arith.constant 100 : i32
    %barrier3A_82 = arith.constant 0 : index
    tpu.barrier barrier_id(%barrier3A_82)
    %mul3A_83 = arith.constant 640 : i32
    %mul3A_84 = arith.muli %arg1, %mul3A_83 : i32
    %add3A_85 = arith.constant 0 : i32
    %add3A_86 = arith.addi %mul3A_84, %add3A_85 : i32
    "tpu.region"() ({
      %run_scoped3A = tpu.sem_alloc : memref<!tpu.dma_semaphore, #tpu.memory_space<semaphore_mem>>
      %dma_start3A = arith.constant 0 : i32
      %dma_start3A_103 = tpu.memref_slice %arg3[%arg0, %add3A_86, %dma_start3A] : memref<2x10240x128xf32, #tpu.memory_space<hbm>> -> memref<1x128x128xf32, #tpu.memory_space<hbm>>
      %dma_start3A_104 = tpu.memref_squeeze %dma_start3A_103 : memref<1x128x128xf32, #tpu.memory_space<hbm>> -> memref<128x128xf32, #tpu.memory_space<hbm>>
      %dma_start3A_105 = arith.constant 0 : i32
      %dma_start3A_106 = tpu.memref_slice %arg4[%add3A_86, %dma_start3A_105] : memref<10240x128xf32, #tpu.memory_space<vmem_shared>> -> memref<128x128xf32, #tpu.memory_space<vmem_shared>>
      tpu.enqueue_dma source(%dma_start3A_106 : memref<128x128xf32, #tpu.memory_space<vmem_shared>>) target(%dma_start3A_104 : memref<128x128xf32, #tpu.memory_space<hbm>>) target_semaphore(%run_scoped3A : memref<!tpu.dma_semaphore, #tpu.memory_space<semaphore_mem>>)
      %dma_wait3A = arith.constant 0 : i32
      %dma_wait3A_107 = tpu.memref_slice %arg3[%arg0, %add3A_86, %dma_wait3A] : memref<2x10240x128xf32, #tpu.memory_space<hbm>> -> memref<1x128x128xf32, #tpu.memory_space<hbm>>
      %dma_wait3A_108 = tpu.memref_squeeze %dma_wait3A_107 : memref<1x128x128xf32, #tpu.memory_space<hbm>> -> memref<128x128xf32, #tpu.memory_space<hbm>>
      %dma_wait3A_109 = arith.constant 0 : i32
      %dma_wait3A_110 = tpu.memref_slice %arg4[%add3A_86, %dma_wait3A_109] : memref<10240x128xf32, #tpu.memory_space<vmem_shared>> -> memref<128x128xf32, #tpu.memory_space<vmem_shared>>
      tpu.wait_dma2 semaphore(%run_scoped3A : memref<!tpu.dma_semaphore, #tpu.memory_space<semaphore_mem>>) src(%dma_wait3A_110 : memref<128x128xf32, #tpu.memory_space<vmem_shared>>) dst(%dma_wait3A_108 : memref<128x128xf32, #tpu.memory_space<hbm>>)
      tpu.yield
    }) : () -> ()
    %mul3A_87 = arith.constant 640 : i32
    %mul3A_88 = arith.muli %arg1, %mul3A_87 : i32
    %add3A_89 = arith.constant 128 : i32
    %add3A_90 = arith.addi %mul3A_88, %add3A_89 : i32
    "tpu.region"() ({
      %run_scoped3A = tpu.sem_alloc : memref<!tpu.dma_semaphore, #tpu.memory_space<semaphore_mem>>
      %dma_start3A = arith.constant 0 : i32
      %dma_start3A_103 = tpu.memref_slice %arg3[%arg0, %add3A_90, %dma_start3A] : memref<2x10240x128xf32, #tpu.memory_space<hbm>> -> memref<1x128x128xf32, #tpu.memory_space<hbm>>
      %dma_start3A_104 = tpu.memref_squeeze %dma_start3A_103 : memref<1x128x128xf32, #tpu.memory_space<hbm>> -> memref<128x128xf32, #tpu.memory_space<hbm>>
      %dma_start3A_105 = arith.constant 0 : i32
      %dma_start3A_106 = tpu.memref_slice %arg4[%add3A_90, %dma_start3A_105] : memref<10240x128xf32, #tpu.memory_space<vmem_shared>> -> memref<128x128xf32, #tpu.memory_space<vmem_shared>>
      tpu.enqueue_dma source(%dma_start3A_106 : memref<128x128xf32, #tpu.memory_space<vmem_shared>>) target(%dma_start3A_104 : memref<128x128xf32, #tpu.memory_space<hbm>>) target_semaphore(%run_scoped3A : memref<!tpu.dma_semaphore, #tpu.memory_space<semaphore_mem>>)
      %dma_wait3A = arith.constant 0 : i32
      %dma_wait3A_107 = tpu.memref_slice %arg3[%arg0, %add3A_90, %dma_wait3A] : memref<2x10240x128xf32, #tpu.memory_space<hbm>> -> memref<1x128x128xf32, #tpu.memory_space<hbm>>
      %dma_wait3A_108 = tpu.memref_squeeze %dma_wait3A_107 : memref<1x128x128xf32, #tpu.memory_space<hbm>> -> memref<128x128xf32, #tpu.memory_space<hbm>>
      %dma_wait3A_109 = arith.constant 0 : i32
      %dma_wait3A_110 = tpu.memref_slice %arg4[%add3A_90, %dma_wait3A_109] : memref<10240x128xf32, #tpu.memory_space<vmem_shared>> -> memref<128x128xf32, #tpu.memory_space<vmem_shared>>
      tpu.wait_dma2 semaphore(%run_scoped3A : memref<!tpu.dma_semaphore, #tpu.memory_space<semaphore_mem>>) src(%dma_wait3A_110 : memref<128x128xf32, #tpu.memory_space<vmem_shared>>) dst(%dma_wait3A_108 : memref<128x128xf32, #tpu.memory_space<hbm>>)
      tpu.yield
    }) : () -> ()
    %mul3A_91 = arith.constant 640 : i32
    %mul3A_92 = arith.muli %arg1, %mul3A_91 : i32
    %add3A_93 = arith.constant 256 : i32
    %add3A_94 = arith.addi %mul3A_92, %add3A_93 : i32
    "tpu.region"() ({
      %run_scoped3A = tpu.sem_alloc : memref<!tpu.dma_semaphore, #tpu.memory_space<semaphore_mem>>
      %dma_start3A = arith.constant 0 : i32
      %dma_start3A_103 = tpu.memref_slice %arg3[%arg0, %add3A_94, %dma_start3A] : memref<2x10240x128xf32, #tpu.memory_space<hbm>> -> memref<1x128x128xf32, #tpu.memory_space<hbm>>
      %dma_start3A_104 = tpu.memref_squeeze %dma_start3A_103 : memref<1x128x128xf32, #tpu.memory_space<hbm>> -> memref<128x128xf32, #tpu.memory_space<hbm>>
      %dma_start3A_105 = arith.constant 0 : i32
      %dma_start3A_106 = tpu.memref_slice %arg4[%add3A_94, %dma_start3A_105] : memref<10240x128xf32, #tpu.memory_space<vmem_shared>> -> memref<128x128xf32, #tpu.memory_space<vmem_shared>>
      tpu.enqueue_dma source(%dma_start3A_106 : memref<128x128xf32, #tpu.memory_space<vmem_shared>>) target(%dma_start3A_104 : memref<128x128xf32, #tpu.memory_space<hbm>>) target_semaphore(%run_scoped3A : memref<!tpu.dma_semaphore, #tpu.memory_space<semaphore_mem>>)
      %dma_wait3A = arith.constant 0 : i32
      %dma_wait3A_107 = tpu.memref_slice %arg3[%arg0, %add3A_94, %dma_wait3A] : memref<2x10240x128xf32, #tpu.memory_space<hbm>> -> memref<1x128x128xf32, #tpu.memory_space<hbm>>
      %dma_wait3A_108 = tpu.memref_squeeze %dma_wait3A_107 : memref<1x128x128xf32, #tpu.memory_space<hbm>> -> memref<128x128xf32, #tpu.memory_space<hbm>>
      %dma_wait3A_109 = arith.constant 0 : i32
      %dma_wait3A_110 = tpu.memref_slice %arg4[%add3A_94, %dma_wait3A_109] : memref<10240x128xf32, #tpu.memory_space<vmem_shared>> -> memref<128x128xf32, #tpu.memory_space<vmem_shared>>
      tpu.wait_dma2 semaphore(%run_scoped3A : memref<!tpu.dma_semaphore, #tpu.memory_space<semaphore_mem>>) src(%dma_wait3A_110 : memref<128x128xf32, #tpu.memory_space<vmem_shared>>) dst(%dma_wait3A_108 : memref<128x128xf32, #tpu.memory_space<hbm>>)
      tpu.yield
    }) : () -> ()
    %mul3A_95 = arith.constant 640 : i32
    %mul3A_96 = arith.muli %arg1, %mul3A_95 : i32
    %add3A_97 = arith.constant 384 : i32
    %add3A_98 = arith.addi %mul3A_96, %add3A_97 : i32
    "tpu.region"() ({
      %run_scoped3A = tpu.sem_alloc : memref<!tpu.dma_semaphore, #tpu.memory_space<semaphore_mem>>
      %dma_start3A = arith.constant 0 : i32
      %dma_start3A_103 = tpu.memref_slice %arg3[%arg0, %add3A_98, %dma_start3A] : memref<2x10240x128xf32, #tpu.memory_space<hbm>> -> memref<1x128x128xf32, #tpu.memory_space<hbm>>
      %dma_start3A_104 = tpu.memref_squeeze %dma_start3A_103 : memref<1x128x128xf32, #tpu.memory_space<hbm>> -> memref<128x128xf32, #tpu.memory_space<hbm>>
      %dma_start3A_105 = arith.constant 0 : i32
      %dma_start3A_106 = tpu.memref_slice %arg4[%add3A_98, %dma_start3A_105] : memref<10240x128xf32, #tpu.memory_space<vmem_shared>> -> memref<128x128xf32, #tpu.memory_space<vmem_shared>>
      tpu.enqueue_dma source(%dma_start3A_106 : memref<128x128xf32, #tpu.memory_space<vmem_shared>>) target(%dma_start3A_104 : memref<128x128xf32, #tpu.memory_space<hbm>>) target_semaphore(%run_scoped3A : memref<!tpu.dma_semaphore, #tpu.memory_space<semaphore_mem>>)
      %dma_wait3A = arith.constant 0 : i32
      %dma_wait3A_107 = tpu.memref_slice %arg3[%arg0, %add3A_98, %dma_wait3A] : memref<2x10240x128xf32, #tpu.memory_space<hbm>> -> memref<1x128x128xf32, #tpu.memory_space<hbm>>
      %dma_wait3A_108 = tpu.memref_squeeze %dma_wait3A_107 : memref<1x128x128xf32, #tpu.memory_space<hbm>> -> memref<128x128xf32, #tpu.memory_space<hbm>>
      %dma_wait3A_109 = arith.constant 0 : i32
      %dma_wait3A_110 = tpu.memref_slice %arg4[%add3A_98, %dma_wait3A_109] : memref<10240x128xf32, #tpu.memory_space<vmem_shared>> -> memref<128x128xf32, #tpu.memory_space<vmem_shared>>
      tpu.wait_dma2 semaphore(%run_scoped3A : memref<!tpu.dma_semaphore, #tpu.memory_space<semaphore_mem>>) src(%dma_wait3A_110 : memref<128x128xf32, #tpu.memory_space<vmem_shared>>) dst(%dma_wait3A_108 : memref<128x128xf32, #tpu.memory_space<hbm>>)
      tpu.yield
    }) : () -> ()
    %mul3A_99 = arith.constant 640 : i32
    %mul3A_100 = arith.muli %arg1, %mul3A_99 : i32
    %add3A_101 = arith.constant 512 : i32
    %add3A_102 = arith.addi %mul3A_100, %add3A_101 : i32
    "tpu.region"() ({
      %run_scoped3A = tpu.sem_alloc : memref<!tpu.dma_semaphore, #tpu.memory_space<semaphore_mem>>
      %dma_start3A = arith.constant 0 : i32
      %dma_start3A_103 = tpu.memref_slice %arg3[%arg0, %add3A_102, %dma_start3A] : memref<2x10240x128xf32, #tpu.memory_space<hbm>> -> memref<1x128x128xf32, #tpu.memory_space<hbm>>
      %dma_start3A_104 = tpu.memref_squeeze %dma_start3A_103 : memref<1x128x128xf32, #tpu.memory_space<hbm>> -> memref<128x128xf32, #tpu.memory_space<hbm>>
      %dma_start3A_105 = arith.constant 0 : i32
      %dma_start3A_106 = tpu.memref_slice %arg4[%add3A_102, %dma_start3A_105] : memref<10240x128xf32, #tpu.memory_space<vmem_shared>> -> memref<128x128xf32, #tpu.memory_space<vmem_shared>>
      tpu.enqueue_dma source(%dma_start3A_106 : memref<128x128xf32, #tpu.memory_space<vmem_shared>>) target(%dma_start3A_104 : memref<128x128xf32, #tpu.memory_space<hbm>>) target_semaphore(%run_scoped3A : memref<!tpu.dma_semaphore, #tpu.memory_space<semaphore_mem>>)
      %dma_wait3A = arith.constant 0 : i32
      %dma_wait3A_107 = tpu.memref_slice %arg3[%arg0, %add3A_102, %dma_wait3A] : memref<2x10240x128xf32, #tpu.memory_space<hbm>> -> memref<1x128x128xf32, #tpu.memory_space<hbm>>
      %dma_wait3A_108 = tpu.memref_squeeze %dma_wait3A_107 : memref<1x128x128xf32, #tpu.memory_space<hbm>> -> memref<128x128xf32, #tpu.memory_space<hbm>>
      %dma_wait3A_109 = arith.constant 0 : i32
      %dma_wait3A_110 = tpu.memref_slice %arg4[%add3A_102, %dma_wait3A_109] : memref<10240x128xf32, #tpu.memory_space<vmem_shared>> -> memref<128x128xf32, #tpu.memory_space<vmem_shared>>
      tpu.wait_dma2 semaphore(%run_scoped3A : memref<!tpu.dma_semaphore, #tpu.memory_space<semaphore_mem>>) src(%dma_wait3A_110 : memref<128x128xf32, #tpu.memory_space<vmem_shared>>) dst(%dma_wait3A_108 : memref<128x128xf32, #tpu.memory_space<hbm>>)
      tpu.yield
    }) : () -> ()
    return
  }
}

#map = affine_map<(d0, d1) -> (0, 0)>
#map1 = affine_map<(d0, d1) -> (0, 0, 0)>
module attributes {stable_mosaic.version = 14 : i64} {
  func.func @body(%arg0: i32, %arg1: i32, %arg2: memref<10000x128xf32, #tpu.memory_space<hbm>>, %arg3: memref<32x100x100xi32, #tpu.memory_space<hbm>>, %arg4: memref<32x100x100xi32, #tpu.memory_space<hbm>>, %arg5: memref<2x10240x128xf32, #tpu.memory_space<hbm>>, %arg6: memref<10240x128xf32, #tpu.memory_space<vmem_shared>>, %arg7: memref<100x100xi32, #tpu.memory_space<vmem>>, %arg8: memref<100x100xi32, #tpu.memory_space<vmem>>, %arg9: memref<100x128xf32, #tpu.memory_space<vmem>>, %arg10: memref<100x128xf32, #tpu.memory_space<vmem>>, %arg11: memref<!tpu.dma_semaphore, #tpu.memory_space<semaphore_mem>>, %arg12: memref<!tpu.dma_semaphore, #tpu.memory_space<semaphore_mem>>) attributes {dimension_semantics = [#tpu.dimension_semantics<core_parallel>, #tpu.dimension_semantics<subcore_parallel>], iteration_bounds = array<i64: 2, 16>, scalar_prefetch = 0 : i64, scratch_operands = 7 : i64, tpu.core_type = #tpu.core_type<sc_vector_subcore>, window_params = [{transform_indices = #map}, {transform_indices = #map1}, {transform_indices = #map1}, {transform_indices = #map1}]} {
    %mul3A = arith.constant 16 : i32
    %mul3A_0 = arith.muli %arg0, %mul3A : i32
    %add3A = arith.addi %mul3A_0, %arg1 : i32
    %dma_start3A = arith.constant 0 : i32
    %dma_start3A_1 = arith.constant 0 : i32
    %dma_start3A_2 = tpu.memref_slice %arg3[%add3A, %dma_start3A, %dma_start3A_1] : memref<32x100x100xi32, #tpu.memory_space<hbm>> -> memref<1x100x100xi32, #tpu.memory_space<hbm>>
    %dma_start3A_3 = tpu.memref_squeeze %dma_start3A_2 : memref<1x100x100xi32, #tpu.memory_space<hbm>> -> memref<100x100xi32, #tpu.memory_space<hbm>>
    %dma_start3A_4 = arith.constant 0 : i32
    %dma_start3A_5 = arith.constant 0 : i32
    %dma_start3A_6 = tpu.memref_slice %arg3[%add3A, %dma_start3A_4, %dma_start3A_5] : memref<32x100x100xi32, #tpu.memory_space<hbm>> -> memref<1x100x100xi32, #tpu.memory_space<hbm>>
    %dma_start3A_7 = tpu.memref_squeeze %dma_start3A_6 : memref<1x100x100xi32, #tpu.memory_space<hbm>> -> memref<100x100xi32, #tpu.memory_space<hbm>>
    tpu.enqueue_dma source(%dma_start3A_7 : memref<100x100xi32, #tpu.memory_space<hbm>>) target(%arg7 : memref<100x100xi32, #tpu.memory_space<vmem>>) target_semaphore(%arg11 : memref<!tpu.dma_semaphore, #tpu.memory_space<semaphore_mem>>)
    %dma_start3A_8 = arith.constant 0 : i32
    %dma_start3A_9 = arith.constant 0 : i32
    %dma_start3A_10 = tpu.memref_slice %arg4[%add3A, %dma_start3A_8, %dma_start3A_9] : memref<32x100x100xi32, #tpu.memory_space<hbm>> -> memref<1x100x100xi32, #tpu.memory_space<hbm>>
    %dma_start3A_11 = tpu.memref_squeeze %dma_start3A_10 : memref<1x100x100xi32, #tpu.memory_space<hbm>> -> memref<100x100xi32, #tpu.memory_space<hbm>>
    %dma_start3A_12 = arith.constant 0 : i32
    %dma_start3A_13 = arith.constant 0 : i32
    %dma_start3A_14 = tpu.memref_slice %arg4[%add3A, %dma_start3A_12, %dma_start3A_13] : memref<32x100x100xi32, #tpu.memory_space<hbm>> -> memref<1x100x100xi32, #tpu.memory_space<hbm>>
    %dma_start3A_15 = tpu.memref_squeeze %dma_start3A_14 : memref<1x100x100xi32, #tpu.memory_space<hbm>> -> memref<100x100xi32, #tpu.memory_space<hbm>>
    tpu.enqueue_dma source(%dma_start3A_15 : memref<100x100xi32, #tpu.memory_space<hbm>>) target(%arg8 : memref<100x100xi32, #tpu.memory_space<vmem>>) target_semaphore(%arg12 : memref<!tpu.dma_semaphore, #tpu.memory_space<semaphore_mem>>)
    %scan3A = arith.constant 0 : i32
    %scan3A_16 = arith.constant 0 : i32
    %scan3A_17 = arith.constant 800 : i32
    %scan3A_18 = arith.addi %scan3A_16, %scan3A_17 : i32
    %scan3A_19 = arith.constant 1 : i32
    scf.for %scan3A_152 = %scan3A_16 to %scan3A_18 step %scan3A_19  : i32 {
      %broadcast_in_dim3A = arith.constant 0.000000e+00 : f32
      %broadcast_in_dim3A_153 = vector.broadcast %broadcast_in_dim3A : f32 to vector<16xf32>
      %jit3A = arith.constant 8 : i32
      %div3A = arith.divsi %scan3A_152, %jit3A : i32
      %sign3A = arith.constant 0 : i32
      %sign3A_154 = arith.cmpi sgt, %scan3A_152, %sign3A : i32
      %sign3A_155 = arith.extui %sign3A_154 : i1 to i32
      %sign3A_156 = arith.constant 0 : i32
      %sign3A_157 = arith.cmpi slt, %scan3A_152, %sign3A_156 : i32
      %sign3A_158 = arith.extui %sign3A_157 : i1 to i32
      %sign3A_159 = arith.subi %sign3A_155, %sign3A_158 : i32
      %sign3A_160 = arith.constant 0 : i32
      %sign3A_161 = arith.cmpi sgt, %jit3A, %sign3A_160 : i32
      %sign3A_162 = arith.extui %sign3A_161 : i1 to i32
      %sign3A_163 = arith.constant 0 : i32
      %sign3A_164 = arith.cmpi slt, %jit3A, %sign3A_163 : i32
      %sign3A_165 = arith.extui %sign3A_164 : i1 to i32
      %sign3A_166 = arith.subi %sign3A_162, %sign3A_165 : i32
      %ne3A = arith.cmpi ne, %sign3A_159, %sign3A_166 : i32
      %rem3A = arith.remsi %scan3A_152, %jit3A : i32
      %ne3A_167 = arith.constant 0 : i32
      %ne3A_168 = arith.cmpi ne, %rem3A, %ne3A_167 : i32
      %and3A = arith.andi %ne3A, %ne3A_168 : i1
      %sub3A = arith.constant 1 : i32
      %sub3A_169 = arith.subi %div3A, %sub3A : i32
      %select_n3A = arith.select %and3A, %sub3A_169, %div3A : i32
      %jit3A_170 = arith.constant 8 : i32
      %eq3A = arith.constant 0 : i32
      %eq3A_171 = arith.cmpi eq, %jit3A_170, %eq3A : i32
      %jit3A_172 = arith.constant 1 : i32
      %select_n3A_173 = arith.select %eq3A_171, %jit3A_172, %jit3A_170 : i32
      %rem3A_174 = arith.remsi %scan3A_152, %select_n3A_173 : i32
      %ne3A_175 = arith.constant 0 : i32
      %ne3A_176 = arith.cmpi ne, %rem3A_174, %ne3A_175 : i32
      %lt3A = arith.constant 0 : i32
      %lt3A_177 = arith.cmpi slt, %rem3A_174, %lt3A : i32
      %lt3A_178 = arith.constant 0 : i32
      %lt3A_179 = arith.cmpi slt, %select_n3A_173, %lt3A_178 : i32
      %ne3A_180 = arith.xori %lt3A_177, %lt3A_179 : i1
      %and3A_181 = arith.andi %ne3A_180, %ne3A_176 : i1
      %add3A_182 = arith.addi %rem3A_174, %select_n3A_173 : i32
      %select_n3A_183 = arith.select %and3A_181, %add3A_182, %rem3A_174 : i32
      %mul3A_184 = arith.constant 16 : i32
      %mul3A_185 = arith.muli %select_n3A_183, %mul3A_184 : i32
      %swap3A = arith.index_cast %select_n3A : i32 to index
      %swap3A_186 = arith.index_cast %mul3A_185 : i32 to index
      %swap3A_187 = tpu.vector_load %arg9[%swap3A, %swap3A_186] {strides = array<i32>} : memref<100x128xf32, #tpu.memory_space<vmem>>, vector<1x16xf32>,
      %swap3A_188 = vector.shape_cast %swap3A_187 : vector<1x16xf32> to vector<16xf32>
      %swap3A_189 = vector.shape_cast %broadcast_in_dim3A_153 : vector<16xf32> to vector<1x16xf32>
      tpu.vector_store %arg9[%swap3A, %swap3A_186], %swap3A_189 {strides = array<i32>} : memref<100x128xf32, #tpu.memory_space<vmem>>, vector<1x16xf32>,
    }
    %scan3A_20 = arith.constant 800 : i32
    %mul3A_21 = arith.constant 640 : i32
    %mul3A_22 = arith.muli %arg1, %mul3A_21 : i32
    %add3A_23 = arith.constant 0 : i32
    %add3A_24 = arith.addi %mul3A_22, %add3A_23 : i32
    "tpu.region"() ({
      %run_scoped3A = tpu.sem_alloc : memref<!tpu.dma_semaphore, #tpu.memory_space<semaphore_mem>>
      %dma_start3A_152 = arith.constant 0 : i32
      %dma_start3A_153 = arith.constant 0 : i32
      %dma_start3A_154 = tpu.memref_slice %arg9[%dma_start3A_152, %dma_start3A_153] : memref<100x128xf32, #tpu.memory_space<vmem>> -> memref<80x128xf32, #tpu.memory_space<vmem>>
      %dma_start3A_155 = arith.constant 0 : i32
      %dma_start3A_156 = tpu.memref_slice %arg6[%add3A_24, %dma_start3A_155] : memref<10240x128xf32, #tpu.memory_space<vmem_shared>> -> memref<80x128xf32, #tpu.memory_space<vmem_shared>>
      %dma_start3A_157 = arith.constant 0 : i32
      %dma_start3A_158 = tpu.memref_slice %arg6[%add3A_24, %dma_start3A_157] : memref<10240x128xf32, #tpu.memory_space<vmem_shared>> -> memref<80x128xf32, #tpu.memory_space<vmem_shared>>
      %dma_start3A_159 = arith.constant 0 : i32
      %dma_start3A_160 = arith.constant 0 : i32
      %dma_start3A_161 = tpu.memref_slice %arg9[%dma_start3A_159, %dma_start3A_160] : memref<100x128xf32, #tpu.memory_space<vmem>> -> memref<80x128xf32, #tpu.memory_space<vmem>>
      tpu.enqueue_dma source(%dma_start3A_161 : memref<80x128xf32, #tpu.memory_space<vmem>>) target(%dma_start3A_158 : memref<80x128xf32, #tpu.memory_space<vmem_shared>>) target_semaphore(%run_scoped3A : memref<!tpu.dma_semaphore, #tpu.memory_space<semaphore_mem>>)
      %dma_wait3A_162 = arith.constant 0 : i32
      %dma_wait3A_163 = arith.constant 0 : i32
      %dma_wait3A_164 = tpu.memref_slice %arg9[%dma_wait3A_162, %dma_wait3A_163] : memref<100x128xf32, #tpu.memory_space<vmem>> -> memref<80x128xf32, #tpu.memory_space<vmem>>
      %dma_wait3A_165 = arith.constant 0 : i32
      %dma_wait3A_166 = tpu.memref_slice %arg6[%add3A_24, %dma_wait3A_165] : memref<10240x128xf32, #tpu.memory_space<vmem_shared>> -> memref<80x128xf32, #tpu.memory_space<vmem_shared>>
      %dma_wait3A_167 = arith.constant 0 : i32
      %dma_wait3A_168 = tpu.memref_slice %arg6[%add3A_24, %dma_wait3A_167] : memref<10240x128xf32, #tpu.memory_space<vmem_shared>> -> memref<80x128xf32, #tpu.memory_space<vmem_shared>>
      %dma_wait3A_169 = arith.constant 0 : i32
      %dma_wait3A_170 = arith.constant 0 : i32
      %dma_wait3A_171 = tpu.memref_slice %arg9[%dma_wait3A_169, %dma_wait3A_170] : memref<100x128xf32, #tpu.memory_space<vmem>> -> memref<80x128xf32, #tpu.memory_space<vmem>>
      tpu.wait_dma2 semaphore(%run_scoped3A : memref<!tpu.dma_semaphore, #tpu.memory_space<semaphore_mem>>) src(%dma_wait3A_171 : memref<80x128xf32, #tpu.memory_space<vmem>>) dst(%dma_wait3A_168 : memref<80x128xf32, #tpu.memory_space<vmem_shared>>)
      tpu.yield
    }) : () -> ()
    %mul3A_25 = arith.constant 640 : i32
    %mul3A_26 = arith.muli %arg1, %mul3A_25 : i32
    %add3A_27 = arith.constant 80 : i32
    %add3A_28 = arith.addi %mul3A_26, %add3A_27 : i32
    "tpu.region"() ({
      %run_scoped3A = tpu.sem_alloc : memref<!tpu.dma_semaphore, #tpu.memory_space<semaphore_mem>>
      %dma_start3A_152 = arith.constant 0 : i32
      %dma_start3A_153 = arith.constant 0 : i32
      %dma_start3A_154 = tpu.memref_slice %arg9[%dma_start3A_152, %dma_start3A_153] : memref<100x128xf32, #tpu.memory_space<vmem>> -> memref<80x128xf32, #tpu.memory_space<vmem>>
      %dma_start3A_155 = arith.constant 0 : i32
      %dma_start3A_156 = tpu.memref_slice %arg6[%add3A_28, %dma_start3A_155] : memref<10240x128xf32, #tpu.memory_space<vmem_shared>> -> memref<80x128xf32, #tpu.memory_space<vmem_shared>>
      %dma_start3A_157 = arith.constant 0 : i32
      %dma_start3A_158 = tpu.memref_slice %arg6[%add3A_28, %dma_start3A_157] : memref<10240x128xf32, #tpu.memory_space<vmem_shared>> -> memref<80x128xf32, #tpu.memory_space<vmem_shared>>
      %dma_start3A_159 = arith.constant 0 : i32
      %dma_start3A_160 = arith.constant 0 : i32
      %dma_start3A_161 = tpu.memref_slice %arg9[%dma_start3A_159, %dma_start3A_160] : memref<100x128xf32, #tpu.memory_space<vmem>> -> memref<80x128xf32, #tpu.memory_space<vmem>>
      tpu.enqueue_dma source(%dma_start3A_161 : memref<80x128xf32, #tpu.memory_space<vmem>>) target(%dma_start3A_158 : memref<80x128xf32, #tpu.memory_space<vmem_shared>>) target_semaphore(%run_scoped3A : memref<!tpu.dma_semaphore, #tpu.memory_space<semaphore_mem>>)
      %dma_wait3A_162 = arith.constant 0 : i32
      %dma_wait3A_163 = arith.constant 0 : i32
      %dma_wait3A_164 = tpu.memref_slice %arg9[%dma_wait3A_162, %dma_wait3A_163] : memref<100x128xf32, #tpu.memory_space<vmem>> -> memref<80x128xf32, #tpu.memory_space<vmem>>
      %dma_wait3A_165 = arith.constant 0 : i32
      %dma_wait3A_166 = tpu.memref_slice %arg6[%add3A_28, %dma_wait3A_165] : memref<10240x128xf32, #tpu.memory_space<vmem_shared>> -> memref<80x128xf32, #tpu.memory_space<vmem_shared>>
      %dma_wait3A_167 = arith.constant 0 : i32
      %dma_wait3A_168 = tpu.memref_slice %arg6[%add3A_28, %dma_wait3A_167] : memref<10240x128xf32, #tpu.memory_space<vmem_shared>> -> memref<80x128xf32, #tpu.memory_space<vmem_shared>>
      %dma_wait3A_169 = arith.constant 0 : i32
      %dma_wait3A_170 = arith.constant 0 : i32
      %dma_wait3A_171 = tpu.memref_slice %arg9[%dma_wait3A_169, %dma_wait3A_170] : memref<100x128xf32, #tpu.memory_space<vmem>> -> memref<80x128xf32, #tpu.memory_space<vmem>>
      tpu.wait_dma2 semaphore(%run_scoped3A : memref<!tpu.dma_semaphore, #tpu.memory_space<semaphore_mem>>) src(%dma_wait3A_171 : memref<80x128xf32, #tpu.memory_space<vmem>>) dst(%dma_wait3A_168 : memref<80x128xf32, #tpu.memory_space<vmem_shared>>)
      tpu.yield
    }) : () -> ()
    %mul3A_29 = arith.constant 640 : i32
    %mul3A_30 = arith.muli %arg1, %mul3A_29 : i32
    %add3A_31 = arith.constant 160 : i32
    %add3A_32 = arith.addi %mul3A_30, %add3A_31 : i32
    "tpu.region"() ({
      %run_scoped3A = tpu.sem_alloc : memref<!tpu.dma_semaphore, #tpu.memory_space<semaphore_mem>>
      %dma_start3A_152 = arith.constant 0 : i32
      %dma_start3A_153 = arith.constant 0 : i32
      %dma_start3A_154 = tpu.memref_slice %arg9[%dma_start3A_152, %dma_start3A_153] : memref<100x128xf32, #tpu.memory_space<vmem>> -> memref<80x128xf32, #tpu.memory_space<vmem>>
      %dma_start3A_155 = arith.constant 0 : i32
      %dma_start3A_156 = tpu.memref_slice %arg6[%add3A_32, %dma_start3A_155] : memref<10240x128xf32, #tpu.memory_space<vmem_shared>> -> memref<80x128xf32, #tpu.memory_space<vmem_shared>>
      %dma_start3A_157 = arith.constant 0 : i32
      %dma_start3A_158 = tpu.memref_slice %arg6[%add3A_32, %dma_start3A_157] : memref<10240x128xf32, #tpu.memory_space<vmem_shared>> -> memref<80x128xf32, #tpu.memory_space<vmem_shared>>
      %dma_start3A_159 = arith.constant 0 : i32
      %dma_start3A_160 = arith.constant 0 : i32
      %dma_start3A_161 = tpu.memref_slice %arg9[%dma_start3A_159, %dma_start3A_160] : memref<100x128xf32, #tpu.memory_space<vmem>> -> memref<80x128xf32, #tpu.memory_space<vmem>>
      tpu.enqueue_dma source(%dma_start3A_161 : memref<80x128xf32, #tpu.memory_space<vmem>>) target(%dma_start3A_158 : memref<80x128xf32, #tpu.memory_space<vmem_shared>>) target_semaphore(%run_scoped3A : memref<!tpu.dma_semaphore, #tpu.memory_space<semaphore_mem>>)
      %dma_wait3A_162 = arith.constant 0 : i32
      %dma_wait3A_163 = arith.constant 0 : i32
      %dma_wait3A_164 = tpu.memref_slice %arg9[%dma_wait3A_162, %dma_wait3A_163] : memref<100x128xf32, #tpu.memory_space<vmem>> -> memref<80x128xf32, #tpu.memory_space<vmem>>
      %dma_wait3A_165 = arith.constant 0 : i32
      %dma_wait3A_166 = tpu.memref_slice %arg6[%add3A_32, %dma_wait3A_165] : memref<10240x128xf32, #tpu.memory_space<vmem_shared>> -> memref<80x128xf32, #tpu.memory_space<vmem_shared>>
      %dma_wait3A_167 = arith.constant 0 : i32
      %dma_wait3A_168 = tpu.memref_slice %arg6[%add3A_32, %dma_wait3A_167] : memref<10240x128xf32, #tpu.memory_space<vmem_shared>> -> memref<80x128xf32, #tpu.memory_space<vmem_shared>>
      %dma_wait3A_169 = arith.constant 0 : i32
      %dma_wait3A_170 = arith.constant 0 : i32
      %dma_wait3A_171 = tpu.memref_slice %arg9[%dma_wait3A_169, %dma_wait3A_170] : memref<100x128xf32, #tpu.memory_space<vmem>> -> memref<80x128xf32, #tpu.memory_space<vmem>>
      tpu.wait_dma2 semaphore(%run_scoped3A : memref<!tpu.dma_semaphore, #tpu.memory_space<semaphore_mem>>) src(%dma_wait3A_171 : memref<80x128xf32, #tpu.memory_space<vmem>>) dst(%dma_wait3A_168 : memref<80x128xf32, #tpu.memory_space<vmem_shared>>)
      tpu.yield
    }) : () -> ()
    %mul3A_33 = arith.constant 640 : i32
    %mul3A_34 = arith.muli %arg1, %mul3A_33 : i32
    %add3A_35 = arith.constant 240 : i32
    %add3A_36 = arith.addi %mul3A_34, %add3A_35 : i32
    "tpu.region"() ({
      %run_scoped3A = tpu.sem_alloc : memref<!tpu.dma_semaphore, #tpu.memory_space<semaphore_mem>>
      %dma_start3A_152 = arith.constant 0 : i32
      %dma_start3A_153 = arith.constant 0 : i32
      %dma_start3A_154 = tpu.memref_slice %arg9[%dma_start3A_152, %dma_start3A_153] : memref<100x128xf32, #tpu.memory_space<vmem>> -> memref<80x128xf32, #tpu.memory_space<vmem>>
      %dma_start3A_155 = arith.constant 0 : i32
      %dma_start3A_156 = tpu.memref_slice %arg6[%add3A_36, %dma_start3A_155] : memref<10240x128xf32, #tpu.memory_space<vmem_shared>> -> memref<80x128xf32, #tpu.memory_space<vmem_shared>>
      %dma_start3A_157 = arith.constant 0 : i32
      %dma_start3A_158 = tpu.memref_slice %arg6[%add3A_36, %dma_start3A_157] : memref<10240x128xf32, #tpu.memory_space<vmem_shared>> -> memref<80x128xf32, #tpu.memory_space<vmem_shared>>
      %dma_start3A_159 = arith.constant 0 : i32
      %dma_start3A_160 = arith.constant 0 : i32
      %dma_start3A_161 = tpu.memref_slice %arg9[%dma_start3A_159, %dma_start3A_160] : memref<100x128xf32, #tpu.memory_space<vmem>> -> memref<80x128xf32, #tpu.memory_space<vmem>>
      tpu.enqueue_dma source(%dma_start3A_161 : memref<80x128xf32, #tpu.memory_space<vmem>>) target(%dma_start3A_158 : memref<80x128xf32, #tpu.memory_space<vmem_shared>>) target_semaphore(%run_scoped3A : memref<!tpu.dma_semaphore, #tpu.memory_space<semaphore_mem>>)
      %dma_wait3A_162 = arith.constant 0 : i32
      %dma_wait3A_163 = arith.constant 0 : i32
      %dma_wait3A_164 = tpu.memref_slice %arg9[%dma_wait3A_162, %dma_wait3A_163] : memref<100x128xf32, #tpu.memory_space<vmem>> -> memref<80x128xf32, #tpu.memory_space<vmem>>
      %dma_wait3A_165 = arith.constant 0 : i32
      %dma_wait3A_166 = tpu.memref_slice %arg6[%add3A_36, %dma_wait3A_165] : memref<10240x128xf32, #tpu.memory_space<vmem_shared>> -> memref<80x128xf32, #tpu.memory_space<vmem_shared>>
      %dma_wait3A_167 = arith.constant 0 : i32
      %dma_wait3A_168 = tpu.memref_slice %arg6[%add3A_36, %dma_wait3A_167] : memref<10240x128xf32, #tpu.memory_space<vmem_shared>> -> memref<80x128xf32, #tpu.memory_space<vmem_shared>>
      %dma_wait3A_169 = arith.constant 0 : i32
      %dma_wait3A_170 = arith.constant 0 : i32
      %dma_wait3A_171 = tpu.memref_slice %arg9[%dma_wait3A_169, %dma_wait3A_170] : memref<100x128xf32, #tpu.memory_space<vmem>> -> memref<80x128xf32, #tpu.memory_space<vmem>>
      tpu.wait_dma2 semaphore(%run_scoped3A : memref<!tpu.dma_semaphore, #tpu.memory_space<semaphore_mem>>) src(%dma_wait3A_171 : memref<80x128xf32, #tpu.memory_space<vmem>>) dst(%dma_wait3A_168 : memref<80x128xf32, #tpu.memory_space<vmem_shared>>)
      tpu.yield
    }) : () -> ()
    %mul3A_37 = arith.constant 640 : i32
    %mul3A_38 = arith.muli %arg1, %mul3A_37 : i32
    %add3A_39 = arith.constant 320 : i32
    %add3A_40 = arith.addi %mul3A_38, %add3A_39 : i32
    "tpu.region"() ({
      %run_scoped3A = tpu.sem_alloc : memref<!tpu.dma_semaphore, #tpu.memory_space<semaphore_mem>>
      %dma_start3A_152 = arith.constant 0 : i32
      %dma_start3A_153 = arith.constant 0 : i32
      %dma_start3A_154 = tpu.memref_slice %arg9[%dma_start3A_152, %dma_start3A_153] : memref<100x128xf32, #tpu.memory_space<vmem>> -> memref<80x128xf32, #tpu.memory_space<vmem>>
      %dma_start3A_155 = arith.constant 0 : i32
      %dma_start3A_156 = tpu.memref_slice %arg6[%add3A_40, %dma_start3A_155] : memref<10240x128xf32, #tpu.memory_space<vmem_shared>> -> memref<80x128xf32, #tpu.memory_space<vmem_shared>>
      %dma_start3A_157 = arith.constant 0 : i32
      %dma_start3A_158 = tpu.memref_slice %arg6[%add3A_40, %dma_start3A_157] : memref<10240x128xf32, #tpu.memory_space<vmem_shared>> -> memref<80x128xf32, #tpu.memory_space<vmem_shared>>
      %dma_start3A_159 = arith.constant 0 : i32
      %dma_start3A_160 = arith.constant 0 : i32
      %dma_start3A_161 = tpu.memref_slice %arg9[%dma_start3A_159, %dma_start3A_160] : memref<100x128xf32, #tpu.memory_space<vmem>> -> memref<80x128xf32, #tpu.memory_space<vmem>>
      tpu.enqueue_dma source(%dma_start3A_161 : memref<80x128xf32, #tpu.memory_space<vmem>>) target(%dma_start3A_158 : memref<80x128xf32, #tpu.memory_space<vmem_shared>>) target_semaphore(%run_scoped3A : memref<!tpu.dma_semaphore, #tpu.memory_space<semaphore_mem>>)
      %dma_wait3A_162 = arith.constant 0 : i32
      %dma_wait3A_163 = arith.constant 0 : i32
      %dma_wait3A_164 = tpu.memref_slice %arg9[%dma_wait3A_162, %dma_wait3A_163] : memref<100x128xf32, #tpu.memory_space<vmem>> -> memref<80x128xf32, #tpu.memory_space<vmem>>
      %dma_wait3A_165 = arith.constant 0 : i32
      %dma_wait3A_166 = tpu.memref_slice %arg6[%add3A_40, %dma_wait3A_165] : memref<10240x128xf32, #tpu.memory_space<vmem_shared>> -> memref<80x128xf32, #tpu.memory_space<vmem_shared>>
      %dma_wait3A_167 = arith.constant 0 : i32
      %dma_wait3A_168 = tpu.memref_slice %arg6[%add3A_40, %dma_wait3A_167] : memref<10240x128xf32, #tpu.memory_space<vmem_shared>> -> memref<80x128xf32, #tpu.memory_space<vmem_shared>>
      %dma_wait3A_169 = arith.constant 0 : i32
      %dma_wait3A_170 = arith.constant 0 : i32
      %dma_wait3A_171 = tpu.memref_slice %arg9[%dma_wait3A_169, %dma_wait3A_170] : memref<100x128xf32, #tpu.memory_space<vmem>> -> memref<80x128xf32, #tpu.memory_space<vmem>>
      tpu.wait_dma2 semaphore(%run_scoped3A : memref<!tpu.dma_semaphore, #tpu.memory_space<semaphore_mem>>) src(%dma_wait3A_171 : memref<80x128xf32, #tpu.memory_space<vmem>>) dst(%dma_wait3A_168 : memref<80x128xf32, #tpu.memory_space<vmem_shared>>)
      tpu.yield
    }) : () -> ()
    %mul3A_41 = arith.constant 640 : i32
    %mul3A_42 = arith.muli %arg1, %mul3A_41 : i32
    %add3A_43 = arith.constant 400 : i32
    %add3A_44 = arith.addi %mul3A_42, %add3A_43 : i32
    "tpu.region"() ({
      %run_scoped3A = tpu.sem_alloc : memref<!tpu.dma_semaphore, #tpu.memory_space<semaphore_mem>>
      %dma_start3A_152 = arith.constant 0 : i32
      %dma_start3A_153 = arith.constant 0 : i32
      %dma_start3A_154 = tpu.memref_slice %arg9[%dma_start3A_152, %dma_start3A_153] : memref<100x128xf32, #tpu.memory_space<vmem>> -> memref<80x128xf32, #tpu.memory_space<vmem>>
      %dma_start3A_155 = arith.constant 0 : i32
      %dma_start3A_156 = tpu.memref_slice %arg6[%add3A_44, %dma_start3A_155] : memref<10240x128xf32, #tpu.memory_space<vmem_shared>> -> memref<80x128xf32, #tpu.memory_space<vmem_shared>>
      %dma_start3A_157 = arith.constant 0 : i32
      %dma_start3A_158 = tpu.memref_slice %arg6[%add3A_44, %dma_start3A_157] : memref<10240x128xf32, #tpu.memory_space<vmem_shared>> -> memref<80x128xf32, #tpu.memory_space<vmem_shared>>
      %dma_start3A_159 = arith.constant 0 : i32
      %dma_start3A_160 = arith.constant 0 : i32
      %dma_start3A_161 = tpu.memref_slice %arg9[%dma_start3A_159, %dma_start3A_160] : memref<100x128xf32, #tpu.memory_space<vmem>> -> memref<80x128xf32, #tpu.memory_space<vmem>>
      tpu.enqueue_dma source(%dma_start3A_161 : memref<80x128xf32, #tpu.memory_space<vmem>>) target(%dma_start3A_158 : memref<80x128xf32, #tpu.memory_space<vmem_shared>>) target_semaphore(%run_scoped3A : memref<!tpu.dma_semaphore, #tpu.memory_space<semaphore_mem>>)
      %dma_wait3A_162 = arith.constant 0 : i32
      %dma_wait3A_163 = arith.constant 0 : i32
      %dma_wait3A_164 = tpu.memref_slice %arg9[%dma_wait3A_162, %dma_wait3A_163] : memref<100x128xf32, #tpu.memory_space<vmem>> -> memref<80x128xf32, #tpu.memory_space<vmem>>
      %dma_wait3A_165 = arith.constant 0 : i32
      %dma_wait3A_166 = tpu.memref_slice %arg6[%add3A_44, %dma_wait3A_165] : memref<10240x128xf32, #tpu.memory_space<vmem_shared>> -> memref<80x128xf32, #tpu.memory_space<vmem_shared>>
      %dma_wait3A_167 = arith.constant 0 : i32
      %dma_wait3A_168 = tpu.memref_slice %arg6[%add3A_44, %dma_wait3A_167] : memref<10240x128xf32, #tpu.memory_space<vmem_shared>> -> memref<80x128xf32, #tpu.memory_space<vmem_shared>>
      %dma_wait3A_169 = arith.constant 0 : i32
      %dma_wait3A_170 = arith.constant 0 : i32
      %dma_wait3A_171 = tpu.memref_slice %arg9[%dma_wait3A_169, %dma_wait3A_170] : memref<100x128xf32, #tpu.memory_space<vmem>> -> memref<80x128xf32, #tpu.memory_space<vmem>>
      tpu.wait_dma2 semaphore(%run_scoped3A : memref<!tpu.dma_semaphore, #tpu.memory_space<semaphore_mem>>) src(%dma_wait3A_171 : memref<80x128xf32, #tpu.memory_space<vmem>>) dst(%dma_wait3A_168 : memref<80x128xf32, #tpu.memory_space<vmem_shared>>)
      tpu.yield
    }) : () -> ()
    %mul3A_45 = arith.constant 640 : i32
    %mul3A_46 = arith.muli %arg1, %mul3A_45 : i32
    %add3A_47 = arith.constant 480 : i32
    %add3A_48 = arith.addi %mul3A_46, %add3A_47 : i32
    "tpu.region"() ({
      %run_scoped3A = tpu.sem_alloc : memref<!tpu.dma_semaphore, #tpu.memory_space<semaphore_mem>>
      %dma_start3A_152 = arith.constant 0 : i32
      %dma_start3A_153 = arith.constant 0 : i32
      %dma_start3A_154 = tpu.memref_slice %arg9[%dma_start3A_152, %dma_start3A_153] : memref<100x128xf32, #tpu.memory_space<vmem>> -> memref<80x128xf32, #tpu.memory_space<vmem>>
      %dma_start3A_155 = arith.constant 0 : i32
      %dma_start3A_156 = tpu.memref_slice %arg6[%add3A_48, %dma_start3A_155] : memref<10240x128xf32, #tpu.memory_space<vmem_shared>> -> memref<80x128xf32, #tpu.memory_space<vmem_shared>>
      %dma_start3A_157 = arith.constant 0 : i32
      %dma_start3A_158 = tpu.memref_slice %arg6[%add3A_48, %dma_start3A_157] : memref<10240x128xf32, #tpu.memory_space<vmem_shared>> -> memref<80x128xf32, #tpu.memory_space<vmem_shared>>
      %dma_start3A_159 = arith.constant 0 : i32
      %dma_start3A_160 = arith.constant 0 : i32
      %dma_start3A_161 = tpu.memref_slice %arg9[%dma_start3A_159, %dma_start3A_160] : memref<100x128xf32, #tpu.memory_space<vmem>> -> memref<80x128xf32, #tpu.memory_space<vmem>>
      tpu.enqueue_dma source(%dma_start3A_161 : memref<80x128xf32, #tpu.memory_space<vmem>>) target(%dma_start3A_158 : memref<80x128xf32, #tpu.memory_space<vmem_shared>>) target_semaphore(%run_scoped3A : memref<!tpu.dma_semaphore, #tpu.memory_space<semaphore_mem>>)
      %dma_wait3A_162 = arith.constant 0 : i32
      %dma_wait3A_163 = arith.constant 0 : i32
      %dma_wait3A_164 = tpu.memref_slice %arg9[%dma_wait3A_162, %dma_wait3A_163] : memref<100x128xf32, #tpu.memory_space<vmem>> -> memref<80x128xf32, #tpu.memory_space<vmem>>
      %dma_wait3A_165 = arith.constant 0 : i32
      %dma_wait3A_166 = tpu.memref_slice %arg6[%add3A_48, %dma_wait3A_165] : memref<10240x128xf32, #tpu.memory_space<vmem_shared>> -> memref<80x128xf32, #tpu.memory_space<vmem_shared>>
      %dma_wait3A_167 = arith.constant 0 : i32
      %dma_wait3A_168 = tpu.memref_slice %arg6[%add3A_48, %dma_wait3A_167] : memref<10240x128xf32, #tpu.memory_space<vmem_shared>> -> memref<80x128xf32, #tpu.memory_space<vmem_shared>>
      %dma_wait3A_169 = arith.constant 0 : i32
      %dma_wait3A_170 = arith.constant 0 : i32
      %dma_wait3A_171 = tpu.memref_slice %arg9[%dma_wait3A_169, %dma_wait3A_170] : memref<100x128xf32, #tpu.memory_space<vmem>> -> memref<80x128xf32, #tpu.memory_space<vmem>>
      tpu.wait_dma2 semaphore(%run_scoped3A : memref<!tpu.dma_semaphore, #tpu.memory_space<semaphore_mem>>) src(%dma_wait3A_171 : memref<80x128xf32, #tpu.memory_space<vmem>>) dst(%dma_wait3A_168 : memref<80x128xf32, #tpu.memory_space<vmem_shared>>)
      tpu.yield
    }) : () -> ()
    %mul3A_49 = arith.constant 640 : i32
    %mul3A_50 = arith.muli %arg1, %mul3A_49 : i32
    %add3A_51 = arith.constant 560 : i32
    %add3A_52 = arith.addi %mul3A_50, %add3A_51 : i32
    "tpu.region"() ({
      %run_scoped3A = tpu.sem_alloc : memref<!tpu.dma_semaphore, #tpu.memory_space<semaphore_mem>>
      %dma_start3A_152 = arith.constant 0 : i32
      %dma_start3A_153 = arith.constant 0 : i32
      %dma_start3A_154 = tpu.memref_slice %arg9[%dma_start3A_152, %dma_start3A_153] : memref<100x128xf32, #tpu.memory_space<vmem>> -> memref<80x128xf32, #tpu.memory_space<vmem>>
      %dma_start3A_155 = arith.constant 0 : i32
      %dma_start3A_156 = tpu.memref_slice %arg6[%add3A_52, %dma_start3A_155] : memref<10240x128xf32, #tpu.memory_space<vmem_shared>> -> memref<80x128xf32, #tpu.memory_space<vmem_shared>>
      %dma_start3A_157 = arith.constant 0 : i32
      %dma_start3A_158 = tpu.memref_slice %arg6[%add3A_52, %dma_start3A_157] : memref<10240x128xf32, #tpu.memory_space<vmem_shared>> -> memref<80x128xf32, #tpu.memory_space<vmem_shared>>
      %dma_start3A_159 = arith.constant 0 : i32
      %dma_start3A_160 = arith.constant 0 : i32
      %dma_start3A_161 = tpu.memref_slice %arg9[%dma_start3A_159, %dma_start3A_160] : memref<100x128xf32, #tpu.memory_space<vmem>> -> memref<80x128xf32, #tpu.memory_space<vmem>>
      tpu.enqueue_dma source(%dma_start3A_161 : memref<80x128xf32, #tpu.memory_space<vmem>>) target(%dma_start3A_158 : memref<80x128xf32, #tpu.memory_space<vmem_shared>>) target_semaphore(%run_scoped3A : memref<!tpu.dma_semaphore, #tpu.memory_space<semaphore_mem>>)
      %dma_wait3A_162 = arith.constant 0 : i32
      %dma_wait3A_163 = arith.constant 0 : i32
      %dma_wait3A_164 = tpu.memref_slice %arg9[%dma_wait3A_162, %dma_wait3A_163] : memref<100x128xf32, #tpu.memory_space<vmem>> -> memref<80x128xf32, #tpu.memory_space<vmem>>
      %dma_wait3A_165 = arith.constant 0 : i32
      %dma_wait3A_166 = tpu.memref_slice %arg6[%add3A_52, %dma_wait3A_165] : memref<10240x128xf32, #tpu.memory_space<vmem_shared>> -> memref<80x128xf32, #tpu.memory_space<vmem_shared>>
      %dma_wait3A_167 = arith.constant 0 : i32
      %dma_wait3A_168 = tpu.memref_slice %arg6[%add3A_52, %dma_wait3A_167] : memref<10240x128xf32, #tpu.memory_space<vmem_shared>> -> memref<80x128xf32, #tpu.memory_space<vmem_shared>>
      %dma_wait3A_169 = arith.constant 0 : i32
      %dma_wait3A_170 = arith.constant 0 : i32
      %dma_wait3A_171 = tpu.memref_slice %arg9[%dma_wait3A_169, %dma_wait3A_170] : memref<100x128xf32, #tpu.memory_space<vmem>> -> memref<80x128xf32, #tpu.memory_space<vmem>>
      tpu.wait_dma2 semaphore(%run_scoped3A : memref<!tpu.dma_semaphore, #tpu.memory_space<semaphore_mem>>) src(%dma_wait3A_171 : memref<80x128xf32, #tpu.memory_space<vmem>>) dst(%dma_wait3A_168 : memref<80x128xf32, #tpu.memory_space<vmem_shared>>)
      tpu.yield
    }) : () -> ()
    %dma_wait3A = arith.constant 0 : i32
    %dma_wait3A_53 = arith.constant 0 : i32
    %dma_wait3A_54 = tpu.memref_slice %arg3[%add3A, %dma_wait3A, %dma_wait3A_53] : memref<32x100x100xi32, #tpu.memory_space<hbm>> -> memref<1x100x100xi32, #tpu.memory_space<hbm>>
    %dma_wait3A_55 = tpu.memref_squeeze %dma_wait3A_54 : memref<1x100x100xi32, #tpu.memory_space<hbm>> -> memref<100x100xi32, #tpu.memory_space<hbm>>
    %dma_wait3A_56 = arith.constant 0 : i32
    %dma_wait3A_57 = arith.constant 0 : i32
    %dma_wait3A_58 = tpu.memref_slice %arg3[%add3A, %dma_wait3A_56, %dma_wait3A_57] : memref<32x100x100xi32, #tpu.memory_space<hbm>> -> memref<1x100x100xi32, #tpu.memory_space<hbm>>
    %dma_wait3A_59 = tpu.memref_squeeze %dma_wait3A_58 : memref<1x100x100xi32, #tpu.memory_space<hbm>> -> memref<100x100xi32, #tpu.memory_space<hbm>>
    tpu.wait_dma2 semaphore(%arg11 : memref<!tpu.dma_semaphore, #tpu.memory_space<semaphore_mem>>) src(%dma_wait3A_59 : memref<100x100xi32, #tpu.memory_space<hbm>>) dst(%arg7 : memref<100x100xi32, #tpu.memory_space<vmem>>)
    %dma_wait3A_60 = arith.constant 0 : i32
    %dma_wait3A_61 = arith.constant 0 : i32
    %dma_wait3A_62 = tpu.memref_slice %arg4[%add3A, %dma_wait3A_60, %dma_wait3A_61] : memref<32x100x100xi32, #tpu.memory_space<hbm>> -> memref<1x100x100xi32, #tpu.memory_space<hbm>>
    %dma_wait3A_63 = tpu.memref_squeeze %dma_wait3A_62 : memref<1x100x100xi32, #tpu.memory_space<hbm>> -> memref<100x100xi32, #tpu.memory_space<hbm>>
    %dma_wait3A_64 = arith.constant 0 : i32
    %dma_wait3A_65 = arith.constant 0 : i32
    %dma_wait3A_66 = tpu.memref_slice %arg4[%add3A, %dma_wait3A_64, %dma_wait3A_65] : memref<32x100x100xi32, #tpu.memory_space<hbm>> -> memref<1x100x100xi32, #tpu.memory_space<hbm>>
    %dma_wait3A_67 = tpu.memref_squeeze %dma_wait3A_66 : memref<1x100x100xi32, #tpu.memory_space<hbm>> -> memref<100x100xi32, #tpu.memory_space<hbm>>
    tpu.wait_dma2 semaphore(%arg12 : memref<!tpu.dma_semaphore, #tpu.memory_space<semaphore_mem>>) src(%dma_wait3A_67 : memref<100x100xi32, #tpu.memory_space<hbm>>) dst(%arg8 : memref<100x100xi32, #tpu.memory_space<vmem>>)
    %barrier3A = arith.constant 0 : index
    tpu.barrier barrier_id(%barrier3A)
    %dma_start3A_68 = arith.constant 0 : i32
    %dma_start3A_69 = arith.constant 0 : i32
    %dma_start3A_70 = tpu.memref_slice %arg7[%dma_start3A_68, %dma_start3A_69] : memref<100x100xi32, #tpu.memory_space<vmem>> -> memref<1x100xi32, #tpu.memory_space<vmem>>
    %dma_start3A_71 = tpu.memref_squeeze %dma_start3A_70 : memref<1x100xi32, #tpu.memory_space<vmem>> -> memref<100xi32, #tpu.memory_space<vmem>>
    %dma_start3A_72 = arith.constant 0 : i32
    %dma_start3A_73 = arith.constant 0 : i32
    %dma_start3A_74 = tpu.memref_slice %arg2[%dma_start3A_72, %dma_start3A_73] : memref<10000x128xf32, #tpu.memory_space<hbm>> -> memref<10000x128xf32, #tpu.memory_space<hbm>>
    tpu.enqueue_indirect_dma source(%dma_start3A_74 : memref<10000x128xf32, #tpu.memory_space<hbm>>) target(%arg9 : memref<100x128xf32, #tpu.memory_space<vmem>>) offsets(%dma_start3A_71 : memref<100xi32, #tpu.memory_space<vmem>>) semaphore(%arg11 : memref<!tpu.dma_semaphore, #tpu.memory_space<semaphore_mem>>)
    %scan3A_75 = arith.constant 0 : i32
    %scan3A_76 = arith.constant 0 : i32
    %scan3A_77 = arith.constant 50 : i32
    %scan3A_78 = arith.addi %scan3A_76, %scan3A_77 : i32
    %scan3A_79 = arith.constant 1 : i32
    scf.for %scan3A_152 = %scan3A_76 to %scan3A_78 step %scan3A_79  : i32 {
      %mul3A_153 = arith.constant 2 : i32
      %mul3A_154 = arith.muli %scan3A_152, %mul3A_153 : i32
      %add3A_155 = arith.constant 1 : i32
      %add3A_156 = arith.addi %mul3A_154, %add3A_155 : i32
      %dma_start3A_157 = arith.constant 0 : i32
      %dma_start3A_158 = tpu.memref_slice %arg7[%add3A_156, %dma_start3A_157] : memref<100x100xi32, #tpu.memory_space<vmem>> -> memref<1x100xi32, #tpu.memory_space<vmem>>
      %dma_start3A_159 = tpu.memref_squeeze %dma_start3A_158 : memref<1x100xi32, #tpu.memory_space<vmem>> -> memref<100xi32, #tpu.memory_space<vmem>>
      %dma_start3A_160 = arith.constant 0 : i32
      %dma_start3A_161 = arith.constant 0 : i32
      %dma_start3A_162 = tpu.memref_slice %arg2[%dma_start3A_160, %dma_start3A_161] : memref<10000x128xf32, #tpu.memory_space<hbm>> -> memref<10000x128xf32, #tpu.memory_space<hbm>>
      tpu.enqueue_indirect_dma source(%dma_start3A_162 : memref<10000x128xf32, #tpu.memory_space<hbm>>) target(%arg10 : memref<100x128xf32, #tpu.memory_space<vmem>>) offsets(%dma_start3A_159 : memref<100xi32, #tpu.memory_space<vmem>>) semaphore(%arg12 : memref<!tpu.dma_semaphore, #tpu.memory_space<semaphore_mem>>)
      %dma_wait3A_163 = arith.constant 0 : i32
      %dma_wait3A_164 = tpu.memref_slice %arg7[%mul3A_154, %dma_wait3A_163] : memref<100x100xi32, #tpu.memory_space<vmem>> -> memref<1x100xi32, #tpu.memory_space<vmem>>
      %dma_wait3A_165 = tpu.memref_squeeze %dma_wait3A_164 : memref<1x100xi32, #tpu.memory_space<vmem>> -> memref<100xi32, #tpu.memory_space<vmem>>
      %dma_wait3A_166 = arith.constant 0 : i32
      %dma_wait3A_167 = arith.constant 0 : i32
      %dma_wait3A_168 = tpu.memref_slice %arg2[%dma_wait3A_166, %dma_wait3A_167] : memref<10000x128xf32, #tpu.memory_space<hbm>> -> memref<10000x128xf32, #tpu.memory_space<hbm>>
      tpu.wait_indirect_dma semaphore(%arg11 : memref<!tpu.dma_semaphore, #tpu.memory_space<semaphore_mem>>) src(%dma_wait3A_168 : memref<10000x128xf32, #tpu.memory_space<hbm>>) dst(%arg9 : memref<100x128xf32, #tpu.memory_space<vmem>>)
      "tpu.region"() ({
        %run_scoped3A = tpu.sem_alloc : memref<!tpu.dma_semaphore, #tpu.memory_space<semaphore_mem>>
        %dma_start3A_177 = arith.constant 0 : i32
        %dma_start3A_178 = tpu.memref_slice %arg8[%mul3A_154, %dma_start3A_177] : memref<100x100xi32, #tpu.memory_space<vmem>> -> memref<1x100xi32, #tpu.memory_space<vmem>>
        %dma_start3A_179 = tpu.memref_squeeze %dma_start3A_178 : memref<1x100xi32, #tpu.memory_space<vmem>> -> memref<100xi32, #tpu.memory_space<vmem>>
        %dma_start3A_180 = arith.constant 0 : i32
        %dma_start3A_181 = arith.constant 0 : i32
        %dma_start3A_182 = tpu.memref_slice %arg6[%dma_start3A_180, %dma_start3A_181] : memref<10240x128xf32, #tpu.memory_space<vmem_shared>> -> memref<10240x128xf32, #tpu.memory_space<vmem_shared>>
        tpu.enqueue_indirect_dma source(%arg9 : memref<100x128xf32, #tpu.memory_space<vmem>>) target(%dma_start3A_182 : memref<10240x128xf32, #tpu.memory_space<vmem_shared>>) offsets(%dma_start3A_179 : memref<100xi32, #tpu.memory_space<vmem>>) semaphore(%run_scoped3A : memref<!tpu.dma_semaphore, #tpu.memory_space<semaphore_mem>>) {add = true}
        %dma_wait3A_183 = arith.constant 0 : i32
        %dma_wait3A_184 = tpu.memref_slice %arg8[%mul3A_154, %dma_wait3A_183] : memref<100x100xi32, #tpu.memory_space<vmem>> -> memref<1x100xi32, #tpu.memory_space<vmem>>
        %dma_wait3A_185 = tpu.memref_squeeze %dma_wait3A_184 : memref<1x100xi32, #tpu.memory_space<vmem>> -> memref<100xi32, #tpu.memory_space<vmem>>
        %dma_wait3A_186 = arith.constant 0 : i32
        %dma_wait3A_187 = arith.constant 0 : i32
        %dma_wait3A_188 = tpu.memref_slice %arg6[%dma_wait3A_186, %dma_wait3A_187] : memref<10240x128xf32, #tpu.memory_space<vmem_shared>> -> memref<10240x128xf32, #tpu.memory_space<vmem_shared>>
        tpu.wait_indirect_dma semaphore(%run_scoped3A : memref<!tpu.dma_semaphore, #tpu.memory_space<semaphore_mem>>) src(%arg9 : memref<100x128xf32, #tpu.memory_space<vmem>>) dst(%dma_wait3A_188 : memref<10240x128xf32, #tpu.memory_space<vmem_shared>>)
        tpu.yield
      }) : () -> ()
      %lt3A = arith.constant 49 : i32
      %lt3A_169 = arith.cmpi slt, %scan3A_152, %lt3A : i32
      %convert_element_type3A = arith.extui %lt3A_169 : i1 to i32
      %cond3A = arith.constant 0 : i32
      %cond3A_170 = arith.cmpi ne, %convert_element_type3A, %cond3A : i32
      scf.if %cond3A_170 {
        %add3A_177 = arith.constant 2 : i32
        %add3A_178 = arith.addi %mul3A_154, %add3A_177 : i32
        %dma_start3A_179 = arith.constant 0 : i32
        %dma_start3A_180 = tpu.memref_slice %arg7[%add3A_178, %dma_start3A_179] : memref<100x100xi32, #tpu.memory_space<vmem>> -> memref<1x100xi32, #tpu.memory_space<vmem>>
        %dma_start3A_181 = tpu.memref_squeeze %dma_start3A_180 : memref<1x100xi32, #tpu.memory_space<vmem>> -> memref<100xi32, #tpu.memory_space<vmem>>
        %dma_start3A_182 = arith.constant 0 : i32
        %dma_start3A_183 = arith.constant 0 : i32
        %dma_start3A_184 = tpu.memref_slice %arg2[%dma_start3A_182, %dma_start3A_183] : memref<10000x128xf32, #tpu.memory_space<hbm>> -> memref<10000x128xf32, #tpu.memory_space<hbm>>
        tpu.enqueue_indirect_dma source(%dma_start3A_184 : memref<10000x128xf32, #tpu.memory_space<hbm>>) target(%arg9 : memref<100x128xf32, #tpu.memory_space<vmem>>) offsets(%dma_start3A_181 : memref<100xi32, #tpu.memory_space<vmem>>) semaphore(%arg11 : memref<!tpu.dma_semaphore, #tpu.memory_space<semaphore_mem>>)
      } else {
      }
      %dma_wait3A_171 = arith.constant 0 : i32
      %dma_wait3A_172 = tpu.memref_slice %arg7[%add3A_156, %dma_wait3A_171] : memref<100x100xi32, #tpu.memory_space<vmem>> -> memref<1x100xi32, #tpu.memory_space<vmem>>
      %dma_wait3A_173 = tpu.memref_squeeze %dma_wait3A_172 : memref<1x100xi32, #tpu.memory_space<vmem>> -> memref<100xi32, #tpu.memory_space<vmem>>
      %dma_wait3A_174 = arith.constant 0 : i32
      %dma_wait3A_175 = arith.constant 0 : i32
      %dma_wait3A_176 = tpu.memref_slice %arg2[%dma_wait3A_174, %dma_wait3A_175] : memref<10000x128xf32, #tpu.memory_space<hbm>> -> memref<10000x128xf32, #tpu.memory_space<hbm>>
      tpu.wait_indirect_dma semaphore(%arg12 : memref<!tpu.dma_semaphore, #tpu.memory_space<semaphore_mem>>) src(%dma_wait3A_176 : memref<10000x128xf32, #tpu.memory_space<hbm>>) dst(%arg10 : memref<100x128xf32, #tpu.memory_space<vmem>>)
      "tpu.region"() ({
        %run_scoped3A = tpu.sem_alloc : memref<!tpu.dma_semaphore, #tpu.memory_space<semaphore_mem>>
        %dma_start3A_177 = arith.constant 0 : i32
        %dma_start3A_178 = tpu.memref_slice %arg8[%add3A_156, %dma_start3A_177] : memref<100x100xi32, #tpu.memory_space<vmem>> -> memref<1x100xi32, #tpu.memory_space<vmem>>
        %dma_start3A_179 = tpu.memref_squeeze %dma_start3A_178 : memref<1x100xi32, #tpu.memory_space<vmem>> -> memref<100xi32, #tpu.memory_space<vmem>>
        %dma_start3A_180 = arith.constant 0 : i32
        %dma_start3A_181 = arith.constant 0 : i32
        %dma_start3A_182 = tpu.memref_slice %arg6[%dma_start3A_180, %dma_start3A_181] : memref<10240x128xf32, #tpu.memory_space<vmem_shared>> -> memref<10240x128xf32, #tpu.memory_space<vmem_shared>>
        tpu.enqueue_indirect_dma source(%arg10 : memref<100x128xf32, #tpu.memory_space<vmem>>) target(%dma_start3A_182 : memref<10240x128xf32, #tpu.memory_space<vmem_shared>>) offsets(%dma_start3A_179 : memref<100xi32, #tpu.memory_space<vmem>>) semaphore(%run_scoped3A : memref<!tpu.dma_semaphore, #tpu.memory_space<semaphore_mem>>) {add = true}
        %dma_wait3A_183 = arith.constant 0 : i32
        %dma_wait3A_184 = tpu.memref_slice %arg8[%add3A_156, %dma_wait3A_183] : memref<100x100xi32, #tpu.memory_space<vmem>> -> memref<1x100xi32, #tpu.memory_space<vmem>>
        %dma_wait3A_185 = tpu.memref_squeeze %dma_wait3A_184 : memref<1x100xi32, #tpu.memory_space<vmem>> -> memref<100xi32, #tpu.memory_space<vmem>>
        %dma_wait3A_186 = arith.constant 0 : i32
        %dma_wait3A_187 = arith.constant 0 : i32
        %dma_wait3A_188 = tpu.memref_slice %arg6[%dma_wait3A_186, %dma_wait3A_187] : memref<10240x128xf32, #tpu.memory_space<vmem_shared>> -> memref<10240x128xf32, #tpu.memory_space<vmem_shared>>
        tpu.wait_indirect_dma semaphore(%run_scoped3A : memref<!tpu.dma_semaphore, #tpu.memory_space<semaphore_mem>>) src(%arg10 : memref<100x128xf32, #tpu.memory_space<vmem>>) dst(%dma_wait3A_188 : memref<10240x128xf32, #tpu.memory_space<vmem_shared>>)
        tpu.yield
      }) : () -> ()
    }
    %scan3A_80 = arith.constant 50 : i32
    %barrier3A_81 = arith.constant 0 : index
    tpu.barrier barrier_id(%barrier3A_81)
    %mul3A_82 = arith.constant 640 : i32
    %mul3A_83 = arith.muli %arg1, %mul3A_82 : i32
    %add3A_84 = arith.constant 0 : i32
    %add3A_85 = arith.addi %mul3A_83, %add3A_84 : i32
    %dma_start3A_86 = arith.constant 0 : i32
    %dma_start3A_87 = tpu.memref_slice %arg5[%arg0, %add3A_85, %dma_start3A_86] : memref<2x10240x128xf32, #tpu.memory_space<hbm>> -> memref<1x128x128xf32, #tpu.memory_space<hbm>>
    %dma_start3A_88 = tpu.memref_squeeze %dma_start3A_87 : memref<1x128x128xf32, #tpu.memory_space<hbm>> -> memref<128x128xf32, #tpu.memory_space<hbm>>
    %dma_start3A_89 = arith.constant 0 : i32
    %dma_start3A_90 = tpu.memref_slice %arg6[%add3A_85, %dma_start3A_89] : memref<10240x128xf32, #tpu.memory_space<vmem_shared>> -> memref<128x128xf32, #tpu.memory_space<vmem_shared>>
    tpu.enqueue_dma source(%dma_start3A_90 : memref<128x128xf32, #tpu.memory_space<vmem_shared>>) target(%dma_start3A_88 : memref<128x128xf32, #tpu.memory_space<hbm>>) target_semaphore(%arg11 : memref<!tpu.dma_semaphore, #tpu.memory_space<semaphore_mem>>)
    %mul3A_91 = arith.constant 640 : i32
    %mul3A_92 = arith.muli %arg1, %mul3A_91 : i32
    %add3A_93 = arith.constant 128 : i32
    %add3A_94 = arith.addi %mul3A_92, %add3A_93 : i32
    %dma_start3A_95 = arith.constant 0 : i32
    %dma_start3A_96 = tpu.memref_slice %arg5[%arg0, %add3A_94, %dma_start3A_95] : memref<2x10240x128xf32, #tpu.memory_space<hbm>> -> memref<1x128x128xf32, #tpu.memory_space<hbm>>
    %dma_start3A_97 = tpu.memref_squeeze %dma_start3A_96 : memref<1x128x128xf32, #tpu.memory_space<hbm>> -> memref<128x128xf32, #tpu.memory_space<hbm>>
    %dma_start3A_98 = arith.constant 0 : i32
    %dma_start3A_99 = tpu.memref_slice %arg6[%add3A_94, %dma_start3A_98] : memref<10240x128xf32, #tpu.memory_space<vmem_shared>> -> memref<128x128xf32, #tpu.memory_space<vmem_shared>>
    tpu.enqueue_dma source(%dma_start3A_99 : memref<128x128xf32, #tpu.memory_space<vmem_shared>>) target(%dma_start3A_97 : memref<128x128xf32, #tpu.memory_space<hbm>>) target_semaphore(%arg11 : memref<!tpu.dma_semaphore, #tpu.memory_space<semaphore_mem>>)
    %mul3A_100 = arith.constant 640 : i32
    %mul3A_101 = arith.muli %arg1, %mul3A_100 : i32
    %add3A_102 = arith.constant 256 : i32
    %add3A_103 = arith.addi %mul3A_101, %add3A_102 : i32
    %dma_start3A_104 = arith.constant 0 : i32
    %dma_start3A_105 = tpu.memref_slice %arg5[%arg0, %add3A_103, %dma_start3A_104] : memref<2x10240x128xf32, #tpu.memory_space<hbm>> -> memref<1x128x128xf32, #tpu.memory_space<hbm>>
    %dma_start3A_106 = tpu.memref_squeeze %dma_start3A_105 : memref<1x128x128xf32, #tpu.memory_space<hbm>> -> memref<128x128xf32, #tpu.memory_space<hbm>>
    %dma_start3A_107 = arith.constant 0 : i32
    %dma_start3A_108 = tpu.memref_slice %arg6[%add3A_103, %dma_start3A_107] : memref<10240x128xf32, #tpu.memory_space<vmem_shared>> -> memref<128x128xf32, #tpu.memory_space<vmem_shared>>
    tpu.enqueue_dma source(%dma_start3A_108 : memref<128x128xf32, #tpu.memory_space<vmem_shared>>) target(%dma_start3A_106 : memref<128x128xf32, #tpu.memory_space<hbm>>) target_semaphore(%arg11 : memref<!tpu.dma_semaphore, #tpu.memory_space<semaphore_mem>>)
    %mul3A_109 = arith.constant 640 : i32
    %mul3A_110 = arith.muli %arg1, %mul3A_109 : i32
    %add3A_111 = arith.constant 384 : i32
    %add3A_112 = arith.addi %mul3A_110, %add3A_111 : i32
    %dma_start3A_113 = arith.constant 0 : i32
    %dma_start3A_114 = tpu.memref_slice %arg5[%arg0, %add3A_112, %dma_start3A_113] : memref<2x10240x128xf32, #tpu.memory_space<hbm>> -> memref<1x128x128xf32, #tpu.memory_space<hbm>>
    %dma_start3A_115 = tpu.memref_squeeze %dma_start3A_114 : memref<1x128x128xf32, #tpu.memory_space<hbm>> -> memref<128x128xf32, #tpu.memory_space<hbm>>
    %dma_start3A_116 = arith.constant 0 : i32
    %dma_start3A_117 = tpu.memref_slice %arg6[%add3A_112, %dma_start3A_116] : memref<10240x128xf32, #tpu.memory_space<vmem_shared>> -> memref<128x128xf32, #tpu.memory_space<vmem_shared>>
    tpu.enqueue_dma source(%dma_start3A_117 : memref<128x128xf32, #tpu.memory_space<vmem_shared>>) target(%dma_start3A_115 : memref<128x128xf32, #tpu.memory_space<hbm>>) target_semaphore(%arg11 : memref<!tpu.dma_semaphore, #tpu.memory_space<semaphore_mem>>)
    %mul3A_118 = arith.constant 640 : i32
    %mul3A_119 = arith.muli %arg1, %mul3A_118 : i32
    %add3A_120 = arith.constant 512 : i32
    %add3A_121 = arith.addi %mul3A_119, %add3A_120 : i32
    %dma_start3A_122 = arith.constant 0 : i32
    %dma_start3A_123 = tpu.memref_slice %arg5[%arg0, %add3A_121, %dma_start3A_122] : memref<2x10240x128xf32, #tpu.memory_space<hbm>> -> memref<1x128x128xf32, #tpu.memory_space<hbm>>
    %dma_start3A_124 = tpu.memref_squeeze %dma_start3A_123 : memref<1x128x128xf32, #tpu.memory_space<hbm>> -> memref<128x128xf32, #tpu.memory_space<hbm>>
    %dma_start3A_125 = arith.constant 0 : i32
    %dma_start3A_126 = tpu.memref_slice %arg6[%add3A_121, %dma_start3A_125] : memref<10240x128xf32, #tpu.memory_space<vmem_shared>> -> memref<128x128xf32, #tpu.memory_space<vmem_shared>>
    tpu.enqueue_dma source(%dma_start3A_126 : memref<128x128xf32, #tpu.memory_space<vmem_shared>>) target(%dma_start3A_124 : memref<128x128xf32, #tpu.memory_space<hbm>>) target_semaphore(%arg11 : memref<!tpu.dma_semaphore, #tpu.memory_space<semaphore_mem>>)
    %dma_wait3A_127 = arith.constant 0 : i32
    %dma_wait3A_128 = tpu.memref_slice %arg5[%arg0, %add3A_85, %dma_wait3A_127] : memref<2x10240x128xf32, #tpu.memory_space<hbm>> -> memref<1x128x128xf32, #tpu.memory_space<hbm>>
    %dma_wait3A_129 = tpu.memref_squeeze %dma_wait3A_128 : memref<1x128x128xf32, #tpu.memory_space<hbm>> -> memref<128x128xf32, #tpu.memory_space<hbm>>
    %dma_wait3A_130 = arith.constant 0 : i32
    %dma_wait3A_131 = tpu.memref_slice %arg6[%add3A_85, %dma_wait3A_130] : memref<10240x128xf32, #tpu.memory_space<vmem_shared>> -> memref<128x128xf32, #tpu.memory_space<vmem_shared>>
    tpu.wait_dma2 semaphore(%arg11 : memref<!tpu.dma_semaphore, #tpu.memory_space<semaphore_mem>>) src(%dma_wait3A_131 : memref<128x128xf32, #tpu.memory_space<vmem_shared>>) dst(%dma_wait3A_129 : memref<128x128xf32, #tpu.memory_space<hbm>>)
    %dma_wait3A_132 = arith.constant 0 : i32
    %dma_wait3A_133 = tpu.memref_slice %arg5[%arg0, %add3A_94, %dma_wait3A_132] : memref<2x10240x128xf32, #tpu.memory_space<hbm>> -> memref<1x128x128xf32, #tpu.memory_space<hbm>>
    %dma_wait3A_134 = tpu.memref_squeeze %dma_wait3A_133 : memref<1x128x128xf32, #tpu.memory_space<hbm>> -> memref<128x128xf32, #tpu.memory_space<hbm>>
    %dma_wait3A_135 = arith.constant 0 : i32
    %dma_wait3A_136 = tpu.memref_slice %arg6[%add3A_94, %dma_wait3A_135] : memref<10240x128xf32, #tpu.memory_space<vmem_shared>> -> memref<128x128xf32, #tpu.memory_space<vmem_shared>>
    tpu.wait_dma2 semaphore(%arg11 : memref<!tpu.dma_semaphore, #tpu.memory_space<semaphore_mem>>) src(%dma_wait3A_136 : memref<128x128xf32, #tpu.memory_space<vmem_shared>>) dst(%dma_wait3A_134 : memref<128x128xf32, #tpu.memory_space<hbm>>)
    %dma_wait3A_137 = arith.constant 0 : i32
    %dma_wait3A_138 = tpu.memref_slice %arg5[%arg0, %add3A_103, %dma_wait3A_137] : memref<2x10240x128xf32, #tpu.memory_space<hbm>> -> memref<1x128x128xf32, #tpu.memory_space<hbm>>
    %dma_wait3A_139 = tpu.memref_squeeze %dma_wait3A_138 : memref<1x128x128xf32, #tpu.memory_space<hbm>> -> memref<128x128xf32, #tpu.memory_space<hbm>>
    %dma_wait3A_140 = arith.constant 0 : i32
    %dma_wait3A_141 = tpu.memref_slice %arg6[%add3A_103, %dma_wait3A_140] : memref<10240x128xf32, #tpu.memory_space<vmem_shared>> -> memref<128x128xf32, #tpu.memory_space<vmem_shared>>
    tpu.wait_dma2 semaphore(%arg11 : memref<!tpu.dma_semaphore, #tpu.memory_space<semaphore_mem>>) src(%dma_wait3A_141 : memref<128x128xf32, #tpu.memory_space<vmem_shared>>) dst(%dma_wait3A_139 : memref<128x128xf32, #tpu.memory_space<hbm>>)
    %dma_wait3A_142 = arith.constant 0 : i32
    %dma_wait3A_143 = tpu.memref_slice %arg5[%arg0, %add3A_112, %dma_wait3A_142] : memref<2x10240x128xf32, #tpu.memory_space<hbm>> -> memref<1x128x128xf32, #tpu.memory_space<hbm>>
    %dma_wait3A_144 = tpu.memref_squeeze %dma_wait3A_143 : memref<1x128x128xf32, #tpu.memory_space<hbm>> -> memref<128x128xf32, #tpu.memory_space<hbm>>
    %dma_wait3A_145 = arith.constant 0 : i32
    %dma_wait3A_146 = tpu.memref_slice %arg6[%add3A_112, %dma_wait3A_145] : memref<10240x128xf32, #tpu.memory_space<vmem_shared>> -> memref<128x128xf32, #tpu.memory_space<vmem_shared>>
    tpu.wait_dma2 semaphore(%arg11 : memref<!tpu.dma_semaphore, #tpu.memory_space<semaphore_mem>>) src(%dma_wait3A_146 : memref<128x128xf32, #tpu.memory_space<vmem_shared>>) dst(%dma_wait3A_144 : memref<128x128xf32, #tpu.memory_space<hbm>>)
    %dma_wait3A_147 = arith.constant 0 : i32
    %dma_wait3A_148 = tpu.memref_slice %arg5[%arg0, %add3A_121, %dma_wait3A_147] : memref<2x10240x128xf32, #tpu.memory_space<hbm>> -> memref<1x128x128xf32, #tpu.memory_space<hbm>>
    %dma_wait3A_149 = tpu.memref_squeeze %dma_wait3A_148 : memref<1x128x128xf32, #tpu.memory_space<hbm>> -> memref<128x128xf32, #tpu.memory_space<hbm>>
    %dma_wait3A_150 = arith.constant 0 : i32
    %dma_wait3A_151 = tpu.memref_slice %arg6[%add3A_121, %dma_wait3A_150] : memref<10240x128xf32, #tpu.memory_space<vmem_shared>> -> memref<128x128xf32, #tpu.memory_space<vmem_shared>>
    tpu.wait_dma2 semaphore(%arg11 : memref<!tpu.dma_semaphore, #tpu.memory_space<semaphore_mem>>) src(%dma_wait3A_151 : memref<128x128xf32, #tpu.memory_space<vmem_shared>>) dst(%dma_wait3A_149 : memref<128x128xf32, #tpu.memory_space<hbm>>)
    return
  }
}

#map = affine_map<(d0, d1) -> (0, 0)>
#map1 = affine_map<(d0, d1) -> (0, 0, 0)>
module attributes {stable_mosaic.version = 14 : i64} {
  func.func @body(%arg0: i32, %arg1: i32, %arg2: memref<10000x128xf32, #tpu.memory_space<hbm>>, %arg3: memref<32x100x100xi32, #tpu.memory_space<hbm>>, %arg4: memref<32x100x100xi32, #tpu.memory_space<hbm>>, %arg5: memref<2x10240x128xf32, #tpu.memory_space<hbm>>, %arg6: memref<10240x128xf32, #tpu.memory_space<vmem_shared>>, %arg7: memref<100x100xi32, #tpu.memory_space<vmem>>, %arg8: memref<100x100xi32, #tpu.memory_space<vmem>>, %arg9: memref<100x128xf32, #tpu.memory_space<vmem>>, %arg10: memref<100x128xf32, #tpu.memory_space<vmem>>, %arg11: memref<!tpu.dma_semaphore, #tpu.memory_space<semaphore_mem>>, %arg12: memref<!tpu.dma_semaphore, #tpu.memory_space<semaphore_mem>>) attributes {dimension_semantics = [#tpu.dimension_semantics<core_parallel>, #tpu.dimension_semantics<subcore_parallel>], iteration_bounds = array<i64: 2, 16>, scalar_prefetch = 0 : i64, scratch_operands = 7 : i64, tpu.core_type = #tpu.core_type<sc_vector_subcore>, window_params = [{transform_indices = #map}, {transform_indices = #map1}, {transform_indices = #map1}, {transform_indices = #map1}]} {
    %mul3A = arith.constant 16 : i32
    %mul3A_0 = arith.muli %arg0, %mul3A : i32
    %add3A = arith.addi %mul3A_0, %arg1 : i32
    %dma_start3A = arith.constant 0 : i32
    %dma_start3A_1 = arith.constant 0 : i32
    %dma_start3A_2 = tpu.memref_slice %arg3[%add3A, %dma_start3A, %dma_start3A_1] : memref<32x100x100xi32, #tpu.memory_space<hbm>> -> memref<1x100x100xi32, #tpu.memory_space<hbm>>
    %dma_start3A_3 = tpu.memref_squeeze %dma_start3A_2 : memref<1x100x100xi32, #tpu.memory_space<hbm>> -> memref<100x100xi32, #tpu.memory_space<hbm>>
    %dma_start3A_4 = arith.constant 0 : i32
    %dma_start3A_5 = arith.constant 0 : i32
    %dma_start3A_6 = tpu.memref_slice %arg3[%add3A, %dma_start3A_4, %dma_start3A_5] : memref<32x100x100xi32, #tpu.memory_space<hbm>> -> memref<1x100x100xi32, #tpu.memory_space<hbm>>
    %dma_start3A_7 = tpu.memref_squeeze %dma_start3A_6 : memref<1x100x100xi32, #tpu.memory_space<hbm>> -> memref<100x100xi32, #tpu.memory_space<hbm>>
    tpu.enqueue_dma source(%dma_start3A_7 : memref<100x100xi32, #tpu.memory_space<hbm>>) target(%arg7 : memref<100x100xi32, #tpu.memory_space<vmem>>) target_semaphore(%arg11 : memref<!tpu.dma_semaphore, #tpu.memory_space<semaphore_mem>>)
    %dma_start3A_8 = arith.constant 0 : i32
    %dma_start3A_9 = arith.constant 0 : i32
    %dma_start3A_10 = tpu.memref_slice %arg4[%add3A, %dma_start3A_8, %dma_start3A_9] : memref<32x100x100xi32, #tpu.memory_space<hbm>> -> memref<1x100x100xi32, #tpu.memory_space<hbm>>
    %dma_start3A_11 = tpu.memref_squeeze %dma_start3A_10 : memref<1x100x100xi32, #tpu.memory_space<hbm>> -> memref<100x100xi32, #tpu.memory_space<hbm>>
    %dma_start3A_12 = arith.constant 0 : i32
    %dma_start3A_13 = arith.constant 0 : i32
    %dma_start3A_14 = tpu.memref_slice %arg4[%add3A, %dma_start3A_12, %dma_start3A_13] : memref<32x100x100xi32, #tpu.memory_space<hbm>> -> memref<1x100x100xi32, #tpu.memory_space<hbm>>
    %dma_start3A_15 = tpu.memref_squeeze %dma_start3A_14 : memref<1x100x100xi32, #tpu.memory_space<hbm>> -> memref<100x100xi32, #tpu.memory_space<hbm>>
    tpu.enqueue_dma source(%dma_start3A_15 : memref<100x100xi32, #tpu.memory_space<hbm>>) target(%arg8 : memref<100x100xi32, #tpu.memory_space<vmem>>) target_semaphore(%arg12 : memref<!tpu.dma_semaphore, #tpu.memory_space<semaphore_mem>>)
    %scan3A = arith.constant 0 : i32
    %scan3A_16 = arith.constant 0 : i32
    %scan3A_17 = arith.constant 800 : i32
    %scan3A_18 = arith.addi %scan3A_16, %scan3A_17 : i32
    %scan3A_19 = arith.constant 1 : i32
    scf.for %scan3A_152 = %scan3A_16 to %scan3A_18 step %scan3A_19  : i32 {
      %broadcast_in_dim3A = arith.constant 0.000000e+00 : f32
      %broadcast_in_dim3A_153 = vector.broadcast %broadcast_in_dim3A : f32 to vector<16xf32>
      %jit3A = arith.constant 8 : i32
      %div3A = arith.divsi %scan3A_152, %jit3A : i32
      %sign3A = arith.constant 0 : i32
      %sign3A_154 = arith.cmpi sgt, %scan3A_152, %sign3A : i32
      %sign3A_155 = arith.extui %sign3A_154 : i1 to i32
      %sign3A_156 = arith.constant 0 : i32
      %sign3A_157 = arith.cmpi slt, %scan3A_152, %sign3A_156 : i32
      %sign3A_158 = arith.extui %sign3A_157 : i1 to i32
      %sign3A_159 = arith.subi %sign3A_155, %sign3A_158 : i32
      %sign3A_160 = arith.constant 0 : i32
      %sign3A_161 = arith.cmpi sgt, %jit3A, %sign3A_160 : i32
      %sign3A_162 = arith.extui %sign3A_161 : i1 to i32
      %sign3A_163 = arith.constant 0 : i32
      %sign3A_164 = arith.cmpi slt, %jit3A, %sign3A_163 : i32
      %sign3A_165 = arith.extui %sign3A_164 : i1 to i32
      %sign3A_166 = arith.subi %sign3A_162, %sign3A_165 : i32
      %ne3A = arith.cmpi ne, %sign3A_159, %sign3A_166 : i32
      %rem3A = arith.remsi %scan3A_152, %jit3A : i32
      %ne3A_167 = arith.constant 0 : i32
      %ne3A_168 = arith.cmpi ne, %rem3A, %ne3A_167 : i32
      %and3A = arith.andi %ne3A, %ne3A_168 : i1
      %sub3A = arith.constant 1 : i32
      %sub3A_169 = arith.subi %div3A, %sub3A : i32
      %select_n3A = arith.select %and3A, %sub3A_169, %div3A : i32
      %jit3A_170 = arith.constant 8 : i32
      %eq3A = arith.constant 0 : i32
      %eq3A_171 = arith.cmpi eq, %jit3A_170, %eq3A : i32
      %jit3A_172 = arith.constant 1 : i32
      %select_n3A_173 = arith.select %eq3A_171, %jit3A_172, %jit3A_170 : i32
      %rem3A_174 = arith.remsi %scan3A_152, %select_n3A_173 : i32
      %ne3A_175 = arith.constant 0 : i32
      %ne3A_176 = arith.cmpi ne, %rem3A_174, %ne3A_175 : i32
      %lt3A = arith.constant 0 : i32
      %lt3A_177 = arith.cmpi slt, %rem3A_174, %lt3A : i32
      %lt3A_178 = arith.constant 0 : i32
      %lt3A_179 = arith.cmpi slt, %select_n3A_173, %lt3A_178 : i32
      %ne3A_180 = arith.xori %lt3A_177, %lt3A_179 : i1
      %and3A_181 = arith.andi %ne3A_180, %ne3A_176 : i1
      %add3A_182 = arith.addi %rem3A_174, %select_n3A_173 : i32
      %select_n3A_183 = arith.select %and3A_181, %add3A_182, %rem3A_174 : i32
      %mul3A_184 = arith.constant 16 : i32
      %mul3A_185 = arith.muli %select_n3A_183, %mul3A_184 : i32
      %swap3A = arith.index_cast %select_n3A : i32 to index
      %swap3A_186 = arith.index_cast %mul3A_185 : i32 to index
      %swap3A_187 = tpu.vector_load %arg9[%swap3A, %swap3A_186] {strides = array<i32>} : memref<100x128xf32, #tpu.memory_space<vmem>>, vector<1x16xf32>,
      %swap3A_188 = vector.shape_cast %swap3A_187 : vector<1x16xf32> to vector<16xf32>
      %swap3A_189 = vector.shape_cast %broadcast_in_dim3A_153 : vector<16xf32> to vector<1x16xf32>
      tpu.vector_store %arg9[%swap3A, %swap3A_186], %swap3A_189 {strides = array<i32>} : memref<100x128xf32, #tpu.memory_space<vmem>>, vector<1x16xf32>,
    }
    %scan3A_20 = arith.constant 800 : i32
    %mul3A_21 = arith.constant 640 : i32
    %mul3A_22 = arith.muli %arg1, %mul3A_21 : i32
    %add3A_23 = arith.constant 0 : i32
    %add3A_24 = arith.addi %mul3A_22, %add3A_23 : i32
    "tpu.region"() ({
      %run_scoped3A = tpu.sem_alloc : memref<!tpu.dma_semaphore, #tpu.memory_space<semaphore_mem>>
      %dma_start3A_152 = arith.constant 0 : i32
      %dma_start3A_153 = arith.constant 0 : i32
      %dma_start3A_154 = tpu.memref_slice %arg9[%dma_start3A_152, %dma_start3A_153] : memref<100x128xf32, #tpu.memory_space<vmem>> -> memref<80x128xf32, #tpu.memory_space<vmem>>
      %dma_start3A_155 = arith.constant 0 : i32
      %dma_start3A_156 = tpu.memref_slice %arg6[%add3A_24, %dma_start3A_155] : memref<10240x128xf32, #tpu.memory_space<vmem_shared>> -> memref<80x128xf32, #tpu.memory_space<vmem_shared>>
      %dma_start3A_157 = arith.constant 0 : i32
      %dma_start3A_158 = tpu.memref_slice %arg6[%add3A_24, %dma_start3A_157] : memref<10240x128xf32, #tpu.memory_space<vmem_shared>> -> memref<80x128xf32, #tpu.memory_space<vmem_shared>>
      %dma_start3A_159 = arith.constant 0 : i32
      %dma_start3A_160 = arith.constant 0 : i32
      %dma_start3A_161 = tpu.memref_slice %arg9[%dma_start3A_159, %dma_start3A_160] : memref<100x128xf32, #tpu.memory_space<vmem>> -> memref<80x128xf32, #tpu.memory_space<vmem>>
      tpu.enqueue_dma source(%dma_start3A_161 : memref<80x128xf32, #tpu.memory_space<vmem>>) target(%dma_start3A_158 : memref<80x128xf32, #tpu.memory_space<vmem_shared>>) target_semaphore(%run_scoped3A : memref<!tpu.dma_semaphore, #tpu.memory_space<semaphore_mem>>)
      %dma_wait3A_162 = arith.constant 0 : i32
      %dma_wait3A_163 = arith.constant 0 : i32
      %dma_wait3A_164 = tpu.memref_slice %arg9[%dma_wait3A_162, %dma_wait3A_163] : memref<100x128xf32, #tpu.memory_space<vmem>> -> memref<80x128xf32, #tpu.memory_space<vmem>>
      %dma_wait3A_165 = arith.constant 0 : i32
      %dma_wait3A_166 = tpu.memref_slice %arg6[%add3A_24, %dma_wait3A_165] : memref<10240x128xf32, #tpu.memory_space<vmem_shared>> -> memref<80x128xf32, #tpu.memory_space<vmem_shared>>
      %dma_wait3A_167 = arith.constant 0 : i32
      %dma_wait3A_168 = tpu.memref_slice %arg6[%add3A_24, %dma_wait3A_167] : memref<10240x128xf32, #tpu.memory_space<vmem_shared>> -> memref<80x128xf32, #tpu.memory_space<vmem_shared>>
      %dma_wait3A_169 = arith.constant 0 : i32
      %dma_wait3A_170 = arith.constant 0 : i32
      %dma_wait3A_171 = tpu.memref_slice %arg9[%dma_wait3A_169, %dma_wait3A_170] : memref<100x128xf32, #tpu.memory_space<vmem>> -> memref<80x128xf32, #tpu.memory_space<vmem>>
      tpu.wait_dma2 semaphore(%run_scoped3A : memref<!tpu.dma_semaphore, #tpu.memory_space<semaphore_mem>>) src(%dma_wait3A_171 : memref<80x128xf32, #tpu.memory_space<vmem>>) dst(%dma_wait3A_168 : memref<80x128xf32, #tpu.memory_space<vmem_shared>>)
      tpu.yield
    }) : () -> ()
    %mul3A_25 = arith.constant 640 : i32
    %mul3A_26 = arith.muli %arg1, %mul3A_25 : i32
    %add3A_27 = arith.constant 80 : i32
    %add3A_28 = arith.addi %mul3A_26, %add3A_27 : i32
    "tpu.region"() ({
      %run_scoped3A = tpu.sem_alloc : memref<!tpu.dma_semaphore, #tpu.memory_space<semaphore_mem>>
      %dma_start3A_152 = arith.constant 0 : i32
      %dma_start3A_153 = arith.constant 0 : i32
      %dma_start3A_154 = tpu.memref_slice %arg9[%dma_start3A_152, %dma_start3A_153] : memref<100x128xf32, #tpu.memory_space<vmem>> -> memref<80x128xf32, #tpu.memory_space<vmem>>
      %dma_start3A_155 = arith.constant 0 : i32
      %dma_start3A_156 = tpu.memref_slice %arg6[%add3A_28, %dma_start3A_155] : memref<10240x128xf32, #tpu.memory_space<vmem_shared>> -> memref<80x128xf32, #tpu.memory_space<vmem_shared>>
      %dma_start3A_157 = arith.constant 0 : i32
      %dma_start3A_158 = tpu.memref_slice %arg6[%add3A_28, %dma_start3A_157] : memref<10240x128xf32, #tpu.memory_space<vmem_shared>> -> memref<80x128xf32, #tpu.memory_space<vmem_shared>>
      %dma_start3A_159 = arith.constant 0 : i32
      %dma_start3A_160 = arith.constant 0 : i32
      %dma_start3A_161 = tpu.memref_slice %arg9[%dma_start3A_159, %dma_start3A_160] : memref<100x128xf32, #tpu.memory_space<vmem>> -> memref<80x128xf32, #tpu.memory_space<vmem>>
      tpu.enqueue_dma source(%dma_start3A_161 : memref<80x128xf32, #tpu.memory_space<vmem>>) target(%dma_start3A_158 : memref<80x128xf32, #tpu.memory_space<vmem_shared>>) target_semaphore(%run_scoped3A : memref<!tpu.dma_semaphore, #tpu.memory_space<semaphore_mem>>)
      %dma_wait3A_162 = arith.constant 0 : i32
      %dma_wait3A_163 = arith.constant 0 : i32
      %dma_wait3A_164 = tpu.memref_slice %arg9[%dma_wait3A_162, %dma_wait3A_163] : memref<100x128xf32, #tpu.memory_space<vmem>> -> memref<80x128xf32, #tpu.memory_space<vmem>>
      %dma_wait3A_165 = arith.constant 0 : i32
      %dma_wait3A_166 = tpu.memref_slice %arg6[%add3A_28, %dma_wait3A_165] : memref<10240x128xf32, #tpu.memory_space<vmem_shared>> -> memref<80x128xf32, #tpu.memory_space<vmem_shared>>
      %dma_wait3A_167 = arith.constant 0 : i32
      %dma_wait3A_168 = tpu.memref_slice %arg6[%add3A_28, %dma_wait3A_167] : memref<10240x128xf32, #tpu.memory_space<vmem_shared>> -> memref<80x128xf32, #tpu.memory_space<vmem_shared>>
      %dma_wait3A_169 = arith.constant 0 : i32
      %dma_wait3A_170 = arith.constant 0 : i32
      %dma_wait3A_171 = tpu.memref_slice %arg9[%dma_wait3A_169, %dma_wait3A_170] : memref<100x128xf32, #tpu.memory_space<vmem>> -> memref<80x128xf32, #tpu.memory_space<vmem>>
      tpu.wait_dma2 semaphore(%run_scoped3A : memref<!tpu.dma_semaphore, #tpu.memory_space<semaphore_mem>>) src(%dma_wait3A_171 : memref<80x128xf32, #tpu.memory_space<vmem>>) dst(%dma_wait3A_168 : memref<80x128xf32, #tpu.memory_space<vmem_shared>>)
      tpu.yield
    }) : () -> ()
    %mul3A_29 = arith.constant 640 : i32
    %mul3A_30 = arith.muli %arg1, %mul3A_29 : i32
    %add3A_31 = arith.constant 160 : i32
    %add3A_32 = arith.addi %mul3A_30, %add3A_31 : i32
    "tpu.region"() ({
      %run_scoped3A = tpu.sem_alloc : memref<!tpu.dma_semaphore, #tpu.memory_space<semaphore_mem>>
      %dma_start3A_152 = arith.constant 0 : i32
      %dma_start3A_153 = arith.constant 0 : i32
      %dma_start3A_154 = tpu.memref_slice %arg9[%dma_start3A_152, %dma_start3A_153] : memref<100x128xf32, #tpu.memory_space<vmem>> -> memref<80x128xf32, #tpu.memory_space<vmem>>
      %dma_start3A_155 = arith.constant 0 : i32
      %dma_start3A_156 = tpu.memref_slice %arg6[%add3A_32, %dma_start3A_155] : memref<10240x128xf32, #tpu.memory_space<vmem_shared>> -> memref<80x128xf32, #tpu.memory_space<vmem_shared>>
      %dma_start3A_157 = arith.constant 0 : i32
      %dma_start3A_158 = tpu.memref_slice %arg6[%add3A_32, %dma_start3A_157] : memref<10240x128xf32, #tpu.memory_space<vmem_shared>> -> memref<80x128xf32, #tpu.memory_space<vmem_shared>>
      %dma_start3A_159 = arith.constant 0 : i32
      %dma_start3A_160 = arith.constant 0 : i32
      %dma_start3A_161 = tpu.memref_slice %arg9[%dma_start3A_159, %dma_start3A_160] : memref<100x128xf32, #tpu.memory_space<vmem>> -> memref<80x128xf32, #tpu.memory_space<vmem>>
      tpu.enqueue_dma source(%dma_start3A_161 : memref<80x128xf32, #tpu.memory_space<vmem>>) target(%dma_start3A_158 : memref<80x128xf32, #tpu.memory_space<vmem_shared>>) target_semaphore(%run_scoped3A : memref<!tpu.dma_semaphore, #tpu.memory_space<semaphore_mem>>)
      %dma_wait3A_162 = arith.constant 0 : i32
      %dma_wait3A_163 = arith.constant 0 : i32
      %dma_wait3A_164 = tpu.memref_slice %arg9[%dma_wait3A_162, %dma_wait3A_163] : memref<100x128xf32, #tpu.memory_space<vmem>> -> memref<80x128xf32, #tpu.memory_space<vmem>>
      %dma_wait3A_165 = arith.constant 0 : i32
      %dma_wait3A_166 = tpu.memref_slice %arg6[%add3A_32, %dma_wait3A_165] : memref<10240x128xf32, #tpu.memory_space<vmem_shared>> -> memref<80x128xf32, #tpu.memory_space<vmem_shared>>
      %dma_wait3A_167 = arith.constant 0 : i32
      %dma_wait3A_168 = tpu.memref_slice %arg6[%add3A_32, %dma_wait3A_167] : memref<10240x128xf32, #tpu.memory_space<vmem_shared>> -> memref<80x128xf32, #tpu.memory_space<vmem_shared>>
      %dma_wait3A_169 = arith.constant 0 : i32
      %dma_wait3A_170 = arith.constant 0 : i32
      %dma_wait3A_171 = tpu.memref_slice %arg9[%dma_wait3A_169, %dma_wait3A_170] : memref<100x128xf32, #tpu.memory_space<vmem>> -> memref<80x128xf32, #tpu.memory_space<vmem>>
      tpu.wait_dma2 semaphore(%run_scoped3A : memref<!tpu.dma_semaphore, #tpu.memory_space<semaphore_mem>>) src(%dma_wait3A_171 : memref<80x128xf32, #tpu.memory_space<vmem>>) dst(%dma_wait3A_168 : memref<80x128xf32, #tpu.memory_space<vmem_shared>>)
      tpu.yield
    }) : () -> ()
    %mul3A_33 = arith.constant 640 : i32
    %mul3A_34 = arith.muli %arg1, %mul3A_33 : i32
    %add3A_35 = arith.constant 240 : i32
    %add3A_36 = arith.addi %mul3A_34, %add3A_35 : i32
    "tpu.region"() ({
      %run_scoped3A = tpu.sem_alloc : memref<!tpu.dma_semaphore, #tpu.memory_space<semaphore_mem>>
      %dma_start3A_152 = arith.constant 0 : i32
      %dma_start3A_153 = arith.constant 0 : i32
      %dma_start3A_154 = tpu.memref_slice %arg9[%dma_start3A_152, %dma_start3A_153] : memref<100x128xf32, #tpu.memory_space<vmem>> -> memref<80x128xf32, #tpu.memory_space<vmem>>
      %dma_start3A_155 = arith.constant 0 : i32
      %dma_start3A_156 = tpu.memref_slice %arg6[%add3A_36, %dma_start3A_155] : memref<10240x128xf32, #tpu.memory_space<vmem_shared>> -> memref<80x128xf32, #tpu.memory_space<vmem_shared>>
      %dma_start3A_157 = arith.constant 0 : i32
      %dma_start3A_158 = tpu.memref_slice %arg6[%add3A_36, %dma_start3A_157] : memref<10240x128xf32, #tpu.memory_space<vmem_shared>> -> memref<80x128xf32, #tpu.memory_space<vmem_shared>>
      %dma_start3A_159 = arith.constant 0 : i32
      %dma_start3A_160 = arith.constant 0 : i32
      %dma_start3A_161 = tpu.memref_slice %arg9[%dma_start3A_159, %dma_start3A_160] : memref<100x128xf32, #tpu.memory_space<vmem>> -> memref<80x128xf32, #tpu.memory_space<vmem>>
      tpu.enqueue_dma source(%dma_start3A_161 : memref<80x128xf32, #tpu.memory_space<vmem>>) target(%dma_start3A_158 : memref<80x128xf32, #tpu.memory_space<vmem_shared>>) target_semaphore(%run_scoped3A : memref<!tpu.dma_semaphore, #tpu.memory_space<semaphore_mem>>)
      %dma_wait3A_162 = arith.constant 0 : i32
      %dma_wait3A_163 = arith.constant 0 : i32
      %dma_wait3A_164 = tpu.memref_slice %arg9[%dma_wait3A_162, %dma_wait3A_163] : memref<100x128xf32, #tpu.memory_space<vmem>> -> memref<80x128xf32, #tpu.memory_space<vmem>>
      %dma_wait3A_165 = arith.constant 0 : i32
      %dma_wait3A_166 = tpu.memref_slice %arg6[%add3A_36, %dma_wait3A_165] : memref<10240x128xf32, #tpu.memory_space<vmem_shared>> -> memref<80x128xf32, #tpu.memory_space<vmem_shared>>
      %dma_wait3A_167 = arith.constant 0 : i32
      %dma_wait3A_168 = tpu.memref_slice %arg6[%add3A_36, %dma_wait3A_167] : memref<10240x128xf32, #tpu.memory_space<vmem_shared>> -> memref<80x128xf32, #tpu.memory_space<vmem_shared>>
      %dma_wait3A_169 = arith.constant 0 : i32
      %dma_wait3A_170 = arith.constant 0 : i32
      %dma_wait3A_171 = tpu.memref_slice %arg9[%dma_wait3A_169, %dma_wait3A_170] : memref<100x128xf32, #tpu.memory_space<vmem>> -> memref<80x128xf32, #tpu.memory_space<vmem>>
      tpu.wait_dma2 semaphore(%run_scoped3A : memref<!tpu.dma_semaphore, #tpu.memory_space<semaphore_mem>>) src(%dma_wait3A_171 : memref<80x128xf32, #tpu.memory_space<vmem>>) dst(%dma_wait3A_168 : memref<80x128xf32, #tpu.memory_space<vmem_shared>>)
      tpu.yield
    }) : () -> ()
    %mul3A_37 = arith.constant 640 : i32
    %mul3A_38 = arith.muli %arg1, %mul3A_37 : i32
    %add3A_39 = arith.constant 320 : i32
    %add3A_40 = arith.addi %mul3A_38, %add3A_39 : i32
    "tpu.region"() ({
      %run_scoped3A = tpu.sem_alloc : memref<!tpu.dma_semaphore, #tpu.memory_space<semaphore_mem>>
      %dma_start3A_152 = arith.constant 0 : i32
      %dma_start3A_153 = arith.constant 0 : i32
      %dma_start3A_154 = tpu.memref_slice %arg9[%dma_start3A_152, %dma_start3A_153] : memref<100x128xf32, #tpu.memory_space<vmem>> -> memref<80x128xf32, #tpu.memory_space<vmem>>
      %dma_start3A_155 = arith.constant 0 : i32
      %dma_start3A_156 = tpu.memref_slice %arg6[%add3A_40, %dma_start3A_155] : memref<10240x128xf32, #tpu.memory_space<vmem_shared>> -> memref<80x128xf32, #tpu.memory_space<vmem_shared>>
      %dma_start3A_157 = arith.constant 0 : i32
      %dma_start3A_158 = tpu.memref_slice %arg6[%add3A_40, %dma_start3A_157] : memref<10240x128xf32, #tpu.memory_space<vmem_shared>> -> memref<80x128xf32, #tpu.memory_space<vmem_shared>>
      %dma_start3A_159 = arith.constant 0 : i32
      %dma_start3A_160 = arith.constant 0 : i32
      %dma_start3A_161 = tpu.memref_slice %arg9[%dma_start3A_159, %dma_start3A_160] : memref<100x128xf32, #tpu.memory_space<vmem>> -> memref<80x128xf32, #tpu.memory_space<vmem>>
      tpu.enqueue_dma source(%dma_start3A_161 : memref<80x128xf32, #tpu.memory_space<vmem>>) target(%dma_start3A_158 : memref<80x128xf32, #tpu.memory_space<vmem_shared>>) target_semaphore(%run_scoped3A : memref<!tpu.dma_semaphore, #tpu.memory_space<semaphore_mem>>)
      %dma_wait3A_162 = arith.constant 0 : i32
      %dma_wait3A_163 = arith.constant 0 : i32
      %dma_wait3A_164 = tpu.memref_slice %arg9[%dma_wait3A_162, %dma_wait3A_163] : memref<100x128xf32, #tpu.memory_space<vmem>> -> memref<80x128xf32, #tpu.memory_space<vmem>>
      %dma_wait3A_165 = arith.constant 0 : i32
      %dma_wait3A_166 = tpu.memref_slice %arg6[%add3A_40, %dma_wait3A_165] : memref<10240x128xf32, #tpu.memory_space<vmem_shared>> -> memref<80x128xf32, #tpu.memory_space<vmem_shared>>
      %dma_wait3A_167 = arith.constant 0 : i32
      %dma_wait3A_168 = tpu.memref_slice %arg6[%add3A_40, %dma_wait3A_167] : memref<10240x128xf32, #tpu.memory_space<vmem_shared>> -> memref<80x128xf32, #tpu.memory_space<vmem_shared>>
      %dma_wait3A_169 = arith.constant 0 : i32
      %dma_wait3A_170 = arith.constant 0 : i32
      %dma_wait3A_171 = tpu.memref_slice %arg9[%dma_wait3A_169, %dma_wait3A_170] : memref<100x128xf32, #tpu.memory_space<vmem>> -> memref<80x128xf32, #tpu.memory_space<vmem>>
      tpu.wait_dma2 semaphore(%run_scoped3A : memref<!tpu.dma_semaphore, #tpu.memory_space<semaphore_mem>>) src(%dma_wait3A_171 : memref<80x128xf32, #tpu.memory_space<vmem>>) dst(%dma_wait3A_168 : memref<80x128xf32, #tpu.memory_space<vmem_shared>>)
      tpu.yield
    }) : () -> ()
    %mul3A_41 = arith.constant 640 : i32
    %mul3A_42 = arith.muli %arg1, %mul3A_41 : i32
    %add3A_43 = arith.constant 400 : i32
    %add3A_44 = arith.addi %mul3A_42, %add3A_43 : i32
    "tpu.region"() ({
      %run_scoped3A = tpu.sem_alloc : memref<!tpu.dma_semaphore, #tpu.memory_space<semaphore_mem>>
      %dma_start3A_152 = arith.constant 0 : i32
      %dma_start3A_153 = arith.constant 0 : i32
      %dma_start3A_154 = tpu.memref_slice %arg9[%dma_start3A_152, %dma_start3A_153] : memref<100x128xf32, #tpu.memory_space<vmem>> -> memref<80x128xf32, #tpu.memory_space<vmem>>
      %dma_start3A_155 = arith.constant 0 : i32
      %dma_start3A_156 = tpu.memref_slice %arg6[%add3A_44, %dma_start3A_155] : memref<10240x128xf32, #tpu.memory_space<vmem_shared>> -> memref<80x128xf32, #tpu.memory_space<vmem_shared>>
      %dma_start3A_157 = arith.constant 0 : i32
      %dma_start3A_158 = tpu.memref_slice %arg6[%add3A_44, %dma_start3A_157] : memref<10240x128xf32, #tpu.memory_space<vmem_shared>> -> memref<80x128xf32, #tpu.memory_space<vmem_shared>>
      %dma_start3A_159 = arith.constant 0 : i32
      %dma_start3A_160 = arith.constant 0 : i32
      %dma_start3A_161 = tpu.memref_slice %arg9[%dma_start3A_159, %dma_start3A_160] : memref<100x128xf32, #tpu.memory_space<vmem>> -> memref<80x128xf32, #tpu.memory_space<vmem>>
      tpu.enqueue_dma source(%dma_start3A_161 : memref<80x128xf32, #tpu.memory_space<vmem>>) target(%dma_start3A_158 : memref<80x128xf32, #tpu.memory_space<vmem_shared>>) target_semaphore(%run_scoped3A : memref<!tpu.dma_semaphore, #tpu.memory_space<semaphore_mem>>)
      %dma_wait3A_162 = arith.constant 0 : i32
      %dma_wait3A_163 = arith.constant 0 : i32
      %dma_wait3A_164 = tpu.memref_slice %arg9[%dma_wait3A_162, %dma_wait3A_163] : memref<100x128xf32, #tpu.memory_space<vmem>> -> memref<80x128xf32, #tpu.memory_space<vmem>>
      %dma_wait3A_165 = arith.constant 0 : i32
      %dma_wait3A_166 = tpu.memref_slice %arg6[%add3A_44, %dma_wait3A_165] : memref<10240x128xf32, #tpu.memory_space<vmem_shared>> -> memref<80x128xf32, #tpu.memory_space<vmem_shared>>
      %dma_wait3A_167 = arith.constant 0 : i32
      %dma_wait3A_168 = tpu.memref_slice %arg6[%add3A_44, %dma_wait3A_167] : memref<10240x128xf32, #tpu.memory_space<vmem_shared>> -> memref<80x128xf32, #tpu.memory_space<vmem_shared>>
      %dma_wait3A_169 = arith.constant 0 : i32
      %dma_wait3A_170 = arith.constant 0 : i32
      %dma_wait3A_171 = tpu.memref_slice %arg9[%dma_wait3A_169, %dma_wait3A_170] : memref<100x128xf32, #tpu.memory_space<vmem>> -> memref<80x128xf32, #tpu.memory_space<vmem>>
      tpu.wait_dma2 semaphore(%run_scoped3A : memref<!tpu.dma_semaphore, #tpu.memory_space<semaphore_mem>>) src(%dma_wait3A_171 : memref<80x128xf32, #tpu.memory_space<vmem>>) dst(%dma_wait3A_168 : memref<80x128xf32, #tpu.memory_space<vmem_shared>>)
      tpu.yield
    }) : () -> ()
    %mul3A_45 = arith.constant 640 : i32
    %mul3A_46 = arith.muli %arg1, %mul3A_45 : i32
    %add3A_47 = arith.constant 480 : i32
    %add3A_48 = arith.addi %mul3A_46, %add3A_47 : i32
    "tpu.region"() ({
      %run_scoped3A = tpu.sem_alloc : memref<!tpu.dma_semaphore, #tpu.memory_space<semaphore_mem>>
      %dma_start3A_152 = arith.constant 0 : i32
      %dma_start3A_153 = arith.constant 0 : i32
      %dma_start3A_154 = tpu.memref_slice %arg9[%dma_start3A_152, %dma_start3A_153] : memref<100x128xf32, #tpu.memory_space<vmem>> -> memref<80x128xf32, #tpu.memory_space<vmem>>
      %dma_start3A_155 = arith.constant 0 : i32
      %dma_start3A_156 = tpu.memref_slice %arg6[%add3A_48, %dma_start3A_155] : memref<10240x128xf32, #tpu.memory_space<vmem_shared>> -> memref<80x128xf32, #tpu.memory_space<vmem_shared>>
      %dma_start3A_157 = arith.constant 0 : i32
      %dma_start3A_158 = tpu.memref_slice %arg6[%add3A_48, %dma_start3A_157] : memref<10240x128xf32, #tpu.memory_space<vmem_shared>> -> memref<80x128xf32, #tpu.memory_space<vmem_shared>>
      %dma_start3A_159 = arith.constant 0 : i32
      %dma_start3A_160 = arith.constant 0 : i32
      %dma_start3A_161 = tpu.memref_slice %arg9[%dma_start3A_159, %dma_start3A_160] : memref<100x128xf32, #tpu.memory_space<vmem>> -> memref<80x128xf32, #tpu.memory_space<vmem>>
      tpu.enqueue_dma source(%dma_start3A_161 : memref<80x128xf32, #tpu.memory_space<vmem>>) target(%dma_start3A_158 : memref<80x128xf32, #tpu.memory_space<vmem_shared>>) target_semaphore(%run_scoped3A : memref<!tpu.dma_semaphore, #tpu.memory_space<semaphore_mem>>)
      %dma_wait3A_162 = arith.constant 0 : i32
      %dma_wait3A_163 = arith.constant 0 : i32
      %dma_wait3A_164 = tpu.memref_slice %arg9[%dma_wait3A_162, %dma_wait3A_163] : memref<100x128xf32, #tpu.memory_space<vmem>> -> memref<80x128xf32, #tpu.memory_space<vmem>>
      %dma_wait3A_165 = arith.constant 0 : i32
      %dma_wait3A_166 = tpu.memref_slice %arg6[%add3A_48, %dma_wait3A_165] : memref<10240x128xf32, #tpu.memory_space<vmem_shared>> -> memref<80x128xf32, #tpu.memory_space<vmem_shared>>
      %dma_wait3A_167 = arith.constant 0 : i32
      %dma_wait3A_168 = tpu.memref_slice %arg6[%add3A_48, %dma_wait3A_167] : memref<10240x128xf32, #tpu.memory_space<vmem_shared>> -> memref<80x128xf32, #tpu.memory_space<vmem_shared>>
      %dma_wait3A_169 = arith.constant 0 : i32
      %dma_wait3A_170 = arith.constant 0 : i32
      %dma_wait3A_171 = tpu.memref_slice %arg9[%dma_wait3A_169, %dma_wait3A_170] : memref<100x128xf32, #tpu.memory_space<vmem>> -> memref<80x128xf32, #tpu.memory_space<vmem>>
      tpu.wait_dma2 semaphore(%run_scoped3A : memref<!tpu.dma_semaphore, #tpu.memory_space<semaphore_mem>>) src(%dma_wait3A_171 : memref<80x128xf32, #tpu.memory_space<vmem>>) dst(%dma_wait3A_168 : memref<80x128xf32, #tpu.memory_space<vmem_shared>>)
      tpu.yield
    }) : () -> ()
    %mul3A_49 = arith.constant 640 : i32
    %mul3A_50 = arith.muli %arg1, %mul3A_49 : i32
    %add3A_51 = arith.constant 560 : i32
    %add3A_52 = arith.addi %mul3A_50, %add3A_51 : i32
    "tpu.region"() ({
      %run_scoped3A = tpu.sem_alloc : memref<!tpu.dma_semaphore, #tpu.memory_space<semaphore_mem>>
      %dma_start3A_152 = arith.constant 0 : i32
      %dma_start3A_153 = arith.constant 0 : i32
      %dma_start3A_154 = tpu.memref_slice %arg9[%dma_start3A_152, %dma_start3A_153] : memref<100x128xf32, #tpu.memory_space<vmem>> -> memref<80x128xf32, #tpu.memory_space<vmem>>
      %dma_start3A_155 = arith.constant 0 : i32
      %dma_start3A_156 = tpu.memref_slice %arg6[%add3A_52, %dma_start3A_155] : memref<10240x128xf32, #tpu.memory_space<vmem_shared>> -> memref<80x128xf32, #tpu.memory_space<vmem_shared>>
      %dma_start3A_157 = arith.constant 0 : i32
      %dma_start3A_158 = tpu.memref_slice %arg6[%add3A_52, %dma_start3A_157] : memref<10240x128xf32, #tpu.memory_space<vmem_shared>> -> memref<80x128xf32, #tpu.memory_space<vmem_shared>>
      %dma_start3A_159 = arith.constant 0 : i32
      %dma_start3A_160 = arith.constant 0 : i32
      %dma_start3A_161 = tpu.memref_slice %arg9[%dma_start3A_159, %dma_start3A_160] : memref<100x128xf32, #tpu.memory_space<vmem>> -> memref<80x128xf32, #tpu.memory_space<vmem>>
      tpu.enqueue_dma source(%dma_start3A_161 : memref<80x128xf32, #tpu.memory_space<vmem>>) target(%dma_start3A_158 : memref<80x128xf32, #tpu.memory_space<vmem_shared>>) target_semaphore(%run_scoped3A : memref<!tpu.dma_semaphore, #tpu.memory_space<semaphore_mem>>)
      %dma_wait3A_162 = arith.constant 0 : i32
      %dma_wait3A_163 = arith.constant 0 : i32
      %dma_wait3A_164 = tpu.memref_slice %arg9[%dma_wait3A_162, %dma_wait3A_163] : memref<100x128xf32, #tpu.memory_space<vmem>> -> memref<80x128xf32, #tpu.memory_space<vmem>>
      %dma_wait3A_165 = arith.constant 0 : i32
      %dma_wait3A_166 = tpu.memref_slice %arg6[%add3A_52, %dma_wait3A_165] : memref<10240x128xf32, #tpu.memory_space<vmem_shared>> -> memref<80x128xf32, #tpu.memory_space<vmem_shared>>
      %dma_wait3A_167 = arith.constant 0 : i32
      %dma_wait3A_168 = tpu.memref_slice %arg6[%add3A_52, %dma_wait3A_167] : memref<10240x128xf32, #tpu.memory_space<vmem_shared>> -> memref<80x128xf32, #tpu.memory_space<vmem_shared>>
      %dma_wait3A_169 = arith.constant 0 : i32
      %dma_wait3A_170 = arith.constant 0 : i32
      %dma_wait3A_171 = tpu.memref_slice %arg9[%dma_wait3A_169, %dma_wait3A_170] : memref<100x128xf32, #tpu.memory_space<vmem>> -> memref<80x128xf32, #tpu.memory_space<vmem>>
      tpu.wait_dma2 semaphore(%run_scoped3A : memref<!tpu.dma_semaphore, #tpu.memory_space<semaphore_mem>>) src(%dma_wait3A_171 : memref<80x128xf32, #tpu.memory_space<vmem>>) dst(%dma_wait3A_168 : memref<80x128xf32, #tpu.memory_space<vmem_shared>>)
      tpu.yield
    }) : () -> ()
    %dma_wait3A = arith.constant 0 : i32
    %dma_wait3A_53 = arith.constant 0 : i32
    %dma_wait3A_54 = tpu.memref_slice %arg3[%add3A, %dma_wait3A, %dma_wait3A_53] : memref<32x100x100xi32, #tpu.memory_space<hbm>> -> memref<1x100x100xi32, #tpu.memory_space<hbm>>
    %dma_wait3A_55 = tpu.memref_squeeze %dma_wait3A_54 : memref<1x100x100xi32, #tpu.memory_space<hbm>> -> memref<100x100xi32, #tpu.memory_space<hbm>>
    %dma_wait3A_56 = arith.constant 0 : i32
    %dma_wait3A_57 = arith.constant 0 : i32
    %dma_wait3A_58 = tpu.memref_slice %arg3[%add3A, %dma_wait3A_56, %dma_wait3A_57] : memref<32x100x100xi32, #tpu.memory_space<hbm>> -> memref<1x100x100xi32, #tpu.memory_space<hbm>>
    %dma_wait3A_59 = tpu.memref_squeeze %dma_wait3A_58 : memref<1x100x100xi32, #tpu.memory_space<hbm>> -> memref<100x100xi32, #tpu.memory_space<hbm>>
    tpu.wait_dma2 semaphore(%arg11 : memref<!tpu.dma_semaphore, #tpu.memory_space<semaphore_mem>>) src(%dma_wait3A_59 : memref<100x100xi32, #tpu.memory_space<hbm>>) dst(%arg7 : memref<100x100xi32, #tpu.memory_space<vmem>>)
    %dma_wait3A_60 = arith.constant 0 : i32
    %dma_wait3A_61 = arith.constant 0 : i32
    %dma_wait3A_62 = tpu.memref_slice %arg4[%add3A, %dma_wait3A_60, %dma_wait3A_61] : memref<32x100x100xi32, #tpu.memory_space<hbm>> -> memref<1x100x100xi32, #tpu.memory_space<hbm>>
    %dma_wait3A_63 = tpu.memref_squeeze %dma_wait3A_62 : memref<1x100x100xi32, #tpu.memory_space<hbm>> -> memref<100x100xi32, #tpu.memory_space<hbm>>
    %dma_wait3A_64 = arith.constant 0 : i32
    %dma_wait3A_65 = arith.constant 0 : i32
    %dma_wait3A_66 = tpu.memref_slice %arg4[%add3A, %dma_wait3A_64, %dma_wait3A_65] : memref<32x100x100xi32, #tpu.memory_space<hbm>> -> memref<1x100x100xi32, #tpu.memory_space<hbm>>
    %dma_wait3A_67 = tpu.memref_squeeze %dma_wait3A_66 : memref<1x100x100xi32, #tpu.memory_space<hbm>> -> memref<100x100xi32, #tpu.memory_space<hbm>>
    tpu.wait_dma2 semaphore(%arg12 : memref<!tpu.dma_semaphore, #tpu.memory_space<semaphore_mem>>) src(%dma_wait3A_67 : memref<100x100xi32, #tpu.memory_space<hbm>>) dst(%arg8 : memref<100x100xi32, #tpu.memory_space<vmem>>)
    %barrier3A = arith.constant 0 : index
    tpu.barrier barrier_id(%barrier3A)
    %dma_start3A_68 = arith.constant 0 : i32
    %dma_start3A_69 = arith.constant 0 : i32
    %dma_start3A_70 = tpu.memref_slice %arg7[%dma_start3A_68, %dma_start3A_69] : memref<100x100xi32, #tpu.memory_space<vmem>> -> memref<1x100xi32, #tpu.memory_space<vmem>>
    %dma_start3A_71 = tpu.memref_squeeze %dma_start3A_70 : memref<1x100xi32, #tpu.memory_space<vmem>> -> memref<100xi32, #tpu.memory_space<vmem>>
    %dma_start3A_72 = arith.constant 0 : i32
    %dma_start3A_73 = arith.constant 0 : i32
    %dma_start3A_74 = tpu.memref_slice %arg2[%dma_start3A_72, %dma_start3A_73] : memref<10000x128xf32, #tpu.memory_space<hbm>> -> memref<10000x128xf32, #tpu.memory_space<hbm>>
    tpu.enqueue_indirect_dma source(%dma_start3A_74 : memref<10000x128xf32, #tpu.memory_space<hbm>>) target(%arg9 : memref<100x128xf32, #tpu.memory_space<vmem>>) offsets(%dma_start3A_71 : memref<100xi32, #tpu.memory_space<vmem>>) semaphore(%arg11 : memref<!tpu.dma_semaphore, #tpu.memory_space<semaphore_mem>>)
    %scan3A_75 = arith.constant 0 : i32
    %scan3A_76 = arith.constant 0 : i32
    %scan3A_77 = arith.constant 50 : i32
    %scan3A_78 = arith.addi %scan3A_76, %scan3A_77 : i32
    %scan3A_79 = arith.constant 1 : i32
    scf.for %scan3A_152 = %scan3A_76 to %scan3A_78 step %scan3A_79  : i32 {
      %mul3A_153 = arith.constant 2 : i32
      %mul3A_154 = arith.muli %scan3A_152, %mul3A_153 : i32
      %add3A_155 = arith.constant 1 : i32
      %add3A_156 = arith.addi %mul3A_154, %add3A_155 : i32
      %dma_start3A_157 = arith.constant 0 : i32
      %dma_start3A_158 = tpu.memref_slice %arg7[%add3A_156, %dma_start3A_157] : memref<100x100xi32, #tpu.memory_space<vmem>> -> memref<1x100xi32, #tpu.memory_space<vmem>>
      %dma_start3A_159 = tpu.memref_squeeze %dma_start3A_158 : memref<1x100xi32, #tpu.memory_space<vmem>> -> memref<100xi32, #tpu.memory_space<vmem>>
      %dma_start3A_160 = arith.constant 0 : i32
      %dma_start3A_161 = arith.constant 0 : i32
      %dma_start3A_162 = tpu.memref_slice %arg2[%dma_start3A_160, %dma_start3A_161] : memref<10000x128xf32, #tpu.memory_space<hbm>> -> memref<10000x128xf32, #tpu.memory_space<hbm>>
      tpu.enqueue_indirect_dma source(%dma_start3A_162 : memref<10000x128xf32, #tpu.memory_space<hbm>>) target(%arg10 : memref<100x128xf32, #tpu.memory_space<vmem>>) offsets(%dma_start3A_159 : memref<100xi32, #tpu.memory_space<vmem>>) semaphore(%arg12 : memref<!tpu.dma_semaphore, #tpu.memory_space<semaphore_mem>>)
      %dma_wait3A_163 = arith.constant 0 : i32
      %dma_wait3A_164 = tpu.memref_slice %arg7[%mul3A_154, %dma_wait3A_163] : memref<100x100xi32, #tpu.memory_space<vmem>> -> memref<1x100xi32, #tpu.memory_space<vmem>>
      %dma_wait3A_165 = tpu.memref_squeeze %dma_wait3A_164 : memref<1x100xi32, #tpu.memory_space<vmem>> -> memref<100xi32, #tpu.memory_space<vmem>>
      %dma_wait3A_166 = arith.constant 0 : i32
      %dma_wait3A_167 = arith.constant 0 : i32
      %dma_wait3A_168 = tpu.memref_slice %arg2[%dma_wait3A_166, %dma_wait3A_167] : memref<10000x128xf32, #tpu.memory_space<hbm>> -> memref<10000x128xf32, #tpu.memory_space<hbm>>
      tpu.wait_indirect_dma semaphore(%arg11 : memref<!tpu.dma_semaphore, #tpu.memory_space<semaphore_mem>>) src(%dma_wait3A_168 : memref<10000x128xf32, #tpu.memory_space<hbm>>) dst(%arg9 : memref<100x128xf32, #tpu.memory_space<vmem>>)
      "tpu.region"() ({
        %run_scoped3A = tpu.sem_alloc : memref<!tpu.dma_semaphore, #tpu.memory_space<semaphore_mem>>
        %dma_start3A_177 = arith.constant 0 : i32
        %dma_start3A_178 = tpu.memref_slice %arg8[%mul3A_154, %dma_start3A_177] : memref<100x100xi32, #tpu.memory_space<vmem>> -> memref<1x100xi32, #tpu.memory_space<vmem>>
        %dma_start3A_179 = tpu.memref_squeeze %dma_start3A_178 : memref<1x100xi32, #tpu.memory_space<vmem>> -> memref<100xi32, #tpu.memory_space<vmem>>
        %dma_start3A_180 = arith.constant 0 : i32
        %dma_start3A_181 = arith.constant 0 : i32
        %dma_start3A_182 = tpu.memref_slice %arg6[%dma_start3A_180, %dma_start3A_181] : memref<10240x128xf32, #tpu.memory_space<vmem_shared>> -> memref<10240x128xf32, #tpu.memory_space<vmem_shared>>
        tpu.enqueue_indirect_dma source(%arg9 : memref<100x128xf32, #tpu.memory_space<vmem>>) target(%dma_start3A_182 : memref<10240x128xf32, #tpu.memory_space<vmem_shared>>) offsets(%dma_start3A_179 : memref<100xi32, #tpu.memory_space<vmem>>) semaphore(%run_scoped3A : memref<!tpu.dma_semaphore, #tpu.memory_space<semaphore_mem>>) {add = true}
        %dma_wait3A_183 = arith.constant 0 : i32
        %dma_wait3A_184 = tpu.memref_slice %arg8[%mul3A_154, %dma_wait3A_183] : memref<100x100xi32, #tpu.memory_space<vmem>> -> memref<1x100xi32, #tpu.memory_space<vmem>>
        %dma_wait3A_185 = tpu.memref_squeeze %dma_wait3A_184 : memref<1x100xi32, #tpu.memory_space<vmem>> -> memref<100xi32, #tpu.memory_space<vmem>>
        %dma_wait3A_186 = arith.constant 0 : i32
        %dma_wait3A_187 = arith.constant 0 : i32
        %dma_wait3A_188 = tpu.memref_slice %arg6[%dma_wait3A_186, %dma_wait3A_187] : memref<10240x128xf32, #tpu.memory_space<vmem_shared>> -> memref<10240x128xf32, #tpu.memory_space<vmem_shared>>
        tpu.wait_indirect_dma semaphore(%run_scoped3A : memref<!tpu.dma_semaphore, #tpu.memory_space<semaphore_mem>>) src(%arg9 : memref<100x128xf32, #tpu.memory_space<vmem>>) dst(%dma_wait3A_188 : memref<10240x128xf32, #tpu.memory_space<vmem_shared>>)
        tpu.yield
      }) : () -> ()
      %lt3A = arith.constant 49 : i32
      %lt3A_169 = arith.cmpi slt, %scan3A_152, %lt3A : i32
      %convert_element_type3A = arith.extui %lt3A_169 : i1 to i32
      %cond3A = arith.constant 0 : i32
      %cond3A_170 = arith.cmpi ne, %convert_element_type3A, %cond3A : i32
      scf.if %cond3A_170 {
        %add3A_177 = arith.constant 2 : i32
        %add3A_178 = arith.addi %mul3A_154, %add3A_177 : i32
        %dma_start3A_179 = arith.constant 0 : i32
        %dma_start3A_180 = tpu.memref_slice %arg7[%add3A_178, %dma_start3A_179] : memref<100x100xi32, #tpu.memory_space<vmem>> -> memref<1x100xi32, #tpu.memory_space<vmem>>
        %dma_start3A_181 = tpu.memref_squeeze %dma_start3A_180 : memref<1x100xi32, #tpu.memory_space<vmem>> -> memref<100xi32, #tpu.memory_space<vmem>>
        %dma_start3A_182 = arith.constant 0 : i32
        %dma_start3A_183 = arith.constant 0 : i32
        %dma_start3A_184 = tpu.memref_slice %arg2[%dma_start3A_182, %dma_start3A_183] : memref<10000x128xf32, #tpu.memory_space<hbm>> -> memref<10000x128xf32, #tpu.memory_space<hbm>>
        tpu.enqueue_indirect_dma source(%dma_start3A_184 : memref<10000x128xf32, #tpu.memory_space<hbm>>) target(%arg9 : memref<100x128xf32, #tpu.memory_space<vmem>>) offsets(%dma_start3A_181 : memref<100xi32, #tpu.memory_space<vmem>>) semaphore(%arg11 : memref<!tpu.dma_semaphore, #tpu.memory_space<semaphore_mem>>)
      } else {
      }
      %dma_wait3A_171 = arith.constant 0 : i32
      %dma_wait3A_172 = tpu.memref_slice %arg7[%add3A_156, %dma_wait3A_171] : memref<100x100xi32, #tpu.memory_space<vmem>> -> memref<1x100xi32, #tpu.memory_space<vmem>>
      %dma_wait3A_173 = tpu.memref_squeeze %dma_wait3A_172 : memref<1x100xi32, #tpu.memory_space<vmem>> -> memref<100xi32, #tpu.memory_space<vmem>>
      %dma_wait3A_174 = arith.constant 0 : i32
      %dma_wait3A_175 = arith.constant 0 : i32
      %dma_wait3A_176 = tpu.memref_slice %arg2[%dma_wait3A_174, %dma_wait3A_175] : memref<10000x128xf32, #tpu.memory_space<hbm>> -> memref<10000x128xf32, #tpu.memory_space<hbm>>
      tpu.wait_indirect_dma semaphore(%arg12 : memref<!tpu.dma_semaphore, #tpu.memory_space<semaphore_mem>>) src(%dma_wait3A_176 : memref<10000x128xf32, #tpu.memory_space<hbm>>) dst(%arg10 : memref<100x128xf32, #tpu.memory_space<vmem>>)
      "tpu.region"() ({
        %run_scoped3A = tpu.sem_alloc : memref<!tpu.dma_semaphore, #tpu.memory_space<semaphore_mem>>
        %dma_start3A_177 = arith.constant 0 : i32
        %dma_start3A_178 = tpu.memref_slice %arg8[%add3A_156, %dma_start3A_177] : memref<100x100xi32, #tpu.memory_space<vmem>> -> memref<1x100xi32, #tpu.memory_space<vmem>>
        %dma_start3A_179 = tpu.memref_squeeze %dma_start3A_178 : memref<1x100xi32, #tpu.memory_space<vmem>> -> memref<100xi32, #tpu.memory_space<vmem>>
        %dma_start3A_180 = arith.constant 0 : i32
        %dma_start3A_181 = arith.constant 0 : i32
        %dma_start3A_182 = tpu.memref_slice %arg6[%dma_start3A_180, %dma_start3A_181] : memref<10240x128xf32, #tpu.memory_space<vmem_shared>> -> memref<10240x128xf32, #tpu.memory_space<vmem_shared>>
        tpu.enqueue_indirect_dma source(%arg10 : memref<100x128xf32, #tpu.memory_space<vmem>>) target(%dma_start3A_182 : memref<10240x128xf32, #tpu.memory_space<vmem_shared>>) offsets(%dma_start3A_179 : memref<100xi32, #tpu.memory_space<vmem>>) semaphore(%run_scoped3A : memref<!tpu.dma_semaphore, #tpu.memory_space<semaphore_mem>>) {add = true}
        %dma_wait3A_183 = arith.constant 0 : i32
        %dma_wait3A_184 = tpu.memref_slice %arg8[%add3A_156, %dma_wait3A_183] : memref<100x100xi32, #tpu.memory_space<vmem>> -> memref<1x100xi32, #tpu.memory_space<vmem>>
        %dma_wait3A_185 = tpu.memref_squeeze %dma_wait3A_184 : memref<1x100xi32, #tpu.memory_space<vmem>> -> memref<100xi32, #tpu.memory_space<vmem>>
        %dma_wait3A_186 = arith.constant 0 : i32
        %dma_wait3A_187 = arith.constant 0 : i32
        %dma_wait3A_188 = tpu.memref_slice %arg6[%dma_wait3A_186, %dma_wait3A_187] : memref<10240x128xf32, #tpu.memory_space<vmem_shared>> -> memref<10240x128xf32, #tpu.memory_space<vmem_shared>>
        tpu.wait_indirect_dma semaphore(%run_scoped3A : memref<!tpu.dma_semaphore, #tpu.memory_space<semaphore_mem>>) src(%arg10 : memref<100x128xf32, #tpu.memory_space<vmem>>) dst(%dma_wait3A_188 : memref<10240x128xf32, #tpu.memory_space<vmem_shared>>)
        tpu.yield
      }) : () -> ()
    }
    %scan3A_80 = arith.constant 50 : i32
    %barrier3A_81 = arith.constant 0 : index
    tpu.barrier barrier_id(%barrier3A_81)
    %mul3A_82 = arith.constant 640 : i32
    %mul3A_83 = arith.muli %arg1, %mul3A_82 : i32
    %add3A_84 = arith.constant 0 : i32
    %add3A_85 = arith.addi %mul3A_83, %add3A_84 : i32
    %dma_start3A_86 = arith.constant 0 : i32
    %dma_start3A_87 = tpu.memref_slice %arg5[%arg0, %add3A_85, %dma_start3A_86] : memref<2x10240x128xf32, #tpu.memory_space<hbm>> -> memref<1x128x128xf32, #tpu.memory_space<hbm>>
    %dma_start3A_88 = tpu.memref_squeeze %dma_start3A_87 : memref<1x128x128xf32, #tpu.memory_space<hbm>> -> memref<128x128xf32, #tpu.memory_space<hbm>>
    %dma_start3A_89 = arith.constant 0 : i32
    %dma_start3A_90 = tpu.memref_slice %arg6[%add3A_85, %dma_start3A_89] : memref<10240x128xf32, #tpu.memory_space<vmem_shared>> -> memref<128x128xf32, #tpu.memory_space<vmem_shared>>
    tpu.enqueue_dma source(%dma_start3A_90 : memref<128x128xf32, #tpu.memory_space<vmem_shared>>) target(%dma_start3A_88 : memref<128x128xf32, #tpu.memory_space<hbm>>) target_semaphore(%arg11 : memref<!tpu.dma_semaphore, #tpu.memory_space<semaphore_mem>>)
    %mul3A_91 = arith.constant 640 : i32
    %mul3A_92 = arith.muli %arg1, %mul3A_91 : i32
    %add3A_93 = arith.constant 128 : i32
    %add3A_94 = arith.addi %mul3A_92, %add3A_93 : i32
    %dma_start3A_95 = arith.constant 0 : i32
    %dma_start3A_96 = tpu.memref_slice %arg5[%arg0, %add3A_94, %dma_start3A_95] : memref<2x10240x128xf32, #tpu.memory_space<hbm>> -> memref<1x128x128xf32, #tpu.memory_space<hbm>>
    %dma_start3A_97 = tpu.memref_squeeze %dma_start3A_96 : memref<1x128x128xf32, #tpu.memory_space<hbm>> -> memref<128x128xf32, #tpu.memory_space<hbm>>
    %dma_start3A_98 = arith.constant 0 : i32
    %dma_start3A_99 = tpu.memref_slice %arg6[%add3A_94, %dma_start3A_98] : memref<10240x128xf32, #tpu.memory_space<vmem_shared>> -> memref<128x128xf32, #tpu.memory_space<vmem_shared>>
    tpu.enqueue_dma source(%dma_start3A_99 : memref<128x128xf32, #tpu.memory_space<vmem_shared>>) target(%dma_start3A_97 : memref<128x128xf32, #tpu.memory_space<hbm>>) target_semaphore(%arg11 : memref<!tpu.dma_semaphore, #tpu.memory_space<semaphore_mem>>)
    %mul3A_100 = arith.constant 640 : i32
    %mul3A_101 = arith.muli %arg1, %mul3A_100 : i32
    %add3A_102 = arith.constant 256 : i32
    %add3A_103 = arith.addi %mul3A_101, %add3A_102 : i32
    %dma_start3A_104 = arith.constant 0 : i32
    %dma_start3A_105 = tpu.memref_slice %arg5[%arg0, %add3A_103, %dma_start3A_104] : memref<2x10240x128xf32, #tpu.memory_space<hbm>> -> memref<1x128x128xf32, #tpu.memory_space<hbm>>
    %dma_start3A_106 = tpu.memref_squeeze %dma_start3A_105 : memref<1x128x128xf32, #tpu.memory_space<hbm>> -> memref<128x128xf32, #tpu.memory_space<hbm>>
    %dma_start3A_107 = arith.constant 0 : i32
    %dma_start3A_108 = tpu.memref_slice %arg6[%add3A_103, %dma_start3A_107] : memref<10240x128xf32, #tpu.memory_space<vmem_shared>> -> memref<128x128xf32, #tpu.memory_space<vmem_shared>>
    tpu.enqueue_dma source(%dma_start3A_108 : memref<128x128xf32, #tpu.memory_space<vmem_shared>>) target(%dma_start3A_106 : memref<128x128xf32, #tpu.memory_space<hbm>>) target_semaphore(%arg11 : memref<!tpu.dma_semaphore, #tpu.memory_space<semaphore_mem>>)
    %mul3A_109 = arith.constant 640 : i32
    %mul3A_110 = arith.muli %arg1, %mul3A_109 : i32
    %add3A_111 = arith.constant 384 : i32
    %add3A_112 = arith.addi %mul3A_110, %add3A_111 : i32
    %dma_start3A_113 = arith.constant 0 : i32
    %dma_start3A_114 = tpu.memref_slice %arg5[%arg0, %add3A_112, %dma_start3A_113] : memref<2x10240x128xf32, #tpu.memory_space<hbm>> -> memref<1x128x128xf32, #tpu.memory_space<hbm>>
    %dma_start3A_115 = tpu.memref_squeeze %dma_start3A_114 : memref<1x128x128xf32, #tpu.memory_space<hbm>> -> memref<128x128xf32, #tpu.memory_space<hbm>>
    %dma_start3A_116 = arith.constant 0 : i32
    %dma_start3A_117 = tpu.memref_slice %arg6[%add3A_112, %dma_start3A_116] : memref<10240x128xf32, #tpu.memory_space<vmem_shared>> -> memref<128x128xf32, #tpu.memory_space<vmem_shared>>
    tpu.enqueue_dma source(%dma_start3A_117 : memref<128x128xf32, #tpu.memory_space<vmem_shared>>) target(%dma_start3A_115 : memref<128x128xf32, #tpu.memory_space<hbm>>) target_semaphore(%arg11 : memref<!tpu.dma_semaphore, #tpu.memory_space<semaphore_mem>>)
    %mul3A_118 = arith.constant 640 : i32
    %mul3A_119 = arith.muli %arg1, %mul3A_118 : i32
    %add3A_120 = arith.constant 512 : i32
    %add3A_121 = arith.addi %mul3A_119, %add3A_120 : i32
    %dma_start3A_122 = arith.constant 0 : i32
    %dma_start3A_123 = tpu.memref_slice %arg5[%arg0, %add3A_121, %dma_start3A_122] : memref<2x10240x128xf32, #tpu.memory_space<hbm>> -> memref<1x128x128xf32, #tpu.memory_space<hbm>>
    %dma_start3A_124 = tpu.memref_squeeze %dma_start3A_123 : memref<1x128x128xf32, #tpu.memory_space<hbm>> -> memref<128x128xf32, #tpu.memory_space<hbm>>
    %dma_start3A_125 = arith.constant 0 : i32
    %dma_start3A_126 = tpu.memref_slice %arg6[%add3A_121, %dma_start3A_125] : memref<10240x128xf32, #tpu.memory_space<vmem_shared>> -> memref<128x128xf32, #tpu.memory_space<vmem_shared>>
    tpu.enqueue_dma source(%dma_start3A_126 : memref<128x128xf32, #tpu.memory_space<vmem_shared>>) target(%dma_start3A_124 : memref<128x128xf32, #tpu.memory_space<hbm>>) target_semaphore(%arg11 : memref<!tpu.dma_semaphore, #tpu.memory_space<semaphore_mem>>)
    %dma_wait3A_127 = arith.constant 0 : i32
    %dma_wait3A_128 = tpu.memref_slice %arg5[%arg0, %add3A_85, %dma_wait3A_127] : memref<2x10240x128xf32, #tpu.memory_space<hbm>> -> memref<1x128x128xf32, #tpu.memory_space<hbm>>
    %dma_wait3A_129 = tpu.memref_squeeze %dma_wait3A_128 : memref<1x128x128xf32, #tpu.memory_space<hbm>> -> memref<128x128xf32, #tpu.memory_space<hbm>>
    %dma_wait3A_130 = arith.constant 0 : i32
    %dma_wait3A_131 = tpu.memref_slice %arg6[%add3A_85, %dma_wait3A_130] : memref<10240x128xf32, #tpu.memory_space<vmem_shared>> -> memref<128x128xf32, #tpu.memory_space<vmem_shared>>
    tpu.wait_dma2 semaphore(%arg11 : memref<!tpu.dma_semaphore, #tpu.memory_space<semaphore_mem>>) src(%dma_wait3A_131 : memref<128x128xf32, #tpu.memory_space<vmem_shared>>) dst(%dma_wait3A_129 : memref<128x128xf32, #tpu.memory_space<hbm>>)
    %dma_wait3A_132 = arith.constant 0 : i32
    %dma_wait3A_133 = tpu.memref_slice %arg5[%arg0, %add3A_94, %dma_wait3A_132] : memref<2x10240x128xf32, #tpu.memory_space<hbm>> -> memref<1x128x128xf32, #tpu.memory_space<hbm>>
    %dma_wait3A_134 = tpu.memref_squeeze %dma_wait3A_133 : memref<1x128x128xf32, #tpu.memory_space<hbm>> -> memref<128x128xf32, #tpu.memory_space<hbm>>
    %dma_wait3A_135 = arith.constant 0 : i32
    %dma_wait3A_136 = tpu.memref_slice %arg6[%add3A_94, %dma_wait3A_135] : memref<10240x128xf32, #tpu.memory_space<vmem_shared>> -> memref<128x128xf32, #tpu.memory_space<vmem_shared>>
    tpu.wait_dma2 semaphore(%arg11 : memref<!tpu.dma_semaphore, #tpu.memory_space<semaphore_mem>>) src(%dma_wait3A_136 : memref<128x128xf32, #tpu.memory_space<vmem_shared>>) dst(%dma_wait3A_134 : memref<128x128xf32, #tpu.memory_space<hbm>>)
    %dma_wait3A_137 = arith.constant 0 : i32
    %dma_wait3A_138 = tpu.memref_slice %arg5[%arg0, %add3A_103, %dma_wait3A_137] : memref<2x10240x128xf32, #tpu.memory_space<hbm>> -> memref<1x128x128xf32, #tpu.memory_space<hbm>>
    %dma_wait3A_139 = tpu.memref_squeeze %dma_wait3A_138 : memref<1x128x128xf32, #tpu.memory_space<hbm>> -> memref<128x128xf32, #tpu.memory_space<hbm>>
    %dma_wait3A_140 = arith.constant 0 : i32
    %dma_wait3A_141 = tpu.memref_slice %arg6[%add3A_103, %dma_wait3A_140] : memref<10240x128xf32, #tpu.memory_space<vmem_shared>> -> memref<128x128xf32, #tpu.memory_space<vmem_shared>>
    tpu.wait_dma2 semaphore(%arg11 : memref<!tpu.dma_semaphore, #tpu.memory_space<semaphore_mem>>) src(%dma_wait3A_141 : memref<128x128xf32, #tpu.memory_space<vmem_shared>>) dst(%dma_wait3A_139 : memref<128x128xf32, #tpu.memory_space<hbm>>)
    %dma_wait3A_142 = arith.constant 0 : i32
    %dma_wait3A_143 = tpu.memref_slice %arg5[%arg0, %add3A_112, %dma_wait3A_142] : memref<2x10240x128xf32, #tpu.memory_space<hbm>> -> memref<1x128x128xf32, #tpu.memory_space<hbm>>
    %dma_wait3A_144 = tpu.memref_squeeze %dma_wait3A_143 : memref<1x128x128xf32, #tpu.memory_space<hbm>> -> memref<128x128xf32, #tpu.memory_space<hbm>>
    %dma_wait3A_145 = arith.constant 0 : i32
    %dma_wait3A_146 = tpu.memref_slice %arg6[%add3A_112, %dma_wait3A_145] : memref<10240x128xf32, #tpu.memory_space<vmem_shared>> -> memref<128x128xf32, #tpu.memory_space<vmem_shared>>
    tpu.wait_dma2 semaphore(%arg11 : memref<!tpu.dma_semaphore, #tpu.memory_space<semaphore_mem>>) src(%dma_wait3A_146 : memref<128x128xf32, #tpu.memory_space<vmem_shared>>) dst(%dma_wait3A_144 : memref<128x128xf32, #tpu.memory_space<hbm>>)
    %dma_wait3A_147 = arith.constant 0 : i32
    %dma_wait3A_148 = tpu.memref_slice %arg5[%arg0, %add3A_121, %dma_wait3A_147] : memref<2x10240x128xf32, #tpu.memory_space<hbm>> -> memref<1x128x128xf32, #tpu.memory_space<hbm>>
    %dma_wait3A_149 = tpu.memref_squeeze %dma_wait3A_148 : memref<1x128x128xf32, #tpu.memory_space<hbm>> -> memref<128x128xf32, #tpu.memory_space<hbm>>
    %dma_wait3A_150 = arith.constant 0 : i32
    %dma_wait3A_151 = tpu.memref_slice %arg6[%add3A_121, %dma_wait3A_150] : memref<10240x128xf32, #tpu.memory_space<vmem_shared>> -> memref<128x128xf32, #tpu.memory_space<vmem_shared>>
    tpu.wait_dma2 semaphore(%arg11 : memref<!tpu.dma_semaphore, #tpu.memory_space<semaphore_mem>>) src(%dma_wait3A_151 : memref<128x128xf32, #tpu.memory_space<vmem_shared>>) dst(%dma_wait3A_149 : memref<128x128xf32, #tpu.memory_space<hbm>>)
    return
  }
}

#map = affine_map<(d0, d1) -> (0, 0)>
#map1 = affine_map<(d0, d1) -> (0, 0, 0)>
module attributes {stable_mosaic.version = 14 : i64} {
  func.func @body(%arg0: i32, %arg1: i32, %arg2: memref<10000x128xf32, #tpu.memory_space<hbm>>, %arg3: memref<32x100x100xi32, #tpu.memory_space<hbm>>, %arg4: memref<32x100x100xi32, #tpu.memory_space<hbm>>, %arg5: memref<2x10240x128xf32, #tpu.memory_space<hbm>>, %arg6: memref<10240x128xf32, #tpu.memory_space<vmem_shared>>, %arg7: memref<100x100xi32, #tpu.memory_space<vmem>>, %arg8: memref<100x100xi32, #tpu.memory_space<vmem>>, %arg9: memref<100x128xf32, #tpu.memory_space<vmem>>, %arg10: memref<100x128xf32, #tpu.memory_space<vmem>>, %arg11: memref<!tpu.dma_semaphore, #tpu.memory_space<semaphore_mem>>, %arg12: memref<!tpu.dma_semaphore, #tpu.memory_space<semaphore_mem>>) attributes {dimension_semantics = [#tpu.dimension_semantics<core_parallel>, #tpu.dimension_semantics<subcore_parallel>], iteration_bounds = array<i64: 2, 16>, scalar_prefetch = 0 : i64, scratch_operands = 7 : i64, tpu.core_type = #tpu.core_type<sc_vector_subcore>, window_params = [{transform_indices = #map}, {transform_indices = #map1}, {transform_indices = #map1}, {transform_indices = #map1}]} {
    %mul3A = arith.constant 16 : i32
    %mul3A_0 = arith.muli %arg0, %mul3A : i32
    %add3A = arith.addi %mul3A_0, %arg1 : i32
    %dma_start3A = arith.constant 0 : i32
    %dma_start3A_1 = arith.constant 0 : i32
    %dma_start3A_2 = tpu.memref_slice %arg3[%add3A, %dma_start3A, %dma_start3A_1] : memref<32x100x100xi32, #tpu.memory_space<hbm>> -> memref<1x100x100xi32, #tpu.memory_space<hbm>>
    %dma_start3A_3 = tpu.memref_squeeze %dma_start3A_2 : memref<1x100x100xi32, #tpu.memory_space<hbm>> -> memref<100x100xi32, #tpu.memory_space<hbm>>
    %dma_start3A_4 = arith.constant 0 : i32
    %dma_start3A_5 = arith.constant 0 : i32
    %dma_start3A_6 = tpu.memref_slice %arg3[%add3A, %dma_start3A_4, %dma_start3A_5] : memref<32x100x100xi32, #tpu.memory_space<hbm>> -> memref<1x100x100xi32, #tpu.memory_space<hbm>>
    %dma_start3A_7 = tpu.memref_squeeze %dma_start3A_6 : memref<1x100x100xi32, #tpu.memory_space<hbm>> -> memref<100x100xi32, #tpu.memory_space<hbm>>
    tpu.enqueue_dma source(%dma_start3A_7 : memref<100x100xi32, #tpu.memory_space<hbm>>) target(%arg7 : memref<100x100xi32, #tpu.memory_space<vmem>>) target_semaphore(%arg11 : memref<!tpu.dma_semaphore, #tpu.memory_space<semaphore_mem>>)
    %dma_start3A_8 = arith.constant 0 : i32
    %dma_start3A_9 = arith.constant 0 : i32
    %dma_start3A_10 = tpu.memref_slice %arg4[%add3A, %dma_start3A_8, %dma_start3A_9] : memref<32x100x100xi32, #tpu.memory_space<hbm>> -> memref<1x100x100xi32, #tpu.memory_space<hbm>>
    %dma_start3A_11 = tpu.memref_squeeze %dma_start3A_10 : memref<1x100x100xi32, #tpu.memory_space<hbm>> -> memref<100x100xi32, #tpu.memory_space<hbm>>
    %dma_start3A_12 = arith.constant 0 : i32
    %dma_start3A_13 = arith.constant 0 : i32
    %dma_start3A_14 = tpu.memref_slice %arg4[%add3A, %dma_start3A_12, %dma_start3A_13] : memref<32x100x100xi32, #tpu.memory_space<hbm>> -> memref<1x100x100xi32, #tpu.memory_space<hbm>>
    %dma_start3A_15 = tpu.memref_squeeze %dma_start3A_14 : memref<1x100x100xi32, #tpu.memory_space<hbm>> -> memref<100x100xi32, #tpu.memory_space<hbm>>
    tpu.enqueue_dma source(%dma_start3A_15 : memref<100x100xi32, #tpu.memory_space<hbm>>) target(%arg8 : memref<100x100xi32, #tpu.memory_space<vmem>>) target_semaphore(%arg12 : memref<!tpu.dma_semaphore, #tpu.memory_space<semaphore_mem>>)
    %scan3A = arith.constant 0 : i32
    %scan3A_16 = arith.constant 0 : i32
    %scan3A_17 = arith.constant 800 : i32
    %scan3A_18 = arith.addi %scan3A_16, %scan3A_17 : i32
    %scan3A_19 = arith.constant 1 : i32
    scf.for %scan3A_152 = %scan3A_16 to %scan3A_18 step %scan3A_19  : i32 {
      %broadcast_in_dim3A = arith.constant 0.000000e+00 : f32
      %broadcast_in_dim3A_153 = vector.broadcast %broadcast_in_dim3A : f32 to vector<16xf32>
      %jit3A = arith.constant 8 : i32
      %div3A = arith.divsi %scan3A_152, %jit3A : i32
      %sign3A = arith.constant 0 : i32
      %sign3A_154 = arith.cmpi sgt, %scan3A_152, %sign3A : i32
      %sign3A_155 = arith.extui %sign3A_154 : i1 to i32
      %sign3A_156 = arith.constant 0 : i32
      %sign3A_157 = arith.cmpi slt, %scan3A_152, %sign3A_156 : i32
      %sign3A_158 = arith.extui %sign3A_157 : i1 to i32
      %sign3A_159 = arith.subi %sign3A_155, %sign3A_158 : i32
      %sign3A_160 = arith.constant 0 : i32
      %sign3A_161 = arith.cmpi sgt, %jit3A, %sign3A_160 : i32
      %sign3A_162 = arith.extui %sign3A_161 : i1 to i32
      %sign3A_163 = arith.constant 0 : i32
      %sign3A_164 = arith.cmpi slt, %jit3A, %sign3A_163 : i32
      %sign3A_165 = arith.extui %sign3A_164 : i1 to i32
      %sign3A_166 = arith.subi %sign3A_162, %sign3A_165 : i32
      %ne3A = arith.cmpi ne, %sign3A_159, %sign3A_166 : i32
      %rem3A = arith.remsi %scan3A_152, %jit3A : i32
      %ne3A_167 = arith.constant 0 : i32
      %ne3A_168 = arith.cmpi ne, %rem3A, %ne3A_167 : i32
      %and3A = arith.andi %ne3A, %ne3A_168 : i1
      %sub3A = arith.constant 1 : i32
      %sub3A_169 = arith.subi %div3A, %sub3A : i32
      %select_n3A = arith.select %and3A, %sub3A_169, %div3A : i32
      %jit3A_170 = arith.constant 8 : i32
      %eq3A = arith.constant 0 : i32
      %eq3A_171 = arith.cmpi eq, %jit3A_170, %eq3A : i32
      %jit3A_172 = arith.constant 1 : i32
      %select_n3A_173 = arith.select %eq3A_171, %jit3A_172, %jit3A_170 : i32
      %rem3A_174 = arith.remsi %scan3A_152, %select_n3A_173 : i32
      %ne3A_175 = arith.constant 0 : i32
      %ne3A_176 = arith.cmpi ne, %rem3A_174, %ne3A_175 : i32
      %lt3A = arith.constant 0 : i32
      %lt3A_177 = arith.cmpi slt, %rem3A_174, %lt3A : i32
      %lt3A_178 = arith.constant 0 : i32
      %lt3A_179 = arith.cmpi slt, %select_n3A_173, %lt3A_178 : i32
      %ne3A_180 = arith.xori %lt3A_177, %lt3A_179 : i1
      %and3A_181 = arith.andi %ne3A_180, %ne3A_176 : i1
      %add3A_182 = arith.addi %rem3A_174, %select_n3A_173 : i32
      %select_n3A_183 = arith.select %and3A_181, %add3A_182, %rem3A_174 : i32
      %mul3A_184 = arith.constant 16 : i32
      %mul3A_185 = arith.muli %select_n3A_183, %mul3A_184 : i32
      %swap3A = arith.index_cast %select_n3A : i32 to index
      %swap3A_186 = arith.index_cast %mul3A_185 : i32 to index
      %swap3A_187 = tpu.vector_load %arg9[%swap3A, %swap3A_186] {strides = array<i32>} : memref<100x128xf32, #tpu.memory_space<vmem>>, vector<1x16xf32>,
      %swap3A_188 = vector.shape_cast %swap3A_187 : vector<1x16xf32> to vector<16xf32>
      %swap3A_189 = vector.shape_cast %broadcast_in_dim3A_153 : vector<16xf32> to vector<1x16xf32>
      tpu.vector_store %arg9[%swap3A, %swap3A_186], %swap3A_189 {strides = array<i32>} : memref<100x128xf32, #tpu.memory_space<vmem>>, vector<1x16xf32>,
    }
    %scan3A_20 = arith.constant 800 : i32
    %mul3A_21 = arith.constant 640 : i32
    %mul3A_22 = arith.muli %arg1, %mul3A_21 : i32
    %add3A_23 = arith.constant 0 : i32
    %add3A_24 = arith.addi %mul3A_22, %add3A_23 : i32
    "tpu.region"() ({
      %run_scoped3A = tpu.sem_alloc : memref<!tpu.dma_semaphore, #tpu.memory_space<semaphore_mem>>
      %dma_start3A_152 = arith.constant 0 : i32
      %dma_start3A_153 = arith.constant 0 : i32
      %dma_start3A_154 = tpu.memref_slice %arg9[%dma_start3A_152, %dma_start3A_153] : memref<100x128xf32, #tpu.memory_space<vmem>> -> memref<80x128xf32, #tpu.memory_space<vmem>>
      %dma_start3A_155 = arith.constant 0 : i32
      %dma_start3A_156 = tpu.memref_slice %arg6[%add3A_24, %dma_start3A_155] : memref<10240x128xf32, #tpu.memory_space<vmem_shared>> -> memref<80x128xf32, #tpu.memory_space<vmem_shared>>
      %dma_start3A_157 = arith.constant 0 : i32
      %dma_start3A_158 = tpu.memref_slice %arg6[%add3A_24, %dma_start3A_157] : memref<10240x128xf32, #tpu.memory_space<vmem_shared>> -> memref<80x128xf32, #tpu.memory_space<vmem_shared>>
      %dma_start3A_159 = arith.constant 0 : i32
      %dma_start3A_160 = arith.constant 0 : i32
      %dma_start3A_161 = tpu.memref_slice %arg9[%dma_start3A_159, %dma_start3A_160] : memref<100x128xf32, #tpu.memory_space<vmem>> -> memref<80x128xf32, #tpu.memory_space<vmem>>
      tpu.enqueue_dma source(%dma_start3A_161 : memref<80x128xf32, #tpu.memory_space<vmem>>) target(%dma_start3A_158 : memref<80x128xf32, #tpu.memory_space<vmem_shared>>) target_semaphore(%run_scoped3A : memref<!tpu.dma_semaphore, #tpu.memory_space<semaphore_mem>>)
      %dma_wait3A_162 = arith.constant 0 : i32
      %dma_wait3A_163 = arith.constant 0 : i32
      %dma_wait3A_164 = tpu.memref_slice %arg9[%dma_wait3A_162, %dma_wait3A_163] : memref<100x128xf32, #tpu.memory_space<vmem>> -> memref<80x128xf32, #tpu.memory_space<vmem>>
      %dma_wait3A_165 = arith.constant 0 : i32
      %dma_wait3A_166 = tpu.memref_slice %arg6[%add3A_24, %dma_wait3A_165] : memref<10240x128xf32, #tpu.memory_space<vmem_shared>> -> memref<80x128xf32, #tpu.memory_space<vmem_shared>>
      %dma_wait3A_167 = arith.constant 0 : i32
      %dma_wait3A_168 = tpu.memref_slice %arg6[%add3A_24, %dma_wait3A_167] : memref<10240x128xf32, #tpu.memory_space<vmem_shared>> -> memref<80x128xf32, #tpu.memory_space<vmem_shared>>
      %dma_wait3A_169 = arith.constant 0 : i32
      %dma_wait3A_170 = arith.constant 0 : i32
      %dma_wait3A_171 = tpu.memref_slice %arg9[%dma_wait3A_169, %dma_wait3A_170] : memref<100x128xf32, #tpu.memory_space<vmem>> -> memref<80x128xf32, #tpu.memory_space<vmem>>
      tpu.wait_dma2 semaphore(%run_scoped3A : memref<!tpu.dma_semaphore, #tpu.memory_space<semaphore_mem>>) src(%dma_wait3A_171 : memref<80x128xf32, #tpu.memory_space<vmem>>) dst(%dma_wait3A_168 : memref<80x128xf32, #tpu.memory_space<vmem_shared>>)
      tpu.yield
    }) : () -> ()
    %mul3A_25 = arith.constant 640 : i32
    %mul3A_26 = arith.muli %arg1, %mul3A_25 : i32
    %add3A_27 = arith.constant 80 : i32
    %add3A_28 = arith.addi %mul3A_26, %add3A_27 : i32
    "tpu.region"() ({
      %run_scoped3A = tpu.sem_alloc : memref<!tpu.dma_semaphore, #tpu.memory_space<semaphore_mem>>
      %dma_start3A_152 = arith.constant 0 : i32
      %dma_start3A_153 = arith.constant 0 : i32
      %dma_start3A_154 = tpu.memref_slice %arg9[%dma_start3A_152, %dma_start3A_153] : memref<100x128xf32, #tpu.memory_space<vmem>> -> memref<80x128xf32, #tpu.memory_space<vmem>>
      %dma_start3A_155 = arith.constant 0 : i32
      %dma_start3A_156 = tpu.memref_slice %arg6[%add3A_28, %dma_start3A_155] : memref<10240x128xf32, #tpu.memory_space<vmem_shared>> -> memref<80x128xf32, #tpu.memory_space<vmem_shared>>
      %dma_start3A_157 = arith.constant 0 : i32
      %dma_start3A_158 = tpu.memref_slice %arg6[%add3A_28, %dma_start3A_157] : memref<10240x128xf32, #tpu.memory_space<vmem_shared>> -> memref<80x128xf32, #tpu.memory_space<vmem_shared>>
      %dma_start3A_159 = arith.constant 0 : i32
      %dma_start3A_160 = arith.constant 0 : i32
      %dma_start3A_161 = tpu.memref_slice %arg9[%dma_start3A_159, %dma_start3A_160] : memref<100x128xf32, #tpu.memory_space<vmem>> -> memref<80x128xf32, #tpu.memory_space<vmem>>
      tpu.enqueue_dma source(%dma_start3A_161 : memref<80x128xf32, #tpu.memory_space<vmem>>) target(%dma_start3A_158 : memref<80x128xf32, #tpu.memory_space<vmem_shared>>) target_semaphore(%run_scoped3A : memref<!tpu.dma_semaphore, #tpu.memory_space<semaphore_mem>>)
      %dma_wait3A_162 = arith.constant 0 : i32
      %dma_wait3A_163 = arith.constant 0 : i32
      %dma_wait3A_164 = tpu.memref_slice %arg9[%dma_wait3A_162, %dma_wait3A_163] : memref<100x128xf32, #tpu.memory_space<vmem>> -> memref<80x128xf32, #tpu.memory_space<vmem>>
      %dma_wait3A_165 = arith.constant 0 : i32
      %dma_wait3A_166 = tpu.memref_slice %arg6[%add3A_28, %dma_wait3A_165] : memref<10240x128xf32, #tpu.memory_space<vmem_shared>> -> memref<80x128xf32, #tpu.memory_space<vmem_shared>>
      %dma_wait3A_167 = arith.constant 0 : i32
      %dma_wait3A_168 = tpu.memref_slice %arg6[%add3A_28, %dma_wait3A_167] : memref<10240x128xf32, #tpu.memory_space<vmem_shared>> -> memref<80x128xf32, #tpu.memory_space<vmem_shared>>
      %dma_wait3A_169 = arith.constant 0 : i32
      %dma_wait3A_170 = arith.constant 0 : i32
      %dma_wait3A_171 = tpu.memref_slice %arg9[%dma_wait3A_169, %dma_wait3A_170] : memref<100x128xf32, #tpu.memory_space<vmem>> -> memref<80x128xf32, #tpu.memory_space<vmem>>
      tpu.wait_dma2 semaphore(%run_scoped3A : memref<!tpu.dma_semaphore, #tpu.memory_space<semaphore_mem>>) src(%dma_wait3A_171 : memref<80x128xf32, #tpu.memory_space<vmem>>) dst(%dma_wait3A_168 : memref<80x128xf32, #tpu.memory_space<vmem_shared>>)
      tpu.yield
    }) : () -> ()
    %mul3A_29 = arith.constant 640 : i32
    %mul3A_30 = arith.muli %arg1, %mul3A_29 : i32
    %add3A_31 = arith.constant 160 : i32
    %add3A_32 = arith.addi %mul3A_30, %add3A_31 : i32
    "tpu.region"() ({
      %run_scoped3A = tpu.sem_alloc : memref<!tpu.dma_semaphore, #tpu.memory_space<semaphore_mem>>
      %dma_start3A_152 = arith.constant 0 : i32
      %dma_start3A_153 = arith.constant 0 : i32
      %dma_start3A_154 = tpu.memref_slice %arg9[%dma_start3A_152, %dma_start3A_153] : memref<100x128xf32, #tpu.memory_space<vmem>> -> memref<80x128xf32, #tpu.memory_space<vmem>>
      %dma_start3A_155 = arith.constant 0 : i32
      %dma_start3A_156 = tpu.memref_slice %arg6[%add3A_32, %dma_start3A_155] : memref<10240x128xf32, #tpu.memory_space<vmem_shared>> -> memref<80x128xf32, #tpu.memory_space<vmem_shared>>
      %dma_start3A_157 = arith.constant 0 : i32
      %dma_start3A_158 = tpu.memref_slice %arg6[%add3A_32, %dma_start3A_157] : memref<10240x128xf32, #tpu.memory_space<vmem_shared>> -> memref<80x128xf32, #tpu.memory_space<vmem_shared>>
      %dma_start3A_159 = arith.constant 0 : i32
      %dma_start3A_160 = arith.constant 0 : i32
      %dma_start3A_161 = tpu.memref_slice %arg9[%dma_start3A_159, %dma_start3A_160] : memref<100x128xf32, #tpu.memory_space<vmem>> -> memref<80x128xf32, #tpu.memory_space<vmem>>
      tpu.enqueue_dma source(%dma_start3A_161 : memref<80x128xf32, #tpu.memory_space<vmem>>) target(%dma_start3A_158 : memref<80x128xf32, #tpu.memory_space<vmem_shared>>) target_semaphore(%run_scoped3A : memref<!tpu.dma_semaphore, #tpu.memory_space<semaphore_mem>>)
      %dma_wait3A_162 = arith.constant 0 : i32
      %dma_wait3A_163 = arith.constant 0 : i32
      %dma_wait3A_164 = tpu.memref_slice %arg9[%dma_wait3A_162, %dma_wait3A_163] : memref<100x128xf32, #tpu.memory_space<vmem>> -> memref<80x128xf32, #tpu.memory_space<vmem>>
      %dma_wait3A_165 = arith.constant 0 : i32
      %dma_wait3A_166 = tpu.memref_slice %arg6[%add3A_32, %dma_wait3A_165] : memref<10240x128xf32, #tpu.memory_space<vmem_shared>> -> memref<80x128xf32, #tpu.memory_space<vmem_shared>>
      %dma_wait3A_167 = arith.constant 0 : i32
      %dma_wait3A_168 = tpu.memref_slice %arg6[%add3A_32, %dma_wait3A_167] : memref<10240x128xf32, #tpu.memory_space<vmem_shared>> -> memref<80x128xf32, #tpu.memory_space<vmem_shared>>
      %dma_wait3A_169 = arith.constant 0 : i32
      %dma_wait3A_170 = arith.constant 0 : i32
      %dma_wait3A_171 = tpu.memref_slice %arg9[%dma_wait3A_169, %dma_wait3A_170] : memref<100x128xf32, #tpu.memory_space<vmem>> -> memref<80x128xf32, #tpu.memory_space<vmem>>
      tpu.wait_dma2 semaphore(%run_scoped3A : memref<!tpu.dma_semaphore, #tpu.memory_space<semaphore_mem>>) src(%dma_wait3A_171 : memref<80x128xf32, #tpu.memory_space<vmem>>) dst(%dma_wait3A_168 : memref<80x128xf32, #tpu.memory_space<vmem_shared>>)
      tpu.yield
    }) : () -> ()
    %mul3A_33 = arith.constant 640 : i32
    %mul3A_34 = arith.muli %arg1, %mul3A_33 : i32
    %add3A_35 = arith.constant 240 : i32
    %add3A_36 = arith.addi %mul3A_34, %add3A_35 : i32
    "tpu.region"() ({
      %run_scoped3A = tpu.sem_alloc : memref<!tpu.dma_semaphore, #tpu.memory_space<semaphore_mem>>
      %dma_start3A_152 = arith.constant 0 : i32
      %dma_start3A_153 = arith.constant 0 : i32
      %dma_start3A_154 = tpu.memref_slice %arg9[%dma_start3A_152, %dma_start3A_153] : memref<100x128xf32, #tpu.memory_space<vmem>> -> memref<80x128xf32, #tpu.memory_space<vmem>>
      %dma_start3A_155 = arith.constant 0 : i32
      %dma_start3A_156 = tpu.memref_slice %arg6[%add3A_36, %dma_start3A_155] : memref<10240x128xf32, #tpu.memory_space<vmem_shared>> -> memref<80x128xf32, #tpu.memory_space<vmem_shared>>
      %dma_start3A_157 = arith.constant 0 : i32
      %dma_start3A_158 = tpu.memref_slice %arg6[%add3A_36, %dma_start3A_157] : memref<10240x128xf32, #tpu.memory_space<vmem_shared>> -> memref<80x128xf32, #tpu.memory_space<vmem_shared>>
      %dma_start3A_159 = arith.constant 0 : i32
      %dma_start3A_160 = arith.constant 0 : i32
      %dma_start3A_161 = tpu.memref_slice %arg9[%dma_start3A_159, %dma_start3A_160] : memref<100x128xf32, #tpu.memory_space<vmem>> -> memref<80x128xf32, #tpu.memory_space<vmem>>
      tpu.enqueue_dma source(%dma_start3A_161 : memref<80x128xf32, #tpu.memory_space<vmem>>) target(%dma_start3A_158 : memref<80x128xf32, #tpu.memory_space<vmem_shared>>) target_semaphore(%run_scoped3A : memref<!tpu.dma_semaphore, #tpu.memory_space<semaphore_mem>>)
      %dma_wait3A_162 = arith.constant 0 : i32
      %dma_wait3A_163 = arith.constant 0 : i32
      %dma_wait3A_164 = tpu.memref_slice %arg9[%dma_wait3A_162, %dma_wait3A_163] : memref<100x128xf32, #tpu.memory_space<vmem>> -> memref<80x128xf32, #tpu.memory_space<vmem>>
      %dma_wait3A_165 = arith.constant 0 : i32
      %dma_wait3A_166 = tpu.memref_slice %arg6[%add3A_36, %dma_wait3A_165] : memref<10240x128xf32, #tpu.memory_space<vmem_shared>> -> memref<80x128xf32, #tpu.memory_space<vmem_shared>>
      %dma_wait3A_167 = arith.constant 0 : i32
      %dma_wait3A_168 = tpu.memref_slice %arg6[%add3A_36, %dma_wait3A_167] : memref<10240x128xf32, #tpu.memory_space<vmem_shared>> -> memref<80x128xf32, #tpu.memory_space<vmem_shared>>
      %dma_wait3A_169 = arith.constant 0 : i32
      %dma_wait3A_170 = arith.constant 0 : i32
      %dma_wait3A_171 = tpu.memref_slice %arg9[%dma_wait3A_169, %dma_wait3A_170] : memref<100x128xf32, #tpu.memory_space<vmem>> -> memref<80x128xf32, #tpu.memory_space<vmem>>
      tpu.wait_dma2 semaphore(%run_scoped3A : memref<!tpu.dma_semaphore, #tpu.memory_space<semaphore_mem>>) src(%dma_wait3A_171 : memref<80x128xf32, #tpu.memory_space<vmem>>) dst(%dma_wait3A_168 : memref<80x128xf32, #tpu.memory_space<vmem_shared>>)
      tpu.yield
    }) : () -> ()
    %mul3A_37 = arith.constant 640 : i32
    %mul3A_38 = arith.muli %arg1, %mul3A_37 : i32
    %add3A_39 = arith.constant 320 : i32
    %add3A_40 = arith.addi %mul3A_38, %add3A_39 : i32
    "tpu.region"() ({
      %run_scoped3A = tpu.sem_alloc : memref<!tpu.dma_semaphore, #tpu.memory_space<semaphore_mem>>
      %dma_start3A_152 = arith.constant 0 : i32
      %dma_start3A_153 = arith.constant 0 : i32
      %dma_start3A_154 = tpu.memref_slice %arg9[%dma_start3A_152, %dma_start3A_153] : memref<100x128xf32, #tpu.memory_space<vmem>> -> memref<80x128xf32, #tpu.memory_space<vmem>>
      %dma_start3A_155 = arith.constant 0 : i32
      %dma_start3A_156 = tpu.memref_slice %arg6[%add3A_40, %dma_start3A_155] : memref<10240x128xf32, #tpu.memory_space<vmem_shared>> -> memref<80x128xf32, #tpu.memory_space<vmem_shared>>
      %dma_start3A_157 = arith.constant 0 : i32
      %dma_start3A_158 = tpu.memref_slice %arg6[%add3A_40, %dma_start3A_157] : memref<10240x128xf32, #tpu.memory_space<vmem_shared>> -> memref<80x128xf32, #tpu.memory_space<vmem_shared>>
      %dma_start3A_159 = arith.constant 0 : i32
      %dma_start3A_160 = arith.constant 0 : i32
      %dma_start3A_161 = tpu.memref_slice %arg9[%dma_start3A_159, %dma_start3A_160] : memref<100x128xf32, #tpu.memory_space<vmem>> -> memref<80x128xf32, #tpu.memory_space<vmem>>
      tpu.enqueue_dma source(%dma_start3A_161 : memref<80x128xf32, #tpu.memory_space<vmem>>) target(%dma_start3A_158 : memref<80x128xf32, #tpu.memory_space<vmem_shared>>) target_semaphore(%run_scoped3A : memref<!tpu.dma_semaphore, #tpu.memory_space<semaphore_mem>>)
      %dma_wait3A_162 = arith.constant 0 : i32
      %dma_wait3A_163 = arith.constant 0 : i32
      %dma_wait3A_164 = tpu.memref_slice %arg9[%dma_wait3A_162, %dma_wait3A_163] : memref<100x128xf32, #tpu.memory_space<vmem>> -> memref<80x128xf32, #tpu.memory_space<vmem>>
      %dma_wait3A_165 = arith.constant 0 : i32
      %dma_wait3A_166 = tpu.memref_slice %arg6[%add3A_40, %dma_wait3A_165] : memref<10240x128xf32, #tpu.memory_space<vmem_shared>> -> memref<80x128xf32, #tpu.memory_space<vmem_shared>>
      %dma_wait3A_167 = arith.constant 0 : i32
      %dma_wait3A_168 = tpu.memref_slice %arg6[%add3A_40, %dma_wait3A_167] : memref<10240x128xf32, #tpu.memory_space<vmem_shared>> -> memref<80x128xf32, #tpu.memory_space<vmem_shared>>
      %dma_wait3A_169 = arith.constant 0 : i32
      %dma_wait3A_170 = arith.constant 0 : i32
      %dma_wait3A_171 = tpu.memref_slice %arg9[%dma_wait3A_169, %dma_wait3A_170] : memref<100x128xf32, #tpu.memory_space<vmem>> -> memref<80x128xf32, #tpu.memory_space<vmem>>
      tpu.wait_dma2 semaphore(%run_scoped3A : memref<!tpu.dma_semaphore, #tpu.memory_space<semaphore_mem>>) src(%dma_wait3A_171 : memref<80x128xf32, #tpu.memory_space<vmem>>) dst(%dma_wait3A_168 : memref<80x128xf32, #tpu.memory_space<vmem_shared>>)
      tpu.yield
    }) : () -> ()
    %mul3A_41 = arith.constant 640 : i32
    %mul3A_42 = arith.muli %arg1, %mul3A_41 : i32
    %add3A_43 = arith.constant 400 : i32
    %add3A_44 = arith.addi %mul3A_42, %add3A_43 : i32
    "tpu.region"() ({
      %run_scoped3A = tpu.sem_alloc : memref<!tpu.dma_semaphore, #tpu.memory_space<semaphore_mem>>
      %dma_start3A_152 = arith.constant 0 : i32
      %dma_start3A_153 = arith.constant 0 : i32
      %dma_start3A_154 = tpu.memref_slice %arg9[%dma_start3A_152, %dma_start3A_153] : memref<100x128xf32, #tpu.memory_space<vmem>> -> memref<80x128xf32, #tpu.memory_space<vmem>>
      %dma_start3A_155 = arith.constant 0 : i32
      %dma_start3A_156 = tpu.memref_slice %arg6[%add3A_44, %dma_start3A_155] : memref<10240x128xf32, #tpu.memory_space<vmem_shared>> -> memref<80x128xf32, #tpu.memory_space<vmem_shared>>
      %dma_start3A_157 = arith.constant 0 : i32
      %dma_start3A_158 = tpu.memref_slice %arg6[%add3A_44, %dma_start3A_157] : memref<10240x128xf32, #tpu.memory_space<vmem_shared>> -> memref<80x128xf32, #tpu.memory_space<vmem_shared>>
      %dma_start3A_159 = arith.constant 0 : i32
      %dma_start3A_160 = arith.constant 0 : i32
      %dma_start3A_161 = tpu.memref_slice %arg9[%dma_start3A_159, %dma_start3A_160] : memref<100x128xf32, #tpu.memory_space<vmem>> -> memref<80x128xf32, #tpu.memory_space<vmem>>
      tpu.enqueue_dma source(%dma_start3A_161 : memref<80x128xf32, #tpu.memory_space<vmem>>) target(%dma_start3A_158 : memref<80x128xf32, #tpu.memory_space<vmem_shared>>) target_semaphore(%run_scoped3A : memref<!tpu.dma_semaphore, #tpu.memory_space<semaphore_mem>>)
      %dma_wait3A_162 = arith.constant 0 : i32
      %dma_wait3A_163 = arith.constant 0 : i32
      %dma_wait3A_164 = tpu.memref_slice %arg9[%dma_wait3A_162, %dma_wait3A_163] : memref<100x128xf32, #tpu.memory_space<vmem>> -> memref<80x128xf32, #tpu.memory_space<vmem>>
      %dma_wait3A_165 = arith.constant 0 : i32
      %dma_wait3A_166 = tpu.memref_slice %arg6[%add3A_44, %dma_wait3A_165] : memref<10240x128xf32, #tpu.memory_space<vmem_shared>> -> memref<80x128xf32, #tpu.memory_space<vmem_shared>>
      %dma_wait3A_167 = arith.constant 0 : i32
      %dma_wait3A_168 = tpu.memref_slice %arg6[%add3A_44, %dma_wait3A_167] : memref<10240x128xf32, #tpu.memory_space<vmem_shared>> -> memref<80x128xf32, #tpu.memory_space<vmem_shared>>
      %dma_wait3A_169 = arith.constant 0 : i32
      %dma_wait3A_170 = arith.constant 0 : i32
      %dma_wait3A_171 = tpu.memref_slice %arg9[%dma_wait3A_169, %dma_wait3A_170] : memref<100x128xf32, #tpu.memory_space<vmem>> -> memref<80x128xf32, #tpu.memory_space<vmem>>
      tpu.wait_dma2 semaphore(%run_scoped3A : memref<!tpu.dma_semaphore, #tpu.memory_space<semaphore_mem>>) src(%dma_wait3A_171 : memref<80x128xf32, #tpu.memory_space<vmem>>) dst(%dma_wait3A_168 : memref<80x128xf32, #tpu.memory_space<vmem_shared>>)
      tpu.yield
    }) : () -> ()
    %mul3A_45 = arith.constant 640 : i32
    %mul3A_46 = arith.muli %arg1, %mul3A_45 : i32
    %add3A_47 = arith.constant 480 : i32
    %add3A_48 = arith.addi %mul3A_46, %add3A_47 : i32
    "tpu.region"() ({
      %run_scoped3A = tpu.sem_alloc : memref<!tpu.dma_semaphore, #tpu.memory_space<semaphore_mem>>
      %dma_start3A_152 = arith.constant 0 : i32
      %dma_start3A_153 = arith.constant 0 : i32
      %dma_start3A_154 = tpu.memref_slice %arg9[%dma_start3A_152, %dma_start3A_153] : memref<100x128xf32, #tpu.memory_space<vmem>> -> memref<80x128xf32, #tpu.memory_space<vmem>>
      %dma_start3A_155 = arith.constant 0 : i32
      %dma_start3A_156 = tpu.memref_slice %arg6[%add3A_48, %dma_start3A_155] : memref<10240x128xf32, #tpu.memory_space<vmem_shared>> -> memref<80x128xf32, #tpu.memory_space<vmem_shared>>
      %dma_start3A_157 = arith.constant 0 : i32
      %dma_start3A_158 = tpu.memref_slice %arg6[%add3A_48, %dma_start3A_157] : memref<10240x128xf32, #tpu.memory_space<vmem_shared>> -> memref<80x128xf32, #tpu.memory_space<vmem_shared>>
      %dma_start3A_159 = arith.constant 0 : i32
      %dma_start3A_160 = arith.constant 0 : i32
      %dma_start3A_161 = tpu.memref_slice %arg9[%dma_start3A_159, %dma_start3A_160] : memref<100x128xf32, #tpu.memory_space<vmem>> -> memref<80x128xf32, #tpu.memory_space<vmem>>
      tpu.enqueue_dma source(%dma_start3A_161 : memref<80x128xf32, #tpu.memory_space<vmem>>) target(%dma_start3A_158 : memref<80x128xf32, #tpu.memory_space<vmem_shared>>) target_semaphore(%run_scoped3A : memref<!tpu.dma_semaphore, #tpu.memory_space<semaphore_mem>>)
      %dma_wait3A_162 = arith.constant 0 : i32
      %dma_wait3A_163 = arith.constant 0 : i32
      %dma_wait3A_164 = tpu.memref_slice %arg9[%dma_wait3A_162, %dma_wait3A_163] : memref<100x128xf32, #tpu.memory_space<vmem>> -> memref<80x128xf32, #tpu.memory_space<vmem>>
      %dma_wait3A_165 = arith.constant 0 : i32
      %dma_wait3A_166 = tpu.memref_slice %arg6[%add3A_48, %dma_wait3A_165] : memref<10240x128xf32, #tpu.memory_space<vmem_shared>> -> memref<80x128xf32, #tpu.memory_space<vmem_shared>>
      %dma_wait3A_167 = arith.constant 0 : i32
      %dma_wait3A_168 = tpu.memref_slice %arg6[%add3A_48, %dma_wait3A_167] : memref<10240x128xf32, #tpu.memory_space<vmem_shared>> -> memref<80x128xf32, #tpu.memory_space<vmem_shared>>
      %dma_wait3A_169 = arith.constant 0 : i32
      %dma_wait3A_170 = arith.constant 0 : i32
      %dma_wait3A_171 = tpu.memref_slice %arg9[%dma_wait3A_169, %dma_wait3A_170] : memref<100x128xf32, #tpu.memory_space<vmem>> -> memref<80x128xf32, #tpu.memory_space<vmem>>
      tpu.wait_dma2 semaphore(%run_scoped3A : memref<!tpu.dma_semaphore, #tpu.memory_space<semaphore_mem>>) src(%dma_wait3A_171 : memref<80x128xf32, #tpu.memory_space<vmem>>) dst(%dma_wait3A_168 : memref<80x128xf32, #tpu.memory_space<vmem_shared>>)
      tpu.yield
    }) : () -> ()
    %mul3A_49 = arith.constant 640 : i32
    %mul3A_50 = arith.muli %arg1, %mul3A_49 : i32
    %add3A_51 = arith.constant 560 : i32
    %add3A_52 = arith.addi %mul3A_50, %add3A_51 : i32
    "tpu.region"() ({
      %run_scoped3A = tpu.sem_alloc : memref<!tpu.dma_semaphore, #tpu.memory_space<semaphore_mem>>
      %dma_start3A_152 = arith.constant 0 : i32
      %dma_start3A_153 = arith.constant 0 : i32
      %dma_start3A_154 = tpu.memref_slice %arg9[%dma_start3A_152, %dma_start3A_153] : memref<100x128xf32, #tpu.memory_space<vmem>> -> memref<80x128xf32, #tpu.memory_space<vmem>>
      %dma_start3A_155 = arith.constant 0 : i32
      %dma_start3A_156 = tpu.memref_slice %arg6[%add3A_52, %dma_start3A_155] : memref<10240x128xf32, #tpu.memory_space<vmem_shared>> -> memref<80x128xf32, #tpu.memory_space<vmem_shared>>
      %dma_start3A_157 = arith.constant 0 : i32
      %dma_start3A_158 = tpu.memref_slice %arg6[%add3A_52, %dma_start3A_157] : memref<10240x128xf32, #tpu.memory_space<vmem_shared>> -> memref<80x128xf32, #tpu.memory_space<vmem_shared>>
      %dma_start3A_159 = arith.constant 0 : i32
      %dma_start3A_160 = arith.constant 0 : i32
      %dma_start3A_161 = tpu.memref_slice %arg9[%dma_start3A_159, %dma_start3A_160] : memref<100x128xf32, #tpu.memory_space<vmem>> -> memref<80x128xf32, #tpu.memory_space<vmem>>
      tpu.enqueue_dma source(%dma_start3A_161 : memref<80x128xf32, #tpu.memory_space<vmem>>) target(%dma_start3A_158 : memref<80x128xf32, #tpu.memory_space<vmem_shared>>) target_semaphore(%run_scoped3A : memref<!tpu.dma_semaphore, #tpu.memory_space<semaphore_mem>>)
      %dma_wait3A_162 = arith.constant 0 : i32
      %dma_wait3A_163 = arith.constant 0 : i32
      %dma_wait3A_164 = tpu.memref_slice %arg9[%dma_wait3A_162, %dma_wait3A_163] : memref<100x128xf32, #tpu.memory_space<vmem>> -> memref<80x128xf32, #tpu.memory_space<vmem>>
      %dma_wait3A_165 = arith.constant 0 : i32
      %dma_wait3A_166 = tpu.memref_slice %arg6[%add3A_52, %dma_wait3A_165] : memref<10240x128xf32, #tpu.memory_space<vmem_shared>> -> memref<80x128xf32, #tpu.memory_space<vmem_shared>>
      %dma_wait3A_167 = arith.constant 0 : i32
      %dma_wait3A_168 = tpu.memref_slice %arg6[%add3A_52, %dma_wait3A_167] : memref<10240x128xf32, #tpu.memory_space<vmem_shared>> -> memref<80x128xf32, #tpu.memory_space<vmem_shared>>
      %dma_wait3A_169 = arith.constant 0 : i32
      %dma_wait3A_170 = arith.constant 0 : i32
      %dma_wait3A_171 = tpu.memref_slice %arg9[%dma_wait3A_169, %dma_wait3A_170] : memref<100x128xf32, #tpu.memory_space<vmem>> -> memref<80x128xf32, #tpu.memory_space<vmem>>
      tpu.wait_dma2 semaphore(%run_scoped3A : memref<!tpu.dma_semaphore, #tpu.memory_space<semaphore_mem>>) src(%dma_wait3A_171 : memref<80x128xf32, #tpu.memory_space<vmem>>) dst(%dma_wait3A_168 : memref<80x128xf32, #tpu.memory_space<vmem_shared>>)
      tpu.yield
    }) : () -> ()
    %dma_wait3A = arith.constant 0 : i32
    %dma_wait3A_53 = arith.constant 0 : i32
    %dma_wait3A_54 = tpu.memref_slice %arg3[%add3A, %dma_wait3A, %dma_wait3A_53] : memref<32x100x100xi32, #tpu.memory_space<hbm>> -> memref<1x100x100xi32, #tpu.memory_space<hbm>>
    %dma_wait3A_55 = tpu.memref_squeeze %dma_wait3A_54 : memref<1x100x100xi32, #tpu.memory_space<hbm>> -> memref<100x100xi32, #tpu.memory_space<hbm>>
    %dma_wait3A_56 = arith.constant 0 : i32
    %dma_wait3A_57 = arith.constant 0 : i32
    %dma_wait3A_58 = tpu.memref_slice %arg3[%add3A, %dma_wait3A_56, %dma_wait3A_57] : memref<32x100x100xi32, #tpu.memory_space<hbm>> -> memref<1x100x100xi32, #tpu.memory_space<hbm>>
    %dma_wait3A_59 = tpu.memref_squeeze %dma_wait3A_58 : memref<1x100x100xi32, #tpu.memory_space<hbm>> -> memref<100x100xi32, #tpu.memory_space<hbm>>
    tpu.wait_dma2 semaphore(%arg11 : memref<!tpu.dma_semaphore, #tpu.memory_space<semaphore_mem>>) src(%dma_wait3A_59 : memref<100x100xi32, #tpu.memory_space<hbm>>) dst(%arg7 : memref<100x100xi32, #tpu.memory_space<vmem>>)
    %dma_wait3A_60 = arith.constant 0 : i32
    %dma_wait3A_61 = arith.constant 0 : i32
    %dma_wait3A_62 = tpu.memref_slice %arg4[%add3A, %dma_wait3A_60, %dma_wait3A_61] : memref<32x100x100xi32, #tpu.memory_space<hbm>> -> memref<1x100x100xi32, #tpu.memory_space<hbm>>
    %dma_wait3A_63 = tpu.memref_squeeze %dma_wait3A_62 : memref<1x100x100xi32, #tpu.memory_space<hbm>> -> memref<100x100xi32, #tpu.memory_space<hbm>>
    %dma_wait3A_64 = arith.constant 0 : i32
    %dma_wait3A_65 = arith.constant 0 : i32
    %dma_wait3A_66 = tpu.memref_slice %arg4[%add3A, %dma_wait3A_64, %dma_wait3A_65] : memref<32x100x100xi32, #tpu.memory_space<hbm>> -> memref<1x100x100xi32, #tpu.memory_space<hbm>>
    %dma_wait3A_67 = tpu.memref_squeeze %dma_wait3A_66 : memref<1x100x100xi32, #tpu.memory_space<hbm>> -> memref<100x100xi32, #tpu.memory_space<hbm>>
    tpu.wait_dma2 semaphore(%arg12 : memref<!tpu.dma_semaphore, #tpu.memory_space<semaphore_mem>>) src(%dma_wait3A_67 : memref<100x100xi32, #tpu.memory_space<hbm>>) dst(%arg8 : memref<100x100xi32, #tpu.memory_space<vmem>>)
    %barrier3A = arith.constant 0 : index
    tpu.barrier barrier_id(%barrier3A)
    %dma_start3A_68 = arith.constant 0 : i32
    %dma_start3A_69 = arith.constant 0 : i32
    %dma_start3A_70 = tpu.memref_slice %arg7[%dma_start3A_68, %dma_start3A_69] : memref<100x100xi32, #tpu.memory_space<vmem>> -> memref<1x100xi32, #tpu.memory_space<vmem>>
    %dma_start3A_71 = tpu.memref_squeeze %dma_start3A_70 : memref<1x100xi32, #tpu.memory_space<vmem>> -> memref<100xi32, #tpu.memory_space<vmem>>
    %dma_start3A_72 = arith.constant 0 : i32
    %dma_start3A_73 = arith.constant 0 : i32
    %dma_start3A_74 = tpu.memref_slice %arg2[%dma_start3A_72, %dma_start3A_73] : memref<10000x128xf32, #tpu.memory_space<hbm>> -> memref<10000x128xf32, #tpu.memory_space<hbm>>
    tpu.enqueue_indirect_dma source(%dma_start3A_74 : memref<10000x128xf32, #tpu.memory_space<hbm>>) target(%arg9 : memref<100x128xf32, #tpu.memory_space<vmem>>) offsets(%dma_start3A_71 : memref<100xi32, #tpu.memory_space<vmem>>) semaphore(%arg11 : memref<!tpu.dma_semaphore, #tpu.memory_space<semaphore_mem>>)
    %scan3A_75 = arith.constant 0 : i32
    %scan3A_76 = arith.constant 0 : i32
    %scan3A_77 = arith.constant 50 : i32
    %scan3A_78 = arith.addi %scan3A_76, %scan3A_77 : i32
    %scan3A_79 = arith.constant 1 : i32
    scf.for %scan3A_152 = %scan3A_76 to %scan3A_78 step %scan3A_79  : i32 {
      %mul3A_153 = arith.constant 2 : i32
      %mul3A_154 = arith.muli %scan3A_152, %mul3A_153 : i32
      %add3A_155 = arith.constant 1 : i32
      %add3A_156 = arith.addi %mul3A_154, %add3A_155 : i32
      %dma_start3A_157 = arith.constant 0 : i32
      %dma_start3A_158 = tpu.memref_slice %arg7[%add3A_156, %dma_start3A_157] : memref<100x100xi32, #tpu.memory_space<vmem>> -> memref<1x100xi32, #tpu.memory_space<vmem>>
      %dma_start3A_159 = tpu.memref_squeeze %dma_start3A_158 : memref<1x100xi32, #tpu.memory_space<vmem>> -> memref<100xi32, #tpu.memory_space<vmem>>
      %dma_start3A_160 = arith.constant 0 : i32
      %dma_start3A_161 = arith.constant 0 : i32
      %dma_start3A_162 = tpu.memref_slice %arg2[%dma_start3A_160, %dma_start3A_161] : memref<10000x128xf32, #tpu.memory_space<hbm>> -> memref<10000x128xf32, #tpu.memory_space<hbm>>
      tpu.enqueue_indirect_dma source(%dma_start3A_162 : memref<10000x128xf32, #tpu.memory_space<hbm>>) target(%arg10 : memref<100x128xf32, #tpu.memory_space<vmem>>) offsets(%dma_start3A_159 : memref<100xi32, #tpu.memory_space<vmem>>) semaphore(%arg12 : memref<!tpu.dma_semaphore, #tpu.memory_space<semaphore_mem>>)
      %dma_wait3A_163 = arith.constant 0 : i32
      %dma_wait3A_164 = tpu.memref_slice %arg7[%mul3A_154, %dma_wait3A_163] : memref<100x100xi32, #tpu.memory_space<vmem>> -> memref<1x100xi32, #tpu.memory_space<vmem>>
      %dma_wait3A_165 = tpu.memref_squeeze %dma_wait3A_164 : memref<1x100xi32, #tpu.memory_space<vmem>> -> memref<100xi32, #tpu.memory_space<vmem>>
      %dma_wait3A_166 = arith.constant 0 : i32
      %dma_wait3A_167 = arith.constant 0 : i32
      %dma_wait3A_168 = tpu.memref_slice %arg2[%dma_wait3A_166, %dma_wait3A_167] : memref<10000x128xf32, #tpu.memory_space<hbm>> -> memref<10000x128xf32, #tpu.memory_space<hbm>>
      tpu.wait_indirect_dma semaphore(%arg11 : memref<!tpu.dma_semaphore, #tpu.memory_space<semaphore_mem>>) src(%dma_wait3A_168 : memref<10000x128xf32, #tpu.memory_space<hbm>>) dst(%arg9 : memref<100x128xf32, #tpu.memory_space<vmem>>)
      "tpu.region"() ({
        %run_scoped3A = tpu.sem_alloc : memref<!tpu.dma_semaphore, #tpu.memory_space<semaphore_mem>>
        %dma_start3A_177 = arith.constant 0 : i32
        %dma_start3A_178 = tpu.memref_slice %arg8[%mul3A_154, %dma_start3A_177] : memref<100x100xi32, #tpu.memory_space<vmem>> -> memref<1x100xi32, #tpu.memory_space<vmem>>
        %dma_start3A_179 = tpu.memref_squeeze %dma_start3A_178 : memref<1x100xi32, #tpu.memory_space<vmem>> -> memref<100xi32, #tpu.memory_space<vmem>>
        %dma_start3A_180 = arith.constant 0 : i32
        %dma_start3A_181 = arith.constant 0 : i32
        %dma_start3A_182 = tpu.memref_slice %arg6[%dma_start3A_180, %dma_start3A_181] : memref<10240x128xf32, #tpu.memory_space<vmem_shared>> -> memref<10240x128xf32, #tpu.memory_space<vmem_shared>>
        tpu.enqueue_indirect_dma source(%arg9 : memref<100x128xf32, #tpu.memory_space<vmem>>) target(%dma_start3A_182 : memref<10240x128xf32, #tpu.memory_space<vmem_shared>>) offsets(%dma_start3A_179 : memref<100xi32, #tpu.memory_space<vmem>>) semaphore(%run_scoped3A : memref<!tpu.dma_semaphore, #tpu.memory_space<semaphore_mem>>) {add = true}
        %dma_wait3A_183 = arith.constant 0 : i32
        %dma_wait3A_184 = tpu.memref_slice %arg8[%mul3A_154, %dma_wait3A_183] : memref<100x100xi32, #tpu.memory_space<vmem>> -> memref<1x100xi32, #tpu.memory_space<vmem>>
        %dma_wait3A_185 = tpu.memref_squeeze %dma_wait3A_184 : memref<1x100xi32, #tpu.memory_space<vmem>> -> memref<100xi32, #tpu.memory_space<vmem>>
        %dma_wait3A_186 = arith.constant 0 : i32
        %dma_wait3A_187 = arith.constant 0 : i32
        %dma_wait3A_188 = tpu.memref_slice %arg6[%dma_wait3A_186, %dma_wait3A_187] : memref<10240x128xf32, #tpu.memory_space<vmem_shared>> -> memref<10240x128xf32, #tpu.memory_space<vmem_shared>>
        tpu.wait_indirect_dma semaphore(%run_scoped3A : memref<!tpu.dma_semaphore, #tpu.memory_space<semaphore_mem>>) src(%arg9 : memref<100x128xf32, #tpu.memory_space<vmem>>) dst(%dma_wait3A_188 : memref<10240x128xf32, #tpu.memory_space<vmem_shared>>)
        tpu.yield
      }) : () -> ()
      %lt3A = arith.constant 49 : i32
      %lt3A_169 = arith.cmpi slt, %scan3A_152, %lt3A : i32
      %convert_element_type3A = arith.extui %lt3A_169 : i1 to i32
      %cond3A = arith.constant 0 : i32
      %cond3A_170 = arith.cmpi ne, %convert_element_type3A, %cond3A : i32
      scf.if %cond3A_170 {
        %add3A_177 = arith.constant 2 : i32
        %add3A_178 = arith.addi %mul3A_154, %add3A_177 : i32
        %dma_start3A_179 = arith.constant 0 : i32
        %dma_start3A_180 = tpu.memref_slice %arg7[%add3A_178, %dma_start3A_179] : memref<100x100xi32, #tpu.memory_space<vmem>> -> memref<1x100xi32, #tpu.memory_space<vmem>>
        %dma_start3A_181 = tpu.memref_squeeze %dma_start3A_180 : memref<1x100xi32, #tpu.memory_space<vmem>> -> memref<100xi32, #tpu.memory_space<vmem>>
        %dma_start3A_182 = arith.constant 0 : i32
        %dma_start3A_183 = arith.constant 0 : i32
        %dma_start3A_184 = tpu.memref_slice %arg2[%dma_start3A_182, %dma_start3A_183] : memref<10000x128xf32, #tpu.memory_space<hbm>> -> memref<10000x128xf32, #tpu.memory_space<hbm>>
        tpu.enqueue_indirect_dma source(%dma_start3A_184 : memref<10000x128xf32, #tpu.memory_space<hbm>>) target(%arg9 : memref<100x128xf32, #tpu.memory_space<vmem>>) offsets(%dma_start3A_181 : memref<100xi32, #tpu.memory_space<vmem>>) semaphore(%arg11 : memref<!tpu.dma_semaphore, #tpu.memory_space<semaphore_mem>>)
      } else {
      }
      %dma_wait3A_171 = arith.constant 0 : i32
      %dma_wait3A_172 = tpu.memref_slice %arg7[%add3A_156, %dma_wait3A_171] : memref<100x100xi32, #tpu.memory_space<vmem>> -> memref<1x100xi32, #tpu.memory_space<vmem>>
      %dma_wait3A_173 = tpu.memref_squeeze %dma_wait3A_172 : memref<1x100xi32, #tpu.memory_space<vmem>> -> memref<100xi32, #tpu.memory_space<vmem>>
      %dma_wait3A_174 = arith.constant 0 : i32
      %dma_wait3A_175 = arith.constant 0 : i32
      %dma_wait3A_176 = tpu.memref_slice %arg2[%dma_wait3A_174, %dma_wait3A_175] : memref<10000x128xf32, #tpu.memory_space<hbm>> -> memref<10000x128xf32, #tpu.memory_space<hbm>>
      tpu.wait_indirect_dma semaphore(%arg12 : memref<!tpu.dma_semaphore, #tpu.memory_space<semaphore_mem>>) src(%dma_wait3A_176 : memref<10000x128xf32, #tpu.memory_space<hbm>>) dst(%arg10 : memref<100x128xf32, #tpu.memory_space<vmem>>)
      "tpu.region"() ({
        %run_scoped3A = tpu.sem_alloc : memref<!tpu.dma_semaphore, #tpu.memory_space<semaphore_mem>>
        %dma_start3A_177 = arith.constant 0 : i32
        %dma_start3A_178 = tpu.memref_slice %arg8[%add3A_156, %dma_start3A_177] : memref<100x100xi32, #tpu.memory_space<vmem>> -> memref<1x100xi32, #tpu.memory_space<vmem>>
        %dma_start3A_179 = tpu.memref_squeeze %dma_start3A_178 : memref<1x100xi32, #tpu.memory_space<vmem>> -> memref<100xi32, #tpu.memory_space<vmem>>
        %dma_start3A_180 = arith.constant 0 : i32
        %dma_start3A_181 = arith.constant 0 : i32
        %dma_start3A_182 = tpu.memref_slice %arg6[%dma_start3A_180, %dma_start3A_181] : memref<10240x128xf32, #tpu.memory_space<vmem_shared>> -> memref<10240x128xf32, #tpu.memory_space<vmem_shared>>
        tpu.enqueue_indirect_dma source(%arg10 : memref<100x128xf32, #tpu.memory_space<vmem>>) target(%dma_start3A_182 : memref<10240x128xf32, #tpu.memory_space<vmem_shared>>) offsets(%dma_start3A_179 : memref<100xi32, #tpu.memory_space<vmem>>) semaphore(%run_scoped3A : memref<!tpu.dma_semaphore, #tpu.memory_space<semaphore_mem>>) {add = true}
        %dma_wait3A_183 = arith.constant 0 : i32
        %dma_wait3A_184 = tpu.memref_slice %arg8[%add3A_156, %dma_wait3A_183] : memref<100x100xi32, #tpu.memory_space<vmem>> -> memref<1x100xi32, #tpu.memory_space<vmem>>
        %dma_wait3A_185 = tpu.memref_squeeze %dma_wait3A_184 : memref<1x100xi32, #tpu.memory_space<vmem>> -> memref<100xi32, #tpu.memory_space<vmem>>
        %dma_wait3A_186 = arith.constant 0 : i32
        %dma_wait3A_187 = arith.constant 0 : i32
        %dma_wait3A_188 = tpu.memref_slice %arg6[%dma_wait3A_186, %dma_wait3A_187] : memref<10240x128xf32, #tpu.memory_space<vmem_shared>> -> memref<10240x128xf32, #tpu.memory_space<vmem_shared>>
        tpu.wait_indirect_dma semaphore(%run_scoped3A : memref<!tpu.dma_semaphore, #tpu.memory_space<semaphore_mem>>) src(%arg10 : memref<100x128xf32, #tpu.memory_space<vmem>>) dst(%dma_wait3A_188 : memref<10240x128xf32, #tpu.memory_space<vmem_shared>>)
        tpu.yield
      }) : () -> ()
    }
    %scan3A_80 = arith.constant 50 : i32
    %barrier3A_81 = arith.constant 0 : index
    tpu.barrier barrier_id(%barrier3A_81)
    %mul3A_82 = arith.constant 640 : i32
    %mul3A_83 = arith.muli %arg1, %mul3A_82 : i32
    %add3A_84 = arith.constant 0 : i32
    %add3A_85 = arith.addi %mul3A_83, %add3A_84 : i32
    %dma_start3A_86 = arith.constant 0 : i32
    %dma_start3A_87 = tpu.memref_slice %arg5[%arg0, %add3A_85, %dma_start3A_86] : memref<2x10240x128xf32, #tpu.memory_space<hbm>> -> memref<1x128x128xf32, #tpu.memory_space<hbm>>
    %dma_start3A_88 = tpu.memref_squeeze %dma_start3A_87 : memref<1x128x128xf32, #tpu.memory_space<hbm>> -> memref<128x128xf32, #tpu.memory_space<hbm>>
    %dma_start3A_89 = arith.constant 0 : i32
    %dma_start3A_90 = tpu.memref_slice %arg6[%add3A_85, %dma_start3A_89] : memref<10240x128xf32, #tpu.memory_space<vmem_shared>> -> memref<128x128xf32, #tpu.memory_space<vmem_shared>>
    tpu.enqueue_dma source(%dma_start3A_90 : memref<128x128xf32, #tpu.memory_space<vmem_shared>>) target(%dma_start3A_88 : memref<128x128xf32, #tpu.memory_space<hbm>>) target_semaphore(%arg11 : memref<!tpu.dma_semaphore, #tpu.memory_space<semaphore_mem>>)
    %mul3A_91 = arith.constant 640 : i32
    %mul3A_92 = arith.muli %arg1, %mul3A_91 : i32
    %add3A_93 = arith.constant 128 : i32
    %add3A_94 = arith.addi %mul3A_92, %add3A_93 : i32
    %dma_start3A_95 = arith.constant 0 : i32
    %dma_start3A_96 = tpu.memref_slice %arg5[%arg0, %add3A_94, %dma_start3A_95] : memref<2x10240x128xf32, #tpu.memory_space<hbm>> -> memref<1x128x128xf32, #tpu.memory_space<hbm>>
    %dma_start3A_97 = tpu.memref_squeeze %dma_start3A_96 : memref<1x128x128xf32, #tpu.memory_space<hbm>> -> memref<128x128xf32, #tpu.memory_space<hbm>>
    %dma_start3A_98 = arith.constant 0 : i32
    %dma_start3A_99 = tpu.memref_slice %arg6[%add3A_94, %dma_start3A_98] : memref<10240x128xf32, #tpu.memory_space<vmem_shared>> -> memref<128x128xf32, #tpu.memory_space<vmem_shared>>
    tpu.enqueue_dma source(%dma_start3A_99 : memref<128x128xf32, #tpu.memory_space<vmem_shared>>) target(%dma_start3A_97 : memref<128x128xf32, #tpu.memory_space<hbm>>) target_semaphore(%arg11 : memref<!tpu.dma_semaphore, #tpu.memory_space<semaphore_mem>>)
    %mul3A_100 = arith.constant 640 : i32
    %mul3A_101 = arith.muli %arg1, %mul3A_100 : i32
    %add3A_102 = arith.constant 256 : i32
    %add3A_103 = arith.addi %mul3A_101, %add3A_102 : i32
    %dma_start3A_104 = arith.constant 0 : i32
    %dma_start3A_105 = tpu.memref_slice %arg5[%arg0, %add3A_103, %dma_start3A_104] : memref<2x10240x128xf32, #tpu.memory_space<hbm>> -> memref<1x128x128xf32, #tpu.memory_space<hbm>>
    %dma_start3A_106 = tpu.memref_squeeze %dma_start3A_105 : memref<1x128x128xf32, #tpu.memory_space<hbm>> -> memref<128x128xf32, #tpu.memory_space<hbm>>
    %dma_start3A_107 = arith.constant 0 : i32
    %dma_start3A_108 = tpu.memref_slice %arg6[%add3A_103, %dma_start3A_107] : memref<10240x128xf32, #tpu.memory_space<vmem_shared>> -> memref<128x128xf32, #tpu.memory_space<vmem_shared>>
    tpu.enqueue_dma source(%dma_start3A_108 : memref<128x128xf32, #tpu.memory_space<vmem_shared>>) target(%dma_start3A_106 : memref<128x128xf32, #tpu.memory_space<hbm>>) target_semaphore(%arg11 : memref<!tpu.dma_semaphore, #tpu.memory_space<semaphore_mem>>)
    %mul3A_109 = arith.constant 640 : i32
    %mul3A_110 = arith.muli %arg1, %mul3A_109 : i32
    %add3A_111 = arith.constant 384 : i32
    %add3A_112 = arith.addi %mul3A_110, %add3A_111 : i32
    %dma_start3A_113 = arith.constant 0 : i32
    %dma_start3A_114 = tpu.memref_slice %arg5[%arg0, %add3A_112, %dma_start3A_113] : memref<2x10240x128xf32, #tpu.memory_space<hbm>> -> memref<1x128x128xf32, #tpu.memory_space<hbm>>
    %dma_start3A_115 = tpu.memref_squeeze %dma_start3A_114 : memref<1x128x128xf32, #tpu.memory_space<hbm>> -> memref<128x128xf32, #tpu.memory_space<hbm>>
    %dma_start3A_116 = arith.constant 0 : i32
    %dma_start3A_117 = tpu.memref_slice %arg6[%add3A_112, %dma_start3A_116] : memref<10240x128xf32, #tpu.memory_space<vmem_shared>> -> memref<128x128xf32, #tpu.memory_space<vmem_shared>>
    tpu.enqueue_dma source(%dma_start3A_117 : memref<128x128xf32, #tpu.memory_space<vmem_shared>>) target(%dma_start3A_115 : memref<128x128xf32, #tpu.memory_space<hbm>>) target_semaphore(%arg11 : memref<!tpu.dma_semaphore, #tpu.memory_space<semaphore_mem>>)
    %mul3A_118 = arith.constant 640 : i32
    %mul3A_119 = arith.muli %arg1, %mul3A_118 : i32
    %add3A_120 = arith.constant 512 : i32
    %add3A_121 = arith.addi %mul3A_119, %add3A_120 : i32
    %dma_start3A_122 = arith.constant 0 : i32
    %dma_start3A_123 = tpu.memref_slice %arg5[%arg0, %add3A_121, %dma_start3A_122] : memref<2x10240x128xf32, #tpu.memory_space<hbm>> -> memref<1x128x128xf32, #tpu.memory_space<hbm>>
    %dma_start3A_124 = tpu.memref_squeeze %dma_start3A_123 : memref<1x128x128xf32, #tpu.memory_space<hbm>> -> memref<128x128xf32, #tpu.memory_space<hbm>>
    %dma_start3A_125 = arith.constant 0 : i32
    %dma_start3A_126 = tpu.memref_slice %arg6[%add3A_121, %dma_start3A_125] : memref<10240x128xf32, #tpu.memory_space<vmem_shared>> -> memref<128x128xf32, #tpu.memory_space<vmem_shared>>
    tpu.enqueue_dma source(%dma_start3A_126 : memref<128x128xf32, #tpu.memory_space<vmem_shared>>) target(%dma_start3A_124 : memref<128x128xf32, #tpu.memory_space<hbm>>) target_semaphore(%arg11 : memref<!tpu.dma_semaphore, #tpu.memory_space<semaphore_mem>>)
    %dma_wait3A_127 = arith.constant 0 : i32
    %dma_wait3A_128 = tpu.memref_slice %arg5[%arg0, %add3A_85, %dma_wait3A_127] : memref<2x10240x128xf32, #tpu.memory_space<hbm>> -> memref<1x128x128xf32, #tpu.memory_space<hbm>>
    %dma_wait3A_129 = tpu.memref_squeeze %dma_wait3A_128 : memref<1x128x128xf32, #tpu.memory_space<hbm>> -> memref<128x128xf32, #tpu.memory_space<hbm>>
    %dma_wait3A_130 = arith.constant 0 : i32
    %dma_wait3A_131 = tpu.memref_slice %arg6[%add3A_85, %dma_wait3A_130] : memref<10240x128xf32, #tpu.memory_space<vmem_shared>> -> memref<128x128xf32, #tpu.memory_space<vmem_shared>>
    tpu.wait_dma2 semaphore(%arg11 : memref<!tpu.dma_semaphore, #tpu.memory_space<semaphore_mem>>) src(%dma_wait3A_131 : memref<128x128xf32, #tpu.memory_space<vmem_shared>>) dst(%dma_wait3A_129 : memref<128x128xf32, #tpu.memory_space<hbm>>)
    %dma_wait3A_132 = arith.constant 0 : i32
    %dma_wait3A_133 = tpu.memref_slice %arg5[%arg0, %add3A_94, %dma_wait3A_132] : memref<2x10240x128xf32, #tpu.memory_space<hbm>> -> memref<1x128x128xf32, #tpu.memory_space<hbm>>
    %dma_wait3A_134 = tpu.memref_squeeze %dma_wait3A_133 : memref<1x128x128xf32, #tpu.memory_space<hbm>> -> memref<128x128xf32, #tpu.memory_space<hbm>>
    %dma_wait3A_135 = arith.constant 0 : i32
    %dma_wait3A_136 = tpu.memref_slice %arg6[%add3A_94, %dma_wait3A_135] : memref<10240x128xf32, #tpu.memory_space<vmem_shared>> -> memref<128x128xf32, #tpu.memory_space<vmem_shared>>
    tpu.wait_dma2 semaphore(%arg11 : memref<!tpu.dma_semaphore, #tpu.memory_space<semaphore_mem>>) src(%dma_wait3A_136 : memref<128x128xf32, #tpu.memory_space<vmem_shared>>) dst(%dma_wait3A_134 : memref<128x128xf32, #tpu.memory_space<hbm>>)
    %dma_wait3A_137 = arith.constant 0 : i32
    %dma_wait3A_138 = tpu.memref_slice %arg5[%arg0, %add3A_103, %dma_wait3A_137] : memref<2x10240x128xf32, #tpu.memory_space<hbm>> -> memref<1x128x128xf32, #tpu.memory_space<hbm>>
    %dma_wait3A_139 = tpu.memref_squeeze %dma_wait3A_138 : memref<1x128x128xf32, #tpu.memory_space<hbm>> -> memref<128x128xf32, #tpu.memory_space<hbm>>
    %dma_wait3A_140 = arith.constant 0 : i32
    %dma_wait3A_141 = tpu.memref_slice %arg6[%add3A_103, %dma_wait3A_140] : memref<10240x128xf32, #tpu.memory_space<vmem_shared>> -> memref<128x128xf32, #tpu.memory_space<vmem_shared>>
    tpu.wait_dma2 semaphore(%arg11 : memref<!tpu.dma_semaphore, #tpu.memory_space<semaphore_mem>>) src(%dma_wait3A_141 : memref<128x128xf32, #tpu.memory_space<vmem_shared>>) dst(%dma_wait3A_139 : memref<128x128xf32, #tpu.memory_space<hbm>>)
    %dma_wait3A_142 = arith.constant 0 : i32
    %dma_wait3A_143 = tpu.memref_slice %arg5[%arg0, %add3A_112, %dma_wait3A_142] : memref<2x10240x128xf32, #tpu.memory_space<hbm>> -> memref<1x128x128xf32, #tpu.memory_space<hbm>>
    %dma_wait3A_144 = tpu.memref_squeeze %dma_wait3A_143 : memref<1x128x128xf32, #tpu.memory_space<hbm>> -> memref<128x128xf32, #tpu.memory_space<hbm>>
    %dma_wait3A_145 = arith.constant 0 : i32
    %dma_wait3A_146 = tpu.memref_slice %arg6[%add3A_112, %dma_wait3A_145] : memref<10240x128xf32, #tpu.memory_space<vmem_shared>> -> memref<128x128xf32, #tpu.memory_space<vmem_shared>>
    tpu.wait_dma2 semaphore(%arg11 : memref<!tpu.dma_semaphore, #tpu.memory_space<semaphore_mem>>) src(%dma_wait3A_146 : memref<128x128xf32, #tpu.memory_space<vmem_shared>>) dst(%dma_wait3A_144 : memref<128x128xf32, #tpu.memory_space<hbm>>)
    %dma_wait3A_147 = arith.constant 0 : i32
    %dma_wait3A_148 = tpu.memref_slice %arg5[%arg0, %add3A_121, %dma_wait3A_147] : memref<2x10240x128xf32, #tpu.memory_space<hbm>> -> memref<1x128x128xf32, #tpu.memory_space<hbm>>
    %dma_wait3A_149 = tpu.memref_squeeze %dma_wait3A_148 : memref<1x128x128xf32, #tpu.memory_space<hbm>> -> memref<128x128xf32, #tpu.memory_space<hbm>>
    %dma_wait3A_150 = arith.constant 0 : i32
    %dma_wait3A_151 = tpu.memref_slice %arg6[%add3A_121, %dma_wait3A_150] : memref<10240x128xf32, #tpu.memory_space<vmem_shared>> -> memref<128x128xf32, #tpu.memory_space<vmem_shared>>
    tpu.wait_dma2 semaphore(%arg11 : memref<!tpu.dma_semaphore, #tpu.memory_space<semaphore_mem>>) src(%dma_wait3A_151 : memref<128x128xf32, #tpu.memory_space<vmem_shared>>) dst(%dma_wait3A_149 : memref<128x128xf32, #tpu.memory_space<hbm>>)
    return
  }
}

module attributes {stable_mosaic.version = 14 : i64} {
  func.func @body(%arg0: i32, %arg1: memref<1000x128xf32, #tpu.memory_space<vmem>>, %arg2: memref<128x128xf32, #tpu.memory_space<vmem>>, %arg3: memref<1x128xf32, #tpu.memory_space<vmem>>, %arg4: memref<128x128xf32, #tpu.memory_space<vmem>>, %arg5: memref<1x128xf32, #tpu.memory_space<vmem>>, %arg6: memref<1000x128xf32, #tpu.memory_space<vmem>>) attributes {dimension_semantics = [#tpu.dimension_semantics<arbitrary>], iteration_bounds = array<i64: 10>, scalar_prefetch = 0 : i64, scratch_operands = 0 : i64, tpu.core_type = #tpu.core_type<tc>, window_params = [{transform_indices = @transform_0, window_bounds = array<i64: 1000, 128>}, {pipeline_mode = #tpu.pipeline_mode<synchronous>, transform_indices = @transform_1, window_bounds = array<i64: 128, 128>}, {pipeline_mode = #tpu.pipeline_mode<synchronous>, transform_indices = @transform_2, window_bounds = array<i64: 1, 128>}, {pipeline_mode = #tpu.pipeline_mode<synchronous>, transform_indices = @transform_3, window_bounds = array<i64: 128, 128>}, {pipeline_mode = #tpu.pipeline_mode<synchronous>, transform_indices = @transform_4, window_bounds = array<i64: 1, 128>}, {transform_indices = @transform_5, window_bounds = array<i64: 1000, 128>}]} {
    %get3A = arith.constant 0 : index
    %get3A_0 = arith.constant 0 : index
    %get3A_1 = vector.load %arg1[%get3A, %get3A_0] : memref<1000x128xf32, #tpu.memory_space<vmem>>, vector<1000x128xf32>
    %get3A_2 = arith.constant 0 : index
    %get3A_3 = arith.constant 0 : index
    %get3A_4 = vector.load %arg2[%get3A_2, %get3A_3] : memref<128x128xf32, #tpu.memory_space<vmem>>, vector<128x128xf32>
    %dot_general3A = arith.constant dense<0.000000e+00> : vector<1000x128xf32>
    %dot_general3A_5 = tpu.matmul %get3A_1, %get3A_4, %dot_general3A {dimension_numbers = #tpu.dot_dimension_numbers<[1], [0], [0], [1], [0, 0, 1, 1], [], []>, transpose_lhs_hint = false} : vector<1000x128xf32>, vector<128x128xf32>, vector<1000x128xf32> -> vector<1000x128xf32>
    %get3A_6 = arith.constant 0 : index
    %get3A_7 = arith.constant 0 : index
    %get3A_8 = vector.load %arg3[%get3A_6, %get3A_7] : memref<1x128xf32, #tpu.memory_space<vmem>>, vector<1x128xf32>
    %add3A = vector.broadcast %get3A_8 : vector<1x128xf32> to vector<1000x128xf32>
    %add3A_9 = arith.addf %dot_general3A_5, %add3A : vector<1000x128xf32>
    %max3A = arith.constant 0.000000e+00 : f32
    %max3A_10 = vector.broadcast %max3A : f32 to vector<1000x128xf32>
    %max3A_11 = arith.maximumf %add3A_9, %max3A_10 : vector<1000x128xf32>
    %get3A_12 = arith.constant 0 : index
    %get3A_13 = arith.constant 0 : index
    %get3A_14 = vector.load %arg4[%get3A_12, %get3A_13] : memref<128x128xf32, #tpu.memory_space<vmem>>, vector<128x128xf32>
    %dot_general3A_15 = arith.constant dense<0.000000e+00> : vector<1000x128xf32>
    %dot_general3A_16 = tpu.matmul %max3A_11, %get3A_14, %dot_general3A_15 {dimension_numbers = #tpu.dot_dimension_numbers<[1], [0], [0], [1], [0, 0, 1, 1], [], []>, transpose_lhs_hint = false} : vector<1000x128xf32>, vector<128x128xf32>, vector<1000x128xf32> -> vector<1000x128xf32>
    %get3A_17 = arith.constant 0 : index
    %get3A_18 = arith.constant 0 : index
    %get3A_19 = vector.load %arg5[%get3A_17, %get3A_18] : memref<1x128xf32, #tpu.memory_space<vmem>>, vector<1x128xf32>
    %add3A_20 = vector.broadcast %get3A_19 : vector<1x128xf32> to vector<1000x128xf32>
    %add3A_21 = arith.addf %dot_general3A_16, %add3A_20 : vector<1000x128xf32>
    %max3A_22 = arith.constant 0.000000e+00 : f32
    %max3A_23 = vector.broadcast %max3A_22 : f32 to vector<1000x128xf32>
    %max3A_24 = arith.maximumf %add3A_21, %max3A_23 : vector<1000x128xf32>
    %swap3A = arith.constant 0 : index
    %swap3A_25 = arith.constant 0 : index
    %swap3A_26 = vector.load %arg6[%swap3A, %swap3A_25] : memref<1000x128xf32, #tpu.memory_space<vmem>>, vector<1000x128xf32>
    tpu.vector_store %arg6[%swap3A, %swap3A_25], %max3A_24 {strides = array<i32>} : memref<1000x128xf32, #tpu.memory_space<vmem>>, vector<1000x128xf32>,
    return
  }
  func.func @transform_0(%arg0: i32) -> (i32, i32) {
    %c0_i32 = arith.constant 0 : i32
    %c0_i32_0 = arith.constant 0 : i32
    return %arg0, %c0_i32 : i32, i32
  }
  func.func @transform_1(%arg0: i32) -> (i32, i32) {
    %c0_i32 = arith.constant 0 : i32
    %c0_i32_0 = arith.constant 0 : i32
    %c0_i32_1 = arith.constant 0 : i32
    return %c0_i32, %c0_i32_0 : i32, i32
  }
  func.func @transform_2(%arg0: i32) -> (i32, i32) {
    %c0_i32 = arith.constant 0 : i32
    %c0_i32_0 = arith.constant 0 : i32
    %c0_i32_1 = arith.constant 0 : i32
    return %c0_i32, %c0_i32_0 : i32, i32
  }
  func.func @transform_3(%arg0: i32) -> (i32, i32) {
    %c0_i32 = arith.constant 0 : i32
    %c0_i32_0 = arith.constant 0 : i32
    %c0_i32_1 = arith.constant 0 : i32
    return %c0_i32, %c0_i32_0 : i32, i32
  }
  func.func @transform_4(%arg0: i32) -> (i32, i32) {
    %c0_i32 = arith.constant 0 : i32
    %c0_i32_0 = arith.constant 0 : i32
    %c0_i32_1 = arith.constant 0 : i32
    return %c0_i32, %c0_i32_0 : i32, i32
  }
  func.func @transform_5(%arg0: i32) -> (i32, i32) {
    %c0_i32 = arith.constant 0 : i32
    %c0_i32_0 = arith.constant 0 : i32
    return %arg0, %c0_i32 : i32, i32
  }
}

module attributes {stable_mosaic.version = 14 : i64} {
  func.func @body(%arg0: i32, %arg1: memref<1x1000x128xf32, #tpu.memory_space<vmem>>, %arg2: memref<1x1000x128xf32, #tpu.memory_space<vmem>>, %arg3: memref<1x1000x128xf32, #tpu.memory_space<vmem>>, %arg4: memref<1x1000x128xf32, #tpu.memory_space<vmem>>, %arg5: memref<1000x128xf32, #tpu.memory_space<vmem>>, %arg6: memref<128x128xf32, #tpu.memory_space<vmem>>, %arg7: memref<1x128xf32, #tpu.memory_space<vmem>>, %arg8: memref<1000x128xf32, #tpu.memory_space<vmem>>, %arg9: memref<1000x8xf32, #tpu.memory_space<vmem>>) attributes {dimension_semantics = [#tpu.dimension_semantics<arbitrary>], iteration_bounds = array<i64: 10>, scalar_prefetch = 0 : i64, scratch_operands = 0 : i64, tpu.core_type = #tpu.core_type<tc>, window_params = [{transform_indices = @transform_0, window_bounds = array<i64: 1, 1000, 128>}, {transform_indices = @transform_1, window_bounds = array<i64: 1, 1000, 128>}, {transform_indices = @transform_2, window_bounds = array<i64: 1, 1000, 128>}, {transform_indices = @transform_3, window_bounds = array<i64: 1, 1000, 128>}, {transform_indices = @transform_4, window_bounds = array<i64: 1000, 128>}, {pipeline_mode = #tpu.pipeline_mode<synchronous>, transform_indices = @transform_5, window_bounds = array<i64: 128, 128>}, {pipeline_mode = #tpu.pipeline_mode<synchronous>, transform_indices = @transform_6, window_bounds = array<i64: 1, 128>}, {transform_indices = @transform_7, window_bounds = array<i64: 1000, 128>}, {transform_indices = @transform_8, window_bounds = array<i64: 1000, 8>}]} {
    %get3A = arith.constant 0 : index
    %get3A_0 = arith.constant 0 : index
    %get3A_1 = arith.constant 0 : index
    %get3A_2 = vector.load %arg3[%get3A, %get3A_0, %get3A_1] : memref<1x1000x128xf32, #tpu.memory_space<vmem>>, vector<1x1000x128xf32>
    %get3A_3 = vector.shape_cast %get3A_2 : vector<1x1000x128xf32> to vector<1000x128xf32>
    %slice3A = vector.extract_strided_slice %get3A_3 {offsets = [0, 0], sizes = [1000, 1], strides = [1, 1]} : vector<1000x128xf32> to vector<1000x1xf32>
    %get3A_4 = arith.constant 0 : index
    %get3A_5 = arith.constant 0 : index
    %get3A_6 = arith.constant 0 : index
    %get3A_7 = vector.load %arg4[%get3A_4, %get3A_5, %get3A_6] : memref<1x1000x128xf32, #tpu.memory_space<vmem>>, vector<1x1000x128xf32>
    %get3A_8 = vector.shape_cast %get3A_7 : vector<1x1000x128xf32> to vector<1000x128xf32>
    %slice3A_9 = vector.extract_strided_slice %get3A_8 {offsets = [0, 0], sizes = [1000, 1], strides = [1, 1]} : vector<1000x128xf32> to vector<1000x1xf32>
    %add3A = arith.addf %slice3A, %slice3A_9 : vector<1000x1xf32>
    %max3A = arith.constant 1.000000e+00 : f32
    %max3A_10 = vector.broadcast %max3A : f32 to vector<1000x1xf32>
    %max3A_11 = arith.maximumf %add3A, %max3A_10 : vector<1000x1xf32>
    %div3A = arith.constant 1.000000e+00 : f32
    %div3A_12 = vector.broadcast %div3A : f32 to vector<1000x1xf32>
    %div3A_13 = arith.divf %div3A_12, %max3A_11 : vector<1000x1xf32>
    %broadcast_in_dim3A = vector.shape_cast %div3A_13 : vector<1000x1xf32> to vector<1000x1xf32>
    %broadcast_in_dim3A_14 = vector.broadcast %broadcast_in_dim3A : vector<1000x1xf32> to vector<1000x8xf32>
    %swap3A = arith.constant 0 : index
    %swap3A_15 = arith.constant 0 : index
    %swap3A_16 = vector.load %arg9[%swap3A, %swap3A_15] : memref<1000x8xf32, #tpu.memory_space<vmem>>, vector<1000x8xf32>
    tpu.vector_store %arg9[%swap3A, %swap3A_15], %broadcast_in_dim3A_14 {strides = array<i32>} : memref<1000x8xf32, #tpu.memory_space<vmem>>, vector<1000x8xf32>,
    %get3A_17 = arith.constant 0 : index
    %get3A_18 = arith.constant 0 : index
    %get3A_19 = arith.constant 0 : index
    %get3A_20 = vector.load %arg1[%get3A_17, %get3A_18, %get3A_19] : memref<1x1000x128xf32, #tpu.memory_space<vmem>>, vector<1x1000x128xf32>
    %get3A_21 = vector.shape_cast %get3A_20 : vector<1x1000x128xf32> to vector<1000x128xf32>
    %get3A_22 = arith.constant 0 : index
    %get3A_23 = arith.constant 0 : index
    %get3A_24 = arith.constant 0 : index
    %get3A_25 = vector.load %arg2[%get3A_22, %get3A_23, %get3A_24] : memref<1x1000x128xf32, #tpu.memory_space<vmem>>, vector<1x1000x128xf32>
    %get3A_26 = vector.shape_cast %get3A_25 : vector<1x1000x128xf32> to vector<1000x128xf32>
    %add3A_27 = arith.addf %get3A_21, %get3A_26 : vector<1000x128xf32>
    %mul3A = vector.broadcast %div3A_13 : vector<1000x1xf32> to vector<1000x128xf32>
    %mul3A_28 = arith.mulf %add3A_27, %mul3A : vector<1000x128xf32>
    %get3A_29 = arith.constant 0 : index
    %get3A_30 = arith.constant 0 : index
    %get3A_31 = vector.load %arg6[%get3A_29, %get3A_30] : memref<128x128xf32, #tpu.memory_space<vmem>>, vector<128x128xf32>
    %dot_general3A = arith.constant dense<0.000000e+00> : vector<1000x128xf32>
    %dot_general3A_32 = tpu.matmul %mul3A_28, %get3A_31, %dot_general3A {dimension_numbers = #tpu.dot_dimension_numbers<[1], [0], [0], [1], [0, 0, 1, 1], [], []>, transpose_lhs_hint = false} : vector<1000x128xf32>, vector<128x128xf32>, vector<1000x128xf32> -> vector<1000x128xf32>
    %get3A_33 = arith.constant 0 : index
    %get3A_34 = arith.constant 0 : index
    %get3A_35 = vector.load %arg7[%get3A_33, %get3A_34] : memref<1x128xf32, #tpu.memory_space<vmem>>, vector<1x128xf32>
    %add3A_36 = vector.broadcast %get3A_35 : vector<1x128xf32> to vector<1000x128xf32>
    %add3A_37 = arith.addf %dot_general3A_32, %add3A_36 : vector<1000x128xf32>
    %get3A_38 = arith.constant 0 : index
    %get3A_39 = arith.constant 0 : index
    %get3A_40 = vector.load %arg5[%get3A_38, %get3A_39] : memref<1000x128xf32, #tpu.memory_space<vmem>>, vector<1000x128xf32>
    %add3A_41 = arith.addf %add3A_37, %get3A_40 : vector<1000x128xf32>
    %max3A_42 = arith.constant 0.000000e+00 : f32
    %max3A_43 = vector.broadcast %max3A_42 : f32 to vector<1000x128xf32>
    %max3A_44 = arith.maximumf %add3A_41, %max3A_43 : vector<1000x128xf32>
    %swap3A_45 = arith.constant 0 : index
    %swap3A_46 = arith.constant 0 : index
    %swap3A_47 = vector.load %arg8[%swap3A_45, %swap3A_46] : memref<1000x128xf32, #tpu.memory_space<vmem>>, vector<1000x128xf32>
    tpu.vector_store %arg8[%swap3A_45, %swap3A_46], %max3A_44 {strides = array<i32>} : memref<1000x128xf32, #tpu.memory_space<vmem>>, vector<1000x128xf32>,
    return
  }
  func.func @transform_0(%arg0: i32) -> (i32, i32, i32) {
    %c0_i32 = arith.constant 0 : i32
    %c0_i32_0 = arith.constant 0 : i32
    %c0_i32_1 = arith.constant 0 : i32
    return %c0_i32, %arg0, %c0_i32_0 : i32, i32, i32
  }
  func.func @transform_1(%arg0: i32) -> (i32, i32, i32) {
    %c1_i32 = arith.constant 1 : i32
    %c0_i32 = arith.constant 0 : i32
    %c0_i32_0 = arith.constant 0 : i32
    return %c1_i32, %arg0, %c0_i32 : i32, i32, i32
  }
  func.func @transform_2(%arg0: i32) -> (i32, i32, i32) {
    %c0_i32 = arith.constant 0 : i32
    %c0_i32_0 = arith.constant 0 : i32
    %c0_i32_1 = arith.constant 0 : i32
    return %c0_i32, %arg0, %c0_i32_0 : i32, i32, i32
  }
  func.func @transform_3(%arg0: i32) -> (i32, i32, i32) {
    %c1_i32 = arith.constant 1 : i32
    %c0_i32 = arith.constant 0 : i32
    %c0_i32_0 = arith.constant 0 : i32
    return %c1_i32, %arg0, %c0_i32 : i32, i32, i32
  }
  func.func @transform_4(%arg0: i32) -> (i32, i32) {
    %c0_i32 = arith.constant 0 : i32
    %c0_i32_0 = arith.constant 0 : i32
    return %arg0, %c0_i32 : i32, i32
  }
  func.func @transform_5(%arg0: i32) -> (i32, i32) {
    %c0_i32 = arith.constant 0 : i32
    %c0_i32_0 = arith.constant 0 : i32
    %c0_i32_1 = arith.constant 0 : i32
    return %c0_i32, %c0_i32_0 : i32, i32
  }
  func.func @transform_6(%arg0: i32) -> (i32, i32) {
    %c0_i32 = arith.constant 0 : i32
    %c0_i32_0 = arith.constant 0 : i32
    %c0_i32_1 = arith.constant 0 : i32
    return %c0_i32, %c0_i32_0 : i32, i32
  }
  func.func @transform_7(%arg0: i32) -> (i32, i32) {
    %c0_i32 = arith.constant 0 : i32
    %c0_i32_0 = arith.constant 0 : i32
    return %arg0, %c0_i32 : i32, i32
  }
  func.func @transform_8(%arg0: i32) -> (i32, i32) {
    %c0_i32 = arith.constant 0 : i32
    %c0_i32_0 = arith.constant 0 : i32
    return %arg0, %c0_i32 : i32, i32
  }
}

module attributes {stable_mosaic.version = 14 : i64} {
  func.func @body(%arg0: i32, %arg1: memref<1x1000x128xf32, #tpu.memory_space<vmem>>, %arg2: memref<1x1000x128xf32, #tpu.memory_space<vmem>>, %arg3: memref<1000x8xf32, #tpu.memory_space<vmem>>, %arg4: memref<1000x128xf32, #tpu.memory_space<vmem>>, %arg5: memref<128x128xf32, #tpu.memory_space<vmem>>, %arg6: memref<1x128xf32, #tpu.memory_space<vmem>>, %arg7: memref<1000x128xf32, #tpu.memory_space<vmem>>) attributes {dimension_semantics = [#tpu.dimension_semantics<arbitrary>], iteration_bounds = array<i64: 10>, scalar_prefetch = 0 : i64, scratch_operands = 0 : i64, tpu.core_type = #tpu.core_type<tc>, window_params = [{transform_indices = @transform_0, window_bounds = array<i64: 1, 1000, 128>}, {transform_indices = @transform_1, window_bounds = array<i64: 1, 1000, 128>}, {transform_indices = @transform_2, window_bounds = array<i64: 1000, 8>}, {transform_indices = @transform_3, window_bounds = array<i64: 1000, 128>}, {pipeline_mode = #tpu.pipeline_mode<synchronous>, transform_indices = @transform_4, window_bounds = array<i64: 128, 128>}, {pipeline_mode = #tpu.pipeline_mode<synchronous>, transform_indices = @transform_5, window_bounds = array<i64: 1, 128>}, {transform_indices = @transform_6, window_bounds = array<i64: 1000, 128>}]} {
    %get3A = arith.constant 0 : index
    %get3A_0 = arith.constant 0 : index
    %get3A_1 = arith.constant 0 : index
    %get3A_2 = vector.load %arg1[%get3A, %get3A_0, %get3A_1] : memref<1x1000x128xf32, #tpu.memory_space<vmem>>, vector<1x1000x128xf32>
    %get3A_3 = vector.shape_cast %get3A_2 : vector<1x1000x128xf32> to vector<1000x128xf32>
    %get3A_4 = arith.constant 0 : index
    %get3A_5 = arith.constant 0 : index
    %get3A_6 = arith.constant 0 : index
    %get3A_7 = vector.load %arg2[%get3A_4, %get3A_5, %get3A_6] : memref<1x1000x128xf32, #tpu.memory_space<vmem>>, vector<1x1000x128xf32>
    %get3A_8 = vector.shape_cast %get3A_7 : vector<1x1000x128xf32> to vector<1000x128xf32>
    %add3A = arith.addf %get3A_3, %get3A_8 : vector<1000x128xf32>
    %get3A_9 = arith.constant 0 : index
    %get3A_10 = arith.constant 0 : index
    %get3A_11 = vector.load %arg3[%get3A_9, %get3A_10] : memref<1000x8xf32, #tpu.memory_space<vmem>>, vector<1000x8xf32>
    %slice3A = vector.extract_strided_slice %get3A_11 {offsets = [0, 0], sizes = [1000, 1], strides = [1, 1]} : vector<1000x8xf32> to vector<1000x1xf32>
    %mul3A = vector.broadcast %slice3A : vector<1000x1xf32> to vector<1000x128xf32>
    %mul3A_12 = arith.mulf %add3A, %mul3A : vector<1000x128xf32>
    %get3A_13 = arith.constant 0 : index
    %get3A_14 = arith.constant 0 : index
    %get3A_15 = vector.load %arg5[%get3A_13, %get3A_14] : memref<128x128xf32, #tpu.memory_space<vmem>>, vector<128x128xf32>
    %dot_general3A = arith.constant dense<0.000000e+00> : vector<1000x128xf32>
    %dot_general3A_16 = tpu.matmul %mul3A_12, %get3A_15, %dot_general3A {dimension_numbers = #tpu.dot_dimension_numbers<[1], [0], [0], [1], [0, 0, 1, 1], [], []>, transpose_lhs_hint = false} : vector<1000x128xf32>, vector<128x128xf32>, vector<1000x128xf32> -> vector<1000x128xf32>
    %get3A_17 = arith.constant 0 : index
    %get3A_18 = arith.constant 0 : index
    %get3A_19 = vector.load %arg6[%get3A_17, %get3A_18] : memref<1x128xf32, #tpu.memory_space<vmem>>, vector<1x128xf32>
    %add3A_20 = vector.broadcast %get3A_19 : vector<1x128xf32> to vector<1000x128xf32>
    %add3A_21 = arith.addf %dot_general3A_16, %add3A_20 : vector<1000x128xf32>
    %get3A_22 = arith.constant 0 : index
    %get3A_23 = arith.constant 0 : index
    %get3A_24 = vector.load %arg4[%get3A_22, %get3A_23] : memref<1000x128xf32, #tpu.memory_space<vmem>>, vector<1000x128xf32>
    %add3A_25 = arith.addf %add3A_21, %get3A_24 : vector<1000x128xf32>
    %max3A = arith.constant 0.000000e+00 : f32
    %max3A_26 = vector.broadcast %max3A : f32 to vector<1000x128xf32>
    %max3A_27 = arith.maximumf %add3A_25, %max3A_26 : vector<1000x128xf32>
    %swap3A = arith.constant 0 : index
    %swap3A_28 = arith.constant 0 : index
    %swap3A_29 = vector.load %arg7[%swap3A, %swap3A_28] : memref<1000x128xf32, #tpu.memory_space<vmem>>, vector<1000x128xf32>
    tpu.vector_store %arg7[%swap3A, %swap3A_28], %max3A_27 {strides = array<i32>} : memref<1000x128xf32, #tpu.memory_space<vmem>>, vector<1000x128xf32>,
    return
  }
  func.func @transform_0(%arg0: i32) -> (i32, i32, i32) {
    %c0_i32 = arith.constant 0 : i32
    %c0_i32_0 = arith.constant 0 : i32
    %c0_i32_1 = arith.constant 0 : i32
    return %c0_i32, %arg0, %c0_i32_0 : i32, i32, i32
  }
  func.func @transform_1(%arg0: i32) -> (i32, i32, i32) {
    %c1_i32 = arith.constant 1 : i32
    %c0_i32 = arith.constant 0 : i32
    %c0_i32_0 = arith.constant 0 : i32
    return %c1_i32, %arg0, %c0_i32 : i32, i32, i32
  }
  func.func @transform_2(%arg0: i32) -> (i32, i32) {
    %c0_i32 = arith.constant 0 : i32
    %c0_i32_0 = arith.constant 0 : i32
    return %arg0, %c0_i32 : i32, i32
  }
  func.func @transform_3(%arg0: i32) -> (i32, i32) {
    %c0_i32 = arith.constant 0 : i32
    %c0_i32_0 = arith.constant 0 : i32
    return %arg0, %c0_i32 : i32, i32
  }
  func.func @transform_4(%arg0: i32) -> (i32, i32) {
    %c0_i32 = arith.constant 0 : i32
    %c0_i32_0 = arith.constant 0 : i32
    %c0_i32_1 = arith.constant 0 : i32
    return %c0_i32, %c0_i32_0 : i32, i32
  }
  func.func @transform_5(%arg0: i32) -> (i32, i32) {
    %c0_i32 = arith.constant 0 : i32
    %c0_i32_0 = arith.constant 0 : i32
    %c0_i32_1 = arith.constant 0 : i32
    return %c0_i32, %c0_i32_0 : i32, i32
  }
  func.func @transform_6(%arg0: i32) -> (i32, i32) {
    %c0_i32 = arith.constant 0 : i32
    %c0_i32_0 = arith.constant 0 : i32
    return %arg0, %c0_i32 : i32, i32
  }
}

module attributes {stable_mosaic.version = 14 : i64} {
  func.func @body(%arg0: i32, %arg1: memref<1x1000x128xf32, #tpu.memory_space<vmem>>, %arg2: memref<1x1000x128xf32, #tpu.memory_space<vmem>>, %arg3: memref<1000x8xf32, #tpu.memory_space<vmem>>, %arg4: memref<1000x128xf32, #tpu.memory_space<vmem>>, %arg5: memref<128x128xf32, #tpu.memory_space<vmem>>, %arg6: memref<1x128xf32, #tpu.memory_space<vmem>>, %arg7: memref<128x128xf32, #tpu.memory_space<vmem>>, %arg8: memref<1x128xf32, #tpu.memory_space<vmem>>, %arg9: memref<128x1xf32, #tpu.memory_space<vmem>>, %arg10: memref<1x1xf32, #tpu.memory_space<vmem>>, %arg11: memref<1x1xf32, #tpu.memory_space<vmem>>, %arg12: memref<1x128xf32, #tpu.memory_space<vmem>>) attributes {dimension_semantics = [#tpu.dimension_semantics<arbitrary>], iteration_bounds = array<i64: 10>, scalar_prefetch = 0 : i64, scratch_operands = 1 : i64, tpu.core_type = #tpu.core_type<tc>, window_params = [{transform_indices = @transform_0, window_bounds = array<i64: 1, 1000, 128>}, {transform_indices = @transform_1, window_bounds = array<i64: 1, 1000, 128>}, {transform_indices = @transform_2, window_bounds = array<i64: 1000, 8>}, {transform_indices = @transform_3, window_bounds = array<i64: 1000, 128>}, {pipeline_mode = #tpu.pipeline_mode<synchronous>, transform_indices = @transform_4, window_bounds = array<i64: 128, 128>}, {pipeline_mode = #tpu.pipeline_mode<synchronous>, transform_indices = @transform_5, window_bounds = array<i64: 1, 128>}, {pipeline_mode = #tpu.pipeline_mode<synchronous>, transform_indices = @transform_6, window_bounds = array<i64: 128, 128>}, {pipeline_mode = #tpu.pipeline_mode<synchronous>, transform_indices = @transform_7, window_bounds = array<i64: 1, 128>}, {pipeline_mode = #tpu.pipeline_mode<synchronous>, transform_indices = @transform_8, window_bounds = array<i64: 128, 1>}, {pipeline_mode = #tpu.pipeline_mode<synchronous>, transform_indices = @transform_9, window_bounds = array<i64: 1, 1>}, {pipeline_mode = #tpu.pipeline_mode<synchronous>, transform_indices = @transform_10, window_bounds = array<i64: 1, 1>}]} {
    %get3A = arith.constant 0 : index
    %get3A_0 = arith.constant 0 : index
    %get3A_1 = arith.constant 0 : index
    %get3A_2 = vector.load %arg1[%get3A, %get3A_0, %get3A_1] : memref<1x1000x128xf32, #tpu.memory_space<vmem>>, vector<1x1000x128xf32>
    %get3A_3 = vector.shape_cast %get3A_2 : vector<1x1000x128xf32> to vector<1000x128xf32>
    %get3A_4 = arith.constant 0 : index
    %get3A_5 = arith.constant 0 : index
    %get3A_6 = arith.constant 0 : index
    %get3A_7 = vector.load %arg2[%get3A_4, %get3A_5, %get3A_6] : memref<1x1000x128xf32, #tpu.memory_space<vmem>>, vector<1x1000x128xf32>
    %get3A_8 = vector.shape_cast %get3A_7 : vector<1x1000x128xf32> to vector<1000x128xf32>
    %add3A = arith.addf %get3A_3, %get3A_8 : vector<1000x128xf32>
    %get3A_9 = arith.constant 0 : index
    %get3A_10 = arith.constant 0 : index
    %get3A_11 = vector.load %arg3[%get3A_9, %get3A_10] : memref<1000x8xf32, #tpu.memory_space<vmem>>, vector<1000x8xf32>
    %slice3A = vector.extract_strided_slice %get3A_11 {offsets = [0, 0], sizes = [1000, 1], strides = [1, 1]} : vector<1000x8xf32> to vector<1000x1xf32>
    %mul3A = vector.broadcast %slice3A : vector<1000x1xf32> to vector<1000x128xf32>
    %mul3A_12 = arith.mulf %add3A, %mul3A : vector<1000x128xf32>
    %get3A_13 = arith.constant 0 : index
    %get3A_14 = arith.constant 0 : index
    %get3A_15 = vector.load %arg5[%get3A_13, %get3A_14] : memref<128x128xf32, #tpu.memory_space<vmem>>, vector<128x128xf32>
    %dot_general3A = arith.constant dense<0.000000e+00> : vector<1000x128xf32>
    %dot_general3A_16 = tpu.matmul %mul3A_12, %get3A_15, %dot_general3A {dimension_numbers = #tpu.dot_dimension_numbers<[1], [0], [0], [1], [0, 0, 1, 1], [], []>, transpose_lhs_hint = false} : vector<1000x128xf32>, vector<128x128xf32>, vector<1000x128xf32> -> vector<1000x128xf32>
    %get3A_17 = arith.constant 0 : index
    %get3A_18 = arith.constant 0 : index
    %get3A_19 = vector.load %arg6[%get3A_17, %get3A_18] : memref<1x128xf32, #tpu.memory_space<vmem>>, vector<1x128xf32>
    %add3A_20 = vector.broadcast %get3A_19 : vector<1x128xf32> to vector<1000x128xf32>
    %add3A_21 = arith.addf %dot_general3A_16, %add3A_20 : vector<1000x128xf32>
    %get3A_22 = arith.constant 0 : index
    %get3A_23 = arith.constant 0 : index
    %get3A_24 = vector.load %arg4[%get3A_22, %get3A_23] : memref<1000x128xf32, #tpu.memory_space<vmem>>, vector<1000x128xf32>
    %add3A_25 = arith.addf %add3A_21, %get3A_24 : vector<1000x128xf32>
    %max3A = arith.constant 0.000000e+00 : f32
    %max3A_26 = vector.broadcast %max3A : f32 to vector<1000x128xf32>
    %max3A_27 = arith.maximumf %add3A_25, %max3A_26 : vector<1000x128xf32>
    %eq3A = arith.constant 0 : i32
    %eq3A_28 = arith.cmpi eq, %arg0, %eq3A : i32
    %convert_element_type3A = arith.extui %eq3A_28 : i1 to i32
    %cond3A = arith.constant 0 : i32
    %cond3A_29 = arith.cmpi ne, %convert_element_type3A, %cond3A : i32
    scf.if %cond3A_29 {
      %broadcast_in_dim3A_42 = arith.constant 0.000000e+00 : f32
      %broadcast_in_dim3A_43 = vector.broadcast %broadcast_in_dim3A_42 : f32 to vector<1x128xf32>
      %swap3A_44 = arith.constant 0 : index
      %swap3A_45 = arith.constant 0 : index
      %swap3A_46 = vector.load %arg12[%swap3A_44, %swap3A_45] : memref<1x128xf32, #tpu.memory_space<vmem>>, vector<1x128xf32>
      tpu.vector_store %arg12[%swap3A_44, %swap3A_45], %broadcast_in_dim3A_43 {strides = array<i32>} : memref<1x128xf32, #tpu.memory_space<vmem>>, vector<1x128xf32>,
    } else {
    }
    %get3A_30 = arith.constant 0 : index
    %get3A_31 = arith.constant 0 : index
    %get3A_32 = vector.load %arg12[%get3A_30, %get3A_31] : memref<1x128xf32, #tpu.memory_space<vmem>>, vector<1x128xf32>
    %reduce_sum3A = arith.constant dense<0.000000e+00> : vector<128xf32>
    %reduce_sum3A_33 = vector.multi_reduction <add>, %max3A_27, %reduce_sum3A [0] : vector<1000x128xf32> to vector<128xf32>
    %broadcast_in_dim3A = vector.shape_cast %reduce_sum3A_33 : vector<128xf32> to vector<1x128xf32>
    %add3A_34 = arith.addf %get3A_32, %broadcast_in_dim3A : vector<1x128xf32>
    %swap3A = arith.constant 0 : index
    %swap3A_35 = arith.constant 0 : index
    %swap3A_36 = vector.load %arg12[%swap3A, %swap3A_35] : memref<1x128xf32, #tpu.memory_space<vmem>>, vector<1x128xf32>
    tpu.vector_store %arg12[%swap3A, %swap3A_35], %add3A_34 {strides = array<i32>} : memref<1x128xf32, #tpu.memory_space<vmem>>, vector<1x128xf32>,
    %eq3A_37 = arith.constant 9 : i32
    %eq3A_38 = arith.cmpi eq, %arg0, %eq3A_37 : i32
    %convert_element_type3A_39 = arith.extui %eq3A_38 : i1 to i32
    %cond3A_40 = arith.constant 0 : i32
    %cond3A_41 = arith.cmpi ne, %convert_element_type3A_39, %cond3A_40 : i32
    scf.if %cond3A_41 {
      %get3A_42 = arith.constant 0 : index
      %get3A_43 = arith.constant 0 : index
      %get3A_44 = vector.load %arg12[%get3A_42, %get3A_43] : memref<1x128xf32, #tpu.memory_space<vmem>>, vector<1x128xf32>
      %mul3A_45 = arith.constant 9.99999974E-5 : f32
      %mul3A_46 = vector.broadcast %mul3A_45 : f32 to vector<1x128xf32>
      %mul3A_47 = arith.mulf %get3A_44, %mul3A_46 : vector<1x128xf32>
      %get3A_48 = arith.constant 0 : index
      %get3A_49 = arith.constant 0 : index
      %get3A_50 = vector.load %arg7[%get3A_48, %get3A_49] : memref<128x128xf32, #tpu.memory_space<vmem>>, vector<128x128xf32>
      %dot_general3A_51 = arith.constant dense<0.000000e+00> : vector<1x128xf32>
      %dot_general3A_52 = tpu.matmul %mul3A_47, %get3A_50, %dot_general3A_51 {dimension_numbers = #tpu.dot_dimension_numbers<[1], [0], [0], [1], [0, 0, 1, 1], [], []>, transpose_lhs_hint = false} : vector<1x128xf32>, vector<128x128xf32>, vector<1x128xf32> -> vector<1x128xf32>
      %get3A_53 = arith.constant 0 : index
      %get3A_54 = arith.constant 0 : index
      %get3A_55 = vector.load %arg8[%get3A_53, %get3A_54] : memref<1x128xf32, #tpu.memory_space<vmem>>, vector<1x128xf32>
      %add3A_56 = arith.addf %dot_general3A_52, %get3A_55 : vector<1x128xf32>
      %max3A_57 = arith.constant 0.000000e+00 : f32
      %max3A_58 = vector.broadcast %max3A_57 : f32 to vector<1x128xf32>
      %max3A_59 = arith.maximumf %add3A_56, %max3A_58 : vector<1x128xf32>
      %get3A_60 = arith.constant 0 : index
      %get3A_61 = arith.constant 0 : index
      %get3A_62 = vector.load %arg9[%get3A_60, %get3A_61] : memref<128x1xf32, #tpu.memory_space<vmem>>, vector<128x1xf32>
      %dot_general3A_63 = arith.constant dense<0.000000e+00> : vector<1x1xf32>
      %dot_general3A_64 = tpu.matmul %max3A_59, %get3A_62, %dot_general3A_63 {dimension_numbers = #tpu.dot_dimension_numbers<[1], [0], [0], [1], [0, 0, 1, 1], [], []>, transpose_lhs_hint = false} : vector<1x128xf32>, vector<128x1xf32>, vector<1x1xf32> -> vector<1x1xf32>
      %get3A_65 = arith.constant 0 : index
      %get3A_66 = arith.constant 0 : index
      %get3A_67 = vector.load %arg10[%get3A_65, %get3A_66] : memref<1x1xf32, #tpu.memory_space<vmem>>, vector<1x1xf32>
      %add3A_68 = arith.addf %dot_general3A_64, %get3A_67 : vector<1x1xf32>
      %swap3A_69 = arith.constant 0 : index
      %swap3A_70 = arith.constant 0 : index
      %swap3A_71 = vector.load %arg11[%swap3A_69, %swap3A_70] : memref<1x1xf32, #tpu.memory_space<vmem>>, vector<1x1xf32>
      tpu.vector_store %arg11[%swap3A_69, %swap3A_70], %add3A_68 {strides = array<i32>} : memref<1x1xf32, #tpu.memory_space<vmem>>, vector<1x1xf32>,
    } else {
    }
    return
  }
  func.func @transform_0(%arg0: i32) -> (i32, i32, i32) {
    %c0_i32 = arith.constant 0 : i32
    %c0_i32_0 = arith.constant 0 : i32
    %c0_i32_1 = arith.constant 0 : i32
    return %c0_i32, %arg0, %c0_i32_0 : i32, i32, i32
  }
  func.func @transform_1(%arg0: i32) -> (i32, i32, i32) {
    %c1_i32 = arith.constant 1 : i32
    %c0_i32 = arith.constant 0 : i32
    %c0_i32_0 = arith.constant 0 : i32
    return %c1_i32, %arg0, %c0_i32 : i32, i32, i32
  }
  func.func @transform_2(%arg0: i32) -> (i32, i32) {
    %c0_i32 = arith.constant 0 : i32
    %c0_i32_0 = arith.constant 0 : i32
    return %arg0, %c0_i32 : i32, i32
  }
  func.func @transform_3(%arg0: i32) -> (i32, i32) {
    %c0_i32 = arith.constant 0 : i32
    %c0_i32_0 = arith.constant 0 : i32
    return %arg0, %c0_i32 : i32, i32
  }
  func.func @transform_4(%arg0: i32) -> (i32, i32) {
    %c0_i32 = arith.constant 0 : i32
    %c0_i32_0 = arith.constant 0 : i32
    %c0_i32_1 = arith.constant 0 : i32
    return %c0_i32, %c0_i32_0 : i32, i32
  }
  func.func @transform_5(%arg0: i32) -> (i32, i32) {
    %c0_i32 = arith.constant 0 : i32
    %c0_i32_0 = arith.constant 0 : i32
    %c0_i32_1 = arith.constant 0 : i32
    return %c0_i32, %c0_i32_0 : i32, i32
  }
  func.func @transform_6(%arg0: i32) -> (i32, i32) {
    %c0_i32 = arith.constant 0 : i32
    %c0_i32_0 = arith.constant 0 : i32
    %c0_i32_1 = arith.constant 0 : i32
    return %c0_i32, %c0_i32_0 : i32, i32
  }
  func.func @transform_7(%arg0: i32) -> (i32, i32) {
    %c0_i32 = arith.constant 0 : i32
    %c0_i32_0 = arith.constant 0 : i32
    %c0_i32_1 = arith.constant 0 : i32
    return %c0_i32, %c0_i32_0 : i32, i32
  }
  func.func @transform_8(%arg0: i32) -> (i32, i32) {
    %c0_i32 = arith.constant 0 : i32
    %c0_i32_0 = arith.constant 0 : i32
    %c0_i32_1 = arith.constant 0 : i32
    return %c0_i32, %c0_i32_0 : i32, i32
  }
  func.func @transform_9(%arg0: i32) -> (i32, i32) {
    %c0_i32 = arith.constant 0 : i32
    %c0_i32_0 = arith.constant 0 : i32
    %c0_i32_1 = arith.constant 0 : i32
    return %c0_i32, %c0_i32_0 : i32, i32
  }
  func.func @transform_10(%arg0: i32) -> (i32, i32) {
    %c0_i32 = arith.constant 0 : i32
    %c0_i32_0 = arith.constant 0 : i32
    %c0_i32_1 = arith.constant 0 : i32
    return %c0_i32, %c0_i32_0 : i32, i32
  }
}

</mosaic_0001>

<sc_bundles>
// kernel: kernel.10.cloned.1.call-start
scs
__scs_entry_jumppad:
0x0: {  	(pc) =	sbr.rel $0x88, $3  }
0x1: {  	(tag) =	ssettag $0x0;
	lr =	simm.s32 $0x1  }
0x2: {  	[smem:$0x3F91] =	sst lr;
	_ =	strace $0xD0000000  }
0x3: {  	_ = 	snop  }
0x4: {  	_ = 	snop  }
0x5: {  	_ = 	snop  }
0x6: {  	_ = 	snop  }
0x7: {  	_ = 	snop  }
__scs_overlays_trampoline_lowered:
0x8: {  	[smem:$0x3FA0] =	sst s0  }
0x9: {  	[smem:$0x3FA1] =	sst s1  }
0xa: {  	[smem:$0x3FA2] =	sst s2  }
0xb: {  	[smem:$0x3FA3] =	sst s3  }
0xc: {  	[smem:$0x3FA4] =	sst s4  }
0xd: {  	[smem:$0x3FA5] =	sst s5  }
0xe: {  	[smem:$0x3FA6] =	sst s6  }
0xf: {  	[smem:$0x3FA7] =	sst s7  }
0x10: {  	[smem:$0x3FA8] =	sst s8  }
0x11: {  	[smem:$0x3FA9] =	sst s9;
	s0 =	simm.s32 @!p0 $0x0  }
0x12: {  	s1 =	sld [smem:$0x3F8F];
	s0 =	simm.s32 @p0 $0x1  }
0x13: {  	[smem:$0x3FAA] =	sst s0;
	s0 =	simm.s32 @!p1 $0x0  }
0x14: {  	s2 =	sld [smem:$0x3F8E];
	s0 =	simm.s32 @p1 $0x1  }
0x15: {  	[smem:$0x3FAB] =	sst s0;
	s0 =	simm.s32 @!p2 $0x0  }
0x16: {  	s3 =	sld [smem:$0x3FDB];
	s0 =	simm.s32 @p2 $0x1  }
0x17: {  	s4 =	simm.s32 $0x1BF5;
	[smem:$0x3FAD] =	sst s0  }
0x18: {  	s0 =	sld [smem:$0x3F90];
	_ =	swait.ge [sflag:s4], $0x0  }
0x19: {  	s7 =	sld [smem:$0x3F91]  }
0x1a: {  	s8 =	sadd.s32 $0xFFFFE003, lr  }
0x1b: {  	s9 =	sadd.s32 $0xFFFFFEF7, lr;
	s5 =	simm.s32 $0xFFFFFFFF;
	p2 =	slt.u32 s8, $0xFFFFF086  }
0x1c: {  	p1 =	slt.u32 s9, $0xF7A;
	s5 =	simm.s32 @!p2 $0x0  }
0x1d: {  	s5 =	simm.s32 @p1 $0x1;
	p0 =	seq.s32 s7, s2  }
0x1e: {  	s7 =	smul.u32 @!p0 $0xF7A, s2;
	p2 =	seq.s32 @!p0 s5, $0x0  }
0x1f: {  	s9 =	smul.u32 $0xF7A, s1;
	s8 =	simm.s32 @!p0 $0x1BF5;
	p2 =	por !p2, p0  }
0x20: {  	[sflag:s8] =	ssyncset.s32 @!p0 $0xFFFFF086;
	s6 =	sadd.s32 @!p0 s3, s7;
	s7 =	simm.s32 @!p0 $0x108  }
0x21: {  	s3 =	sadd.s32 s3, s9;
	s6 =	sadd.s32 @!p0 $0x88, s6;
	s7 =	simm.s32 @p2 $0x1082  }
0x22: {  	[simem:s7], [sflag:s8] =	dma.local @!p0 [hbm:s6], $0xF7A  }
0x23: {  	s9 =	sor.u32 $0xD0000000, s2;
	s6 =	simm.s32 $0x108;
	_ =	swait.ge @!p0 [sflag:s8], $0x0  }
0x24: {  	s3 =	sadd.s32 $0x88, s3;
	s6 =	simm.s32 @!p1 $0x1082;
	[sflag:s4] =	ssyncset.s32 $0xFFFFF086  }
0x25: {  	[simem:s6], [sflag:s4] =	dma.local [hbm:s3], $0xF7A  }
0x26: {  	[smem:$0x3F91] =	sst s1;
	(tag) =	ssettag s2;
	_ =	strace s9  }
0x27: {  	s1 =	sld [smem:$0x3FA1]  }
0x28: {  	s2 =	sld [smem:$0x3FA2]  }
0x29: {  	s4 =	sld [smem:$0x3FA4]  }
0x2a: {  	p0 =	seq.s32 s5, $0x0;
	s5 =	sld [smem:$0x3FA5]  }
0x2b: {  	s6 =	sld [smem:$0x3FA6]  }
0x2c: {  	s7 =	sld [smem:$0x3FA7]  }
0x2d: {  	s3 =	simm.s32 $0x108;
	s8 =	sld [smem:$0x3FA8]  }
0x2e: {  	s3 =	simm.s32 @!p0 $0x1082;
	s9 =	sld [smem:$0x3FA9]  }
0x2f: {  	lr =	sadd.s32 s0, s3;
	s0 =	sld [smem:$0x3FA0]  }
0x30: {  	s3 =	sld [smem:$0x3FA3]  }
0x31: {  	[smem:$0x3FAC] =	sst s10  }
0x32: {  	s10 =	sld [smem:$0x3FAA];
	_ =	sdelay $0x3  }
0x33: {  	p0 =	seq.s32 s10, $0x1;
	s10 =	sld [smem:$0x3FAC];
	_ =	sdelay $0x3  }
0x34: {  	[smem:$0x3FAC] =	sst s10  }
0x35: {  	s10 =	sld [smem:$0x3FAB];
	_ =	sdelay $0x3  }
0x36: {  	p1 =	seq.s32 s10, $0x1;
	s10 =	sld [smem:$0x3FAC];
	_ =	sdelay $0x3  }
0x37: {  	[smem:$0x3FAC] =	sst s10  }
0x38: {  	s10 =	sld [smem:$0x3FAD]  }
0x39: {  	_ = 	snop;
	(pc) =	sbr.ind lr, $3  }
0x3a: {  	_ = 	snop  }
0x3b: {  	_ = 	snop  }
0x3c: {  	p2 =	seq.s32 s10, $0x1;
	s10 =	sld [smem:$0x3FAC]  }
0x3d: {  	_ =	shalt  }
0x3e: {  	_ =	shalt  }
0x3f: {  	_ =	shalt  }
0x40: {  	_ =	shalt  }
0x41: {  	_ =	shalt  }
0x42: {  	_ =	shalt  }
0x43: {  	_ =	shalt  }
0x44: {  	_ =	shalt  }
0x45: {  	_ =	shalt  }
0x46: {  	_ =	shalt  }
0x47: {  	_ =	shalt  }
0x48: {  	_ =	shalt  }
0x49: {  	_ =	shalt  }
0x4a: {  	_ =	shalt  }
0x4b: {  	_ =	shalt  }
0x4c: {  	_ =	shalt  }
0x4d: {  	_ =	shalt  }
0x4e: {  	_ =	shalt  }
0x4f: {  	_ =	shalt  }
0x50: {  	_ =	shalt  }
0x51: {  	_ =	shalt  }
0x52: {  	_ =	shalt  }
0x53: {  	_ =	shalt  }
0x54: {  	_ =	shalt  }
0x55: {  	_ =	shalt  }
0x56: {  	_ =	shalt  }
0x57: {  	_ =	shalt  }
0x58: {  	_ =	shalt  }
0x59: {  	_ =	shalt  }
0x5a: {  	_ =	shalt  }
0x5b: {  	_ =	shalt  }
0x5c: {  	_ =	shalt  }
0x5d: {  	_ =	shalt  }
0x5e: {  	_ =	shalt  }
0x5f: {  	_ =	shalt  }
0x60: {  	_ =	shalt  }
0x61: {  	_ =	shalt  }
0x62: {  	_ =	shalt  }
0x63: {  	_ =	shalt  }
0x64: {  	_ =	shalt  }
0x65: {  	_ =	shalt  }
0x66: {  	_ =	shalt  }
0x67: {  	_ =	shalt  }
0x68: {  	_ =	shalt  }
0x69: {  	_ =	shalt  }
0x6a: {  	_ =	shalt  }
0x6b: {  	_ =	shalt  }
0x6c: {  	_ =	shalt  }
0x6d: {  	_ =	shalt  }
0x6e: {  	_ =	shalt  }
0x6f: {  	_ =	shalt  }
0x70: {  	_ =	shalt  }
0x71: {  	_ =	shalt  }
0x72: {  	_ =	shalt  }
0x73: {  	_ =	shalt  }
0x74: {  	_ =	shalt  }
0x75: {  	_ =	shalt  }
0x76: {  	_ =	shalt  }
0x77: {  	_ =	shalt  }
0x78: {  	_ =	shalt  }
0x79: {  	_ =	shalt  }
0x7a: {  	_ =	shalt  }
0x7b: {  	_ =	shalt  }
0x7c: {  	_ =	shalt  }
0x7d: {  	_ =	shalt  }
0x7e: {  	_ =	shalt  }
0x7f: {  	_ =	shalt  }
0x80: {  	_ =	shalt  }
0x81: {  	_ =	shalt  }
0x82: {  	_ =	shalt  }
0x83: {  	_ =	shalt  }
0x84: {  	_ =	shalt  }
0x85: {  	_ =	shalt  }
0x86: {  	_ =	shalt  }
0x87: {  	_ =	shalt  }
.Lfunc_end0:
.L_simem_size_0:
called_computation_lowered:
.L_overlay_start_0:
0x88: {  	s2 =	sld [smem:$0x3FD9]  }
0x89: {  	s3 =	sld [smem:$0x3FFE];
	_ =	sdelay $0x1  }
0x8a: {  	s1 =	srdreg.scid  }
0x8b: {  	s0 =	sand.u32 $0x1, s1  }
0x8c: {  	s17 =	sshll.u32 s0, $0xA;
	s2 =	sadd.s32 s3, s2  }
0x8d: {  	s2 =	sadd.s32 s2, s17  }
0x8e: {  	[smem:$0x3FB8] =	sst s2  }
0x8f: {  	_ = 	snop  }
0x90: {  	(tm) =	ssettm $0x1  }
0x91: {  	s18 =	sld [smem:$0x3FFB];
	_ =	sdelay $0x3  }
0x92: {  	_ =	strace s18  }
0x93: {  	s2 =	sld [smem:$0x3FFC];
	_ =	sdelay $0x3  }
0x94: {  	_ =	strace s2  }
0x95: {  	s2 =	sld [smem:$0x3FFD];
	_ =	sdelay $0x3  }
0x96: {  	_ =	strace s2  }
0x97: {  	_ =	strace $0x8FFFFFFF  }
0x98: {  	s19 =	sld [smem:$0x3FDB];
	_ =	sdelay $0x1  }
0x99: {  	s20 =	simm.s32 $_scs_section_size  }
0x9a: {  	s4 =	simm.s32 $_size__tile_overlayer_lowered;
	s5 =	simm.s32 $_tile_overlayer_lowered  }
0x9b: {  	s6 =	simm.s32 $0x1BFF;
	s21 =	sshll.u32 s5, $0x1;
	s3 =	sadd.s32 s20, s19  }
0x9c: {  	s22 =	simm.s32 $0x0;
	s4 =	sshll.u32 s4, $0x1;
	s5 =	sadd.s32 s21, s3  }
0x9d: {  	[timem:s22], [sflag:s6] =	dma.local [hbm:s5], s4  }
0x9e: {  	_ =	swait.ge [sflag:s6], s4  }
0x9f: {  	s4 =	ssub.s32 $0x0, s4;
	[sflag:s6] =	ssyncset.done $0x0  }
0xa0: {  	[sflag:s6] =	ssyncadd.s32 s4;
	_ =	sdelay $0x1  }
0xa1: {  	s23 =	simm.s32 $0x1B8B  }
0xa2: {  	_ =	swait.ge [sflag:s23], $0x1  }
0xa3: {  	[sflag:s23] =	ssyncset.done $0x0  }
0xa4: {  	[sflag:s23] =	ssyncadd.s32 $0xFFFFFFFF  }
0xa5: {  	s4 =	sld [smem:$0x0]  }
0xa6: {  	s5 =	sand.u32 $0xFFFFFFFE, s1  }
0xa7: {  	p0 =	sne.s32 s1, s5  }
0xa8: {  	s5 =	sshll.u32 @p0 s5, $0xE  }
0xa9: {  	s5 =	sadd.s32 @p0 $0x11B8D, s5;
	s6 =	sshll.u32 @p0 s4, $0x11  }
0xaa: {  	s5 =	sor.u32 @p0 s6, s5  }
0xab: {  	[sflag:s5] =	ssyncadd.remote.s32 @p0 $0x1;
	_ =	sdelay $0x1  }
0xac: {  	s5 =	simm.s32 @p0 $0x1B8D  }
0xad: {  	_ =	swait.eq @p0 [sflag:s5], $0x1  }
0xae: {  	[sflag:s5] =	ssyncadd.s32 @p0 $0xFFFFFFFF  }
0xaf: {  	s6 =	sshll.u32 @!p0 s1, $0xE  }
0xb0: {  	s6 =	sor.u32 @!p0 $0x4000, s6;
	s5 =	simm.s32 @!p0 $0x1B8D  }
0xb1: {  	s4 =	sshll.u32 @!p0 s4, $0x11;
	s6 =	sadd.s32 @!p0 $0x11B8D, s6;
	_ =	swait.eq @!p0 [sflag:s5], $0x1  }
0xb2: {  	s4 =	sor.u32 @!p0 s4, s6;
	[sflag:s5] =	ssyncadd.s32 @!p0 $0xFFFFFFFF  }
0xb3: {  	s25 =	simm.s32 $0x1B8E;
	s24 =	sld [smem:$0x3FFE];
	[sflag:s4] =	ssyncadd.remote.s32 @!p0 $0x1  }
0xb4: {  	s26 =	simm.s32 $execute0_lowered;
	[smem:$0x3FD2] =	sst s25  }
0xb5: {  	s5 =	sshll.u32 s26, $0x1;
	_ =	strace $0x80000049;
	[dreg:$0x1] =	wrdreg $0xFFFFFFFF  }
0xb6: {  	s28 =	simm.s32 $_size_execute0_lowered;
	s3 =	sadd.s32 s3, s5;
	[dreg:$0x0] =	wrdreg $0x0  }
0xb7: {  	s5 =	sshll.u32 s28, $0x1;
	[dreg:$0x2] =	wrdreg s3  }
0xb8: {  	[dreg:$0x3] =	wrdreg s5  }
0xb9: {  	[dreg:$0x4] =	wrdreg $0xC0  }
0xba: {  	_ =	task [dreg:s22], $0x5FFFF  }
0xbb: {  	[dreg:$0x1] =	wrdreg $0xFFFFFFFF  }
0xbc: {  	[dreg:$0x0] =	wrdreg $0x60  }
0xbd: {  	[dreg:$0x2] =	wrdreg s24  }
0xbe: {  	[dreg:$0x3] =	wrdreg $0x0  }
0xbf: {  	[dreg:$0x4] =	wrdreg $0x9  }
0xc0: {  	_ =	task.clear_ibuf [dreg:s22], $0x5FFFF;
	_ =	strace $0x90000049  }
0xc1: {  	s29 =	simm.s32 $0x9;
	_ =	strace $0x8000004B  }
0xc2: {  	_ =	swait.ge [sflag:s29], $0x1  }
0xc3: {  	[sflag:s29] =	ssyncadd.s32 $0xFFFFFFFF  }
0xc4: {  	_ =	strace $0x9000004B  }
0xc5: {  	_ =	sfence  }
0xc6: {  	s30 =	sld [smem:$0x0];
	_ =	sdelay $0x2  }
0xc7: {  	s31 =	sshll.u32 s1, $0xD;
	s1 =	sshrl.u32 s1, $0x2  }
0xc8: {  	s4 =	sand.u32 $0x4000, s31;
	s1 =	sadd.s32 s1, s30  }
0xc9: {  	s0 =	sor.u32 s4, s0;
	s1 =	sshll.u32 s1, $0x11  }
0xca: {  	s0 =	sor.u32 s1, s0  }
0xcb: {  	s0 =	sadd.s32 $0x8F2B, s0  }
0xcc: {  	[sflag:s0] =	ssyncadd.remote.s32 $0x1  }
0xcd: {  	_ =	sfence.sel $0xFFFF  }
0xce: {  	[dreg:$0x0] =	wrdreg $0xFFFFFFFF;
	(pc) =	sbr.abs _section_cstart, $3  }
0xcf: {  	[dreg:$0x1] =	wrdreg $0xFFFFFFFF  }
0xd0: {  	_ =	task.clear_ibuf [dreg:s22], $0x2FFFF;
	_ =	strace $0x9FFFFFFF  }
0xd1: {  	(tm) =	ssettm $0x7FFFFFFF  }
tec
execute0_lowered:
.L_overlay_start_1:
0x0: {  	(tag) =	ssettag $0x1  }
0x1: {  	s0 =	srdreg.scid;
	s1 =	rddreg [dreg:$0x0]  }
0x2: {  	s7 =	stileid.u32;
	s2 =	rddreg [dreg:$0x1];
	s4 =	simm.s32 $0x0  }
0x3: {  	s0 =	sand.u32 $0x1, s0;
	[smem:$0x7FF] =	sst s4;
	s15 =	smul.u32 $0x50000, s7  }
0x4: {  	s18 =	smul.u32 $0x14000, s7;
	s3 =	sshll.u32 s0, $0x4;
	_ =	strace $0x8000004A  }
0x5: {  	s5 =	ssub.s32 $0x2, s0;
	s0 =	smul.u32 $0x140000, s0;
	s3 =	sor.u32 s7, s3  }
0x6: {  	s6 =	sshrl.u32 s5, $0x1;
	s4 =	sshrl.u32 s15, $0x2;
	s22 =	sadd.s32 $0x4000, s18  }
0x7: {  	s23 =	sadd.s32 $0x8000, s18;
	s3 =	smul.u32 $0x680, s3;
	s5 =	ssub.s32 s5, s6  }
0x8: {  	s4 =	sadd.s32 s4, s2;
	s8 =	sadd.s32 s18, s0;
	s13 =	sadd.s32 s0, s22  }
0x9: {  	s6 =	sadd.s32 $0x10000, s18;
	s24 =	sadd.s32 s22, s2;
	s25 =	sadd.s32 s23, s2  }
0xa: {  	s16 =	sadd.s32 $0x1400, s4;
	s17 =	sadd.s32 $0x2800, s4;
	s19 =	sadd.s32 $0x3C00, s4  }
0xb: {  	s20 =	sadd.s32 $0x5000, s4;
	s21 =	sadd.s32 $0x6400, s4;
	s10 =	sadd.s32 $0x7800, s4  }
0xc: {  	s11 =	sadd.s32 $0x8C00, s4;
	s12 =	sadd.s32 $0xA000, s4;
	s8 =	sshrl.u32 s8, $0x3  }
0xd: {  	s15 =	sshrl.u32 s13, $0x3;
	s13 =	sadd.s32 $0xB400, s4;
	[dreg:$0x3] =	wrdreg s16  }
0xe: {  	s22 =	sshrl.u32 s24, $0x3;
	s28 =	sadd.s32 $0xF000, s4;
	[dreg:$0x4] =	wrdreg s17  }
0xf: {  	s29 =	sadd.s32 $0x10400, s4;
	s30 =	sadd.s32 $0x11800, s4;
	[dreg:$0x5] =	wrdreg s19  }
0x10: {  	s31 =	sadd.s32 $0x12C00, s4;
	s3 =	sadd.s32 s3, s1;
	[dreg:$0x6] =	wrdreg s20  }
0x11: {  	s1 =	sadd.s32 $0x9D800, s1;
	[dreg:$0x7] =	wrdreg s21;
	s21 =	sadd.s32 $0xC000, s18  }
0x12: {  	s16 =	sadd.s32 s0, s23;
	s19 =	sadd.s32 $0xC800, s4;
	s23 =	sshrl.u32 s25, $0x3  }
0x13: {  	s14 =	sadd.s32 s1, s8;
	s15 =	sadd.s32 s1, s15;
	s17 =	sadd.s32 s0, s21  }
0x14: {  	s0 =	sadd.s32 s0, s6;
	s16 =	sshrl.u32 s16, $0x3;
	s20 =	sadd.s32 $0x4E00, s3  }
0x15: {  	s26 =	sadd.s32 s21, s2;
	s6 =	sadd.s32 s6, s2;
	s21 =	smax.u32 s5, $0x1  }
0x16: {  	s3 =	simm.s32 $0x64;
	s5 =	simm.s32 $0x0;
	s17 =	sshrl.u32 s17, $0x3  }
0x17: {  	s0 =	sshrl.u32 s0, $0x3;
	s16 =	sadd.s32 s1, s16;
	s24 =	sshrl.u32 s26, $0x3  }
0x18: {  	s25 =	sshrl.u32 s6, $0x3;
	s26 =	sadd.s32 $0xDC00, s4;
	s17 =	sadd.s32 s1, s17  }
0x19: {  	v0 =	vimm.f32 $0.0e+00;
	v1 =	vimm.f32 $1.000000000e+00;
	s18 =	sadd.s32 s1, s0;
	s1 =	simm.s32 $0x17400;
	s0 =	simm.s32 $0x1  }
.LBB2_1:
0x1a: {  	s7 =	simm.s32 $0x0  }
0x1b: {  	s6 =	sand.u32 $0xFE00, s7  }
0x1c: {  	s7 =	sand.u32 $0x70, s7;
	s8 =	sshrl.u32 s6, $0x2  }
0x1d: {  	s6 =	simm.s32 $0x40;
	s8 =	sor.u32 s7, s8;
	s7 =	simm.s32 $0x0  }
.LBB2_2:
0x1e: {  	p0 =	sne.s32 s6, $0xC7C0  }
0x1f: {  	[tilespmem:s8+$0x17400] =	vst v0;
	s7 =	sadd.s32 $0x10, s7;
	s8 =	smov.u32 s6;
	s6 =	sadd.s32 $0x40, s6  }
.Ltmp0:
0x20: {  	(pc) =	sbr.rel @p0 .LBB2_2-.Ltmp0, $4  }
0x21: {  	_ = 	snop  }
0x22: {  	s8 =	sand.u32 $0xFE00, s8  }
0x23: {  	s9 =	sand.u32 $0x70, s7;
	s8 =	sshrl.u32 s8, $0x2  }
0x24: {  	s8 =	sor.u32 s9, s8  }
0x25: {  	[tilespmem:s8+$0x17400] =	vst v0  }
0x26: {  	[spmem:s4] =	stream.linear.scatter [tilespmem:s1], [sflag:$0x1], $0x1400, $0x38;
	[tilespmem:$0x1A800] =	vst v63  }
0x27: {  	_ =	swait.ge [sflag:s0], $0x1400  }
0x28: {  	[sflag:s0] =	ssyncset.done $0x0  }
0x29: {  	s6 =	rddreg [dreg:$0x3];
	[sflag:s0] =	ssyncadd.s32 $0xFFFFEC00  }
0x2a: {  	[spmem:s6] =	stream.linear.scatter [tilespmem:s1], [sflag:$0x1], $0x1400, $0x38;
	[tilespmem:$0x1A800] =	vst v63  }
0x2b: {  	_ =	swait.ge [sflag:s0], $0x1400  }
0x2c: {  	[sflag:s0] =	ssyncset.done $0x0  }
0x2d: {  	s9 =	rddreg [dreg:$0x4];
	[sflag:s0] =	ssyncadd.s32 $0xFFFFEC00  }
0x2e: {  	[spmem:s9] =	stream.linear.scatter [tilespmem:s1], [sflag:$0x1], $0x1400, $0x38;
	[tilespmem:$0x1A800] =	vst v63  }
0x2f: {  	_ =	swait.ge [sflag:s0], $0x1400  }
0x30: {  	[sflag:s0] =	ssyncset.done $0x0  }
0x31: {  	s7 =	rddreg [dreg:$0x5];
	[sflag:s0] =	ssyncadd.s32 $0xFFFFEC00  }
0x32: {  	[spmem:s7] =	stream.linear.scatter [tilespmem:s1], [sflag:$0x1], $0x1400, $0x38;
	[tilespmem:$0x1A800] =	vst v63  }
0x33: {  	_ =	swait.ge [sflag:s0], $0x1400  }
0x34: {  	[sflag:s0] =	ssyncset.done $0x0  }
0x35: {  	s8 =	rddreg [dreg:$0x6];
	[sflag:s0] =	ssyncadd.s32 $0xFFFFEC00  }
0x36: {  	[spmem:s8] =	stream.linear.scatter [tilespmem:s1], [sflag:$0x1], $0x1400, $0x38;
	[tilespmem:$0x1A800] =	vst v63  }
0x37: {  	_ =	swait.ge [sflag:s0], $0x1400  }
0x38: {  	[sflag:s0] =	ssyncset.done $0x0  }
0x39: {  	s9 =	rddreg [dreg:$0x7];
	[sflag:s0] =	ssyncadd.s32 $0xFFFFEC00  }
0x3a: {  	[spmem:s9] =	stream.linear.scatter [tilespmem:s1], [sflag:$0x1], $0x1400, $0x38;
	[tilespmem:$0x1A800] =	vst v63  }
0x3b: {  	_ =	swait.ge [sflag:s0], $0x1400  }
0x3c: {  	[sflag:s0] =	ssyncset.done $0x0  }
0x3d: {  	[sflag:s0] =	ssyncadd.s32 $0xFFFFEC00  }
0x3e: {  	[spmem:s10] =	stream.linear.scatter [tilespmem:s1], [sflag:$0x1], $0x1400, $0x38;
	[tilespmem:$0x1A800] =	vst v63  }
0x3f: {  	_ =	swait.ge [sflag:s0], $0x1400  }
0x40: {  	[sflag:s0] =	ssyncset.done $0x0  }
0x41: {  	[sflag:s0] =	ssyncadd.s32 $0xFFFFEC00  }
0x42: {  	[spmem:s11] =	stream.linear.scatter [tilespmem:s1], [sflag:$0x1], $0x1400, $0x38;
	[tilespmem:$0x1A800] =	vst v63  }
0x43: {  	_ =	swait.ge [sflag:s0], $0x1400  }
0x44: {  	[sflag:s0] =	ssyncset.done $0x0  }
0x45: {  	[sflag:s0] =	ssyncadd.s32 $0xFFFFEC00  }
0x46: {  	[spmem:s12] =	stream.linear.scatter [tilespmem:s1], [sflag:$0x1], $0x1400, $0x38;
	[tilespmem:$0x1A800] =	vst v63  }
0x47: {  	_ =	swait.ge [sflag:s0], $0x1400  }
0x48: {  	[sflag:s0] =	ssyncset.done $0x0  }
0x49: {  	[sflag:s0] =	ssyncadd.s32 $0xFFFFEC00  }
0x4a: {  	[spmem:s13] =	stream.linear.scatter [tilespmem:s1], [sflag:$0x1], $0x1400, $0x38;
	[tilespmem:$0x1A800] =	vst v63  }
0x4b: {  	_ =	swait.ge [sflag:s0], $0x1400  }
0x4c: {  	[sflag:s0] =	ssyncset.done $0x0  }
0x4d: {  	[sflag:s0] =	ssyncadd.s32 $0xFFFFEC00  }
0x4e: {  	[spmem:s19] =	stream.linear.scatter [tilespmem:s1], [sflag:$0x1], $0x1400, $0x38;
	[tilespmem:$0x1A800] =	vst v63  }
0x4f: {  	_ =	swait.ge [sflag:s0], $0x1400  }
0x50: {  	[sflag:s0] =	ssyncset.done $0x0  }
0x51: {  	[sflag:s0] =	ssyncadd.s32 $0xFFFFEC00  }
0x52: {  	[spmem:s26] =	stream.linear.scatter [tilespmem:s1], [sflag:$0x1], $0x1400, $0x38;
	[tilespmem:$0x1A800] =	vst v63  }
0x53: {  	_ =	swait.ge [sflag:s0], $0x1400  }
0x54: {  	[sflag:s0] =	ssyncset.done $0x0  }
0x55: {  	[sflag:s0] =	ssyncadd.s32 $0xFFFFEC00  }
0x56: {  	[spmem:s28] =	stream.linear.scatter [tilespmem:s1], [sflag:$0x1], $0x1400, $0x38;
	[tilespmem:$0x1A800] =	vst v63  }
0x57: {  	_ =	swait.ge [sflag:s0], $0x1400  }
0x58: {  	[sflag:s0] =	ssyncset.done $0x0  }
0x59: {  	[sflag:s0] =	ssyncadd.s32 $0xFFFFEC00  }
0x5a: {  	[spmem:s29] =	stream.linear.scatter [tilespmem:s1], [sflag:$0x1], $0x1400, $0x38;
	[tilespmem:$0x1A800] =	vst v63  }
0x5b: {  	_ =	swait.ge [sflag:s0], $0x1400  }
0x5c: {  	[sflag:s0] =	ssyncset.done $0x0  }
0x5d: {  	[sflag:s0] =	ssyncadd.s32 $0xFFFFEC00  }
0x5e: {  	[spmem:s30] =	stream.linear.scatter [tilespmem:s1], [sflag:$0x1], $0x1400, $0x38;
	[tilespmem:$0x1A800] =	vst v63  }
0x5f: {  	_ =	swait.ge [sflag:s0], $0x1400  }
0x60: {  	[sflag:s0] =	ssyncset.done $0x0  }
0x61: {  	s6 =	simm.s32 $0x0;
	[sflag:s0] =	ssyncadd.s32 $0xFFFFEC00  }
0x62: {  	[spmem:s31] =	stream.linear.scatter [tilespmem:s1], [sflag:$0x1], $0x1400, $0x38;
	[tilespmem:$0x1A800] =	vst v63  }
0x63: {  	s7 =	sand.u32 $0xFE00, s6;
	_ =	swait.ge [sflag:s0], $0x1400  }
0x64: {  	s8 =	sand.u32 $0x70, s6;
	s9 =	sshrl.u32 s7, $0x2;
	[sflag:s0] =	ssyncset.done $0x0  }
0x65: {  	s7 =	simm.s32 $0x40;
	s8 =	sor.u32 s8, s9;
	[sflag:s0] =	ssyncadd.s32 $0xFFFFEC00  }
.LBB2_4:
0x66: {  	p0 =	sne.s32 s7, $0xC7C0  }
0x67: {  	[tilespmem:s8+$0x17400] =	vst v1;
	s6 =	sadd.s32 $0x10, s6;
	s8 =	smov.u32 s7;
	s7 =	sadd.s32 $0x40, s7  }
.Ltmp1:
0x68: {  	(pc) =	sbr.rel @p0 .LBB2_4-.Ltmp1, $4  }
0x69: {  	_ = 	snop  }
0x6a: {  	s8 =	sand.u32 $0xFE00, s8  }
0x6b: {  	s9 =	sand.u32 $0x70, s6;
	s8 =	sshrl.u32 s8, $0x2  }
0x6c: {  	s8 =	sor.u32 s9, s8  }
0x6d: {  	[tilespmem:s8+$0x17400] =	vst v1  }
0x6e: {  	s6 =	simm.s32 $0x0;
	s7 =	simm.s32 $0x14000;
	[bflag:$0x0] =	sbarrier.arrive $0xFFFF  }
0x6f: {  	[tilespmem:s7], [sflag:$0x1] =	stream.linear.gather [hbm4b:s20+s6], $0x3200, $0x38;
	[tilespmem:$0x1A800] =	vst v63  }
0x70: {  	_ =	swait.ge [sflag:s0], $0x3200  }
0x71: {  	[sflag:s0] =	ssyncset.done $0x0  }
0x72: {  	s9 =	simm.s32 $0x14000;
	[sflag:s0] =	ssyncadd.s32 $0xFFFFCE00  }
0x73: {  	[spmem:s2] =	stream.indirect.scatter.add.f32 [tilespmem:s1], [sflag:$0x1], $0x80, s9, s3, $0xb8;
	[tilespmem:$0x1A800] =	vst v63  }
0x74: {  	s6 =	simm.s32 $0x200;
	_ =	swait.ge [sflag:s0], $0x3200  }
.LBB2_6:
0x75: {  	s7 =	sshra.s32 s6, $0x2;
	[sflag:s0] =	ssyncset.done $0x0;
	p0 =	sne.s32 s6, $0xC600  }
.Ltmp2:
0x76: {  	s7 =	sadd.s32 $0x14000, s7;
	[sflag:s0] =	ssyncadd.s32 $0xFFFFCE00;
	(pc) =	sbr.rel @p0 .LBB2_6-.Ltmp2, $3  }
0x77: {  	[spmem:s2] =	stream.indirect.scatter.add.f32 [tilespmem:s1], [sflag:$0x1], $0x80, s7, s3, $0xb8;
	[tilespmem:$0x1A800] =	vst v63  }
0x78: {  	s6 =	sadd.s32 $0x200, s6;
	_ =	sdelay $0x1  }
0x79: {  	_ =	swait.ge [sflag:s0], $0x3200  }
0x7a: {  	[sflag:s0] =	ssyncset.done $0x0;
	s6 =	stileid.u32  }
0x7b: {  	[sflag:s0] =	ssyncadd.s32 $0xFFFFCE00;
	s6 =	sshll.u32 s6, $0x6  }
0x7c: {  	s7 =	sshrl.u32 s4, $0x3;
	[bflag:$0x0] =	sbarrier.arrive $0xFFFF;
	s6 =	sor.u32 $0x1C01, s6  }
0x7d: {  	[hbm:s14], [sflag:s6] =	dma.local [spmem:s7], $0x800  }
0x7e: {  	_ =	swait.ge [sflag:s0], $0x800  }
0x7f: {  	[sflag:s0] =	ssyncset.done $0x0  }
0x80: {  	[sflag:s0] =	ssyncadd.s32 $0xFFFFF800  }
0x81: {  	[hbm:s15], [sflag:s6] =	dma.local [spmem:s22], $0x800  }
0x82: {  	_ =	swait.ge [sflag:s0], $0x800  }
0x83: {  	[sflag:s0] =	ssyncset.done $0x0  }
0x84: {  	[sflag:s0] =	ssyncadd.s32 $0xFFFFF800  }
0x85: {  	[hbm:s16], [sflag:s6] =	dma.local [spmem:s23], $0x800  }
0x86: {  	_ =	swait.ge [sflag:s0], $0x800  }
0x87: {  	[sflag:s0] =	ssyncset.done $0x0  }
0x88: {  	[sflag:s0] =	ssyncadd.s32 $0xFFFFF800  }
0x89: {  	[hbm:s17], [sflag:s6] =	dma.local [spmem:s24], $0x800  }
0x8a: {  	s5 =	sadd.s32 $0x1, s5;
	_ =	swait.ge [sflag:s0], $0x800  }
0x8b: {  	p0 =	sne.s32 s5, s21;
	[sflag:s0] =	ssyncset.done $0x0  }
.Ltmp3:
0x8c: {  	[sflag:s0] =	ssyncadd.s32 $0xFFFFF800;
	(pc) =	sbr.rel @p0 .LBB2_1-.Ltmp3, $4  }
0x8d: {  	[hbm:s18], [sflag:s6] =	dma.local [spmem:s25], $0x800  }
0x8e: {  	_ =	swait.ge [sflag:s0], $0x800  }
0x8f: {  	[sflag:s0] =	ssyncset.done $0x0  }
0x90: {  	[sflag:s0] =	ssyncadd.s32 $0xFFFFF800  }
0x91: {  	_ =	sfence.sel $0x180000  }
0x92: {  	[bflag:$0x0] =	sbarrier.arrive $0xFFFF  }
0x93: {  	_ =	strace $0x9000004A  }
0x94: {  	s0 =	stileid.u32;
	[bflag:$0x2] =	sbarrier.arrive $0xFFFF  }
0x95: {  	p0 =	sne.s32 s0, $0x0;
	s0 =	rddreg [dreg:$0x2]  }
0x96: {  	s0 =	sadd.s32 @!p0 $0x100000, s0  }
0x97: {  	[sflag:s0] =	ssyncadd.tile.s32 @!p0 $0x1;
	_ =	shalt  }
.Lfunc_end2:
_tile_overlayer_lowered:
.L_overlay_start_2:
0x98: {  	(tag) =	ssettag $0x2  }
0x99: {  	s0 =	rddreg [dreg:$0x0];
	s2 =	stileid.u32  }
0x9a: {  	s1 =	rddreg [dreg:$0x1];
	p0 =	sne.s32 s2, $0x0  }
0x9b: {  	s3 =	rddreg [dreg:$0x2];
	[bflag:$0x3] =	sbarrier.arrive $0xFFFF;
	s2 =	simm.s32 @!p0 $0x1C01  }
0x9c: {  	[timem:s3], [sflag:s2] =	dma.local @!p0 [hbm:s0], s1  }
0x9d: {  	s0 =	simm.s32 @!p0 $0x1  }
0x9e: {  	_ =	swait.ge @!p0 [sflag:s0], s1  }
0x9f: {  	s1 =	ssub.s32 @!p0 $0x0, s1;
	[sflag:s0] =	ssyncset.done @!p0 $0x0  }
0xa0: {  	[sflag:s0] =	ssyncadd.s32 @!p0 s1  }
0xa1: {  	[bflag:$0x3] =	sbarrier.arrive $0xFFFF  }
0xa2: {  	_ =	shalt  }

// kernel: kernel.13.cloned.1.call-start
scs
__scs_entry_jumppad:
0x0: {  	(pc) =	sbr.rel $0x88, $3  }
0x1: {  	(tag) =	ssettag $0x0;
	lr =	simm.s32 $0x1  }
0x2: {  	[smem:$0x3F91] =	sst lr;
	_ =	strace $0xD0000000  }
0x3: {  	_ = 	snop  }
0x4: {  	_ = 	snop  }
0x5: {  	_ = 	snop  }
0x6: {  	_ = 	snop  }
0x7: {  	_ = 	snop  }
__scs_overlays_trampoline_lowered:
0x8: {  	[smem:$0x3FA0] =	sst s0  }
0x9: {  	[smem:$0x3FA1] =	sst s1  }
0xa: {  	[smem:$0x3FA2] =	sst s2  }
0xb: {  	[smem:$0x3FA3] =	sst s3  }
0xc: {  	[smem:$0x3FA4] =	sst s4  }
0xd: {  	[smem:$0x3FA5] =	sst s5  }
0xe: {  	[smem:$0x3FA6] =	sst s6  }
0xf: {  	[smem:$0x3FA7] =	sst s7  }
0x10: {  	[smem:$0x3FA8] =	sst s8  }
0x11: {  	[smem:$0x3FA9] =	sst s9;
	s0 =	simm.s32 @!p0 $0x0  }
0x12: {  	s1 =	sld [smem:$0x3F8F];
	s0 =	simm.s32 @p0 $0x1  }
0x13: {  	[smem:$0x3FAA] =	sst s0;
	s0 =	simm.s32 @!p1 $0x0  }
0x14: {  	s2 =	sld [smem:$0x3F8E];
	s0 =	simm.s32 @p1 $0x1  }
0x15: {  	[smem:$0x3FAB] =	sst s0;
	s0 =	simm.s32 @!p2 $0x0  }
0x16: {  	s3 =	sld [smem:$0x3FDB];
	s0 =	simm.s32 @p2 $0x1  }
0x17: {  	s4 =	simm.s32 $0x1BF5;
	[smem:$0x3FAD] =	sst s0  }
0x18: {  	s0 =	sld [smem:$0x3F90];
	_ =	swait.ge [sflag:s4], $0x0  }
0x19: {  	s7 =	sld [smem:$0x3F91]  }
0x1a: {  	s8 =	sadd.s32 $0xFFFFE003, lr  }
0x1b: {  	s9 =	sadd.s32 $0xFFFFFEF7, lr;
	s5 =	simm.s32 $0xFFFFFFFF;
	p2 =	slt.u32 s8, $0xFFFFF086  }
0x1c: {  	p1 =	slt.u32 s9, $0xF7A;
	s5 =	simm.s32 @!p2 $0x0  }
0x1d: {  	s5 =	simm.s32 @p1 $0x1;
	p0 =	seq.s32 s7, s2  }
0x1e: {  	s7 =	smul.u32 @!p0 $0xF7A, s2;
	p2 =	seq.s32 @!p0 s5, $0x0  }
0x1f: {  	s9 =	smul.u32 $0xF7A, s1;
	s8 =	simm.s32 @!p0 $0x1BF5;
	p2 =	por !p2, p0  }
0x20: {  	[sflag:s8] =	ssyncset.s32 @!p0 $0xFFFFF086;
	s6 =	sadd.s32 @!p0 s3, s7;
	s7 =	simm.s32 @!p0 $0x108  }
0x21: {  	s3 =	sadd.s32 s3, s9;
	s6 =	sadd.s32 @!p0 $0x88, s6;
	s7 =	simm.s32 @p2 $0x1082  }
0x22: {  	[simem:s7], [sflag:s8] =	dma.local @!p0 [hbm:s6], $0xF7A  }
0x23: {  	s9 =	sor.u32 $0xD0000000, s2;
	s6 =	simm.s32 $0x108;
	_ =	swait.ge @!p0 [sflag:s8], $0x0  }
0x24: {  	s3 =	sadd.s32 $0x88, s3;
	s6 =	simm.s32 @!p1 $0x1082;
	[sflag:s4] =	ssyncset.s32 $0xFFFFF086  }
0x25: {  	[simem:s6], [sflag:s4] =	dma.local [hbm:s3], $0xF7A  }
0x26: {  	[smem:$0x3F91] =	sst s1;
	(tag) =	ssettag s2;
	_ =	strace s9  }
0x27: {  	s1 =	sld [smem:$0x3FA1]  }
0x28: {  	s2 =	sld [smem:$0x3FA2]  }
0x29: {  	s4 =	sld [smem:$0x3FA4]  }
0x2a: {  	p0 =	seq.s32 s5, $0x0;
	s5 =	sld [smem:$0x3FA5]  }
0x2b: {  	s6 =	sld [smem:$0x3FA6]  }
0x2c: {  	s7 =	sld [smem:$0x3FA7]  }
0x2d: {  	s3 =	simm.s32 $0x108;
	s8 =	sld [smem:$0x3FA8]  }
0x2e: {  	s3 =	simm.s32 @!p0 $0x1082;
	s9 =	sld [smem:$0x3FA9]  }
0x2f: {  	lr =	sadd.s32 s0, s3;
	s0 =	sld [smem:$0x3FA0]  }
0x30: {  	s3 =	sld [smem:$0x3FA3]  }
0x31: {  	[smem:$0x3FAC] =	sst s10  }
0x32: {  	s10 =	sld [smem:$0x3FAA];
	_ =	sdelay $0x3  }
0x33: {  	p0 =	seq.s32 s10, $0x1;
	s10 =	sld [smem:$0x3FAC];
	_ =	sdelay $0x3  }
0x34: {  	[smem:$0x3FAC] =	sst s10  }
0x35: {  	s10 =	sld [smem:$0x3FAB];
	_ =	sdelay $0x3  }
0x36: {  	p1 =	seq.s32 s10, $0x1;
	s10 =	sld [smem:$0x3FAC];
	_ =	sdelay $0x3  }
0x37: {  	[smem:$0x3FAC] =	sst s10  }
0x38: {  	s10 =	sld [smem:$0x3FAD]  }
0x39: {  	_ = 	snop;
	(pc) =	sbr.ind lr, $3  }
0x3a: {  	_ = 	snop  }
0x3b: {  	_ = 	snop  }
0x3c: {  	p2 =	seq.s32 s10, $0x1;
	s10 =	sld [smem:$0x3FAC]  }
0x3d: {  	_ =	shalt  }
0x3e: {  	_ =	shalt  }
0x3f: {  	_ =	shalt  }
0x40: {  	_ =	shalt  }
0x41: {  	_ =	shalt  }
0x42: {  	_ =	shalt  }
0x43: {  	_ =	shalt  }
0x44: {  	_ =	shalt  }
0x45: {  	_ =	shalt  }
0x46: {  	_ =	shalt  }
0x47: {  	_ =	shalt  }
0x48: {  	_ =	shalt  }
0x49: {  	_ =	shalt  }
0x4a: {  	_ =	shalt  }
0x4b: {  	_ =	shalt  }
0x4c: {  	_ =	shalt  }
0x4d: {  	_ =	shalt  }
0x4e: {  	_ =	shalt  }
0x4f: {  	_ =	shalt  }
0x50: {  	_ =	shalt  }
0x51: {  	_ =	shalt  }
0x52: {  	_ =	shalt  }
0x53: {  	_ =	shalt  }
0x54: {  	_ =	shalt  }
0x55: {  	_ =	shalt  }
0x56: {  	_ =	shalt  }
0x57: {  	_ =	shalt  }
0x58: {  	_ =	shalt  }
0x59: {  	_ =	shalt  }
0x5a: {  	_ =	shalt  }
0x5b: {  	_ =	shalt  }
0x5c: {  	_ =	shalt  }
0x5d: {  	_ =	shalt  }
0x5e: {  	_ =	shalt  }
0x5f: {  	_ =	shalt  }
0x60: {  	_ =	shalt  }
0x61: {  	_ =	shalt  }
0x62: {  	_ =	shalt  }
0x63: {  	_ =	shalt  }
0x64: {  	_ =	shalt  }
0x65: {  	_ =	shalt  }
0x66: {  	_ =	shalt  }
0x67: {  	_ =	shalt  }
0x68: {  	_ =	shalt  }
0x69: {  	_ =	shalt  }
0x6a: {  	_ =	shalt  }
0x6b: {  	_ =	shalt  }
0x6c: {  	_ =	shalt  }
0x6d: {  	_ =	shalt  }
0x6e: {  	_ =	shalt  }
0x6f: {  	_ =	shalt  }
0x70: {  	_ =	shalt  }
0x71: {  	_ =	shalt  }
0x72: {  	_ =	shalt  }
0x73: {  	_ =	shalt  }
0x74: {  	_ =	shalt  }
0x75: {  	_ =	shalt  }
0x76: {  	_ =	shalt  }
0x77: {  	_ =	shalt  }
0x78: {  	_ =	shalt  }
0x79: {  	_ =	shalt  }
0x7a: {  	_ =	shalt  }
0x7b: {  	_ =	shalt  }
0x7c: {  	_ =	shalt  }
0x7d: {  	_ =	shalt  }
0x7e: {  	_ =	shalt  }
0x7f: {  	_ =	shalt  }
0x80: {  	_ =	shalt  }
0x81: {  	_ =	shalt  }
0x82: {  	_ =	shalt  }
0x83: {  	_ =	shalt  }
0x84: {  	_ =	shalt  }
0x85: {  	_ =	shalt  }
0x86: {  	_ =	shalt  }
0x87: {  	_ =	shalt  }
.Lfunc_end0:
.L_simem_size_0:
called_computation.1_lowered:
.L_overlay_start_0:
0x88: {  	s2 =	sld [smem:$0x3FD9]  }
0x89: {  	s3 =	sld [smem:$0x3FFE];
	_ =	sdelay $0x1  }
0x8a: {  	s1 =	srdreg.scid  }
0x8b: {  	s0 =	sand.u32 $0x1, s1  }
0x8c: {  	s16 =	sshll.u32 s0, $0xA;
	s2 =	sadd.s32 s3, s2  }
0x8d: {  	s2 =	sadd.s32 s2, s16  }
0x8e: {  	[smem:$0x3FB8] =	sst s2  }
0x8f: {  	_ = 	snop  }
0x90: {  	(tm) =	ssettm $0x1  }
0x91: {  	s17 =	sld [smem:$0x3FFB];
	_ =	sdelay $0x3  }
0x92: {  	_ =	strace s17  }
0x93: {  	s2 =	sld [smem:$0x3FFC];
	_ =	sdelay $0x3  }
0x94: {  	_ =	strace s2  }
0x95: {  	s2 =	sld [smem:$0x3FFD];
	_ =	sdelay $0x3  }
0x96: {  	_ =	strace s2  }
0x97: {  	_ =	strace $0x8FFFFFFF  }
0x98: {  	s18 =	sld [smem:$0x3FDB];
	_ =	sdelay $0x1  }
0x99: {  	s19 =	simm.s32 $_scs_section_size  }
0x9a: {  	s4 =	simm.s32 $_size__tile_overlayer_lowered;
	s5 =	simm.s32 $_tile_overlayer_lowered  }
0x9b: {  	s22 =	simm.s32 $0x1BFF;
	s21 =	sshll.u32 s5, $0x1;
	s2 =	sadd.s32 s19, s18  }
0x9c: {  	s6 =	simm.s32 $0x0;
	s20 =	sshll.u32 s4, $0x1;
	s4 =	sadd.s32 s21, s2  }
0x9d: {  	[timem:s6], [sflag:s22] =	dma.local [hbm:s4], s20  }
0x9e: {  	_ =	swait.ge [sflag:s22], s20  }
0x9f: {  	s3 =	ssub.s32 $0x0, s20;
	[sflag:s22] =	ssyncset.done $0x0  }
0xa0: {  	[sflag:s22] =	ssyncadd.s32 s3;
	_ =	sdelay $0x1  }
0xa1: {  	s23 =	simm.s32 $0x1B8B  }
0xa2: {  	_ =	swait.ge [sflag:s23], $0x1  }
0xa3: {  	[sflag:s23] =	ssyncset.done $0x0  }
0xa4: {  	s25 =	simm.s32 $0x1B8E;
	s24 =	sld [smem:$0x3FFE];
	[sflag:s23] =	ssyncadd.s32 $0xFFFFFFFF  }
0xa5: {  	s26 =	simm.s32 $execute0_lowered;
	[smem:$0x3FD2] =	sst s25  }
0xa6: {  	s4 =	sshll.u32 s26, $0x1;
	_ =	strace $0x80000046;
	[dreg:$0x1] =	wrdreg $0xFFFFFFFF  }
0xa7: {  	s28 =	simm.s32 $_size_execute0_lowered;
	s2 =	sadd.s32 s2, s4;
	[dreg:$0x0] =	wrdreg $0x0  }
0xa8: {  	s4 =	sshll.u32 s28, $0x1;
	[dreg:$0x2] =	wrdreg s2  }
0xa9: {  	[dreg:$0x3] =	wrdreg s4  }
0xaa: {  	[dreg:$0x4] =	wrdreg $0xC0  }
0xab: {  	_ =	task [dreg:s6], $0x5FFFF  }
0xac: {  	[dreg:$0x1] =	wrdreg $0xFFFFFFFF  }
0xad: {  	[dreg:$0x0] =	wrdreg $0x60  }
0xae: {  	[dreg:$0x2] =	wrdreg s24  }
0xaf: {  	[dreg:$0x3] =	wrdreg $0x0  }
0xb0: {  	[dreg:$0x4] =	wrdreg $0xA  }
0xb1: {  	_ =	task.clear_ibuf [dreg:s6], $0x5FFFF;
	_ =	strace $0x90000046  }
0xb2: {  	s29 =	simm.s32 $0xA;
	_ =	strace $0x80000048  }
0xb3: {  	_ =	swait.ge [sflag:s29], $0x1  }
0xb4: {  	[sflag:s29] =	ssyncadd.s32 $0xFFFFFFFF  }
0xb5: {  	_ =	strace $0x90000048  }
0xb6: {  	_ =	sfence  }
0xb7: {  	s30 =	sld [smem:$0x0];
	_ =	sdelay $0x2  }
0xb8: {  	s31 =	sshll.u32 s1, $0xD;
	s1 =	sshrl.u32 s1, $0x2  }
0xb9: {  	s3 =	sand.u32 $0x4000, s31;
	s1 =	sadd.s32 s1, s30  }
0xba: {  	s0 =	sor.u32 s3, s0;
	s1 =	sshll.u32 s1, $0x11  }
0xbb: {  	s0 =	sor.u32 s1, s0  }
0xbc: {  	s0 =	sadd.s32 $0x8F2B, s0  }
0xbd: {  	[sflag:s0] =	ssyncadd.remote.s32 $0x1  }
0xbe: {  	_ =	sfence.sel $0xFFFF  }
0xbf: {  	[dreg:$0x0] =	wrdreg $0xFFFFFFFF;
	(pc) =	sbr.abs _section_cstart, $3  }
0xc0: {  	[dreg:$0x1] =	wrdreg $0xFFFFFFFF  }
0xc1: {  	_ =	task.clear_ibuf [dreg:s6], $0x2FFFF;
	_ =	strace $0x9FFFFFFF  }
0xc2: {  	(tm) =	ssettm $0x7FFFFFFF  }
0xc3: {  	_ =	shalt  }
tec
execute0_lowered:
.L_overlay_start_1:
0x0: {  	(tag) =	ssettag $0x1  }
0x1: {  	s0 =	srdreg.scid;
	s1 =	rddreg [dreg:$0x0]  }
0x2: {  	s2 =	rddreg [dreg:$0x1];
	s9 =	stileid.u32  }
0x3: {  	s3 =	simm.s32 $0x0;
	s28 =	simm.s32 $0x19140;
	s29 =	simm.s32 $0x3  }
0x4: {  	s30 =	simm.s32 $0x1;
	s31 =	simm.s32 $0x2;
	s7 =	smul.u32 $0x50000, s9  }
0x5: {  	s0 =	sand.u32 $0x1, s0;
	[smem:$0x7FF] =	sst s3;
	s17 =	smul.u32 $0x14000, s9  }
0x6: {  	s4 =	sshll.u32 s0, $0x4;
	_ =	strace $0x80000047;
	s6 =	ssub.s32 $0x2, s0  }
0x7: {  	s0 =	smul.u32 $0x140000, s0;
	s4 =	sor.u32 s9, s4;
	s8 =	sshrl.u32 s6, $0x1  }
0x8: {  	s9 =	sshrl.u32 s7, $0x2;
	s7 =	sadd.s32 s17, s2;
	s18 =	sadd.s32 $0x4000, s17  }
0x9: {  	s22 =	sadd.s32 $0x8000, s17;
	s5 =	smul.u32 $0x514, s4;
	s4 =	sadd.s32 $0x26600, s1  }
0xa: {  	s6 =	ssub.s32 s6, s8;
	s10 =	sadd.s32 s9, s2;
	s16 =	sadd.s32 s17, s0  }
0xb: {  	s20 =	sadd.s32 s0, s18;
	s23 =	sadd.s32 s18, s2;
	s24 =	sadd.s32 s0, s22  }
0xc: {  	s8 =	sadd.s32 $0x2800, s10;
	s14 =	sadd.s32 $0x5000, s10;
	s15 =	sadd.s32 $0x7800, s10  }
0xd: {  	s11 =	sadd.s32 $0xA000, s10;
	s12 =	sadd.s32 $0xC800, s10;
	s13 =	sadd.s32 $0xF000, s10  }
0xe: {  	s19 =	sshrl.u32 s16, $0x3;
	s21 =	sshrl.u32 s20, $0x3;
	[dreg:$0x5] =	wrdreg s8  }
0xf: {  	s18 =	sshrl.u32 s24, $0x3;
	s20 =	sadd.s32 $0x10000, s17;
	[dreg:$0x6] =	wrdreg s14  }
0x10: {  	s5 =	sadd.s32 s5, s1;
	s1 =	sadd.s32 $0x4D800, s1;
	[dreg:$0x7] =	wrdreg s15  }
0x11: {  	s14 =	sadd.s32 $0x11800, s10;
	s8 =	sadd.s32 s22, s2;
	s22 =	sshrl.u32 s23, $0x3  }
0x12: {  	s26 =	sadd.s32 $0x1C200, s5;
	s5 =	sadd.s32 $0x11E00, s5;
	s15 =	sadd.s32 s1, s19  }
0x13: {  	s16 =	sadd.s32 s1, s21;
	s19 =	sadd.s32 $0xC000, s17;
	s17 =	sadd.s32 s1, s18  }
0x14: {  	s21 =	simm.s32 $0x14000;
	s23 =	sshrl.u32 s8, $0x3;
	[dreg:$0x3] =	wrdreg s26  }
0x15: {  	[dreg:$0x4] =	wrdreg s5;
	s25 =	sadd.s32 s0, s19;
	s0 =	sadd.s32 s0, s20  }
0x16: {  	s24 =	sadd.s32 s19, s2;
	s26 =	sadd.s32 s20, s2;
	s20 =	smax.u32 s6, $0x1  }
0x17: {  	s18 =	sshrl.u32 s25, $0x3;
	s0 =	sshrl.u32 s0, $0x3;
	s24 =	sshrl.u32 s24, $0x3  }
0x18: {  	s25 =	sshrl.u32 s26, $0x3;
	s26 =	simm.s32 $0x0;
	s18 =	sadd.s32 s1, s18  }
0x19: {  	v0 =	vimm.f32 $0.0e+00;
	s19 =	sadd.s32 s1, s0;
	s0 =	simm.s32 $0x64;
	s1 =	simm.s32 $0x1C340  }
.LBB2_1:
0x1a: {  	s5 =	rddreg [dreg:$0x3]  }
0x1b: {  	[tilespmem:s21], [sflag:$0x1] =	stream.linear.gather [hbm4b:s5+s3], $0x28A0, $0x38;
	[tilespmem:$0x1F540] =	vst v63  }
0x1c: {  	s8 =	rddreg [dreg:$0x4];
	s6 =	simm.s32 $0x168A0;
	s9 =	sand.u32 $0xFE00, s3  }
0x1d: {  	[tilespmem:s6], [sflag:$0x2] =	stream.linear.gather [hbm4b:s8+s3], $0x28A0, $0x38;
	[tilespmem:$0x1F540] =	vst v63  }
0x1e: {  	s10 =	sand.u32 $0x70, s3;
	s8 =	sshrl.u32 s9, $0x2  }
0x1f: {  	s5 =	simm.s32 $0x40;
	s6 =	simm.s32 $0x0;
	s8 =	sor.u32 s10, s8  }
.LBB2_2:
0x20: {  	p0 =	sne.s32 s5, $0xC7C0  }
0x21: {  	[tilespmem:s8+$0x19140] =	vst v0;
	s6 =	sadd.s32 $0x10, s6;
	s8 =	smov.u32 s5;
	s5 =	sadd.s32 $0x40, s5  }
.Ltmp0:
0x22: {  	(pc) =	sbr.rel @p0 .LBB2_2-.Ltmp0, $4  }
0x23: {  	_ = 	snop  }
0x24: {  	s8 =	sand.u32 $0xFE00, s8  }
0x25: {  	s9 =	sand.u32 $0x70, s6;
	s8 =	sshrl.u32 s8, $0x2  }
0x26: {  	s8 =	sor.u32 s9, s8  }
0x27: {  	[tilespmem:s8+$0x19140] =	vst v0  }
0x28: {  	[spmem:s7] =	stream.linear.scatter [tilespmem:s28], [sflag:$0x3], $0x2800, $0x38;
	[tilespmem:$0x1F540] =	vst v63  }
0x29: {  	_ =	swait.ge [sflag:s29], $0x2800  }
0x2a: {  	[sflag:s29] =	ssyncset.done $0x0  }
0x2b: {  	s5 =	rddreg [dreg:$0x5];
	[sflag:s29] =	ssyncadd.s32 $0xFFFFD800  }
0x2c: {  	[spmem:s5] =	stream.linear.scatter [tilespmem:s28], [sflag:$0x3], $0x2800, $0x38;
	[tilespmem:$0x1F540] =	vst v63  }
0x2d: {  	_ =	swait.ge [sflag:s29], $0x2800  }
0x2e: {  	[sflag:s29] =	ssyncset.done $0x0  }
0x2f: {  	s9 =	rddreg [dreg:$0x6];
	[sflag:s29] =	ssyncadd.s32 $0xFFFFD800  }
0x30: {  	[spmem:s9] =	stream.linear.scatter [tilespmem:s28], [sflag:$0x3], $0x2800, $0x38;
	[tilespmem:$0x1F540] =	vst v63  }
0x31: {  	_ =	swait.ge [sflag:s29], $0x2800  }
0x32: {  	[sflag:s29] =	ssyncset.done $0x0  }
0x33: {  	s10 =	rddreg [dreg:$0x7];
	[sflag:s29] =	ssyncadd.s32 $0xFFFFD800  }
0x34: {  	[spmem:s10] =	stream.linear.scatter [tilespmem:s28], [sflag:$0x3], $0x2800, $0x38;
	[tilespmem:$0x1F540] =	vst v63  }
0x35: {  	_ =	swait.ge [sflag:s29], $0x2800  }
0x36: {  	[sflag:s29] =	ssyncset.done $0x0  }
0x37: {  	[sflag:s29] =	ssyncadd.s32 $0xFFFFD800  }
0x38: {  	[spmem:s11] =	stream.linear.scatter [tilespmem:s28], [sflag:$0x3], $0x2800, $0x38;
	[tilespmem:$0x1F540] =	vst v63  }
0x39: {  	_ =	swait.ge [sflag:s29], $0x2800  }
0x3a: {  	[sflag:s29] =	ssyncset.done $0x0  }
0x3b: {  	[sflag:s29] =	ssyncadd.s32 $0xFFFFD800  }
0x3c: {  	[spmem:s12] =	stream.linear.scatter [tilespmem:s28], [sflag:$0x3], $0x2800, $0x38;
	[tilespmem:$0x1F540] =	vst v63  }
0x3d: {  	_ =	swait.ge [sflag:s29], $0x2800  }
0x3e: {  	[sflag:s29] =	ssyncset.done $0x0  }
0x3f: {  	[sflag:s29] =	ssyncadd.s32 $0xFFFFD800  }
0x40: {  	[spmem:s13] =	stream.linear.scatter [tilespmem:s28], [sflag:$0x3], $0x2800, $0x38;
	[tilespmem:$0x1F540] =	vst v63  }
0x41: {  	_ =	swait.ge [sflag:s29], $0x2800  }
0x42: {  	[sflag:s29] =	ssyncset.done $0x0  }
0x43: {  	[sflag:s29] =	ssyncadd.s32 $0xFFFFD800  }
0x44: {  	[spmem:s14] =	stream.linear.scatter [tilespmem:s28], [sflag:$0x3], $0x2800, $0x38;
	[tilespmem:$0x1F540] =	vst v63  }
0x45: {  	_ =	swait.ge [sflag:s29], $0x2800  }
0x46: {  	[sflag:s29] =	ssyncset.done $0x0  }
0x47: {  	[sflag:s29] =	ssyncadd.s32 $0xFFFFD800  }
0x48: {  	_ =	swait.ge [sflag:s30], $0x28A0  }
0x49: {  	[sflag:s30] =	ssyncset.done $0x0  }
0x4a: {  	[sflag:s30] =	ssyncadd.s32 $0xFFFFD760  }
0x4b: {  	_ =	swait.ge [sflag:s31], $0x28A0  }
0x4c: {  	[sflag:s31] =	ssyncset.done $0x0  }
0x4d: {  	[sflag:s31] =	ssyncadd.s32 $0xFFFFD760  }
0x4e: {  	[bflag:$0x0] =	sbarrier.arrive $0xFFFF  }
0x4f: {  	[tilespmem:s28], [sflag:$0x1] =	stream.indirect.gather [hbm4b:s4+s0], $0x80, s21, s0, $0xb8;
	[tilespmem:$0x1F540] =	vst v63  }
0x50: {  	s6 =	simm.s32 $0x14068  }
0x51: {  	[tilespmem:s1], [sflag:$0x2] =	stream.indirect.gather [hbm4b:s4+s0], $0x80, s6, s0, $0xb8;
	[tilespmem:$0x1F540] =	vst v63  }
0x52: {  	_ =	swait.ge [sflag:s30], $0x3200  }
0x53: {  	[sflag:s30] =	ssyncset.done $0x0  }
0x54: {  	s8 =	simm.s32 $0x168A0;
	[sflag:s30] =	ssyncadd.s32 $0xFFFFCE00  }
0x55: {  	[spmem:s2] =	stream.indirect.scatter.add.f32 [tilespmem:s28], [sflag:$0x3], $0x80, s8, s0, $0xb8;
	[tilespmem:$0x1F540] =	vst v63  }
0x56: {  	_ =	swait.ge [sflag:s29], $0x3200  }
0x57: {  	[sflag:s29] =	ssyncset.done $0x0  }
0x58: {  	s9 =	simm.s32 $0x140D0;
	[sflag:s29] =	ssyncadd.s32 $0xFFFFCE00  }
0x59: {  	[tilespmem:s28], [sflag:$0x1] =	stream.indirect.gather [hbm4b:s4+s0], $0x80, s9, s0, $0xb8;
	[tilespmem:$0x1F540] =	vst v63  }
0x5a: {  	_ =	swait.ge [sflag:s31], $0x3200  }
0x5b: {  	[sflag:s31] =	ssyncset.done $0x0  }
0x5c: {  	s10 =	simm.s32 $0x16908;
	[sflag:s31] =	ssyncadd.s32 $0xFFFFCE00  }
0x5d: {  	[spmem:s2] =	stream.indirect.scatter.add.f32 [tilespmem:s1], [sflag:$0x3], $0x80, s10, s0, $0xb8;
	[tilespmem:$0x1F540] =	vst v63  }
0x5e: {  	_ =	swait.ge [sflag:s29], $0x3200  }
0x5f: {  	s5 =	simm.s32 $0xD0;
	s6 =	simm.s32 $0x680;
	[sflag:s29] =	ssyncset.done $0x0  }
.LBB2_4:
0x60: {  	s8 =	sadd.s32 $0x14068, s5  }
0x61: {  	[sflag:s29] =	ssyncadd.s32 $0xFFFFCE00;
	s9 =	smov.u32 s6;
	s10 =	sadd.s32 $0x340, s6  }
0x62: {  	[tilespmem:s1], [sflag:$0x2] =	stream.indirect.gather [hbm4b:s4+s0], $0x80, s8, s0, $0xb8;
	[tilespmem:$0x1F540] =	vst v63  }
0x63: {  	p0 =	sne.s32 s6, $0x9C00;
	_ =	swait.ge [sflag:s30], $0x3200  }
0x64: {  	[sflag:s30] =	ssyncset.done $0x0  }
0x65: {  	s6 =	sadd.s32 $0x168A0, s5;
	[sflag:s30] =	ssyncadd.s32 $0xFFFFCE00  }
0x66: {  	[spmem:s2] =	stream.indirect.scatter.add.f32 [tilespmem:s28], [sflag:$0x3], $0x80, s6, s0, $0xb8;
	[tilespmem:$0x1F540] =	vst v63  }
0x67: {  	_ =	swait.ge [sflag:s29], $0x3200  }
0x68: {  	[sflag:s29] =	ssyncset.done $0x0  }
0x69: {  	s6 =	sadd.s32 $0x140D0, s5;
	[sflag:s29] =	ssyncadd.s32 $0xFFFFCE00  }
0x6a: {  	[tilespmem:s28], [sflag:$0x1] =	stream.indirect.gather [hbm4b:s4+s0], $0x80, s6, s0, $0xb8;
	[tilespmem:$0x1F540] =	vst v63  }
0x6b: {  	_ =	swait.ge [sflag:s31], $0x3200  }
.Ltmp1:
0x6c: {  	[sflag:s31] =	ssyncset.done $0x0;
	(pc) =	sbr.rel @p0 .LBB2_4-.Ltmp1, $4  }
0x6d: {  	s5 =	sadd.s32 $0x16908, s5;
	[sflag:s31] =	ssyncadd.s32 $0xFFFFCE00  }
0x6e: {  	[spmem:s2] =	stream.indirect.scatter.add.f32 [tilespmem:s1], [sflag:$0x3], $0x80, s5, s0, $0xb8;
	[tilespmem:$0x1F540] =	vst v63  }
0x6f: {  	_ =	swait.ge [sflag:s29], $0x3200  }
0x70: {  	s6 =	smov.u32 s10;
	s5 =	sshra.s32 s9, $0x2;
	[sflag:s29] =	ssyncset.done $0x0  }
0x71: {  	s6 =	sadd.s32 $0x14068, s5;
	[sflag:s29] =	ssyncadd.s32 $0xFFFFCE00  }
0x72: {  	[tilespmem:s1], [sflag:$0x2] =	stream.indirect.gather [hbm4b:s4+s0], $0x80, s6, s0, $0xb8;
	[tilespmem:$0x1F540] =	vst v63  }
0x73: {  	_ =	swait.ge [sflag:s30], $0x3200  }
0x74: {  	[sflag:s30] =	ssyncset.done $0x0  }
0x75: {  	s10 =	sadd.s32 $0x168A0, s5;
	[sflag:s30] =	ssyncadd.s32 $0xFFFFCE00  }
0x76: {  	[spmem:s2] =	stream.indirect.scatter.add.f32 [tilespmem:s28], [sflag:$0x3], $0x80, s10, s0, $0xb8;
	[tilespmem:$0x1F540] =	vst v63  }
0x77: {  	_ =	swait.ge [sflag:s29], $0x3200  }
0x78: {  	[sflag:s29] =	ssyncset.done $0x0  }
0x79: {  	s8 =	sadd.s32 $0x140D0, s5;
	[sflag:s29] =	ssyncadd.s32 $0xFFFFCE00  }
0x7a: {  	[tilespmem:s28], [sflag:$0x1] =	stream.indirect.gather [hbm4b:s4+s0], $0x80, s8, s0, $0xb8;
	[tilespmem:$0x1F540] =	vst v63  }
0x7b: {  	_ =	swait.ge [sflag:s31], $0x3200  }
0x7c: {  	[sflag:s31] =	ssyncset.done $0x0  }
0x7d: {  	s9 =	sadd.s32 $0x16908, s5;
	[sflag:s31] =	ssyncadd.s32 $0xFFFFCE00  }
0x7e: {  	[spmem:s2] =	stream.indirect.scatter.add.f32 [tilespmem:s1], [sflag:$0x3], $0x80, s9, s0, $0xb8;
	[tilespmem:$0x1F540] =	vst v63  }
0x7f: {  	_ =	swait.ge [sflag:s29], $0x3200  }
0x80: {  	[sflag:s29] =	ssyncset.done $0x0  }
0x81: {  	s10 =	simm.s32 $0x16838;
	[sflag:s29] =	ssyncadd.s32 $0xFFFFCE00  }
0x82: {  	[tilespmem:s1], [sflag:$0x2] =	stream.indirect.gather [hbm4b:s4+s0], $0x80, s10, s0, $0xb8;
	[tilespmem:$0x1F540] =	vst v63  }
0x83: {  	_ =	swait.ge [sflag:s30], $0x3200  }
0x84: {  	[sflag:s30] =	ssyncset.done $0x0  }
0x85: {  	s6 =	simm.s32 $0x19070;
	[sflag:s30] =	ssyncadd.s32 $0xFFFFCE00  }
0x86: {  	[spmem:s2] =	stream.indirect.scatter.add.f32 [tilespmem:s28], [sflag:$0x3], $0x80, s6, s0, $0xb8;
	[tilespmem:$0x1F540] =	vst v63  }
0x87: {  	_ =	swait.ge [sflag:s29], $0x3200  }
0x88: {  	[sflag:s29] =	ssyncset.done $0x0  }
0x89: {  	[sflag:s29] =	ssyncadd.s32 $0xFFFFCE00  }
0x8a: {  	_ =	swait.ge [sflag:s31], $0x3200  }
0x8b: {  	[sflag:s31] =	ssyncset.done $0x0  }
0x8c: {  	s8 =	simm.s32 $0x190D8;
	[sflag:s31] =	ssyncadd.s32 $0xFFFFCE00  }
0x8d: {  	[spmem:s2] =	stream.indirect.scatter.add.f32 [tilespmem:s1], [sflag:$0x3], $0x80, s8, s0, $0xb8;
	[tilespmem:$0x1F540] =	vst v63  }
0x8e: {  	_ =	swait.ge [sflag:s29], $0x3200  }
0x8f: {  	s9 =	stileid.u32;
	[sflag:s29] =	ssyncset.done $0x0  }
0x90: {  	s5 =	sshll.u32 s9, $0x6;
	[sflag:s29] =	ssyncadd.s32 $0xFFFFCE00  }
0x91: {  	s5 =	sor.u32 $0x1C01, s5;
	s10 =	sshrl.u32 s7, $0x3;
	[bflag:$0x0] =	sbarrier.arrive $0xFFFF  }
0x92: {  	[hbm:s15], [sflag:s5] =	dma.local [spmem:s10], $0x800  }
0x93: {  	[hbm:s16], [sflag:s5] =	dma.local [spmem:s22], $0x800  }
0x94: {  	[hbm:s17], [sflag:s5] =	dma.local [spmem:s23], $0x800  }
0x95: {  	[hbm:s18], [sflag:s5] =	dma.local [spmem:s24], $0x800  }
0x96: {  	[hbm:s19], [sflag:s5] =	dma.local [spmem:s25], $0x800  }
0x97: {  	_ =	swait.ge [sflag:s30], $0x800  }
0x98: {  	[sflag:s30] =	ssyncset.done $0x0  }
0x99: {  	[sflag:s30] =	ssyncadd.s32 $0xFFFFF800  }
0x9a: {  	_ =	swait.ge [sflag:s30], $0x800  }
0x9b: {  	[sflag:s30] =	ssyncset.done $0x0  }
0x9c: {  	[sflag:s30] =	ssyncadd.s32 $0xFFFFF800  }
0x9d: {  	_ =	swait.ge [sflag:s30], $0x800  }
0x9e: {  	[sflag:s30] =	ssyncset.done $0x0  }
0x9f: {  	s26 =	sadd.s32 $0x1, s26;
	[sflag:s30] =	ssyncadd.s32 $0xFFFFF800  }
0xa0: {  	p0 =	sne.s32 s26, s20;
	_ =	swait.ge [sflag:s30], $0x800  }
.Ltmp2:
0xa1: {  	[sflag:s30] =	ssyncset.done $0x0;
	(pc) =	sbr.rel @p0 .LBB2_1-.Ltmp2, $4  }
0xa2: {  	[sflag:s30] =	ssyncadd.s32 $0xFFFFF800  }
0xa3: {  	_ =	swait.ge [sflag:s30], $0x800  }
0xa4: {  	[sflag:s30] =	ssyncset.done $0x0  }
0xa5: {  	[sflag:s30] =	ssyncadd.s32 $0xFFFFF800  }
0xa6: {  	_ =	sfence.sel $0x180000  }
0xa7: {  	[bflag:$0x0] =	sbarrier.arrive $0xFFFF  }
0xa8: {  	_ =	strace $0x90000047  }
0xa9: {  	s0 =	stileid.u32;
	[bflag:$0x2] =	sbarrier.arrive $0xFFFF  }
0xaa: {  	p0 =	sne.s32 s0, $0x0;
	s0 =	rddreg [dreg:$0x2]  }
0xab: {  	s0 =	sadd.s32 @!p0 $0x100000, s0  }
0xac: {  	[sflag:s0] =	ssyncadd.tile.s32 @!p0 $0x1;
	_ =	shalt  }
.Lfunc_end2:
_tile_overlayer_lowered:
.L_overlay_start_2:
0xad: {  	(tag) =	ssettag $0x2  }
0xae: {  	s0 =	rddreg [dreg:$0x0];
	s2 =	stileid.u32  }
0xaf: {  	s1 =	rddreg [dreg:$0x1];
	p0 =	sne.s32 s2, $0x0  }
0xb0: {  	s3 =	rddreg [dreg:$0x2];
	[bflag:$0x3] =	sbarrier.arrive $0xFFFF;
	s2 =	simm.s32 @!p0 $0x1C03  }
0xb1: {  	[timem:s3], [sflag:s2] =	dma.local @!p0 [hbm:s0], s1  }
0xb2: {  	s0 =	simm.s32 @!p0 $0x3  }
0xb3: {  	_ =	swait.ge @!p0 [sflag:s0], s1  }
0xb4: {  	s1 =	ssub.s32 @!p0 $0x0, s1;
	[sflag:s0] =	ssyncset.done @!p0 $0x0  }
0xb5: {  	[sflag:s0] =	ssyncadd.s32 @!p0 s1  }
0xb6: {  	[bflag:$0x3] =	sbarrier.arrive $0xFFFF  }
0xb7: {  	_ =	shalt  }

// kernel: kernel.16.cloned.1.call-start
scs
__scs_entry_jumppad:
0x0: {  	(pc) =	sbr.rel $0x88, $3  }
0x1: {  	(tag) =	ssettag $0x0;
	lr =	simm.s32 $0x1  }
0x2: {  	[smem:$0x3F91] =	sst lr;
	_ =	strace $0xD0000000  }
0x3: {  	_ = 	snop  }
0x4: {  	_ = 	snop  }
0x5: {  	_ = 	snop  }
0x6: {  	_ = 	snop  }
0x7: {  	_ = 	snop  }
__scs_overlays_trampoline_lowered:
0x8: {  	[smem:$0x3FA0] =	sst s0  }
0x9: {  	[smem:$0x3FA1] =	sst s1  }
0xa: {  	[smem:$0x3FA2] =	sst s2  }
0xb: {  	[smem:$0x3FA3] =	sst s3  }
0xc: {  	[smem:$0x3FA4] =	sst s4  }
0xd: {  	[smem:$0x3FA5] =	sst s5  }
0xe: {  	[smem:$0x3FA6] =	sst s6  }
0xf: {  	[smem:$0x3FA7] =	sst s7  }
0x10: {  	[smem:$0x3FA8] =	sst s8  }
0x11: {  	[smem:$0x3FA9] =	sst s9;
	s0 =	simm.s32 @!p0 $0x0  }
0x12: {  	s1 =	sld [smem:$0x3F8F];
	s0 =	simm.s32 @p0 $0x1  }
0x13: {  	[smem:$0x3FAA] =	sst s0;
	s0 =	simm.s32 @!p1 $0x0  }
0x14: {  	s2 =	sld [smem:$0x3F8E];
	s0 =	simm.s32 @p1 $0x1  }
0x15: {  	[smem:$0x3FAB] =	sst s0;
	s0 =	simm.s32 @!p2 $0x0  }
0x16: {  	s3 =	sld [smem:$0x3FDB];
	s0 =	simm.s32 @p2 $0x1  }
0x17: {  	s4 =	simm.s32 $0x1BF5;
	[smem:$0x3FAD] =	sst s0  }
0x18: {  	s0 =	sld [smem:$0x3F90];
	_ =	swait.ge [sflag:s4], $0x0  }
0x19: {  	s7 =	sld [smem:$0x3F91]  }
0x1a: {  	s8 =	sadd.s32 $0xFFFFE003, lr  }
0x1b: {  	s9 =	sadd.s32 $0xFFFFFEF7, lr;
	s5 =	simm.s32 $0xFFFFFFFF;
	p2 =	slt.u32 s8, $0xFFFFF086  }
0x1c: {  	p1 =	slt.u32 s9, $0xF7A;
	s5 =	simm.s32 @!p2 $0x0  }
0x1d: {  	s5 =	simm.s32 @p1 $0x1;
	p0 =	seq.s32 s7, s2  }
0x1e: {  	s7 =	smul.u32 @!p0 $0xF7A, s2;
	p2 =	seq.s32 @!p0 s5, $0x0  }
0x1f: {  	s9 =	smul.u32 $0xF7A, s1;
	s8 =	simm.s32 @!p0 $0x1BF5;
	p2 =	por !p2, p0  }
0x20: {  	[sflag:s8] =	ssyncset.s32 @!p0 $0xFFFFF086;
	s6 =	sadd.s32 @!p0 s3, s7;
	s7 =	simm.s32 @!p0 $0x108  }
0x21: {  	s3 =	sadd.s32 s3, s9;
	s6 =	sadd.s32 @!p0 $0x88, s6;
	s7 =	simm.s32 @p2 $0x1082  }
0x22: {  	[simem:s7], [sflag:s8] =	dma.local @!p0 [hbm:s6], $0xF7A  }
0x23: {  	s9 =	sor.u32 $0xD0000000, s2;
	s6 =	simm.s32 $0x108;
	_ =	swait.ge @!p0 [sflag:s8], $0x0  }
0x24: {  	s3 =	sadd.s32 $0x88, s3;
	s6 =	simm.s32 @!p1 $0x1082;
	[sflag:s4] =	ssyncset.s32 $0xFFFFF086  }
0x25: {  	[simem:s6], [sflag:s4] =	dma.local [hbm:s3], $0xF7A  }
0x26: {  	[smem:$0x3F91] =	sst s1;
	(tag) =	ssettag s2;
	_ =	strace s9  }
0x27: {  	s1 =	sld [smem:$0x3FA1]  }
0x28: {  	s2 =	sld [smem:$0x3FA2]  }
0x29: {  	s4 =	sld [smem:$0x3FA4]  }
0x2a: {  	p0 =	seq.s32 s5, $0x0;
	s5 =	sld [smem:$0x3FA5]  }
0x2b: {  	s6 =	sld [smem:$0x3FA6]  }
0x2c: {  	s7 =	sld [smem:$0x3FA7]  }
0x2d: {  	s3 =	simm.s32 $0x108;
	s8 =	sld [smem:$0x3FA8]  }
0x2e: {  	s3 =	simm.s32 @!p0 $0x1082;
	s9 =	sld [smem:$0x3FA9]  }
0x2f: {  	lr =	sadd.s32 s0, s3;
	s0 =	sld [smem:$0x3FA0]  }
0x30: {  	s3 =	sld [smem:$0x3FA3]  }
0x31: {  	[smem:$0x3FAC] =	sst s10  }
0x32: {  	s10 =	sld [smem:$0x3FAA];
	_ =	sdelay $0x3  }
0x33: {  	p0 =	seq.s32 s10, $0x1;
	s10 =	sld [smem:$0x3FAC];
	_ =	sdelay $0x3  }
0x34: {  	[smem:$0x3FAC] =	sst s10  }
0x35: {  	s10 =	sld [smem:$0x3FAB];
	_ =	sdelay $0x3  }
0x36: {  	p1 =	seq.s32 s10, $0x1;
	s10 =	sld [smem:$0x3FAC];
	_ =	sdelay $0x3  }
0x37: {  	[smem:$0x3FAC] =	sst s10  }
0x38: {  	s10 =	sld [smem:$0x3FAD]  }
0x39: {  	_ = 	snop;
	(pc) =	sbr.ind lr, $3  }
0x3a: {  	_ = 	snop  }
0x3b: {  	_ = 	snop  }
0x3c: {  	p2 =	seq.s32 s10, $0x1;
	s10 =	sld [smem:$0x3FAC]  }
0x3d: {  	_ =	shalt  }
0x3e: {  	_ =	shalt  }
0x3f: {  	_ =	shalt  }
0x40: {  	_ =	shalt  }
0x41: {  	_ =	shalt  }
0x42: {  	_ =	shalt  }
0x43: {  	_ =	shalt  }
0x44: {  	_ =	shalt  }
0x45: {  	_ =	shalt  }
0x46: {  	_ =	shalt  }
0x47: {  	_ =	shalt  }
0x48: {  	_ =	shalt  }
0x49: {  	_ =	shalt  }
0x4a: {  	_ =	shalt  }
0x4b: {  	_ =	shalt  }
0x4c: {  	_ =	shalt  }
0x4d: {  	_ =	shalt  }
0x4e: {  	_ =	shalt  }
0x4f: {  	_ =	shalt  }
0x50: {  	_ =	shalt  }
0x51: {  	_ =	shalt  }
0x52: {  	_ =	shalt  }
0x53: {  	_ =	shalt  }
0x54: {  	_ =	shalt  }
0x55: {  	_ =	shalt  }
0x56: {  	_ =	shalt  }
0x57: {  	_ =	shalt  }
0x58: {  	_ =	shalt  }
0x59: {  	_ =	shalt  }
0x5a: {  	_ =	shalt  }
0x5b: {  	_ =	shalt  }
0x5c: {  	_ =	shalt  }
0x5d: {  	_ =	shalt  }
0x5e: {  	_ =	shalt  }
0x5f: {  	_ =	shalt  }
0x60: {  	_ =	shalt  }
0x61: {  	_ =	shalt  }
0x62: {  	_ =	shalt  }
0x63: {  	_ =	shalt  }
0x64: {  	_ =	shalt  }
0x65: {  	_ =	shalt  }
0x66: {  	_ =	shalt  }
0x67: {  	_ =	shalt  }
0x68: {  	_ =	shalt  }
0x69: {  	_ =	shalt  }
0x6a: {  	_ =	shalt  }
0x6b: {  	_ =	shalt  }
0x6c: {  	_ =	shalt  }
0x6d: {  	_ =	shalt  }
0x6e: {  	_ =	shalt  }
0x6f: {  	_ =	shalt  }
0x70: {  	_ =	shalt  }
0x71: {  	_ =	shalt  }
0x72: {  	_ =	shalt  }
0x73: {  	_ =	shalt  }
0x74: {  	_ =	shalt  }
0x75: {  	_ =	shalt  }
0x76: {  	_ =	shalt  }
0x77: {  	_ =	shalt  }
0x78: {  	_ =	shalt  }
0x79: {  	_ =	shalt  }
0x7a: {  	_ =	shalt  }
0x7b: {  	_ =	shalt  }
0x7c: {  	_ =	shalt  }
0x7d: {  	_ =	shalt  }
0x7e: {  	_ =	shalt  }
0x7f: {  	_ =	shalt  }
0x80: {  	_ =	shalt  }
0x81: {  	_ =	shalt  }
0x82: {  	_ =	shalt  }
0x83: {  	_ =	shalt  }
0x84: {  	_ =	shalt  }
0x85: {  	_ =	shalt  }
0x86: {  	_ =	shalt  }
0x87: {  	_ =	shalt  }
.Lfunc_end0:
.L_simem_size_0:
called_computation.2_lowered:
.L_overlay_start_0:
0x88: {  	s2 =	sld [smem:$0x3FD9]  }
0x89: {  	s3 =	sld [smem:$0x3FFE];
	_ =	sdelay $0x1  }
0x8a: {  	s1 =	srdreg.scid  }
0x8b: {  	s0 =	sand.u32 $0x1, s1  }
0x8c: {  	s16 =	sshll.u32 s0, $0xA;
	s2 =	sadd.s32 s3, s2  }
0x8d: {  	s2 =	sadd.s32 s2, s16  }
0x8e: {  	[smem:$0x3FB8] =	sst s2  }
0x8f: {  	_ = 	snop  }
0x90: {  	(tm) =	ssettm $0x1  }
0x91: {  	s17 =	sld [smem:$0x3FFB];
	_ =	sdelay $0x3  }
0x92: {  	_ =	strace s17  }
0x93: {  	s2 =	sld [smem:$0x3FFC];
	_ =	sdelay $0x3  }
0x94: {  	_ =	strace s2  }
0x95: {  	s2 =	sld [smem:$0x3FFD];
	_ =	sdelay $0x3  }
0x96: {  	_ =	strace s2  }
0x97: {  	_ =	strace $0x8FFFFFFF  }
0x98: {  	s18 =	sld [smem:$0x3FDB];
	_ =	sdelay $0x1  }
0x99: {  	s19 =	simm.s32 $_scs_section_size  }
0x9a: {  	s4 =	simm.s32 $_size__tile_overlayer_lowered;
	s5 =	simm.s32 $_tile_overlayer_lowered  }
0x9b: {  	s22 =	simm.s32 $0x1BFF;
	s21 =	sshll.u32 s5, $0x1;
	s2 =	sadd.s32 s19, s18  }
0x9c: {  	s6 =	simm.s32 $0x0;
	s20 =	sshll.u32 s4, $0x1;
	s4 =	sadd.s32 s21, s2  }
0x9d: {  	[timem:s6], [sflag:s22] =	dma.local [hbm:s4], s20  }
0x9e: {  	_ =	swait.ge [sflag:s22], s20  }
0x9f: {  	s3 =	ssub.s32 $0x0, s20;
	[sflag:s22] =	ssyncset.done $0x0  }
0xa0: {  	[sflag:s22] =	ssyncadd.s32 s3;
	_ =	sdelay $0x1  }
0xa1: {  	s23 =	simm.s32 $0x1B8B  }
0xa2: {  	_ =	swait.ge [sflag:s23], $0x1  }
0xa3: {  	[sflag:s23] =	ssyncset.done $0x0  }
0xa4: {  	s25 =	simm.s32 $0x1B8E;
	s24 =	sld [smem:$0x3FFE];
	[sflag:s23] =	ssyncadd.s32 $0xFFFFFFFF  }
0xa5: {  	s26 =	simm.s32 $execute0_lowered;
	[smem:$0x3FD2] =	sst s25  }
0xa6: {  	s4 =	sshll.u32 s26, $0x1;
	_ =	strace $0x8000004C;
	[dreg:$0x1] =	wrdreg $0xFFFFFFFF  }
0xa7: {  	s28 =	simm.s32 $_size_execute0_lowered;
	s2 =	sadd.s32 s2, s4;
	[dreg:$0x0] =	wrdreg $0x0  }
0xa8: {  	s4 =	sshll.u32 s28, $0x1;
	[dreg:$0x2] =	wrdreg s2  }
0xa9: {  	[dreg:$0x3] =	wrdreg s4  }
0xaa: {  	[dreg:$0x4] =	wrdreg $0xC0  }
0xab: {  	_ =	task [dreg:s6], $0x5FFFF  }
0xac: {  	[dreg:$0x1] =	wrdreg $0xFFFFFFFF  }
0xad: {  	[dreg:$0x0] =	wrdreg $0x60  }
0xae: {  	[dreg:$0x2] =	wrdreg s24  }
0xaf: {  	[dreg:$0x3] =	wrdreg $0x0  }
0xb0: {  	[dreg:$0x4] =	wrdreg $0x9  }
0xb1: {  	_ =	task.clear_ibuf [dreg:s6], $0x5FFFF;
	_ =	strace $0x9000004C  }
0xb2: {  	s29 =	simm.s32 $0x9;
	_ =	strace $0x8000004E  }
0xb3: {  	_ =	swait.ge [sflag:s29], $0x1  }
0xb4: {  	[sflag:s29] =	ssyncadd.s32 $0xFFFFFFFF  }
0xb5: {  	_ =	strace $0x9000004E  }
0xb6: {  	_ =	sfence  }
0xb7: {  	s30 =	sld [smem:$0x0];
	_ =	sdelay $0x2  }
0xb8: {  	s31 =	sshll.u32 s1, $0xD;
	s1 =	sshrl.u32 s1, $0x2  }
0xb9: {  	s3 =	sand.u32 $0x4000, s31;
	s1 =	sadd.s32 s1, s30  }
0xba: {  	s0 =	sor.u32 s3, s0;
	s1 =	sshll.u32 s1, $0x11  }
0xbb: {  	s0 =	sor.u32 s1, s0  }
0xbc: {  	s0 =	sadd.s32 $0x8F2B, s0  }
0xbd: {  	[sflag:s0] =	ssyncadd.remote.s32 $0x1  }
0xbe: {  	_ =	sfence.sel $0xFFFF  }
0xbf: {  	[dreg:$0x0] =	wrdreg $0xFFFFFFFF;
	(pc) =	sbr.abs _section_cstart, $3  }
0xc0: {  	[dreg:$0x1] =	wrdreg $0xFFFFFFFF  }
0xc1: {  	_ =	task.clear_ibuf [dreg:s6], $0x2FFFF;
	_ =	strace $0x9FFFFFFF  }
0xc2: {  	(tm) =	ssettm $0x7FFFFFFF  }
0xc3: {  	_ =	shalt  }
tec
execute0_lowered:
.L_overlay_start_1:
0x0: {  	(tag) =	ssettag $0x1  }
0x1: {  	s0 =	srdreg.scid;
	s1 =	rddreg [dreg:$0x0]  }
0x2: {  	s2 =	rddreg [dreg:$0x1];
	s9 =	stileid.u32  }
0x3: {  	s3 =	simm.s32 $0x0;
	s28 =	simm.s32 $0x19140;
	s29 =	simm.s32 $0x3  }
0x4: {  	s30 =	simm.s32 $0x1;
	s31 =	simm.s32 $0x2;
	s7 =	smul.u32 $0x50000, s9  }
0x5: {  	s0 =	sand.u32 $0x1, s0;
	[smem:$0x7FF] =	sst s3;
	s17 =	smul.u32 $0x14000, s9  }
0x6: {  	s4 =	sshll.u32 s0, $0x4;
	_ =	strace $0x8000004D;
	s6 =	ssub.s32 $0x2, s0  }
0x7: {  	s0 =	smul.u32 $0x140000, s0;
	s4 =	sor.u32 s9, s4;
	s8 =	sshrl.u32 s6, $0x1  }
0x8: {  	s9 =	sshrl.u32 s7, $0x2;
	s7 =	sadd.s32 s17, s2;
	s18 =	sadd.s32 $0x4000, s17  }
0x9: {  	s22 =	sadd.s32 $0x8000, s17;
	s5 =	smul.u32 $0x514, s4;
	s4 =	sadd.s32 $0x26600, s1  }
0xa: {  	s6 =	ssub.s32 s6, s8;
	s10 =	sadd.s32 s9, s2;
	s16 =	sadd.s32 s17, s0  }
0xb: {  	s20 =	sadd.s32 s0, s18;
	s23 =	sadd.s32 s18, s2;
	s24 =	sadd.s32 s0, s22  }
0xc: {  	s8 =	sadd.s32 $0x2800, s10;
	s14 =	sadd.s32 $0x5000, s10;
	s15 =	sadd.s32 $0x7800, s10  }
0xd: {  	s11 =	sadd.s32 $0xA000, s10;
	s12 =	sadd.s32 $0xC800, s10;
	s13 =	sadd.s32 $0xF000, s10  }
0xe: {  	s19 =	sshrl.u32 s16, $0x3;
	s21 =	sshrl.u32 s20, $0x3;
	[dreg:$0x5] =	wrdreg s8  }
0xf: {  	s18 =	sshrl.u32 s24, $0x3;
	s20 =	sadd.s32 $0x10000, s17;
	[dreg:$0x6] =	wrdreg s14  }
0x10: {  	s5 =	sadd.s32 s5, s1;
	s1 =	sadd.s32 $0x4D800, s1;
	[dreg:$0x7] =	wrdreg s15  }
0x11: {  	s14 =	sadd.s32 $0x11800, s10;
	s8 =	sadd.s32 s22, s2;
	s22 =	sshrl.u32 s23, $0x3  }
0x12: {  	s26 =	sadd.s32 $0x1C200, s5;
	s5 =	sadd.s32 $0x11E00, s5;
	s15 =	sadd.s32 s1, s19  }
0x13: {  	s16 =	sadd.s32 s1, s21;
	s19 =	sadd.s32 $0xC000, s17;
	s17 =	sadd.s32 s1, s18  }
0x14: {  	s21 =	simm.s32 $0x14000;
	s23 =	sshrl.u32 s8, $0x3;
	[dreg:$0x3] =	wrdreg s26  }
0x15: {  	[dreg:$0x4] =	wrdreg s5;
	s25 =	sadd.s32 s0, s19;
	s0 =	sadd.s32 s0, s20  }
0x16: {  	s24 =	sadd.s32 s19, s2;
	s26 =	sadd.s32 s20, s2;
	s20 =	smax.u32 s6, $0x1  }
0x17: {  	s18 =	sshrl.u32 s25, $0x3;
	s0 =	sshrl.u32 s0, $0x3;
	s24 =	sshrl.u32 s24, $0x3  }
0x18: {  	s25 =	sshrl.u32 s26, $0x3;
	s26 =	simm.s32 $0x0;
	s18 =	sadd.s32 s1, s18  }
0x19: {  	v0 =	vimm.f32 $0.0e+00;
	s19 =	sadd.s32 s1, s0;
	s0 =	simm.s32 $0x64;
	s1 =	simm.s32 $0x1C340  }
.LBB2_1:
0x1a: {  	s5 =	rddreg [dreg:$0x3]  }
0x1b: {  	[tilespmem:s21], [sflag:$0x1] =	stream.linear.gather [hbm4b:s5+s3], $0x28A0, $0x38;
	[tilespmem:$0x1F540] =	vst v63  }
0x1c: {  	s8 =	rddreg [dreg:$0x4];
	s6 =	simm.s32 $0x168A0;
	s9 =	sand.u32 $0xFE00, s3  }
0x1d: {  	[tilespmem:s6], [sflag:$0x2] =	stream.linear.gather [hbm4b:s8+s3], $0x28A0, $0x38;
	[tilespmem:$0x1F540] =	vst v63  }
0x1e: {  	s10 =	sand.u32 $0x70, s3;
	s8 =	sshrl.u32 s9, $0x2  }
0x1f: {  	s5 =	simm.s32 $0x40;
	s6 =	simm.s32 $0x0;
	s8 =	sor.u32 s10, s8  }
.LBB2_2:
0x20: {  	p0 =	sne.s32 s5, $0xC7C0  }
0x21: {  	[tilespmem:s8+$0x19140] =	vst v0;
	s6 =	sadd.s32 $0x10, s6;
	s8 =	smov.u32 s5;
	s5 =	sadd.s32 $0x40, s5  }
.Ltmp0:
0x22: {  	(pc) =	sbr.rel @p0 .LBB2_2-.Ltmp0, $4  }
0x23: {  	_ = 	snop  }
0x24: {  	s8 =	sand.u32 $0xFE00, s8  }
0x25: {  	s9 =	sand.u32 $0x70, s6;
	s8 =	sshrl.u32 s8, $0x2  }
0x26: {  	s8 =	sor.u32 s9, s8  }
0x27: {  	[tilespmem:s8+$0x19140] =	vst v0  }
0x28: {  	[spmem:s7] =	stream.linear.scatter [tilespmem:s28], [sflag:$0x3], $0x2800, $0x38;
	[tilespmem:$0x1F540] =	vst v63  }
0x29: {  	_ =	swait.ge [sflag:s29], $0x2800  }
0x2a: {  	[sflag:s29] =	ssyncset.done $0x0  }
0x2b: {  	s5 =	rddreg [dreg:$0x5];
	[sflag:s29] =	ssyncadd.s32 $0xFFFFD800  }
0x2c: {  	[spmem:s5] =	stream.linear.scatter [tilespmem:s28], [sflag:$0x3], $0x2800, $0x38;
	[tilespmem:$0x1F540] =	vst v63  }
0x2d: {  	_ =	swait.ge [sflag:s29], $0x2800  }
0x2e: {  	[sflag:s29] =	ssyncset.done $0x0  }
0x2f: {  	s9 =	rddreg [dreg:$0x6];
	[sflag:s29] =	ssyncadd.s32 $0xFFFFD800  }
0x30: {  	[spmem:s9] =	stream.linear.scatter [tilespmem:s28], [sflag:$0x3], $0x2800, $0x38;
	[tilespmem:$0x1F540] =	vst v63  }
0x31: {  	_ =	swait.ge [sflag:s29], $0x2800  }
0x32: {  	[sflag:s29] =	ssyncset.done $0x0  }
0x33: {  	s10 =	rddreg [dreg:$0x7];
	[sflag:s29] =	ssyncadd.s32 $0xFFFFD800  }
0x34: {  	[spmem:s10] =	stream.linear.scatter [tilespmem:s28], [sflag:$0x3], $0x2800, $0x38;
	[tilespmem:$0x1F540] =	vst v63  }
0x35: {  	_ =	swait.ge [sflag:s29], $0x2800  }
0x36: {  	[sflag:s29] =	ssyncset.done $0x0  }
0x37: {  	[sflag:s29] =	ssyncadd.s32 $0xFFFFD800  }
0x38: {  	[spmem:s11] =	stream.linear.scatter [tilespmem:s28], [sflag:$0x3], $0x2800, $0x38;
	[tilespmem:$0x1F540] =	vst v63  }
0x39: {  	_ =	swait.ge [sflag:s29], $0x2800  }
0x3a: {  	[sflag:s29] =	ssyncset.done $0x0  }
0x3b: {  	[sflag:s29] =	ssyncadd.s32 $0xFFFFD800  }
0x3c: {  	[spmem:s12] =	stream.linear.scatter [tilespmem:s28], [sflag:$0x3], $0x2800, $0x38;
	[tilespmem:$0x1F540] =	vst v63  }
0x3d: {  	_ =	swait.ge [sflag:s29], $0x2800  }
0x3e: {  	[sflag:s29] =	ssyncset.done $0x0  }
0x3f: {  	[sflag:s29] =	ssyncadd.s32 $0xFFFFD800  }
0x40: {  	[spmem:s13] =	stream.linear.scatter [tilespmem:s28], [sflag:$0x3], $0x2800, $0x38;
	[tilespmem:$0x1F540] =	vst v63  }
0x41: {  	_ =	swait.ge [sflag:s29], $0x2800  }
0x42: {  	[sflag:s29] =	ssyncset.done $0x0  }
0x43: {  	[sflag:s29] =	ssyncadd.s32 $0xFFFFD800  }
0x44: {  	[spmem:s14] =	stream.linear.scatter [tilespmem:s28], [sflag:$0x3], $0x2800, $0x38;
	[tilespmem:$0x1F540] =	vst v63  }
0x45: {  	_ =	swait.ge [sflag:s29], $0x2800  }
0x46: {  	[sflag:s29] =	ssyncset.done $0x0  }
0x47: {  	[sflag:s29] =	ssyncadd.s32 $0xFFFFD800  }
0x48: {  	_ =	swait.ge [sflag:s30], $0x28A0  }
0x49: {  	[sflag:s30] =	ssyncset.done $0x0  }
0x4a: {  	[sflag:s30] =	ssyncadd.s32 $0xFFFFD760  }
0x4b: {  	_ =	swait.ge [sflag:s31], $0x28A0  }
0x4c: {  	[sflag:s31] =	ssyncset.done $0x0  }
0x4d: {  	[sflag:s31] =	ssyncadd.s32 $0xFFFFD760  }
0x4e: {  	[bflag:$0x0] =	sbarrier.arrive $0xFFFF  }
0x4f: {  	[tilespmem:s28], [sflag:$0x1] =	stream.indirect.gather [hbm4b:s4+s0], $0x80, s21, s0, $0xb8;
	[tilespmem:$0x1F540] =	vst v63  }
0x50: {  	s6 =	simm.s32 $0x14068  }
0x51: {  	[tilespmem:s1], [sflag:$0x2] =	stream.indirect.gather [hbm4b:s4+s0], $0x80, s6, s0, $0xb8;
	[tilespmem:$0x1F540] =	vst v63  }
0x52: {  	_ =	swait.ge [sflag:s30], $0x3200  }
0x53: {  	[sflag:s30] =	ssyncset.done $0x0  }
0x54: {  	s8 =	simm.s32 $0x168A0;
	[sflag:s30] =	ssyncadd.s32 $0xFFFFCE00  }
0x55: {  	[spmem:s2] =	stream.indirect.scatter.add.f32 [tilespmem:s28], [sflag:$0x3], $0x80, s8, s0, $0xb8;
	[tilespmem:$0x1F540] =	vst v63  }
0x56: {  	_ =	swait.ge [sflag:s29], $0x3200  }
0x57: {  	[sflag:s29] =	ssyncset.done $0x0  }
0x58: {  	s9 =	simm.s32 $0x140D0;
	[sflag:s29] =	ssyncadd.s32 $0xFFFFCE00  }
0x59: {  	[tilespmem:s28], [sflag:$0x1] =	stream.indirect.gather [hbm4b:s4+s0], $0x80, s9, s0, $0xb8;
	[tilespmem:$0x1F540] =	vst v63  }
0x5a: {  	_ =	swait.ge [sflag:s31], $0x3200  }
0x5b: {  	[sflag:s31] =	ssyncset.done $0x0  }
0x5c: {  	s10 =	simm.s32 $0x16908;
	[sflag:s31] =	ssyncadd.s32 $0xFFFFCE00  }
0x5d: {  	[spmem:s2] =	stream.indirect.scatter.add.f32 [tilespmem:s1], [sflag:$0x3], $0x80, s10, s0, $0xb8;
	[tilespmem:$0x1F540] =	vst v63  }
0x5e: {  	_ =	swait.ge [sflag:s29], $0x3200  }
0x5f: {  	s5 =	simm.s32 $0xD0;
	s6 =	simm.s32 $0x680;
	[sflag:s29] =	ssyncset.done $0x0  }
.LBB2_4:
0x60: {  	s8 =	sadd.s32 $0x14068, s5  }
0x61: {  	[sflag:s29] =	ssyncadd.s32 $0xFFFFCE00;
	s9 =	smov.u32 s6;
	s10 =	sadd.s32 $0x340, s6  }
0x62: {  	[tilespmem:s1], [sflag:$0x2] =	stream.indirect.gather [hbm4b:s4+s0], $0x80, s8, s0, $0xb8;
	[tilespmem:$0x1F540] =	vst v63  }
0x63: {  	p0 =	sne.s32 s6, $0x9C00;
	_ =	swait.ge [sflag:s30], $0x3200  }
0x64: {  	[sflag:s30] =	ssyncset.done $0x0  }
0x65: {  	s6 =	sadd.s32 $0x168A0, s5;
	[sflag:s30] =	ssyncadd.s32 $0xFFFFCE00  }
0x66: {  	[spmem:s2] =	stream.indirect.scatter.add.f32 [tilespmem:s28], [sflag:$0x3], $0x80, s6, s0, $0xb8;
	[tilespmem:$0x1F540] =	vst v63  }
0x67: {  	_ =	swait.ge [sflag:s29], $0x3200  }
0x68: {  	[sflag:s29] =	ssyncset.done $0x0  }
0x69: {  	s6 =	sadd.s32 $0x140D0, s5;
	[sflag:s29] =	ssyncadd.s32 $0xFFFFCE00  }
0x6a: {  	[tilespmem:s28], [sflag:$0x1] =	stream.indirect.gather [hbm4b:s4+s0], $0x80, s6, s0, $0xb8;
	[tilespmem:$0x1F540] =	vst v63  }
0x6b: {  	_ =	swait.ge [sflag:s31], $0x3200  }
.Ltmp1:
0x6c: {  	[sflag:s31] =	ssyncset.done $0x0;
	(pc) =	sbr.rel @p0 .LBB2_4-.Ltmp1, $4  }
0x6d: {  	s5 =	sadd.s32 $0x16908, s5;
	[sflag:s31] =	ssyncadd.s32 $0xFFFFCE00  }
0x6e: {  	[spmem:s2] =	stream.indirect.scatter.add.f32 [tilespmem:s1], [sflag:$0x3], $0x80, s5, s0, $0xb8;
	[tilespmem:$0x1F540] =	vst v63  }
0x6f: {  	_ =	swait.ge [sflag:s29], $0x3200  }
0x70: {  	s6 =	smov.u32 s10;
	s5 =	sshra.s32 s9, $0x2;
	[sflag:s29] =	ssyncset.done $0x0  }
0x71: {  	s6 =	sadd.s32 $0x14068, s5;
	[sflag:s29] =	ssyncadd.s32 $0xFFFFCE00  }
0x72: {  	[tilespmem:s1], [sflag:$0x2] =	stream.indirect.gather [hbm4b:s4+s0], $0x80, s6, s0, $0xb8;
	[tilespmem:$0x1F540] =	vst v63  }
0x73: {  	_ =	swait.ge [sflag:s30], $0x3200  }
0x74: {  	[sflag:s30] =	ssyncset.done $0x0  }
0x75: {  	s10 =	sadd.s32 $0x168A0, s5;
	[sflag:s30] =	ssyncadd.s32 $0xFFFFCE00  }
0x76: {  	[spmem:s2] =	stream.indirect.scatter.add.f32 [tilespmem:s28], [sflag:$0x3], $0x80, s10, s0, $0xb8;
	[tilespmem:$0x1F540] =	vst v63  }
0x77: {  	_ =	swait.ge [sflag:s29], $0x3200  }
0x78: {  	[sflag:s29] =	ssyncset.done $0x0  }
0x79: {  	s8 =	sadd.s32 $0x140D0, s5;
	[sflag:s29] =	ssyncadd.s32 $0xFFFFCE00  }
0x7a: {  	[tilespmem:s28], [sflag:$0x1] =	stream.indirect.gather [hbm4b:s4+s0], $0x80, s8, s0, $0xb8;
	[tilespmem:$0x1F540] =	vst v63  }
0x7b: {  	_ =	swait.ge [sflag:s31], $0x3200  }
0x7c: {  	[sflag:s31] =	ssyncset.done $0x0  }
0x7d: {  	s9 =	sadd.s32 $0x16908, s5;
	[sflag:s31] =	ssyncadd.s32 $0xFFFFCE00  }
0x7e: {  	[spmem:s2] =	stream.indirect.scatter.add.f32 [tilespmem:s1], [sflag:$0x3], $0x80, s9, s0, $0xb8;
	[tilespmem:$0x1F540] =	vst v63  }
0x7f: {  	_ =	swait.ge [sflag:s29], $0x3200  }
0x80: {  	[sflag:s29] =	ssyncset.done $0x0  }
0x81: {  	s10 =	simm.s32 $0x16838;
	[sflag:s29] =	ssyncadd.s32 $0xFFFFCE00  }
0x82: {  	[tilespmem:s1], [sflag:$0x2] =	stream.indirect.gather [hbm4b:s4+s0], $0x80, s10, s0, $0xb8;
	[tilespmem:$0x1F540] =	vst v63  }
0x83: {  	_ =	swait.ge [sflag:s30], $0x3200  }
0x84: {  	[sflag:s30] =	ssyncset.done $0x0  }
0x85: {  	s6 =	simm.s32 $0x19070;
	[sflag:s30] =	ssyncadd.s32 $0xFFFFCE00  }
0x86: {  	[spmem:s2] =	stream.indirect.scatter.add.f32 [tilespmem:s28], [sflag:$0x3], $0x80, s6, s0, $0xb8;
	[tilespmem:$0x1F540] =	vst v63  }
0x87: {  	_ =	swait.ge [sflag:s29], $0x3200  }
0x88: {  	[sflag:s29] =	ssyncset.done $0x0  }
0x89: {  	[sflag:s29] =	ssyncadd.s32 $0xFFFFCE00  }
0x8a: {  	_ =	swait.ge [sflag:s31], $0x3200  }
0x8b: {  	[sflag:s31] =	ssyncset.done $0x0  }
0x8c: {  	s8 =	simm.s32 $0x190D8;
	[sflag:s31] =	ssyncadd.s32 $0xFFFFCE00  }
0x8d: {  	[spmem:s2] =	stream.indirect.scatter.add.f32 [tilespmem:s1], [sflag:$0x3], $0x80, s8, s0, $0xb8;
	[tilespmem:$0x1F540] =	vst v63  }
0x8e: {  	_ =	swait.ge [sflag:s29], $0x3200  }
0x8f: {  	s9 =	stileid.u32;
	[sflag:s29] =	ssyncset.done $0x0  }
0x90: {  	s5 =	sshll.u32 s9, $0x6;
	[sflag:s29] =	ssyncadd.s32 $0xFFFFCE00  }
0x91: {  	s5 =	sor.u32 $0x1C01, s5;
	s10 =	sshrl.u32 s7, $0x3;
	[bflag:$0x0] =	sbarrier.arrive $0xFFFF  }
0x92: {  	[hbm:s15], [sflag:s5] =	dma.local [spmem:s10], $0x800  }
0x93: {  	[hbm:s16], [sflag:s5] =	dma.local [spmem:s22], $0x800  }
0x94: {  	[hbm:s17], [sflag:s5] =	dma.local [spmem:s23], $0x800  }
0x95: {  	[hbm:s18], [sflag:s5] =	dma.local [spmem:s24], $0x800  }
0x96: {  	[hbm:s19], [sflag:s5] =	dma.local [spmem:s25], $0x800  }
0x97: {  	_ =	swait.ge [sflag:s30], $0x800  }
0x98: {  	[sflag:s30] =	ssyncset.done $0x0  }
0x99: {  	[sflag:s30] =	ssyncadd.s32 $0xFFFFF800  }
0x9a: {  	_ =	swait.ge [sflag:s30], $0x800  }
0x9b: {  	[sflag:s30] =	ssyncset.done $0x0  }
0x9c: {  	[sflag:s30] =	ssyncadd.s32 $0xFFFFF800  }
0x9d: {  	_ =	swait.ge [sflag:s30], $0x800  }
0x9e: {  	[sflag:s30] =	ssyncset.done $0x0  }
0x9f: {  	s26 =	sadd.s32 $0x1, s26;
	[sflag:s30] =	ssyncadd.s32 $0xFFFFF800  }
0xa0: {  	p0 =	sne.s32 s26, s20;
	_ =	swait.ge [sflag:s30], $0x800  }
.Ltmp2:
0xa1: {  	[sflag:s30] =	ssyncset.done $0x0;
	(pc) =	sbr.rel @p0 .LBB2_1-.Ltmp2, $4  }
0xa2: {  	[sflag:s30] =	ssyncadd.s32 $0xFFFFF800  }
0xa3: {  	_ =	swait.ge [sflag:s30], $0x800  }
0xa4: {  	[sflag:s30] =	ssyncset.done $0x0  }
0xa5: {  	[sflag:s30] =	ssyncadd.s32 $0xFFFFF800  }
0xa6: {  	_ =	sfence.sel $0x180000  }
0xa7: {  	[bflag:$0x0] =	sbarrier.arrive $0xFFFF  }
0xa8: {  	_ =	strace $0x9000004D  }
0xa9: {  	s0 =	stileid.u32;
	[bflag:$0x2] =	sbarrier.arrive $0xFFFF  }
0xaa: {  	p0 =	sne.s32 s0, $0x0;
	s0 =	rddreg [dreg:$0x2]  }
0xab: {  	s0 =	sadd.s32 @!p0 $0x100000, s0  }
0xac: {  	[sflag:s0] =	ssyncadd.tile.s32 @!p0 $0x1;
	_ =	shalt  }
.Lfunc_end2:
_tile_overlayer_lowered:
.L_overlay_start_2:
0xad: {  	(tag) =	ssettag $0x2  }
0xae: {  	s0 =	rddreg [dreg:$0x0];
	s2 =	stileid.u32  }
0xaf: {  	s1 =	rddreg [dreg:$0x1];
	p0 =	sne.s32 s2, $0x0  }
0xb0: {  	s3 =	rddreg [dreg:$0x2];
	[bflag:$0x3] =	sbarrier.arrive $0xFFFF;
	s2 =	simm.s32 @!p0 $0x1C03  }
0xb1: {  	[timem:s3], [sflag:s2] =	dma.local @!p0 [hbm:s0], s1  }
0xb2: {  	s0 =	simm.s32 @!p0 $0x3  }
0xb3: {  	_ =	swait.ge @!p0 [sflag:s0], s1  }
0xb4: {  	s1 =	ssub.s32 @!p0 $0x0, s1;
	[sflag:s0] =	ssyncset.done @!p0 $0x0  }
0xb5: {  	[sflag:s0] =	ssyncadd.s32 @!p0 s1  }
0xb6: {  	[bflag:$0x3] =	sbarrier.arrive $0xFFFF  }
0xb7: {  	_ =	shalt  }

// kernel: kernel.19.cloned.1.call-start
scs
__scs_entry_jumppad:
0x0: {  	(pc) =	sbr.rel $0x88, $3  }
0x1: {  	(tag) =	ssettag $0x0;
	lr =	simm.s32 $0x1  }
0x2: {  	[smem:$0x3F91] =	sst lr;
	_ =	strace $0xD0000000  }
0x3: {  	_ = 	snop  }
0x4: {  	_ = 	snop  }
0x5: {  	_ = 	snop  }
0x6: {  	_ = 	snop  }
0x7: {  	_ = 	snop  }
__scs_overlays_trampoline_lowered:
0x8: {  	[smem:$0x3FA0] =	sst s0  }
0x9: {  	[smem:$0x3FA1] =	sst s1  }
0xa: {  	[smem:$0x3FA2] =	sst s2  }
0xb: {  	[smem:$0x3FA3] =	sst s3  }
0xc: {  	[smem:$0x3FA4] =	sst s4  }
0xd: {  	[smem:$0x3FA5] =	sst s5  }
0xe: {  	[smem:$0x3FA6] =	sst s6  }
0xf: {  	[smem:$0x3FA7] =	sst s7  }
0x10: {  	[smem:$0x3FA8] =	sst s8  }
0x11: {  	[smem:$0x3FA9] =	sst s9;
	s0 =	simm.s32 @!p0 $0x0  }
0x12: {  	s1 =	sld [smem:$0x3F8F];
	s0 =	simm.s32 @p0 $0x1  }
0x13: {  	[smem:$0x3FAA] =	sst s0;
	s0 =	simm.s32 @!p1 $0x0  }
0x14: {  	s2 =	sld [smem:$0x3F8E];
	s0 =	simm.s32 @p1 $0x1  }
0x15: {  	[smem:$0x3FAB] =	sst s0;
	s0 =	simm.s32 @!p2 $0x0  }
0x16: {  	s3 =	sld [smem:$0x3FDB];
	s0 =	simm.s32 @p2 $0x1  }
0x17: {  	s4 =	simm.s32 $0x1BF5;
	[smem:$0x3FAD] =	sst s0  }
0x18: {  	s0 =	sld [smem:$0x3F90];
	_ =	swait.ge [sflag:s4], $0x0  }
0x19: {  	s7 =	sld [smem:$0x3F91]  }
0x1a: {  	s8 =	sadd.s32 $0xFFFFE003, lr  }
0x1b: {  	s9 =	sadd.s32 $0xFFFFFEF7, lr;
	s5 =	simm.s32 $0xFFFFFFFF;
	p2 =	slt.u32 s8, $0xFFFFF086  }
0x1c: {  	p1 =	slt.u32 s9, $0xF7A;
	s5 =	simm.s32 @!p2 $0x0  }
0x1d: {  	s5 =	simm.s32 @p1 $0x1;
	p0 =	seq.s32 s7, s2  }
0x1e: {  	s7 =	smul.u32 @!p0 $0xF7A, s2;
	p2 =	seq.s32 @!p0 s5, $0x0  }
0x1f: {  	s9 =	smul.u32 $0xF7A, s1;
	s8 =	simm.s32 @!p0 $0x1BF5;
	p2 =	por !p2, p0  }
0x20: {  	[sflag:s8] =	ssyncset.s32 @!p0 $0xFFFFF086;
	s6 =	sadd.s32 @!p0 s3, s7;
	s7 =	simm.s32 @!p0 $0x108  }
0x21: {  	s3 =	sadd.s32 s3, s9;
	s6 =	sadd.s32 @!p0 $0x88, s6;
	s7 =	simm.s32 @p2 $0x1082  }
0x22: {  	[simem:s7], [sflag:s8] =	dma.local @!p0 [hbm:s6], $0xF7A  }
0x23: {  	s9 =	sor.u32 $0xD0000000, s2;
	s6 =	simm.s32 $0x108;
	_ =	swait.ge @!p0 [sflag:s8], $0x0  }
0x24: {  	s3 =	sadd.s32 $0x88, s3;
	s6 =	simm.s32 @!p1 $0x1082;
	[sflag:s4] =	ssyncset.s32 $0xFFFFF086  }
0x25: {  	[simem:s6], [sflag:s4] =	dma.local [hbm:s3], $0xF7A  }
0x26: {  	[smem:$0x3F91] =	sst s1;
	(tag) =	ssettag s2;
	_ =	strace s9  }
0x27: {  	s1 =	sld [smem:$0x3FA1]  }
0x28: {  	s2 =	sld [smem:$0x3FA2]  }
0x29: {  	s4 =	sld [smem:$0x3FA4]  }
0x2a: {  	p0 =	seq.s32 s5, $0x0;
	s5 =	sld [smem:$0x3FA5]  }
0x2b: {  	s6 =	sld [smem:$0x3FA6]  }
0x2c: {  	s7 =	sld [smem:$0x3FA7]  }
0x2d: {  	s3 =	simm.s32 $0x108;
	s8 =	sld [smem:$0x3FA8]  }
0x2e: {  	s3 =	simm.s32 @!p0 $0x1082;
	s9 =	sld [smem:$0x3FA9]  }
0x2f: {  	lr =	sadd.s32 s0, s3;
	s0 =	sld [smem:$0x3FA0]  }
0x30: {  	s3 =	sld [smem:$0x3FA3]  }
0x31: {  	[smem:$0x3FAC] =	sst s10  }
0x32: {  	s10 =	sld [smem:$0x3FAA];
	_ =	sdelay $0x3  }
0x33: {  	p0 =	seq.s32 s10, $0x1;
	s10 =	sld [smem:$0x3FAC];
	_ =	sdelay $0x3  }
0x34: {  	[smem:$0x3FAC] =	sst s10  }
0x35: {  	s10 =	sld [smem:$0x3FAB];
	_ =	sdelay $0x3  }
0x36: {  	p1 =	seq.s32 s10, $0x1;
	s10 =	sld [smem:$0x3FAC];
	_ =	sdelay $0x3  }
0x37: {  	[smem:$0x3FAC] =	sst s10  }
0x38: {  	s10 =	sld [smem:$0x3FAD]  }
0x39: {  	_ = 	snop;
	(pc) =	sbr.ind lr, $3  }
0x3a: {  	_ = 	snop  }
0x3b: {  	_ = 	snop  }
0x3c: {  	p2 =	seq.s32 s10, $0x1;
	s10 =	sld [smem:$0x3FAC]  }
0x3d: {  	_ =	shalt  }
0x3e: {  	_ =	shalt  }
0x3f: {  	_ =	shalt  }
0x40: {  	_ =	shalt  }
0x41: {  	_ =	shalt  }
0x42: {  	_ =	shalt  }
0x43: {  	_ =	shalt  }
0x44: {  	_ =	shalt  }
0x45: {  	_ =	shalt  }
0x46: {  	_ =	shalt  }
0x47: {  	_ =	shalt  }
0x48: {  	_ =	shalt  }
0x49: {  	_ =	shalt  }
0x4a: {  	_ =	shalt  }
0x4b: {  	_ =	shalt  }
0x4c: {  	_ =	shalt  }
0x4d: {  	_ =	shalt  }
0x4e: {  	_ =	shalt  }
0x4f: {  	_ =	shalt  }
0x50: {  	_ =	shalt  }
0x51: {  	_ =	shalt  }
0x52: {  	_ =	shalt  }
0x53: {  	_ =	shalt  }
0x54: {  	_ =	shalt  }
0x55: {  	_ =	shalt  }
0x56: {  	_ =	shalt  }
0x57: {  	_ =	shalt  }
0x58: {  	_ =	shalt  }
0x59: {  	_ =	shalt  }
0x5a: {  	_ =	shalt  }
0x5b: {  	_ =	shalt  }
0x5c: {  	_ =	shalt  }
0x5d: {  	_ =	shalt  }
0x5e: {  	_ =	shalt  }
0x5f: {  	_ =	shalt  }
0x60: {  	_ =	shalt  }
0x61: {  	_ =	shalt  }
0x62: {  	_ =	shalt  }
0x63: {  	_ =	shalt  }
0x64: {  	_ =	shalt  }
0x65: {  	_ =	shalt  }
0x66: {  	_ =	shalt  }
0x67: {  	_ =	shalt  }
0x68: {  	_ =	shalt  }
0x69: {  	_ =	shalt  }
0x6a: {  	_ =	shalt  }
0x6b: {  	_ =	shalt  }
0x6c: {  	_ =	shalt  }
0x6d: {  	_ =	shalt  }
0x6e: {  	_ =	shalt  }
0x6f: {  	_ =	shalt  }
0x70: {  	_ =	shalt  }
0x71: {  	_ =	shalt  }
0x72: {  	_ =	shalt  }
0x73: {  	_ =	shalt  }
0x74: {  	_ =	shalt  }
0x75: {  	_ =	shalt  }
0x76: {  	_ =	shalt  }
0x77: {  	_ =	shalt  }
0x78: {  	_ =	shalt  }
0x79: {  	_ =	shalt  }
0x7a: {  	_ =	shalt  }
0x7b: {  	_ =	shalt  }
0x7c: {  	_ =	shalt  }
0x7d: {  	_ =	shalt  }
0x7e: {  	_ =	shalt  }
0x7f: {  	_ =	shalt  }
0x80: {  	_ =	shalt  }
0x81: {  	_ =	shalt  }
0x82: {  	_ =	shalt  }
0x83: {  	_ =	shalt  }
0x84: {  	_ =	shalt  }
0x85: {  	_ =	shalt  }
0x86: {  	_ =	shalt  }
0x87: {  	_ =	shalt  }
.Lfunc_end0:
.L_simem_size_0:
called_computation.3_lowered:
.L_overlay_start_0:
0x88: {  	s2 =	sld [smem:$0x3FD9]  }
0x89: {  	s3 =	sld [smem:$0x3FFE];
	_ =	sdelay $0x1  }
0x8a: {  	s1 =	srdreg.scid  }
0x8b: {  	s0 =	sand.u32 $0x1, s1  }
0x8c: {  	s16 =	sshll.u32 s0, $0xA;
	s2 =	sadd.s32 s3, s2  }
0x8d: {  	s2 =	sadd.s32 s2, s16  }
0x8e: {  	[smem:$0x3FB8] =	sst s2  }
0x8f: {  	_ = 	snop  }
0x90: {  	(tm) =	ssettm $0x1  }
0x91: {  	s17 =	sld [smem:$0x3FFB];
	_ =	sdelay $0x3  }
0x92: {  	_ =	strace s17  }
0x93: {  	s2 =	sld [smem:$0x3FFC];
	_ =	sdelay $0x3  }
0x94: {  	_ =	strace s2  }
0x95: {  	s2 =	sld [smem:$0x3FFD];
	_ =	sdelay $0x3  }
0x96: {  	_ =	strace s2  }
0x97: {  	_ =	strace $0x8FFFFFFF  }
0x98: {  	s18 =	sld [smem:$0x3FDB];
	_ =	sdelay $0x1  }
0x99: {  	s19 =	simm.s32 $_scs_section_size  }
0x9a: {  	s4 =	simm.s32 $_size__tile_overlayer_lowered;
	s5 =	simm.s32 $_tile_overlayer_lowered  }
0x9b: {  	s22 =	simm.s32 $0x1BFF;
	s21 =	sshll.u32 s5, $0x1;
	s2 =	sadd.s32 s19, s18  }
0x9c: {  	s6 =	simm.s32 $0x0;
	s20 =	sshll.u32 s4, $0x1;
	s4 =	sadd.s32 s21, s2  }
0x9d: {  	[timem:s6], [sflag:s22] =	dma.local [hbm:s4], s20  }
0x9e: {  	_ =	swait.ge [sflag:s22], s20  }
0x9f: {  	s3 =	ssub.s32 $0x0, s20;
	[sflag:s22] =	ssyncset.done $0x0  }
0xa0: {  	[sflag:s22] =	ssyncadd.s32 s3;
	_ =	sdelay $0x1  }
0xa1: {  	s23 =	simm.s32 $0x1B8B  }
0xa2: {  	_ =	swait.ge [sflag:s23], $0x1  }
0xa3: {  	[sflag:s23] =	ssyncset.done $0x0  }
0xa4: {  	s25 =	simm.s32 $0x1B8E;
	s24 =	sld [smem:$0x3FFE];
	[sflag:s23] =	ssyncadd.s32 $0xFFFFFFFF  }
0xa5: {  	s26 =	simm.s32 $execute0_lowered;
	[smem:$0x3FD2] =	sst s25  }
0xa6: {  	s4 =	sshll.u32 s26, $0x1;
	_ =	strace $0x8000004F;
	[dreg:$0x1] =	wrdreg $0xFFFFFFFF  }
0xa7: {  	s28 =	simm.s32 $_size_execute0_lowered;
	s2 =	sadd.s32 s2, s4;
	[dreg:$0x0] =	wrdreg $0x0  }
0xa8: {  	s4 =	sshll.u32 s28, $0x1;
	[dreg:$0x2] =	wrdreg s2  }
0xa9: {  	[dreg:$0x3] =	wrdreg s4  }
0xaa: {  	[dreg:$0x4] =	wrdreg $0xC0  }
0xab: {  	_ =	task [dreg:s6], $0x5FFFF  }
0xac: {  	[dreg:$0x1] =	wrdreg $0xFFFFFFFF  }
0xad: {  	[dreg:$0x0] =	wrdreg $0x60  }
0xae: {  	[dreg:$0x2] =	wrdreg s24  }
0xaf: {  	[dreg:$0x3] =	wrdreg $0x0  }
0xb0: {  	[dreg:$0x4] =	wrdreg $0x9  }
0xb1: {  	_ =	task.clear_ibuf [dreg:s6], $0x5FFFF;
	_ =	strace $0x9000004F  }
0xb2: {  	s29 =	simm.s32 $0x9;
	_ =	strace $0x80000051  }
0xb3: {  	_ =	swait.ge [sflag:s29], $0x1  }
0xb4: {  	[sflag:s29] =	ssyncadd.s32 $0xFFFFFFFF  }
0xb5: {  	_ =	strace $0x90000051  }
0xb6: {  	_ =	sfence  }
0xb7: {  	s30 =	sld [smem:$0x0];
	_ =	sdelay $0x2  }
0xb8: {  	s31 =	sshll.u32 s1, $0xD;
	s1 =	sshrl.u32 s1, $0x2  }
0xb9: {  	s3 =	sand.u32 $0x4000, s31;
	s1 =	sadd.s32 s1, s30  }
0xba: {  	s0 =	sor.u32 s3, s0;
	s1 =	sshll.u32 s1, $0x11  }
0xbb: {  	s0 =	sor.u32 s1, s0  }
0xbc: {  	s0 =	sadd.s32 $0x8F2B, s0  }
0xbd: {  	[sflag:s0] =	ssyncadd.remote.s32 $0x1  }
0xbe: {  	_ =	sfence.sel $0xFFFF  }
0xbf: {  	[dreg:$0x0] =	wrdreg $0xFFFFFFFF;
	(pc) =	sbr.abs _section_cstart, $3  }
0xc0: {  	[dreg:$0x1] =	wrdreg $0xFFFFFFFF  }
0xc1: {  	_ =	task.clear_ibuf [dreg:s6], $0x2FFFF;
	_ =	strace $0x9FFFFFFF  }
0xc2: {  	(tm) =	ssettm $0x7FFFFFFF  }
0xc3: {  	_ =	shalt  }
tec
execute0_lowered:
.L_overlay_start_1:
0x0: {  	(tag) =	ssettag $0x1  }
0x1: {  	s0 =	srdreg.scid;
	s1 =	rddreg [dreg:$0x0]  }
0x2: {  	s2 =	rddreg [dreg:$0x1];
	s9 =	stileid.u32  }
0x3: {  	s3 =	simm.s32 $0x0;
	s28 =	simm.s32 $0x19140;
	s29 =	simm.s32 $0x3  }
0x4: {  	s30 =	simm.s32 $0x1;
	s31 =	simm.s32 $0x2;
	s7 =	smul.u32 $0x50000, s9  }
0x5: {  	s0 =	sand.u32 $0x1, s0;
	[smem:$0x7FF] =	sst s3;
	s17 =	smul.u32 $0x14000, s9  }
0x6: {  	s4 =	sshll.u32 s0, $0x4;
	_ =	strace $0x80000050;
	s6 =	ssub.s32 $0x2, s0  }
0x7: {  	s0 =	smul.u32 $0x140000, s0;
	s4 =	sor.u32 s9, s4;
	s8 =	sshrl.u32 s6, $0x1  }
0x8: {  	s9 =	sshrl.u32 s7, $0x2;
	s7 =	sadd.s32 s17, s2;
	s18 =	sadd.s32 $0x4000, s17  }
0x9: {  	s22 =	sadd.s32 $0x8000, s17;
	s5 =	smul.u32 $0x514, s4;
	s4 =	sadd.s32 $0x26600, s1  }
0xa: {  	s6 =	ssub.s32 s6, s8;
	s10 =	sadd.s32 s9, s2;
	s16 =	sadd.s32 s17, s0  }
0xb: {  	s20 =	sadd.s32 s0, s18;
	s23 =	sadd.s32 s18, s2;
	s24 =	sadd.s32 s0, s22  }
0xc: {  	s8 =	sadd.s32 $0x2800, s10;
	s14 =	sadd.s32 $0x5000, s10;
	s15 =	sadd.s32 $0x7800, s10  }
0xd: {  	s11 =	sadd.s32 $0xA000, s10;
	s12 =	sadd.s32 $0xC800, s10;
	s13 =	sadd.s32 $0xF000, s10  }
0xe: {  	s19 =	sshrl.u32 s16, $0x3;
	s21 =	sshrl.u32 s20, $0x3;
	[dreg:$0x5] =	wrdreg s8  }
0xf: {  	s18 =	sshrl.u32 s24, $0x3;
	s20 =	sadd.s32 $0x10000, s17;
	[dreg:$0x6] =	wrdreg s14  }
0x10: {  	s5 =	sadd.s32 s5, s1;
	s1 =	sadd.s32 $0x4D800, s1;
	[dreg:$0x7] =	wrdreg s15  }
0x11: {  	s14 =	sadd.s32 $0x11800, s10;
	s8 =	sadd.s32 s22, s2;
	s22 =	sshrl.u32 s23, $0x3  }
0x12: {  	s26 =	sadd.s32 $0x1C200, s5;
	s5 =	sadd.s32 $0x11E00, s5;
	s15 =	sadd.s32 s1, s19  }
0x13: {  	s16 =	sadd.s32 s1, s21;
	s19 =	sadd.s32 $0xC000, s17;
	s17 =	sadd.s32 s1, s18  }
0x14: {  	s21 =	simm.s32 $0x14000;
	s23 =	sshrl.u32 s8, $0x3;
	[dreg:$0x3] =	wrdreg s26  }
0x15: {  	[dreg:$0x4] =	wrdreg s5;
	s25 =	sadd.s32 s0, s19;
	s0 =	sadd.s32 s0, s20  }
0x16: {  	s24 =	sadd.s32 s19, s2;
	s26 =	sadd.s32 s20, s2;
	s20 =	smax.u32 s6, $0x1  }
0x17: {  	s18 =	sshrl.u32 s25, $0x3;
	s0 =	sshrl.u32 s0, $0x3;
	s24 =	sshrl.u32 s24, $0x3  }
0x18: {  	s25 =	sshrl.u32 s26, $0x3;
	s26 =	simm.s32 $0x0;
	s18 =	sadd.s32 s1, s18  }
0x19: {  	v0 =	vimm.f32 $0.0e+00;
	s19 =	sadd.s32 s1, s0;
	s0 =	simm.s32 $0x64;
	s1 =	simm.s32 $0x1C340  }
.LBB2_1:
0x1a: {  	s5 =	rddreg [dreg:$0x3]  }
0x1b: {  	[tilespmem:s21], [sflag:$0x1] =	stream.linear.gather [hbm4b:s5+s3], $0x28A0, $0x38;
	[tilespmem:$0x1F540] =	vst v63  }
0x1c: {  	s8 =	rddreg [dreg:$0x4];
	s6 =	simm.s32 $0x168A0;
	s9 =	sand.u32 $0xFE00, s3  }
0x1d: {  	[tilespmem:s6], [sflag:$0x2] =	stream.linear.gather [hbm4b:s8+s3], $0x28A0, $0x38;
	[tilespmem:$0x1F540] =	vst v63  }
0x1e: {  	s10 =	sand.u32 $0x70, s3;
	s8 =	sshrl.u32 s9, $0x2  }
0x1f: {  	s5 =	simm.s32 $0x40;
	s6 =	simm.s32 $0x0;
	s8 =	sor.u32 s10, s8  }
.LBB2_2:
0x20: {  	p0 =	sne.s32 s5, $0xC7C0  }
0x21: {  	[tilespmem:s8+$0x19140] =	vst v0;
	s6 =	sadd.s32 $0x10, s6;
	s8 =	smov.u32 s5;
	s5 =	sadd.s32 $0x40, s5  }
.Ltmp0:
0x22: {  	(pc) =	sbr.rel @p0 .LBB2_2-.Ltmp0, $4  }
0x23: {  	_ = 	snop  }
0x24: {  	s8 =	sand.u32 $0xFE00, s8  }
0x25: {  	s9 =	sand.u32 $0x70, s6;
	s8 =	sshrl.u32 s8, $0x2  }
0x26: {  	s8 =	sor.u32 s9, s8  }
0x27: {  	[tilespmem:s8+$0x19140] =	vst v0  }
0x28: {  	[spmem:s7] =	stream.linear.scatter [tilespmem:s28], [sflag:$0x3], $0x2800, $0x38;
	[tilespmem:$0x1F540] =	vst v63  }
0x29: {  	_ =	swait.ge [sflag:s29], $0x2800  }
0x2a: {  	[sflag:s29] =	ssyncset.done $0x0  }
0x2b: {  	s5 =	rddreg [dreg:$0x5];
	[sflag:s29] =	ssyncadd.s32 $0xFFFFD800  }
0x2c: {  	[spmem:s5] =	stream.linear.scatter [tilespmem:s28], [sflag:$0x3], $0x2800, $0x38;
	[tilespmem:$0x1F540] =	vst v63  }
0x2d: {  	_ =	swait.ge [sflag:s29], $0x2800  }
0x2e: {  	[sflag:s29] =	ssyncset.done $0x0  }
0x2f: {  	s9 =	rddreg [dreg:$0x6];
	[sflag:s29] =	ssyncadd.s32 $0xFFFFD800  }
0x30: {  	[spmem:s9] =	stream.linear.scatter [tilespmem:s28], [sflag:$0x3], $0x2800, $0x38;
	[tilespmem:$0x1F540] =	vst v63  }
0x31: {  	_ =	swait.ge [sflag:s29], $0x2800  }
0x32: {  	[sflag:s29] =	ssyncset.done $0x0  }
0x33: {  	s10 =	rddreg [dreg:$0x7];
	[sflag:s29] =	ssyncadd.s32 $0xFFFFD800  }
0x34: {  	[spmem:s10] =	stream.linear.scatter [tilespmem:s28], [sflag:$0x3], $0x2800, $0x38;
	[tilespmem:$0x1F540] =	vst v63  }
0x35: {  	_ =	swait.ge [sflag:s29], $0x2800  }
0x36: {  	[sflag:s29] =	ssyncset.done $0x0  }
0x37: {  	[sflag:s29] =	ssyncadd.s32 $0xFFFFD800  }
0x38: {  	[spmem:s11] =	stream.linear.scatter [tilespmem:s28], [sflag:$0x3], $0x2800, $0x38;
	[tilespmem:$0x1F540] =	vst v63  }
0x39: {  	_ =	swait.ge [sflag:s29], $0x2800  }
0x3a: {  	[sflag:s29] =	ssyncset.done $0x0  }
0x3b: {  	[sflag:s29] =	ssyncadd.s32 $0xFFFFD800  }
0x3c: {  	[spmem:s12] =	stream.linear.scatter [tilespmem:s28], [sflag:$0x3], $0x2800, $0x38;
	[tilespmem:$0x1F540] =	vst v63  }
0x3d: {  	_ =	swait.ge [sflag:s29], $0x2800  }
0x3e: {  	[sflag:s29] =	ssyncset.done $0x0  }
0x3f: {  	[sflag:s29] =	ssyncadd.s32 $0xFFFFD800  }
0x40: {  	[spmem:s13] =	stream.linear.scatter [tilespmem:s28], [sflag:$0x3], $0x2800, $0x38;
	[tilespmem:$0x1F540] =	vst v63  }
0x41: {  	_ =	swait.ge [sflag:s29], $0x2800  }
0x42: {  	[sflag:s29] =	ssyncset.done $0x0  }
0x43: {  	[sflag:s29] =	ssyncadd.s32 $0xFFFFD800  }
0x44: {  	[spmem:s14] =	stream.linear.scatter [tilespmem:s28], [sflag:$0x3], $0x2800, $0x38;
	[tilespmem:$0x1F540] =	vst v63  }
0x45: {  	_ =	swait.ge [sflag:s29], $0x2800  }
0x46: {  	[sflag:s29] =	ssyncset.done $0x0  }
0x47: {  	[sflag:s29] =	ssyncadd.s32 $0xFFFFD800  }
0x48: {  	_ =	swait.ge [sflag:s30], $0x28A0  }
0x49: {  	[sflag:s30] =	ssyncset.done $0x0  }
0x4a: {  	[sflag:s30] =	ssyncadd.s32 $0xFFFFD760  }
0x4b: {  	_ =	swait.ge [sflag:s31], $0x28A0  }
0x4c: {  	[sflag:s31] =	ssyncset.done $0x0  }
0x4d: {  	[sflag:s31] =	ssyncadd.s32 $0xFFFFD760  }
0x4e: {  	[bflag:$0x0] =	sbarrier.arrive $0xFFFF  }
0x4f: {  	[tilespmem:s28], [sflag:$0x1] =	stream.indirect.gather [hbm4b:s4+s0], $0x80, s21, s0, $0xb8;
	[tilespmem:$0x1F540] =	vst v63  }
0x50: {  	s6 =	simm.s32 $0x14068  }
0x51: {  	[tilespmem:s1], [sflag:$0x2] =	stream.indirect.gather [hbm4b:s4+s0], $0x80, s6, s0, $0xb8;
	[tilespmem:$0x1F540] =	vst v63  }
0x52: {  	_ =	swait.ge [sflag:s30], $0x3200  }
0x53: {  	[sflag:s30] =	ssyncset.done $0x0  }
0x54: {  	s8 =	simm.s32 $0x168A0;
	[sflag:s30] =	ssyncadd.s32 $0xFFFFCE00  }
0x55: {  	[spmem:s2] =	stream.indirect.scatter.add.f32 [tilespmem:s28], [sflag:$0x3], $0x80, s8, s0, $0xb8;
	[tilespmem:$0x1F540] =	vst v63  }
0x56: {  	_ =	swait.ge [sflag:s29], $0x3200  }
0x57: {  	[sflag:s29] =	ssyncset.done $0x0  }
0x58: {  	s9 =	simm.s32 $0x140D0;
	[sflag:s29] =	ssyncadd.s32 $0xFFFFCE00  }
0x59: {  	[tilespmem:s28], [sflag:$0x1] =	stream.indirect.gather [hbm4b:s4+s0], $0x80, s9, s0, $0xb8;
	[tilespmem:$0x1F540] =	vst v63  }
0x5a: {  	_ =	swait.ge [sflag:s31], $0x3200  }
0x5b: {  	[sflag:s31] =	ssyncset.done $0x0  }
0x5c: {  	s10 =	simm.s32 $0x16908;
	[sflag:s31] =	ssyncadd.s32 $0xFFFFCE00  }
0x5d: {  	[spmem:s2] =	stream.indirect.scatter.add.f32 [tilespmem:s1], [sflag:$0x3], $0x80, s10, s0, $0xb8;
	[tilespmem:$0x1F540] =	vst v63  }
0x5e: {  	_ =	swait.ge [sflag:s29], $0x3200  }
0x5f: {  	s5 =	simm.s32 $0xD0;
	s6 =	simm.s32 $0x680;
	[sflag:s29] =	ssyncset.done $0x0  }
.LBB2_4:
0x60: {  	s8 =	sadd.s32 $0x14068, s5  }
0x61: {  	[sflag:s29] =	ssyncadd.s32 $0xFFFFCE00;
	s9 =	smov.u32 s6;
	s10 =	sadd.s32 $0x340, s6  }
0x62: {  	[tilespmem:s1], [sflag:$0x2] =	stream.indirect.gather [hbm4b:s4+s0], $0x80, s8, s0, $0xb8;
	[tilespmem:$0x1F540] =	vst v63  }
0x63: {  	p0 =	sne.s32 s6, $0x9C00;
	_ =	swait.ge [sflag:s30], $0x3200  }
0x64: {  	[sflag:s30] =	ssyncset.done $0x0  }
0x65: {  	s6 =	sadd.s32 $0x168A0, s5;
	[sflag:s30] =	ssyncadd.s32 $0xFFFFCE00  }
0x66: {  	[spmem:s2] =	stream.indirect.scatter.add.f32 [tilespmem:s28], [sflag:$0x3], $0x80, s6, s0, $0xb8;
	[tilespmem:$0x1F540] =	vst v63  }
0x67: {  	_ =	swait.ge [sflag:s29], $0x3200  }
0x68: {  	[sflag:s29] =	ssyncset.done $0x0  }
0x69: {  	s6 =	sadd.s32 $0x140D0, s5;
	[sflag:s29] =	ssyncadd.s32 $0xFFFFCE00  }
0x6a: {  	[tilespmem:s28], [sflag:$0x1] =	stream.indirect.gather [hbm4b:s4+s0], $0x80, s6, s0, $0xb8;
	[tilespmem:$0x1F540] =	vst v63  }
0x6b: {  	_ =	swait.ge [sflag:s31], $0x3200  }
.Ltmp1:
0x6c: {  	[sflag:s31] =	ssyncset.done $0x0;
	(pc) =	sbr.rel @p0 .LBB2_4-.Ltmp1, $4  }
0x6d: {  	s5 =	sadd.s32 $0x16908, s5;
	[sflag:s31] =	ssyncadd.s32 $0xFFFFCE00  }
0x6e: {  	[spmem:s2] =	stream.indirect.scatter.add.f32 [tilespmem:s1], [sflag:$0x3], $0x80, s5, s0, $0xb8;
	[tilespmem:$0x1F540] =	vst v63  }
0x6f: {  	_ =	swait.ge [sflag:s29], $0x3200  }
0x70: {  	s6 =	smov.u32 s10;
	s5 =	sshra.s32 s9, $0x2;
	[sflag:s29] =	ssyncset.done $0x0  }
0x71: {  	s6 =	sadd.s32 $0x14068, s5;
	[sflag:s29] =	ssyncadd.s32 $0xFFFFCE00  }
0x72: {  	[tilespmem:s1], [sflag:$0x2] =	stream.indirect.gather [hbm4b:s4+s0], $0x80, s6, s0, $0xb8;
	[tilespmem:$0x1F540] =	vst v63  }
0x73: {  	_ =	swait.ge [sflag:s30], $0x3200  }
0x74: {  	[sflag:s30] =	ssyncset.done $0x0  }
0x75: {  	s10 =	sadd.s32 $0x168A0, s5;
	[sflag:s30] =	ssyncadd.s32 $0xFFFFCE00  }
0x76: {  	[spmem:s2] =	stream.indirect.scatter.add.f32 [tilespmem:s28], [sflag:$0x3], $0x80, s10, s0, $0xb8;
	[tilespmem:$0x1F540] =	vst v63  }
0x77: {  	_ =	swait.ge [sflag:s29], $0x3200  }
0x78: {  	[sflag:s29] =	ssyncset.done $0x0  }
0x79: {  	s8 =	sadd.s32 $0x140D0, s5;
	[sflag:s29] =	ssyncadd.s32 $0xFFFFCE00  }
0x7a: {  	[tilespmem:s28], [sflag:$0x1] =	stream.indirect.gather [hbm4b:s4+s0], $0x80, s8, s0, $0xb8;
	[tilespmem:$0x1F540] =	vst v63  }
0x7b: {  	_ =	swait.ge [sflag:s31], $0x3200  }
0x7c: {  	[sflag:s31] =	ssyncset.done $0x0  }
0x7d: {  	s9 =	sadd.s32 $0x16908, s5;
	[sflag:s31] =	ssyncadd.s32 $0xFFFFCE00  }
0x7e: {  	[spmem:s2] =	stream.indirect.scatter.add.f32 [tilespmem:s1], [sflag:$0x3], $0x80, s9, s0, $0xb8;
	[tilespmem:$0x1F540] =	vst v63  }
0x7f: {  	_ =	swait.ge [sflag:s29], $0x3200  }
0x80: {  	[sflag:s29] =	ssyncset.done $0x0  }
0x81: {  	s10 =	simm.s32 $0x16838;
	[sflag:s29] =	ssyncadd.s32 $0xFFFFCE00  }
0x82: {  	[tilespmem:s1], [sflag:$0x2] =	stream.indirect.gather [hbm4b:s4+s0], $0x80, s10, s0, $0xb8;
	[tilespmem:$0x1F540] =	vst v63  }
0x83: {  	_ =	swait.ge [sflag:s30], $0x3200  }
0x84: {  	[sflag:s30] =	ssyncset.done $0x0  }
0x85: {  	s6 =	simm.s32 $0x19070;
	[sflag:s30] =	ssyncadd.s32 $0xFFFFCE00  }
0x86: {  	[spmem:s2] =	stream.indirect.scatter.add.f32 [tilespmem:s28], [sflag:$0x3], $0x80, s6, s0, $0xb8;
	[tilespmem:$0x1F540] =	vst v63  }
0x87: {  	_ =	swait.ge [sflag:s29], $0x3200  }
0x88: {  	[sflag:s29] =	ssyncset.done $0x0  }
0x89: {  	[sflag:s29] =	ssyncadd.s32 $0xFFFFCE00  }
0x8a: {  	_ =	swait.ge [sflag:s31], $0x3200  }
0x8b: {  	[sflag:s31] =	ssyncset.done $0x0  }
0x8c: {  	s8 =	simm.s32 $0x190D8;
	[sflag:s31] =	ssyncadd.s32 $0xFFFFCE00  }
0x8d: {  	[spmem:s2] =	stream.indirect.scatter.add.f32 [tilespmem:s1], [sflag:$0x3], $0x80, s8, s0, $0xb8;
	[tilespmem:$0x1F540] =	vst v63  }
0x8e: {  	_ =	swait.ge [sflag:s29], $0x3200  }
0x8f: {  	s9 =	stileid.u32;
	[sflag:s29] =	ssyncset.done $0x0  }
0x90: {  	s5 =	sshll.u32 s9, $0x6;
	[sflag:s29] =	ssyncadd.s32 $0xFFFFCE00  }
0x91: {  	s5 =	sor.u32 $0x1C01, s5;
	s10 =	sshrl.u32 s7, $0x3;
	[bflag:$0x0] =	sbarrier.arrive $0xFFFF  }
0x92: {  	[hbm:s15], [sflag:s5] =	dma.local [spmem:s10], $0x800  }
0x93: {  	[hbm:s16], [sflag:s5] =	dma.local [spmem:s22], $0x800  }
0x94: {  	[hbm:s17], [sflag:s5] =	dma.local [spmem:s23], $0x800  }
0x95: {  	[hbm:s18], [sflag:s5] =	dma.local [spmem:s24], $0x800  }
0x96: {  	[hbm:s19], [sflag:s5] =	dma.local [spmem:s25], $0x800  }
0x97: {  	_ =	swait.ge [sflag:s30], $0x800  }
0x98: {  	[sflag:s30] =	ssyncset.done $0x0  }
0x99: {  	[sflag:s30] =	ssyncadd.s32 $0xFFFFF800  }
0x9a: {  	_ =	swait.ge [sflag:s30], $0x800  }
0x9b: {  	[sflag:s30] =	ssyncset.done $0x0  }
0x9c: {  	[sflag:s30] =	ssyncadd.s32 $0xFFFFF800  }
0x9d: {  	_ =	swait.ge [sflag:s30], $0x800  }
0x9e: {  	[sflag:s30] =	ssyncset.done $0x0  }
0x9f: {  	s26 =	sadd.s32 $0x1, s26;
	[sflag:s30] =	ssyncadd.s32 $0xFFFFF800  }
0xa0: {  	p0 =	sne.s32 s26, s20;
	_ =	swait.ge [sflag:s30], $0x800  }
.Ltmp2:
0xa1: {  	[sflag:s30] =	ssyncset.done $0x0;
	(pc) =	sbr.rel @p0 .LBB2_1-.Ltmp2, $4  }
0xa2: {  	[sflag:s30] =	ssyncadd.s32 $0xFFFFF800  }
0xa3: {  	_ =	swait.ge [sflag:s30], $0x800  }
0xa4: {  	[sflag:s30] =	ssyncset.done $0x0  }
0xa5: {  	[sflag:s30] =	ssyncadd.s32 $0xFFFFF800  }
0xa6: {  	_ =	sfence.sel $0x180000  }
0xa7: {  	[bflag:$0x0] =	sbarrier.arrive $0xFFFF  }
0xa8: {  	_ =	strace $0x90000050  }
0xa9: {  	s0 =	stileid.u32;
	[bflag:$0x2] =	sbarrier.arrive $0xFFFF  }
0xaa: {  	p0 =	sne.s32 s0, $0x0;
	s0 =	rddreg [dreg:$0x2]  }
0xab: {  	s0 =	sadd.s32 @!p0 $0x100000, s0  }
0xac: {  	[sflag:s0] =	ssyncadd.tile.s32 @!p0 $0x1;
	_ =	shalt  }
.Lfunc_end2:
_tile_overlayer_lowered:
.L_overlay_start_2:
0xad: {  	(tag) =	ssettag $0x2  }
0xae: {  	s0 =	rddreg [dreg:$0x0];
	s2 =	stileid.u32  }
0xaf: {  	s1 =	rddreg [dreg:$0x1];
	p0 =	sne.s32 s2, $0x0  }
0xb0: {  	s3 =	rddreg [dreg:$0x2];
	[bflag:$0x3] =	sbarrier.arrive $0xFFFF;
	s2 =	simm.s32 @!p0 $0x1C03  }
0xb1: {  	[timem:s3], [sflag:s2] =	dma.local @!p0 [hbm:s0], s1  }
0xb2: {  	s0 =	simm.s32 @!p0 $0x3  }
0xb3: {  	_ =	swait.ge @!p0 [sflag:s0], s1  }
0xb4: {  	s1 =	ssub.s32 @!p0 $0x0, s1;
	[sflag:s0] =	ssyncset.done @!p0 $0x0  }
0xb5: {  	[sflag:s0] =	ssyncadd.s32 @!p0 s1  }
0xb6: {  	[bflag:$0x3] =	sbarrier.arrive $0xFFFF  }
0xb7: {  	_ =	shalt  }

</sc_bundles>
